<compile_context>
chip_gen: v7x
topology: tpu7x:2x2x1
jax: 0.10.2.dev20260603
libtpu: 0.0.44.dev20260713+nightly
codegen_flags: <defaults>
</compile_context>

<pallas_src>
import functools

import jax
import jax.numpy as jnp
from jax import lax
from jax.experimental import pallas as pl
from jax.experimental.pallas import tpu as pltpu
from jax.experimental.pallas import tpu_sc as plsc


def _dist_kernel(x_ref, dis_ref, at0_ref, solo0_ref):
    x = x_ref[...]
    BB, S, C = x.shape
    INF = jnp.float32(jnp.inf)
    BIG = jnp.int32(10 ** 9)

    sq = jnp.sum(x * x, axis=-1)
    G = jnp.stack([
        lax.dot_general(x[s], x[s], (((1,), (1,)), ((), ())),
                        preferred_element_type=jnp.float32)
        for s in range(BB)
    ], axis=0)
    D2 = (sq[:, :, None] + sq[:, None, :]) - 2.0 * G
    Dis = jnp.sqrt(jnp.maximum(D2, 0.0))

    ii = lax.broadcasted_iota(jnp.int32, (BB, S), 1)
    eye = (lax.broadcasted_iota(jnp.int32, (S, S), 0) ==
           lax.broadcasted_iota(jnp.int32, (S, S), 1))

    m = jnp.where(eye[None], INF, Dis)
    rowmin = jnp.min(m, axis=2)
    gmin = jnp.min(rowmin, axis=1, keepdims=True)
    i0 = jnp.min(jnp.where(rowmin == gmin, ii, BIG), axis=1, keepdims=True)
    ohf_i0 = jnp.where(ii == i0, 1.0, 0.0)
    row_i0 = jnp.sum(jnp.where(ohf_i0[:, None, :] == 1.0, m, 0.0), axis=2)
    j0 = jnp.min(jnp.where(row_i0 == gmin, ii, BIG), axis=1, keepdims=True)
    ohf_j0 = jnp.where(ii == j0, 1.0, 0.0)

    dis_ref[...] = Dis
    at0_ref[...] = (ohf_i0[:, :, None] * ohf_j0[:, None, :] +
                    ohf_j0[:, :, None] * ohf_i0[:, None, :])
    solo0_ref[...] = 1.0 - jnp.maximum(ohf_i0, ohf_j0)


def _make_sc_builder(B, S):
    info = plsc.get_sparse_core_info()
    NC, NS = info.num_cores, info.num_subcores
    NW = NC * NS
    assert B % NW == 0
    SPW = B // NW
    NCH = S // 16
    mesh = plsc.VectorSubcoreMesh(core_axis_name="c", subcore_axis_name="s")

    @functools.partial(
        pl.kernel,
        out_type=jax.ShapeDtypeStruct((B, S, S), jnp.float32),
        mesh=mesh,
        scratch_types=[
            pltpu.VMEM((S, S), jnp.float32),
            pltpu.VMEM((S, S), jnp.float32),
            pltpu.VMEM((S,), jnp.float32),
        ],
        compiler_params=pltpu.CompilerParams(needs_layout_passes=False),
    )
    def builder(dis_hbm, at0_hbm, solo0_hbm, at_hbm, dis_v, at_v, solo_v):
        wid = lax.axis_index("s") * NC + lax.axis_index("c")
        iota = lax.iota(jnp.int32, 16)
        cols = [iota + 16 * c for c in range(NCH)]
        perms = [iota ^ k for k in (8, 4, 2, 1)]
        INF = jnp.float32(jnp.inf)
        BIGI = jnp.int32(10 ** 9)

        def lanes_min(v):
            for p in perms:
                v = jnp.minimum(v, v.at[p].get(mode="promise_in_bounds"))
            return v

        def lanes_sum(v):
            for p in perms:
                v = v + v.at[p].get(mode="promise_in_bounds")
            return v

        lane_splats = [jnp.full((16,), l, dtype=jnp.int32) for l in range(16)]

        def per_sample(s, carry):
            b = wid * SPW + s
            pltpu.sync_copy(dis_hbm.at[b], dis_v)
            pltpu.sync_copy(at0_hbm.at[b], at_v)
            pltpu.sync_copy(solo0_hbm.at[b], solo_v)
            init = (tuple(solo_v[pl.ds(16 * c, 16)] for c in range(NCH)) +
                    (jnp.full((16,), 2.0),))

            def round_body(t, carry2):
                solo_ch = list(carry2[:NCH])
                ncv = carry2[NCH]
                solo_b = [v == 1.0 for v in solo_ch]
                nsv = jnp.maximum(jnp.float32(S) - ncv, 1.0)

                acc = [jnp.zeros((16,), jnp.float32)] * (2 * NCH)
                for cj_blk in range(NCH):
                    soloc = solo_ch[cj_blk]
                    for l in range(16):
                        j = 16 * cj_blk + l
                        sj = soloc.at[lane_splats[l]].get(
                            mode="promise_in_bounds")
                        cj = 1.0 - sj
                        for c in range(NCH):
                            row = dis_v[j, pl.ds(16 * c, 16)]
                            acc[c] = acc[c] + row * cj
                            acc[NCH + c] = acc[NCH + c] + row * sj
                ms2c = [jnp.where(solo_b[c], acc[c] / ncv, INF)
                        for c in range(NCH)]
                mc2s = [jnp.where(solo_b[c], INF, acc[NCH + c] / nsv)
                        for c in range(NCH)]

                def two_smallest(vch):
                    v1 = lanes_min(jnp.minimum(jnp.minimum(vch[0], vch[1]),
                                               jnp.minimum(vch[2], vch[3])))
                    cand = [jnp.where(vch[c] == v1, cols[c], BIGI)
                            for c in range(NCH)]
                    am = lanes_min(jnp.minimum(jnp.minimum(cand[0], cand[1]),
                                               jnp.minimum(cand[2], cand[3])))
                    masked = [jnp.where(cols[c] == am, INF, vch[c])
                              for c in range(NCH)]
                    v2 = lanes_min(jnp.minimum(
                        jnp.minimum(masked[0], masked[1]),
                        jnp.minimum(masked[2], masked[3])))
                    return v1, am, v2

                v1, ssp, v2 = two_smallest(ms2c)
                _, _, w2 = two_smallest(mc2s)
                tv = jnp.full((16,), t, dtype=jnp.int32)
                t1v = jnp.where(tv < S - 3, v2, v1)
                t2v = w2
                g1v = t1v < INF
                g2v = t2v < INF
                ones = jnp.ones((16,), jnp.float32)
                anyf = jnp.float32(0.0)
                for c in range(NCH):
                    d_c = plsc.load_gather(dis_v, [ssp, cols[c]])
                    e_row = ((d_c - t1v) < 0.0) & g1v & ~solo_b[c]
                    e_col = ((d_c - t2v) < 0.0) & g2v & ~solo_b[c]
                    plsc.store_scatter(at_v, [ssp, cols[c]], ones,
                                       mask=e_row)
                    plsc.store_scatter(at_v, [cols[c], ssp], ones,
                                       mask=e_col)
                    anyf = anyf + jnp.where(e_row | e_col, 1.0, 0.0)
                addf = jnp.where(lanes_sum(anyf) > 0.0, 1.0, 0.0)
                new_solo = tuple(
                    jnp.where(cols[c] == ssp, solo_ch[c] * (1.0 - addf),
                              solo_ch[c])
                    for c in range(NCH))
                return new_solo + (ncv + addf,)

            lax.fori_loop(0, S - 2, round_body, init)
            pltpu.sync_copy(at_v, at_hbm.at[b])
            return carry

        lax.fori_loop(0, SPW, per_sample, 0)

    return builder


def _out_kernel(at_ref, x_ref, W1_ref, W2_ref, out_ref):
    BB = at_ref.shape[0]
    W1 = W1_ref[...]
    W2 = W2_ref[...]
    for s in range(BB):
        acc = lax.dot_general(at_ref[s], x_ref[s], (((1,), (0,)), ((), ())),
                              preferred_element_type=jnp.float32)
        h = lax.dot_general(acc, W1, (((1,), (0,)), ((), ())),
                            preferred_element_type=jnp.float32)
        out_ref[s] = jnp.maximum(h + W2, 0.0)


def _halves(x, W1, W2, n_chunks):
    B, S, C = x.shape
    BB = 32
    BH = B // n_chunks
    builder = _make_sc_builder(BH, S)
    outs = []
    for h in range(n_chunks):
        xh = lax.slice_in_dim(x, h * BH, (h + 1) * BH, axis=0)
        dis, at0, solo0 = pl.pallas_call(
            _dist_kernel,
            grid=(BH // BB,),
            in_specs=[pl.BlockSpec((BB, S, C), lambda i: (i, 0, 0))],
            out_specs=[
                pl.BlockSpec((BB, S, S), lambda i: (i, 0, 0)),
                pl.BlockSpec((BB, S, S), lambda i: (i, 0, 0)),
                pl.BlockSpec((BB, S), lambda i: (i, 0)),
            ],
            out_shape=[
                jax.ShapeDtypeStruct((BH, S, S), jnp.float32),
                jax.ShapeDtypeStruct((BH, S, S), jnp.float32),
                jax.ShapeDtypeStruct((BH, S), jnp.float32),
            ],
        )(xh)
        at = builder(dis, at0, solo0)
        outs.append(pl.pallas_call(
            _out_kernel,
            grid=(BH // BB,),
            in_specs=[
                pl.BlockSpec((BB, S, S), lambda i: (i, 0, 0)),
                pl.BlockSpec((BB, S, C), lambda i: (i, 0, 0)),
                pl.BlockSpec((C, C), lambda i: (0, 0)),
                pl.BlockSpec((S, C), lambda i: (0, 0)),
            ],
            out_specs=pl.BlockSpec((BB, S, C), lambda i: (i, 0, 0)),
            out_shape=jax.ShapeDtypeStruct((BH, S, C), x.dtype),
        )(at, xh, W1, W2))
    return jnp.concatenate(outs, axis=0)


@jax.jit
def kernel(x, W1, W2):
    return _halves(x, W1, W2, 1)

# --- scband reference (transcript-rebuilt; emitter-appended) ---
"""Pipeline reference for scband-graphical-structure-modeling-47708496724085 (READ-ONLY COPY).

The authoritative reference and input builder live on the scoring server;
editing this copy changes nothing except your own understanding.
"""

import jax, jax.numpy as jnp
import numpy as np


def _find_closest(Dis, At):
    B, S, _ = Dis.shape
    deg = At.sum(axis=2) + At.sum(axis=1) - jnp.diagonal(At, axis1=1, axis2=2)
    iso = deg == 0
    mask_clu = ~iso
    mask_solo = iso
    inf = jnp.inf
    D_s2c = jnp.where(mask_clu[:, :, None], inf, Dis)
    D_s2c = jnp.where(mask_solo[:, None, :], inf, D_s2c)
    fin = jnp.isfinite(D_s2c)
    means_s2c = jnp.sum(jnp.where(fin, D_s2c, 0.0), axis=-1) / jnp.sum(fin, axis=-1).astype(Dis.dtype)
    order = jnp.argsort(means_s2c, axis=1)
    s2c_two = order[:, :2]
    s2c_min = jnp.take_along_axis(means_s2c, s2c_two, axis=1)
    D_c2s = jnp.where(mask_clu[:, None, :], inf, Dis)
    D_c2s = jnp.where(mask_solo[:, :, None], inf, D_c2s)
    col_oh = jax.nn.one_hot(s2c_two[:, 0], S, dtype=Dis.dtype)
    c2ms = jnp.broadcast_to(col_oh[:, None, :], (B, S, S))
    c2ms = jnp.where(mask_solo[:, :, None], 0.0, c2ms)
    D_c2s_min = jnp.where(c2ms == 1.0, D_c2s, inf)
    fin2 = jnp.isfinite(D_c2s)
    means_c2s = jnp.sum(jnp.where(fin2, D_c2s, 0.0), axis=-1) / jnp.sum(fin2, axis=-1).astype(Dis.dtype)
    order2 = jnp.argsort(means_c2s, axis=1)
    c2s_two = order2[:, :2]
    c2s_min = jnp.take_along_axis(means_c2s, c2s_two, axis=1)
    return s2c_two, s2c_min, c2s_two, c2s_min, mask_solo, c2ms, D_c2s_min


def _add_links(At, Dis, res, kk):
    s2c_two, s2c_min, c2s_two, c2s_min, mask_solo, c2ms, D_c2s_min = res
    B, S, _ = At.shape
    s2c_max = jnp.max(s2c_min[:, :kk], axis=1)[:, None, None]
    row_oh = jax.nn.one_hot(s2c_two[:, 0], S, dtype=At.dtype)
    s2c_idx = jnp.broadcast_to(row_oh[:, :, None], (B, S, S))
    s2c_idx = jnp.where(mask_solo[:, None, :], 0.0, s2c_idx)
    dayu = ((Dis * s2c_idx - s2c_max) < 0).astype(At.dtype)
    At = At + dayu * s2c_idx
    c2s_max = jnp.max(c2s_min, axis=1)[:, None, None]
    clu_dayu = ((D_c2s_min - c2s_max) < 0).astype(At.dtype)
    At = At + clu_dayu * c2ms
    return At


def _build_edge(At, Dis):
    S = At.shape[1]
    count = S - 2
    while count > 1:
        At = _add_links(At, Dis, _find_closest(Dis, At), kk=2)
        count -= 1
    At = _add_links(At, Dis, _find_closest(Dis, At), kk=1)
    return At


def _forward(x, W1, W2):
    B, S, C = x.shape
    sq = jnp.sum(x * x, axis=-1)
    D2 = sq[:, :, None] + sq[:, None, :] - 2.0 * jnp.einsum('bic,bjc->bij', x, x)
    Dis = jnp.sqrt(jnp.maximum(D2, 0.0))
    eye = jnp.eye(S, dtype=bool)
    Dm = jnp.where(eye[None, :, :], jnp.inf, Dis)
    flat = jnp.argmin(Dm.reshape(B, -1), axis=1)
    i = flat // S
    j = flat % S
    At0 = jnp.zeros((B, S, S), dtype=x.dtype)
    b = jnp.arange(B)
    At0 = At0.at[b, i, j].set(1.0)
    At0 = At0.at[b, j, i].set(1.0)
    At = jax.lax.stop_gradient(_build_edge(At0, Dis))
    out = jax.nn.relu(jnp.einsum('bij,bjc->bic', At, x) @ W1 + W2[None, :, :])
    return out


def setup_inputs(seed: int = 0):
    key = jax.random.key(seed)
    k1, k2, k3 = jax.random.split(key, 3)
    B, S, C = 128, 64, 256
    x = jax.random.normal(k1, (B, S, C), dtype=jnp.float32)
    a1 = float(np.sqrt(6.0 / (C + C)))
    W1 = jax.random.uniform(k2, (C, C), minval=-a1, maxval=a1, dtype=jnp.float32)
    a2 = float(np.sqrt(6.0 / (S + C)))
    W2 = jax.random.uniform(k3, (S, C), minval=-a2, maxval=a2, dtype=jnp.float32)
    return {"x": x, "W1": W1, "W2": W2}


def reference(x, W1, W2):
    return _forward(x, W1, W2)

if __name__ == "__main__":
    import jax
    _d = setup_inputs()
    print(jax.jit(kernel)(*tuple(_d.values())))

</pallas_src>

<mosaic_0001>
#map = affine_map<(d0, d1) -> (0, 0, 0)>
#map1 = affine_map<(d0, d1) -> (0, 0)>
module attributes {stable_mosaic.version = 14 : i64} {
  func.func @builder(%arg0: i32, %arg1: i32, %arg2: memref<128x64x64xf32, #tpu.memory_space<hbm>>, %arg3: memref<128x64x64xf32, #tpu.memory_space<hbm>>, %arg4: memref<128x64xf32, #tpu.memory_space<hbm>>, %arg5: memref<128x64x64xf32, #tpu.memory_space<hbm>>, %arg6: memref<64x64xf32, #tpu.memory_space<vmem>>, %arg7: memref<64x64xf32, #tpu.memory_space<vmem>>, %arg8: memref<64xf32, #tpu.memory_space<vmem>>) attributes {dimension_semantics = [#tpu.dimension_semantics<core_parallel>, #tpu.dimension_semantics<subcore_parallel>], iteration_bounds = array<i64: 2, 16>, scalar_prefetch = 0 : i64, scratch_operands = 3 : i64, tpu.core_type = #tpu.core_type<sc_vector_subcore>, window_params = [{transform_indices = #map}, {transform_indices = #map}, {transform_indices = #map1}, {transform_indices = #map}]} {
    %mul3A = arith.constant 2 : i32
    %mul3A_0 = arith.muli %arg1, %mul3A : i32
    %add3A = arith.addi %mul3A_0, %arg0 : i32
    %iota3A = tpu.iota {dimensions = array<i32: 0>} : vector<16xi32>
    %add3A_1 = arith.constant 0 : i32
    %add3A_2 = vector.broadcast %add3A_1 : i32 to vector<16xi32>
    %add3A_3 = arith.addi %iota3A, %add3A_2 : vector<16xi32>
    %add3A_4 = arith.constant 16 : i32
    %add3A_5 = vector.broadcast %add3A_4 : i32 to vector<16xi32>
    %add3A_6 = arith.addi %iota3A, %add3A_5 : vector<16xi32>
    %add3A_7 = arith.constant 32 : i32
    %add3A_8 = vector.broadcast %add3A_7 : i32 to vector<16xi32>
    %add3A_9 = arith.addi %iota3A, %add3A_8 : vector<16xi32>
    %add3A_10 = arith.constant 48 : i32
    %add3A_11 = vector.broadcast %add3A_10 : i32 to vector<16xi32>
    %add3A_12 = arith.addi %iota3A, %add3A_11 : vector<16xi32>
    %xor3A = arith.constant 8 : i32
    %xor3A_13 = vector.broadcast %xor3A : i32 to vector<16xi32>
    %xor3A_14 = arith.xori %iota3A, %xor3A_13 : vector<16xi32>
    %xor3A_15 = arith.constant 4 : i32
    %xor3A_16 = vector.broadcast %xor3A_15 : i32 to vector<16xi32>
    %xor3A_17 = arith.xori %iota3A, %xor3A_16 : vector<16xi32>
    %xor3A_18 = arith.constant 2 : i32
    %xor3A_19 = vector.broadcast %xor3A_18 : i32 to vector<16xi32>
    %xor3A_20 = arith.xori %iota3A, %xor3A_19 : vector<16xi32>
    %xor3A_21 = arith.constant 1 : i32
    %xor3A_22 = vector.broadcast %xor3A_21 : i32 to vector<16xi32>
    %xor3A_23 = arith.xori %iota3A, %xor3A_22 : vector<16xi32>
    %broadcast_in_dim3A = arith.constant 0 : i32
    %broadcast_in_dim3A_24 = vector.broadcast %broadcast_in_dim3A : i32 to vector<16xi32>
    %broadcast_in_dim3A_25 = arith.constant 1 : i32
    %broadcast_in_dim3A_26 = vector.broadcast %broadcast_in_dim3A_25 : i32 to vector<16xi32>
    %broadcast_in_dim3A_27 = arith.constant 2 : i32
    %broadcast_in_dim3A_28 = vector.broadcast %broadcast_in_dim3A_27 : i32 to vector<16xi32>
    %broadcast_in_dim3A_29 = arith.constant 3 : i32
    %broadcast_in_dim3A_30 = vector.broadcast %broadcast_in_dim3A_29 : i32 to vector<16xi32>
    %broadcast_in_dim3A_31 = arith.constant 4 : i32
    %broadcast_in_dim3A_32 = vector.broadcast %broadcast_in_dim3A_31 : i32 to vector<16xi32>
    %broadcast_in_dim3A_33 = arith.constant 5 : i32
    %broadcast_in_dim3A_34 = vector.broadcast %broadcast_in_dim3A_33 : i32 to vector<16xi32>
    %broadcast_in_dim3A_35 = arith.constant 6 : i32
    %broadcast_in_dim3A_36 = vector.broadcast %broadcast_in_dim3A_35 : i32 to vector<16xi32>
    %broadcast_in_dim3A_37 = arith.constant 7 : i32
    %broadcast_in_dim3A_38 = vector.broadcast %broadcast_in_dim3A_37 : i32 to vector<16xi32>
    %broadcast_in_dim3A_39 = arith.constant 8 : i32
    %broadcast_in_dim3A_40 = vector.broadcast %broadcast_in_dim3A_39 : i32 to vector<16xi32>
    %broadcast_in_dim3A_41 = arith.constant 9 : i32
    %broadcast_in_dim3A_42 = vector.broadcast %broadcast_in_dim3A_41 : i32 to vector<16xi32>
    %broadcast_in_dim3A_43 = arith.constant 10 : i32
    %broadcast_in_dim3A_44 = vector.broadcast %broadcast_in_dim3A_43 : i32 to vector<16xi32>
    %broadcast_in_dim3A_45 = arith.constant 11 : i32
    %broadcast_in_dim3A_46 = vector.broadcast %broadcast_in_dim3A_45 : i32 to vector<16xi32>
    %broadcast_in_dim3A_47 = arith.constant 12 : i32
    %broadcast_in_dim3A_48 = vector.broadcast %broadcast_in_dim3A_47 : i32 to vector<16xi32>
    %broadcast_in_dim3A_49 = arith.constant 13 : i32
    %broadcast_in_dim3A_50 = vector.broadcast %broadcast_in_dim3A_49 : i32 to vector<16xi32>
    %broadcast_in_dim3A_51 = arith.constant 14 : i32
    %broadcast_in_dim3A_52 = vector.broadcast %broadcast_in_dim3A_51 : i32 to vector<16xi32>
    %broadcast_in_dim3A_53 = arith.constant 15 : i32
    %broadcast_in_dim3A_54 = vector.broadcast %broadcast_in_dim3A_53 : i32 to vector<16xi32>
    %scan3A = arith.constant 0 : i32
    %scan3A_55 = arith.constant 0x7F800000 : f32
    %scan3A_56 = arith.constant 1000000000 : i32
    %scan3A_57 = arith.constant 0 : i32
    %scan3A_58 = arith.constant 4 : i32
    %scan3A_59 = arith.addi %scan3A_57, %scan3A_58 : i32
    %scan3A_60 = arith.constant 1 : i32
    scf.for %scan3A_62 = %scan3A_57 to %scan3A_59 step %scan3A_60  : i32 {
      %mul3A_63 = arith.constant 4 : i32
      %mul3A_64 = arith.muli %add3A, %mul3A_63 : i32
      %add3A_65 = arith.addi %mul3A_64, %scan3A_62 : i32
      "tpu.region"() ({
        %run_scoped3A = tpu.sem_alloc : memref<!tpu.dma_semaphore, #tpu.memory_space<semaphore_mem>>
        %dma_start3A = arith.constant 0 : i32
        %dma_start3A_81 = arith.constant 0 : i32
        %dma_start3A_82 = tpu.memref_slice %arg2[%add3A_65, %dma_start3A, %dma_start3A_81] : memref<128x64x64xf32, #tpu.memory_space<hbm>> -> memref<1x64x64xf32, #tpu.memory_space<hbm>>
        %dma_start3A_83 = tpu.memref_squeeze %dma_start3A_82 : memref<1x64x64xf32, #tpu.memory_space<hbm>> -> memref<64x64xf32, #tpu.memory_space<hbm>>
        %dma_start3A_84 = arith.constant 0 : i32
        %dma_start3A_85 = arith.constant 0 : i32
        %dma_start3A_86 = tpu.memref_slice %arg2[%add3A_65, %dma_start3A_84, %dma_start3A_85] : memref<128x64x64xf32, #tpu.memory_space<hbm>> -> memref<1x64x64xf32, #tpu.memory_space<hbm>>
        %dma_start3A_87 = tpu.memref_squeeze %dma_start3A_86 : memref<1x64x64xf32, #tpu.memory_space<hbm>> -> memref<64x64xf32, #tpu.memory_space<hbm>>
        tpu.enqueue_dma source(%dma_start3A_87 : memref<64x64xf32, #tpu.memory_space<hbm>>) target(%arg6 : memref<64x64xf32, #tpu.memory_space<vmem>>) target_semaphore(%run_scoped3A : memref<!tpu.dma_semaphore, #tpu.memory_space<semaphore_mem>>)
        %dma_wait3A = arith.constant 0 : i32
        %dma_wait3A_88 = arith.constant 0 : i32
        %dma_wait3A_89 = tpu.memref_slice %arg2[%add3A_65, %dma_wait3A, %dma_wait3A_88] : memref<128x64x64xf32, #tpu.memory_space<hbm>> -> memref<1x64x64xf32, #tpu.memory_space<hbm>>
        %dma_wait3A_90 = tpu.memref_squeeze %dma_wait3A_89 : memref<1x64x64xf32, #tpu.memory_space<hbm>> -> memref<64x64xf32, #tpu.memory_space<hbm>>
        %dma_wait3A_91 = arith.constant 0 : i32
        %dma_wait3A_92 = arith.constant 0 : i32
        %dma_wait3A_93 = tpu.memref_slice %arg2[%add3A_65, %dma_wait3A_91, %dma_wait3A_92] : memref<128x64x64xf32, #tpu.memory_space<hbm>> -> memref<1x64x64xf32, #tpu.memory_space<hbm>>
        %dma_wait3A_94 = tpu.memref_squeeze %dma_wait3A_93 : memref<1x64x64xf32, #tpu.memory_space<hbm>> -> memref<64x64xf32, #tpu.memory_space<hbm>>
        tpu.wait_dma2 semaphore(%run_scoped3A : memref<!tpu.dma_semaphore, #tpu.memory_space<semaphore_mem>>) src(%dma_wait3A_94 : memref<64x64xf32, #tpu.memory_space<hbm>>) dst(%arg6 : memref<64x64xf32, #tpu.memory_space<vmem>>)
        tpu.yield
      }) : () -> ()
      "tpu.region"() ({
        %run_scoped3A = tpu.sem_alloc : memref<!tpu.dma_semaphore, #tpu.memory_space<semaphore_mem>>
        %dma_start3A = arith.constant 0 : i32
        %dma_start3A_81 = arith.constant 0 : i32
        %dma_start3A_82 = tpu.memref_slice %arg3[%add3A_65, %dma_start3A, %dma_start3A_81] : memref<128x64x64xf32, #tpu.memory_space<hbm>> -> memref<1x64x64xf32, #tpu.memory_space<hbm>>
        %dma_start3A_83 = tpu.memref_squeeze %dma_start3A_82 : memref<1x64x64xf32, #tpu.memory_space<hbm>> -> memref<64x64xf32, #tpu.memory_space<hbm>>
        %dma_start3A_84 = arith.constant 0 : i32
        %dma_start3A_85 = arith.constant 0 : i32
        %dma_start3A_86 = tpu.memref_slice %arg3[%add3A_65, %dma_start3A_84, %dma_start3A_85] : memref<128x64x64xf32, #tpu.memory_space<hbm>> -> memref<1x64x64xf32, #tpu.memory_space<hbm>>
        %dma_start3A_87 = tpu.memref_squeeze %dma_start3A_86 : memref<1x64x64xf32, #tpu.memory_space<hbm>> -> memref<64x64xf32, #tpu.memory_space<hbm>>
        tpu.enqueue_dma source(%dma_start3A_87 : memref<64x64xf32, #tpu.memory_space<hbm>>) target(%arg7 : memref<64x64xf32, #tpu.memory_space<vmem>>) target_semaphore(%run_scoped3A : memref<!tpu.dma_semaphore, #tpu.memory_space<semaphore_mem>>)
        %dma_wait3A = arith.constant 0 : i32
        %dma_wait3A_88 = arith.constant 0 : i32
        %dma_wait3A_89 = tpu.memref_slice %arg3[%add3A_65, %dma_wait3A, %dma_wait3A_88] : memref<128x64x64xf32, #tpu.memory_space<hbm>> -> memref<1x64x64xf32, #tpu.memory_space<hbm>>
        %dma_wait3A_90 = tpu.memref_squeeze %dma_wait3A_89 : memref<1x64x64xf32, #tpu.memory_space<hbm>> -> memref<64x64xf32, #tpu.memory_space<hbm>>
        %dma_wait3A_91 = arith.constant 0 : i32
        %dma_wait3A_92 = arith.constant 0 : i32
        %dma_wait3A_93 = tpu.memref_slice %arg3[%add3A_65, %dma_wait3A_91, %dma_wait3A_92] : memref<128x64x64xf32, #tpu.memory_space<hbm>> -> memref<1x64x64xf32, #tpu.memory_space<hbm>>
        %dma_wait3A_94 = tpu.memref_squeeze %dma_wait3A_93 : memref<1x64x64xf32, #tpu.memory_space<hbm>> -> memref<64x64xf32, #tpu.memory_space<hbm>>
        tpu.wait_dma2 semaphore(%run_scoped3A : memref<!tpu.dma_semaphore, #tpu.memory_space<semaphore_mem>>) src(%dma_wait3A_94 : memref<64x64xf32, #tpu.memory_space<hbm>>) dst(%arg7 : memref<64x64xf32, #tpu.memory_space<vmem>>)
        tpu.yield
      }) : () -> ()
      "tpu.region"() ({
        %run_scoped3A = tpu.sem_alloc : memref<!tpu.dma_semaphore, #tpu.memory_space<semaphore_mem>>
        %dma_start3A = arith.constant 0 : i32
        %dma_start3A_81 = tpu.memref_slice %arg4[%add3A_65, %dma_start3A] : memref<128x64xf32, #tpu.memory_space<hbm>> -> memref<1x64xf32, #tpu.memory_space<hbm>>
        %dma_start3A_82 = tpu.memref_squeeze %dma_start3A_81 : memref<1x64xf32, #tpu.memory_space<hbm>> -> memref<64xf32, #tpu.memory_space<hbm>>
        %dma_start3A_83 = arith.constant 0 : i32
        %dma_start3A_84 = tpu.memref_slice %arg4[%add3A_65, %dma_start3A_83] : memref<128x64xf32, #tpu.memory_space<hbm>> -> memref<1x64xf32, #tpu.memory_space<hbm>>
        %dma_start3A_85 = tpu.memref_squeeze %dma_start3A_84 : memref<1x64xf32, #tpu.memory_space<hbm>> -> memref<64xf32, #tpu.memory_space<hbm>>
        tpu.enqueue_dma source(%dma_start3A_85 : memref<64xf32, #tpu.memory_space<hbm>>) target(%arg8 : memref<64xf32, #tpu.memory_space<vmem>>) target_semaphore(%run_scoped3A : memref<!tpu.dma_semaphore, #tpu.memory_space<semaphore_mem>>)
        %dma_wait3A = arith.constant 0 : i32
        %dma_wait3A_86 = tpu.memref_slice %arg4[%add3A_65, %dma_wait3A] : memref<128x64xf32, #tpu.memory_space<hbm>> -> memref<1x64xf32, #tpu.memory_space<hbm>>
        %dma_wait3A_87 = tpu.memref_squeeze %dma_wait3A_86 : memref<1x64xf32, #tpu.memory_space<hbm>> -> memref<64xf32, #tpu.memory_space<hbm>>
        %dma_wait3A_88 = arith.constant 0 : i32
        %dma_wait3A_89 = tpu.memref_slice %arg4[%add3A_65, %dma_wait3A_88] : memref<128x64xf32, #tpu.memory_space<hbm>> -> memref<1x64xf32, #tpu.memory_space<hbm>>
        %dma_wait3A_90 = tpu.memref_squeeze %dma_wait3A_89 : memref<1x64xf32, #tpu.memory_space<hbm>> -> memref<64xf32, #tpu.memory_space<hbm>>
        tpu.wait_dma2 semaphore(%run_scoped3A : memref<!tpu.dma_semaphore, #tpu.memory_space<semaphore_mem>>) src(%dma_wait3A_90 : memref<64xf32, #tpu.memory_space<hbm>>) dst(%arg8 : memref<64xf32, #tpu.memory_space<vmem>>)
        tpu.yield
      }) : () -> ()
      %get3A = arith.constant 0 : index
      %get3A_66 = tpu.vector_load %arg8[%get3A] {strides = array<i32>} : memref<64xf32, #tpu.memory_space<vmem>>, vector<16xf32>,
      %get3A_67 = arith.constant 16 : index
      %get3A_68 = tpu.vector_load %arg8[%get3A_67] {strides = array<i32>} : memref<64xf32, #tpu.memory_space<vmem>>, vector<16xf32>,
      %get3A_69 = arith.constant 32 : index
      %get3A_70 = tpu.vector_load %arg8[%get3A_69] {strides = array<i32>} : memref<64xf32, #tpu.memory_space<vmem>>, vector<16xf32>,
      %get3A_71 = arith.constant 48 : index
      %get3A_72 = tpu.vector_load %arg8[%get3A_71] {strides = array<i32>} : memref<64xf32, #tpu.memory_space<vmem>>, vector<16xf32>,
      %broadcast_in_dim3A_73 = arith.constant 2.000000e+00 : f32
      %broadcast_in_dim3A_74 = vector.broadcast %broadcast_in_dim3A_73 : f32 to vector<16xf32>
      %scan3A_75 = arith.constant 0 : i32
      %scan3A_76 = arith.constant 62 : i32
      %scan3A_77 = arith.addi %scan3A_75, %scan3A_76 : i32
      %scan3A_78 = arith.constant 1 : i32
      %scan3A_79:5 = scf.for %scan3A_81 = %scan3A_75 to %scan3A_77 step %scan3A_78 iter_args(%scan3A_82 = %get3A_66, %scan3A_83 = %get3A_68, %scan3A_84 = %get3A_70, %scan3A_85 = %get3A_72, %scan3A_86 = %broadcast_in_dim3A_74) -> (vector<16xf32>, vector<16xf32>, vector<16xf32>, vector<16xf32>, vector<16xf32>)  : i32 {
        %eq3A = arith.constant 1.000000e+00 : f32
        %eq3A_87 = vector.broadcast %eq3A : f32 to vector<16xf32>
        %eq3A_88 = arith.cmpf oeq, %scan3A_82, %eq3A_87 : vector<16xf32>
        %eq3A_89 = arith.constant 1.000000e+00 : f32
        %eq3A_90 = vector.broadcast %eq3A_89 : f32 to vector<16xf32>
        %eq3A_91 = arith.cmpf oeq, %scan3A_83, %eq3A_90 : vector<16xf32>
        %eq3A_92 = arith.constant 1.000000e+00 : f32
        %eq3A_93 = vector.broadcast %eq3A_92 : f32 to vector<16xf32>
        %eq3A_94 = arith.cmpf oeq, %scan3A_84, %eq3A_93 : vector<16xf32>
        %eq3A_95 = arith.constant 1.000000e+00 : f32
        %eq3A_96 = vector.broadcast %eq3A_95 : f32 to vector<16xf32>
        %eq3A_97 = arith.cmpf oeq, %scan3A_85, %eq3A_96 : vector<16xf32>
        %sub3A = arith.constant 6.400000e+01 : f32
        %sub3A_98 = vector.broadcast %sub3A : f32 to vector<16xf32>
        %sub3A_99 = arith.subf %sub3A_98, %scan3A_86 : vector<16xf32>
        %max3A = arith.constant 1.000000e+00 : f32
        %max3A_100 = vector.broadcast %max3A : f32 to vector<16xf32>
        %max3A_101 = arith.maximumf %sub3A_99, %max3A_100 : vector<16xf32>
        %broadcast_in_dim3A_102 = arith.constant 0.000000e+00 : f32
        %broadcast_in_dim3A_103 = vector.broadcast %broadcast_in_dim3A_102 : f32 to vector<16xf32>
        %lt3A = arith.constant 0 : i32
        %lt3A_104 = vector.broadcast %lt3A : i32 to vector<16xi32>
        %lt3A_105 = arith.cmpi slt, %broadcast_in_dim3A_24, %lt3A_104 : vector<16xi32>
        %add3A_106 = arith.constant 16 : i32
        %add3A_107 = vector.broadcast %add3A_106 : i32 to vector<16xi32>
        %add3A_108 = arith.addi %broadcast_in_dim3A_24, %add3A_107 : vector<16xi32>
        %select_n3A = arith.select %lt3A_105, %add3A_108, %broadcast_in_dim3A_24 : vector<16xi1>, vector<16xi32>
        %broadcast_in_dim3A_109 = vector.shape_cast %select_n3A : vector<16xi32> to vector<16x1xi32>
        %gather3A = vector.shape_cast %broadcast_in_dim3A_109 : vector<16x1xi32> to vector<16xi32>
        %gather3A_110 = tpu.dynamic_gather %scan3A_82[%gather3A] in [0] : vector<16xf32>, vector<16xi32> -> vector<16xf32>
        %sub3A_111 = arith.constant 1.000000e+00 : f32
        %sub3A_112 = vector.broadcast %sub3A_111 : f32 to vector<16xf32>
        %sub3A_113 = arith.subf %sub3A_112, %gather3A_110 : vector<16xf32>
        %get3A_114 = arith.constant 0 : i32
        %get3A_115 = arith.index_cast %get3A_114 : i32 to index
        %get3A_116 = arith.constant 0 : index
        %get3A_117 = tpu.vector_load %arg6[%get3A_115, %get3A_116] {strides = array<i32>} : memref<64x64xf32, #tpu.memory_space<vmem>>, vector<16xf32>,
        %mul3A_118 = arith.mulf %get3A_117, %sub3A_113 : vector<16xf32>
        %add3A_119 = arith.addf %broadcast_in_dim3A_103, %mul3A_118 : vector<16xf32>
        %mul3A_120 = arith.mulf %get3A_117, %gather3A_110 : vector<16xf32>
        %add3A_121 = arith.addf %broadcast_in_dim3A_103, %mul3A_120 : vector<16xf32>
        %get3A_122 = arith.constant 0 : i32
        %get3A_123 = arith.index_cast %get3A_122 : i32 to index
        %get3A_124 = arith.constant 16 : index
        %get3A_125 = tpu.vector_load %arg6[%get3A_123, %get3A_124] {strides = array<i32>} : memref<64x64xf32, #tpu.memory_space<vmem>>, vector<16xf32>,
        %mul3A_126 = arith.mulf %get3A_125, %sub3A_113 : vector<16xf32>
        %add3A_127 = arith.addf %broadcast_in_dim3A_103, %mul3A_126 : vector<16xf32>
        %mul3A_128 = arith.mulf %get3A_125, %gather3A_110 : vector<16xf32>
        %add3A_129 = arith.addf %broadcast_in_dim3A_103, %mul3A_128 : vector<16xf32>
        %get3A_130 = arith.constant 0 : i32
        %get3A_131 = arith.index_cast %get3A_130 : i32 to index
        %get3A_132 = arith.constant 32 : index
        %get3A_133 = tpu.vector_load %arg6[%get3A_131, %get3A_132] {strides = array<i32>} : memref<64x64xf32, #tpu.memory_space<vmem>>, vector<16xf32>,
        %mul3A_134 = arith.mulf %get3A_133, %sub3A_113 : vector<16xf32>
        %add3A_135 = arith.addf %broadcast_in_dim3A_103, %mul3A_134 : vector<16xf32>
        %mul3A_136 = arith.mulf %get3A_133, %gather3A_110 : vector<16xf32>
        %add3A_137 = arith.addf %broadcast_in_dim3A_103, %mul3A_136 : vector<16xf32>
        %get3A_138 = arith.constant 0 : i32
        %get3A_139 = arith.index_cast %get3A_138 : i32 to index
        %get3A_140 = arith.constant 48 : index
        %get3A_141 = tpu.vector_load %arg6[%get3A_139, %get3A_140] {strides = array<i32>} : memref<64x64xf32, #tpu.memory_space<vmem>>, vector<16xf32>,
        %mul3A_142 = arith.mulf %get3A_141, %sub3A_113 : vector<16xf32>
        %add3A_143 = arith.addf %broadcast_in_dim3A_103, %mul3A_142 : vector<16xf32>
        %mul3A_144 = arith.mulf %get3A_141, %gather3A_110 : vector<16xf32>
        %add3A_145 = arith.addf %broadcast_in_dim3A_103, %mul3A_144 : vector<16xf32>
        %lt3A_146 = arith.constant 0 : i32
        %lt3A_147 = vector.broadcast %lt3A_146 : i32 to vector<16xi32>
        %lt3A_148 = arith.cmpi slt, %broadcast_in_dim3A_26, %lt3A_147 : vector<16xi32>
        %add3A_149 = arith.constant 16 : i32
        %add3A_150 = vector.broadcast %add3A_149 : i32 to vector<16xi32>
        %add3A_151 = arith.addi %broadcast_in_dim3A_26, %add3A_150 : vector<16xi32>
        %select_n3A_152 = arith.select %lt3A_148, %add3A_151, %broadcast_in_dim3A_26 : vector<16xi1>, vector<16xi32>
        %broadcast_in_dim3A_153 = vector.shape_cast %select_n3A_152 : vector<16xi32> to vector<16x1xi32>
        %gather3A_154 = vector.shape_cast %broadcast_in_dim3A_153 : vector<16x1xi32> to vector<16xi32>
        %gather3A_155 = tpu.dynamic_gather %scan3A_82[%gather3A_154] in [0] : vector<16xf32>, vector<16xi32> -> vector<16xf32>
        %sub3A_156 = arith.constant 1.000000e+00 : f32
        %sub3A_157 = vector.broadcast %sub3A_156 : f32 to vector<16xf32>
        %sub3A_158 = arith.subf %sub3A_157, %gather3A_155 : vector<16xf32>
        %get3A_159 = arith.constant 1 : i32
        %get3A_160 = arith.index_cast %get3A_159 : i32 to index
        %get3A_161 = arith.constant 0 : index
        %get3A_162 = tpu.vector_load %arg6[%get3A_160, %get3A_161] {strides = array<i32>} : memref<64x64xf32, #tpu.memory_space<vmem>>, vector<16xf32>,
        %mul3A_163 = arith.mulf %get3A_162, %sub3A_158 : vector<16xf32>
        %add3A_164 = arith.addf %add3A_119, %mul3A_163 : vector<16xf32>
        %mul3A_165 = arith.mulf %get3A_162, %gather3A_155 : vector<16xf32>
        %add3A_166 = arith.addf %add3A_121, %mul3A_165 : vector<16xf32>
        %get3A_167 = arith.constant 1 : i32
        %get3A_168 = arith.index_cast %get3A_167 : i32 to index
        %get3A_169 = arith.constant 16 : index
        %get3A_170 = tpu.vector_load %arg6[%get3A_168, %get3A_169] {strides = array<i32>} : memref<64x64xf32, #tpu.memory_space<vmem>>, vector<16xf32>,
        %mul3A_171 = arith.mulf %get3A_170, %sub3A_158 : vector<16xf32>
        %add3A_172 = arith.addf %add3A_127, %mul3A_171 : vector<16xf32>
        %mul3A_173 = arith.mulf %get3A_170, %gather3A_155 : vector<16xf32>
        %add3A_174 = arith.addf %add3A_129, %mul3A_173 : vector<16xf32>
        %get3A_175 = arith.constant 1 : i32
        %get3A_176 = arith.index_cast %get3A_175 : i32 to index
        %get3A_177 = arith.constant 32 : index
        %get3A_178 = tpu.vector_load %arg6[%get3A_176, %get3A_177] {strides = array<i32>} : memref<64x64xf32, #tpu.memory_space<vmem>>, vector<16xf32>,
        %mul3A_179 = arith.mulf %get3A_178, %sub3A_158 : vector<16xf32>
        %add3A_180 = arith.addf %add3A_135, %mul3A_179 : vector<16xf32>
        %mul3A_181 = arith.mulf %get3A_178, %gather3A_155 : vector<16xf32>
        %add3A_182 = arith.addf %add3A_137, %mul3A_181 : vector<16xf32>
        %get3A_183 = arith.constant 1 : i32
        %get3A_184 = arith.index_cast %get3A_183 : i32 to index
        %get3A_185 = arith.constant 48 : index
        %get3A_186 = tpu.vector_load %arg6[%get3A_184, %get3A_185] {strides = array<i32>} : memref<64x64xf32, #tpu.memory_space<vmem>>, vector<16xf32>,
        %mul3A_187 = arith.mulf %get3A_186, %sub3A_158 : vector<16xf32>
        %add3A_188 = arith.addf %add3A_143, %mul3A_187 : vector<16xf32>
        %mul3A_189 = arith.mulf %get3A_186, %gather3A_155 : vector<16xf32>
        %add3A_190 = arith.addf %add3A_145, %mul3A_189 : vector<16xf32>
        %lt3A_191 = arith.constant 0 : i32
        %lt3A_192 = vector.broadcast %lt3A_191 : i32 to vector<16xi32>
        %lt3A_193 = arith.cmpi slt, %broadcast_in_dim3A_28, %lt3A_192 : vector<16xi32>
        %add3A_194 = arith.constant 16 : i32
        %add3A_195 = vector.broadcast %add3A_194 : i32 to vector<16xi32>
        %add3A_196 = arith.addi %broadcast_in_dim3A_28, %add3A_195 : vector<16xi32>
        %select_n3A_197 = arith.select %lt3A_193, %add3A_196, %broadcast_in_dim3A_28 : vector<16xi1>, vector<16xi32>
        %broadcast_in_dim3A_198 = vector.shape_cast %select_n3A_197 : vector<16xi32> to vector<16x1xi32>
        %gather3A_199 = vector.shape_cast %broadcast_in_dim3A_198 : vector<16x1xi32> to vector<16xi32>
        %gather3A_200 = tpu.dynamic_gather %scan3A_82[%gather3A_199] in [0] : vector<16xf32>, vector<16xi32> -> vector<16xf32>
        %sub3A_201 = arith.constant 1.000000e+00 : f32
        %sub3A_202 = vector.broadcast %sub3A_201 : f32 to vector<16xf32>
        %sub3A_203 = arith.subf %sub3A_202, %gather3A_200 : vector<16xf32>
        %get3A_204 = arith.constant 2 : i32
        %get3A_205 = arith.index_cast %get3A_204 : i32 to index
        %get3A_206 = arith.constant 0 : index
        %get3A_207 = tpu.vector_load %arg6[%get3A_205, %get3A_206] {strides = array<i32>} : memref<64x64xf32, #tpu.memory_space<vmem>>, vector<16xf32>,
        %mul3A_208 = arith.mulf %get3A_207, %sub3A_203 : vector<16xf32>
        %add3A_209 = arith.addf %add3A_164, %mul3A_208 : vector<16xf32>
        %mul3A_210 = arith.mulf %get3A_207, %gather3A_200 : vector<16xf32>
        %add3A_211 = arith.addf %add3A_166, %mul3A_210 : vector<16xf32>
        %get3A_212 = arith.constant 2 : i32
        %get3A_213 = arith.index_cast %get3A_212 : i32 to index
        %get3A_214 = arith.constant 16 : index
        %get3A_215 = tpu.vector_load %arg6[%get3A_213, %get3A_214] {strides = array<i32>} : memref<64x64xf32, #tpu.memory_space<vmem>>, vector<16xf32>,
        %mul3A_216 = arith.mulf %get3A_215, %sub3A_203 : vector<16xf32>
        %add3A_217 = arith.addf %add3A_172, %mul3A_216 : vector<16xf32>
        %mul3A_218 = arith.mulf %get3A_215, %gather3A_200 : vector<16xf32>
        %add3A_219 = arith.addf %add3A_174, %mul3A_218 : vector<16xf32>
        %get3A_220 = arith.constant 2 : i32
        %get3A_221 = arith.index_cast %get3A_220 : i32 to index
        %get3A_222 = arith.constant 32 : index
        %get3A_223 = tpu.vector_load %arg6[%get3A_221, %get3A_222] {strides = array<i32>} : memref<64x64xf32, #tpu.memory_space<vmem>>, vector<16xf32>,
        %mul3A_224 = arith.mulf %get3A_223, %sub3A_203 : vector<16xf32>
        %add3A_225 = arith.addf %add3A_180, %mul3A_224 : vector<16xf32>
        %mul3A_226 = arith.mulf %get3A_223, %gather3A_200 : vector<16xf32>
        %add3A_227 = arith.addf %add3A_182, %mul3A_226 : vector<16xf32>
        %get3A_228 = arith.constant 2 : i32
        %get3A_229 = arith.index_cast %get3A_228 : i32 to index
        %get3A_230 = arith.constant 48 : index
        %get3A_231 = tpu.vector_load %arg6[%get3A_229, %get3A_230] {strides = array<i32>} : memref<64x64xf32, #tpu.memory_space<vmem>>, vector<16xf32>,
        %mul3A_232 = arith.mulf %get3A_231, %sub3A_203 : vector<16xf32>
        %add3A_233 = arith.addf %add3A_188, %mul3A_232 : vector<16xf32>
        %mul3A_234 = arith.mulf %get3A_231, %gather3A_200 : vector<16xf32>
        %add3A_235 = arith.addf %add3A_190, %mul3A_234 : vector<16xf32>
        %lt3A_236 = arith.constant 0 : i32
        %lt3A_237 = vector.broadcast %lt3A_236 : i32 to vector<16xi32>
        %lt3A_238 = arith.cmpi slt, %broadcast_in_dim3A_30, %lt3A_237 : vector<16xi32>
        %add3A_239 = arith.constant 16 : i32
        %add3A_240 = vector.broadcast %add3A_239 : i32 to vector<16xi32>
        %add3A_241 = arith.addi %broadcast_in_dim3A_30, %add3A_240 : vector<16xi32>
        %select_n3A_242 = arith.select %lt3A_238, %add3A_241, %broadcast_in_dim3A_30 : vector<16xi1>, vector<16xi32>
        %broadcast_in_dim3A_243 = vector.shape_cast %select_n3A_242 : vector<16xi32> to vector<16x1xi32>
        %gather3A_244 = vector.shape_cast %broadcast_in_dim3A_243 : vector<16x1xi32> to vector<16xi32>
        %gather3A_245 = tpu.dynamic_gather %scan3A_82[%gather3A_244] in [0] : vector<16xf32>, vector<16xi32> -> vector<16xf32>
        %sub3A_246 = arith.constant 1.000000e+00 : f32
        %sub3A_247 = vector.broadcast %sub3A_246 : f32 to vector<16xf32>
        %sub3A_248 = arith.subf %sub3A_247, %gather3A_245 : vector<16xf32>
        %get3A_249 = arith.constant 3 : i32
        %get3A_250 = arith.index_cast %get3A_249 : i32 to index
        %get3A_251 = arith.constant 0 : index
        %get3A_252 = tpu.vector_load %arg6[%get3A_250, %get3A_251] {strides = array<i32>} : memref<64x64xf32, #tpu.memory_space<vmem>>, vector<16xf32>,
        %mul3A_253 = arith.mulf %get3A_252, %sub3A_248 : vector<16xf32>
        %add3A_254 = arith.addf %add3A_209, %mul3A_253 : vector<16xf32>
        %mul3A_255 = arith.mulf %get3A_252, %gather3A_245 : vector<16xf32>
        %add3A_256 = arith.addf %add3A_211, %mul3A_255 : vector<16xf32>
        %get3A_257 = arith.constant 3 : i32
        %get3A_258 = arith.index_cast %get3A_257 : i32 to index
        %get3A_259 = arith.constant 16 : index
        %get3A_260 = tpu.vector_load %arg6[%get3A_258, %get3A_259] {strides = array<i32>} : memref<64x64xf32, #tpu.memory_space<vmem>>, vector<16xf32>,
        %mul3A_261 = arith.mulf %get3A_260, %sub3A_248 : vector<16xf32>
        %add3A_262 = arith.addf %add3A_217, %mul3A_261 : vector<16xf32>
        %mul3A_263 = arith.mulf %get3A_260, %gather3A_245 : vector<16xf32>
        %add3A_264 = arith.addf %add3A_219, %mul3A_263 : vector<16xf32>
        %get3A_265 = arith.constant 3 : i32
        %get3A_266 = arith.index_cast %get3A_265 : i32 to index
        %get3A_267 = arith.constant 32 : index
        %get3A_268 = tpu.vector_load %arg6[%get3A_266, %get3A_267] {strides = array<i32>} : memref<64x64xf32, #tpu.memory_space<vmem>>, vector<16xf32>,
        %mul3A_269 = arith.mulf %get3A_268, %sub3A_248 : vector<16xf32>
        %add3A_270 = arith.addf %add3A_225, %mul3A_269 : vector<16xf32>
        %mul3A_271 = arith.mulf %get3A_268, %gather3A_245 : vector<16xf32>
        %add3A_272 = arith.addf %add3A_227, %mul3A_271 : vector<16xf32>
        %get3A_273 = arith.constant 3 : i32
        %get3A_274 = arith.index_cast %get3A_273 : i32 to index
        %get3A_275 = arith.constant 48 : index
        %get3A_276 = tpu.vector_load %arg6[%get3A_274, %get3A_275] {strides = array<i32>} : memref<64x64xf32, #tpu.memory_space<vmem>>, vector<16xf32>,
        %mul3A_277 = arith.mulf %get3A_276, %sub3A_248 : vector<16xf32>
        %add3A_278 = arith.addf %add3A_233, %mul3A_277 : vector<16xf32>
        %mul3A_279 = arith.mulf %get3A_276, %gather3A_245 : vector<16xf32>
        %add3A_280 = arith.addf %add3A_235, %mul3A_279 : vector<16xf32>
        %lt3A_281 = arith.constant 0 : i32
        %lt3A_282 = vector.broadcast %lt3A_281 : i32 to vector<16xi32>
        %lt3A_283 = arith.cmpi slt, %broadcast_in_dim3A_32, %lt3A_282 : vector<16xi32>
        %add3A_284 = arith.constant 16 : i32
        %add3A_285 = vector.broadcast %add3A_284 : i32 to vector<16xi32>
        %add3A_286 = arith.addi %broadcast_in_dim3A_32, %add3A_285 : vector<16xi32>
        %select_n3A_287 = arith.select %lt3A_283, %add3A_286, %broadcast_in_dim3A_32 : vector<16xi1>, vector<16xi32>
        %broadcast_in_dim3A_288 = vector.shape_cast %select_n3A_287 : vector<16xi32> to vector<16x1xi32>
        %gather3A_289 = vector.shape_cast %broadcast_in_dim3A_288 : vector<16x1xi32> to vector<16xi32>
        %gather3A_290 = tpu.dynamic_gather %scan3A_82[%gather3A_289] in [0] : vector<16xf32>, vector<16xi32> -> vector<16xf32>
        %sub3A_291 = arith.constant 1.000000e+00 : f32
        %sub3A_292 = vector.broadcast %sub3A_291 : f32 to vector<16xf32>
        %sub3A_293 = arith.subf %sub3A_292, %gather3A_290 : vector<16xf32>
        %get3A_294 = arith.constant 4 : i32
        %get3A_295 = arith.index_cast %get3A_294 : i32 to index
        %get3A_296 = arith.constant 0 : index
        %get3A_297 = tpu.vector_load %arg6[%get3A_295, %get3A_296] {strides = array<i32>} : memref<64x64xf32, #tpu.memory_space<vmem>>, vector<16xf32>,
        %mul3A_298 = arith.mulf %get3A_297, %sub3A_293 : vector<16xf32>
        %add3A_299 = arith.addf %add3A_254, %mul3A_298 : vector<16xf32>
        %mul3A_300 = arith.mulf %get3A_297, %gather3A_290 : vector<16xf32>
        %add3A_301 = arith.addf %add3A_256, %mul3A_300 : vector<16xf32>
        %get3A_302 = arith.constant 4 : i32
        %get3A_303 = arith.index_cast %get3A_302 : i32 to index
        %get3A_304 = arith.constant 16 : index
        %get3A_305 = tpu.vector_load %arg6[%get3A_303, %get3A_304] {strides = array<i32>} : memref<64x64xf32, #tpu.memory_space<vmem>>, vector<16xf32>,
        %mul3A_306 = arith.mulf %get3A_305, %sub3A_293 : vector<16xf32>
        %add3A_307 = arith.addf %add3A_262, %mul3A_306 : vector<16xf32>
        %mul3A_308 = arith.mulf %get3A_305, %gather3A_290 : vector<16xf32>
        %add3A_309 = arith.addf %add3A_264, %mul3A_308 : vector<16xf32>
        %get3A_310 = arith.constant 4 : i32
        %get3A_311 = arith.index_cast %get3A_310 : i32 to index
        %get3A_312 = arith.constant 32 : index
        %get3A_313 = tpu.vector_load %arg6[%get3A_311, %get3A_312] {strides = array<i32>} : memref<64x64xf32, #tpu.memory_space<vmem>>, vector<16xf32>,
        %mul3A_314 = arith.mulf %get3A_313, %sub3A_293 : vector<16xf32>
        %add3A_315 = arith.addf %add3A_270, %mul3A_314 : vector<16xf32>
        %mul3A_316 = arith.mulf %get3A_313, %gather3A_290 : vector<16xf32>
        %add3A_317 = arith.addf %add3A_272, %mul3A_316 : vector<16xf32>
        %get3A_318 = arith.constant 4 : i32
        %get3A_319 = arith.index_cast %get3A_318 : i32 to index
        %get3A_320 = arith.constant 48 : index
        %get3A_321 = tpu.vector_load %arg6[%get3A_319, %get3A_320] {strides = array<i32>} : memref<64x64xf32, #tpu.memory_space<vmem>>, vector<16xf32>,
        %mul3A_322 = arith.mulf %get3A_321, %sub3A_293 : vector<16xf32>
        %add3A_323 = arith.addf %add3A_278, %mul3A_322 : vector<16xf32>
        %mul3A_324 = arith.mulf %get3A_321, %gather3A_290 : vector<16xf32>
        %add3A_325 = arith.addf %add3A_280, %mul3A_324 : vector<16xf32>
        %lt3A_326 = arith.constant 0 : i32
        %lt3A_327 = vector.broadcast %lt3A_326 : i32 to vector<16xi32>
        %lt3A_328 = arith.cmpi slt, %broadcast_in_dim3A_34, %lt3A_327 : vector<16xi32>
        %add3A_329 = arith.constant 16 : i32
        %add3A_330 = vector.broadcast %add3A_329 : i32 to vector<16xi32>
        %add3A_331 = arith.addi %broadcast_in_dim3A_34, %add3A_330 : vector<16xi32>
        %select_n3A_332 = arith.select %lt3A_328, %add3A_331, %broadcast_in_dim3A_34 : vector<16xi1>, vector<16xi32>
        %broadcast_in_dim3A_333 = vector.shape_cast %select_n3A_332 : vector<16xi32> to vector<16x1xi32>
        %gather3A_334 = vector.shape_cast %broadcast_in_dim3A_333 : vector<16x1xi32> to vector<16xi32>
        %gather3A_335 = tpu.dynamic_gather %scan3A_82[%gather3A_334] in [0] : vector<16xf32>, vector<16xi32> -> vector<16xf32>
        %sub3A_336 = arith.constant 1.000000e+00 : f32
        %sub3A_337 = vector.broadcast %sub3A_336 : f32 to vector<16xf32>
        %sub3A_338 = arith.subf %sub3A_337, %gather3A_335 : vector<16xf32>
        %get3A_339 = arith.constant 5 : i32
        %get3A_340 = arith.index_cast %get3A_339 : i32 to index
        %get3A_341 = arith.constant 0 : index
        %get3A_342 = tpu.vector_load %arg6[%get3A_340, %get3A_341] {strides = array<i32>} : memref<64x64xf32, #tpu.memory_space<vmem>>, vector<16xf32>,
        %mul3A_343 = arith.mulf %get3A_342, %sub3A_338 : vector<16xf32>
        %add3A_344 = arith.addf %add3A_299, %mul3A_343 : vector<16xf32>
        %mul3A_345 = arith.mulf %get3A_342, %gather3A_335 : vector<16xf32>
        %add3A_346 = arith.addf %add3A_301, %mul3A_345 : vector<16xf32>
        %get3A_347 = arith.constant 5 : i32
        %get3A_348 = arith.index_cast %get3A_347 : i32 to index
        %get3A_349 = arith.constant 16 : index
        %get3A_350 = tpu.vector_load %arg6[%get3A_348, %get3A_349] {strides = array<i32>} : memref<64x64xf32, #tpu.memory_space<vmem>>, vector<16xf32>,
        %mul3A_351 = arith.mulf %get3A_350, %sub3A_338 : vector<16xf32>
        %add3A_352 = arith.addf %add3A_307, %mul3A_351 : vector<16xf32>
        %mul3A_353 = arith.mulf %get3A_350, %gather3A_335 : vector<16xf32>
        %add3A_354 = arith.addf %add3A_309, %mul3A_353 : vector<16xf32>
        %get3A_355 = arith.constant 5 : i32
        %get3A_356 = arith.index_cast %get3A_355 : i32 to index
        %get3A_357 = arith.constant 32 : index
        %get3A_358 = tpu.vector_load %arg6[%get3A_356, %get3A_357] {strides = array<i32>} : memref<64x64xf32, #tpu.memory_space<vmem>>, vector<16xf32>,
        %mul3A_359 = arith.mulf %get3A_358, %sub3A_338 : vector<16xf32>
        %add3A_360 = arith.addf %add3A_315, %mul3A_359 : vector<16xf32>
        %mul3A_361 = arith.mulf %get3A_358, %gather3A_335 : vector<16xf32>
        %add3A_362 = arith.addf %add3A_317, %mul3A_361 : vector<16xf32>
        %get3A_363 = arith.constant 5 : i32
        %get3A_364 = arith.index_cast %get3A_363 : i32 to index
        %get3A_365 = arith.constant 48 : index
        %get3A_366 = tpu.vector_load %arg6[%get3A_364, %get3A_365] {strides = array<i32>} : memref<64x64xf32, #tpu.memory_space<vmem>>, vector<16xf32>,
        %mul3A_367 = arith.mulf %get3A_366, %sub3A_338 : vector<16xf32>
        %add3A_368 = arith.addf %add3A_323, %mul3A_367 : vector<16xf32>
        %mul3A_369 = arith.mulf %get3A_366, %gather3A_335 : vector<16xf32>
        %add3A_370 = arith.addf %add3A_325, %mul3A_369 : vector<16xf32>
        %lt3A_371 = arith.constant 0 : i32
        %lt3A_372 = vector.broadcast %lt3A_371 : i32 to vector<16xi32>
        %lt3A_373 = arith.cmpi slt, %broadcast_in_dim3A_36, %lt3A_372 : vector<16xi32>
        %add3A_374 = arith.constant 16 : i32
        %add3A_375 = vector.broadcast %add3A_374 : i32 to vector<16xi32>
        %add3A_376 = arith.addi %broadcast_in_dim3A_36, %add3A_375 : vector<16xi32>
        %select_n3A_377 = arith.select %lt3A_373, %add3A_376, %broadcast_in_dim3A_36 : vector<16xi1>, vector<16xi32>
        %broadcast_in_dim3A_378 = vector.shape_cast %select_n3A_377 : vector<16xi32> to vector<16x1xi32>
        %gather3A_379 = vector.shape_cast %broadcast_in_dim3A_378 : vector<16x1xi32> to vector<16xi32>
        %gather3A_380 = tpu.dynamic_gather %scan3A_82[%gather3A_379] in [0] : vector<16xf32>, vector<16xi32> -> vector<16xf32>
        %sub3A_381 = arith.constant 1.000000e+00 : f32
        %sub3A_382 = vector.broadcast %sub3A_381 : f32 to vector<16xf32>
        %sub3A_383 = arith.subf %sub3A_382, %gather3A_380 : vector<16xf32>
        %get3A_384 = arith.constant 6 : i32
        %get3A_385 = arith.index_cast %get3A_384 : i32 to index
        %get3A_386 = arith.constant 0 : index
        %get3A_387 = tpu.vector_load %arg6[%get3A_385, %get3A_386] {strides = array<i32>} : memref<64x64xf32, #tpu.memory_space<vmem>>, vector<16xf32>,
        %mul3A_388 = arith.mulf %get3A_387, %sub3A_383 : vector<16xf32>
        %add3A_389 = arith.addf %add3A_344, %mul3A_388 : vector<16xf32>
        %mul3A_390 = arith.mulf %get3A_387, %gather3A_380 : vector<16xf32>
        %add3A_391 = arith.addf %add3A_346, %mul3A_390 : vector<16xf32>
        %get3A_392 = arith.constant 6 : i32
        %get3A_393 = arith.index_cast %get3A_392 : i32 to index
        %get3A_394 = arith.constant 16 : index
        %get3A_395 = tpu.vector_load %arg6[%get3A_393, %get3A_394] {strides = array<i32>} : memref<64x64xf32, #tpu.memory_space<vmem>>, vector<16xf32>,
        %mul3A_396 = arith.mulf %get3A_395, %sub3A_383 : vector<16xf32>
        %add3A_397 = arith.addf %add3A_352, %mul3A_396 : vector<16xf32>
        %mul3A_398 = arith.mulf %get3A_395, %gather3A_380 : vector<16xf32>
        %add3A_399 = arith.addf %add3A_354, %mul3A_398 : vector<16xf32>
        %get3A_400 = arith.constant 6 : i32
        %get3A_401 = arith.index_cast %get3A_400 : i32 to index
        %get3A_402 = arith.constant 32 : index
        %get3A_403 = tpu.vector_load %arg6[%get3A_401, %get3A_402] {strides = array<i32>} : memref<64x64xf32, #tpu.memory_space<vmem>>, vector<16xf32>,
        %mul3A_404 = arith.mulf %get3A_403, %sub3A_383 : vector<16xf32>
        %add3A_405 = arith.addf %add3A_360, %mul3A_404 : vector<16xf32>
        %mul3A_406 = arith.mulf %get3A_403, %gather3A_380 : vector<16xf32>
        %add3A_407 = arith.addf %add3A_362, %mul3A_406 : vector<16xf32>
        %get3A_408 = arith.constant 6 : i32
        %get3A_409 = arith.index_cast %get3A_408 : i32 to index
        %get3A_410 = arith.constant 48 : index
        %get3A_411 = tpu.vector_load %arg6[%get3A_409, %get3A_410] {strides = array<i32>} : memref<64x64xf32, #tpu.memory_space<vmem>>, vector<16xf32>,
        %mul3A_412 = arith.mulf %get3A_411, %sub3A_383 : vector<16xf32>
        %add3A_413 = arith.addf %add3A_368, %mul3A_412 : vector<16xf32>
        %mul3A_414 = arith.mulf %get3A_411, %gather3A_380 : vector<16xf32>
        %add3A_415 = arith.addf %add3A_370, %mul3A_414 : vector<16xf32>
        %lt3A_416 = arith.constant 0 : i32
        %lt3A_417 = vector.broadcast %lt3A_416 : i32 to vector<16xi32>
        %lt3A_418 = arith.cmpi slt, %broadcast_in_dim3A_38, %lt3A_417 : vector<16xi32>
        %add3A_419 = arith.constant 16 : i32
        %add3A_420 = vector.broadcast %add3A_419 : i32 to vector<16xi32>
        %add3A_421 = arith.addi %broadcast_in_dim3A_38, %add3A_420 : vector<16xi32>
        %select_n3A_422 = arith.select %lt3A_418, %add3A_421, %broadcast_in_dim3A_38 : vector<16xi1>, vector<16xi32>
        %broadcast_in_dim3A_423 = vector.shape_cast %select_n3A_422 : vector<16xi32> to vector<16x1xi32>
        %gather3A_424 = vector.shape_cast %broadcast_in_dim3A_423 : vector<16x1xi32> to vector<16xi32>
        %gather3A_425 = tpu.dynamic_gather %scan3A_82[%gather3A_424] in [0] : vector<16xf32>, vector<16xi32> -> vector<16xf32>
        %sub3A_426 = arith.constant 1.000000e+00 : f32
        %sub3A_427 = vector.broadcast %sub3A_426 : f32 to vector<16xf32>
        %sub3A_428 = arith.subf %sub3A_427, %gather3A_425 : vector<16xf32>
        %get3A_429 = arith.constant 7 : i32
        %get3A_430 = arith.index_cast %get3A_429 : i32 to index
        %get3A_431 = arith.constant 0 : index
        %get3A_432 = tpu.vector_load %arg6[%get3A_430, %get3A_431] {strides = array<i32>} : memref<64x64xf32, #tpu.memory_space<vmem>>, vector<16xf32>,
        %mul3A_433 = arith.mulf %get3A_432, %sub3A_428 : vector<16xf32>
        %add3A_434 = arith.addf %add3A_389, %mul3A_433 : vector<16xf32>
        %mul3A_435 = arith.mulf %get3A_432, %gather3A_425 : vector<16xf32>
        %add3A_436 = arith.addf %add3A_391, %mul3A_435 : vector<16xf32>
        %get3A_437 = arith.constant 7 : i32
        %get3A_438 = arith.index_cast %get3A_437 : i32 to index
        %get3A_439 = arith.constant 16 : index
        %get3A_440 = tpu.vector_load %arg6[%get3A_438, %get3A_439] {strides = array<i32>} : memref<64x64xf32, #tpu.memory_space<vmem>>, vector<16xf32>,
        %mul3A_441 = arith.mulf %get3A_440, %sub3A_428 : vector<16xf32>
        %add3A_442 = arith.addf %add3A_397, %mul3A_441 : vector<16xf32>
        %mul3A_443 = arith.mulf %get3A_440, %gather3A_425 : vector<16xf32>
        %add3A_444 = arith.addf %add3A_399, %mul3A_443 : vector<16xf32>
        %get3A_445 = arith.constant 7 : i32
        %get3A_446 = arith.index_cast %get3A_445 : i32 to index
        %get3A_447 = arith.constant 32 : index
        %get3A_448 = tpu.vector_load %arg6[%get3A_446, %get3A_447] {strides = array<i32>} : memref<64x64xf32, #tpu.memory_space<vmem>>, vector<16xf32>,
        %mul3A_449 = arith.mulf %get3A_448, %sub3A_428 : vector<16xf32>
        %add3A_450 = arith.addf %add3A_405, %mul3A_449 : vector<16xf32>
        %mul3A_451 = arith.mulf %get3A_448, %gather3A_425 : vector<16xf32>
        %add3A_452 = arith.addf %add3A_407, %mul3A_451 : vector<16xf32>
        %get3A_453 = arith.constant 7 : i32
        %get3A_454 = arith.index_cast %get3A_453 : i32 to index
        %get3A_455 = arith.constant 48 : index
        %get3A_456 = tpu.vector_load %arg6[%get3A_454, %get3A_455] {strides = array<i32>} : memref<64x64xf32, #tpu.memory_space<vmem>>, vector<16xf32>,
        %mul3A_457 = arith.mulf %get3A_456, %sub3A_428 : vector<16xf32>
        %add3A_458 = arith.addf %add3A_413, %mul3A_457 : vector<16xf32>
        %mul3A_459 = arith.mulf %get3A_456, %gather3A_425 : vector<16xf32>
        %add3A_460 = arith.addf %add3A_415, %mul3A_459 : vector<16xf32>
        %lt3A_461 = arith.constant 0 : i32
        %lt3A_462 = vector.broadcast %lt3A_461 : i32 to vector<16xi32>
        %lt3A_463 = arith.cmpi slt, %broadcast_in_dim3A_40, %lt3A_462 : vector<16xi32>
        %add3A_464 = arith.constant 16 : i32
        %add3A_465 = vector.broadcast %add3A_464 : i32 to vector<16xi32>
        %add3A_466 = arith.addi %broadcast_in_dim3A_40, %add3A_465 : vector<16xi32>
        %select_n3A_467 = arith.select %lt3A_463, %add3A_466, %broadcast_in_dim3A_40 : vector<16xi1>, vector<16xi32>
        %broadcast_in_dim3A_468 = vector.shape_cast %select_n3A_467 : vector<16xi32> to vector<16x1xi32>
        %gather3A_469 = vector.shape_cast %broadcast_in_dim3A_468 : vector<16x1xi32> to vector<16xi32>
        %gather3A_470 = tpu.dynamic_gather %scan3A_82[%gather3A_469] in [0] : vector<16xf32>, vector<16xi32> -> vector<16xf32>
        %sub3A_471 = arith.constant 1.000000e+00 : f32
        %sub3A_472 = vector.broadcast %sub3A_471 : f32 to vector<16xf32>
        %sub3A_473 = arith.subf %sub3A_472, %gather3A_470 : vector<16xf32>
        %get3A_474 = arith.constant 8 : i32
        %get3A_475 = arith.index_cast %get3A_474 : i32 to index
        %get3A_476 = arith.constant 0 : index
        %get3A_477 = tpu.vector_load %arg6[%get3A_475, %get3A_476] {strides = array<i32>} : memref<64x64xf32, #tpu.memory_space<vmem>>, vector<16xf32>,
        %mul3A_478 = arith.mulf %get3A_477, %sub3A_473 : vector<16xf32>
        %add3A_479 = arith.addf %add3A_434, %mul3A_478 : vector<16xf32>
        %mul3A_480 = arith.mulf %get3A_477, %gather3A_470 : vector<16xf32>
        %add3A_481 = arith.addf %add3A_436, %mul3A_480 : vector<16xf32>
        %get3A_482 = arith.constant 8 : i32
        %get3A_483 = arith.index_cast %get3A_482 : i32 to index
        %get3A_484 = arith.constant 16 : index
        %get3A_485 = tpu.vector_load %arg6[%get3A_483, %get3A_484] {strides = array<i32>} : memref<64x64xf32, #tpu.memory_space<vmem>>, vector<16xf32>,
        %mul3A_486 = arith.mulf %get3A_485, %sub3A_473 : vector<16xf32>
        %add3A_487 = arith.addf %add3A_442, %mul3A_486 : vector<16xf32>
        %mul3A_488 = arith.mulf %get3A_485, %gather3A_470 : vector<16xf32>
        %add3A_489 = arith.addf %add3A_444, %mul3A_488 : vector<16xf32>
        %get3A_490 = arith.constant 8 : i32
        %get3A_491 = arith.index_cast %get3A_490 : i32 to index
        %get3A_492 = arith.constant 32 : index
        %get3A_493 = tpu.vector_load %arg6[%get3A_491, %get3A_492] {strides = array<i32>} : memref<64x64xf32, #tpu.memory_space<vmem>>, vector<16xf32>,
        %mul3A_494 = arith.mulf %get3A_493, %sub3A_473 : vector<16xf32>
        %add3A_495 = arith.addf %add3A_450, %mul3A_494 : vector<16xf32>
        %mul3A_496 = arith.mulf %get3A_493, %gather3A_470 : vector<16xf32>
        %add3A_497 = arith.addf %add3A_452, %mul3A_496 : vector<16xf32>
        %get3A_498 = arith.constant 8 : i32
        %get3A_499 = arith.index_cast %get3A_498 : i32 to index
        %get3A_500 = arith.constant 48 : index
        %get3A_501 = tpu.vector_load %arg6[%get3A_499, %get3A_500] {strides = array<i32>} : memref<64x64xf32, #tpu.memory_space<vmem>>, vector<16xf32>,
        %mul3A_502 = arith.mulf %get3A_501, %sub3A_473 : vector<16xf32>
        %add3A_503 = arith.addf %add3A_458, %mul3A_502 : vector<16xf32>
        %mul3A_504 = arith.mulf %get3A_501, %gather3A_470 : vector<16xf32>
        %add3A_505 = arith.addf %add3A_460, %mul3A_504 : vector<16xf32>
        %lt3A_506 = arith.constant 0 : i32
        %lt3A_507 = vector.broadcast %lt3A_506 : i32 to vector<16xi32>
        %lt3A_508 = arith.cmpi slt, %broadcast_in_dim3A_42, %lt3A_507 : vector<16xi32>
        %add3A_509 = arith.constant 16 : i32
        %add3A_510 = vector.broadcast %add3A_509 : i32 to vector<16xi32>
        %add3A_511 = arith.addi %broadcast_in_dim3A_42, %add3A_510 : vector<16xi32>
        %select_n3A_512 = arith.select %lt3A_508, %add3A_511, %broadcast_in_dim3A_42 : vector<16xi1>, vector<16xi32>
        %broadcast_in_dim3A_513 = vector.shape_cast %select_n3A_512 : vector<16xi32> to vector<16x1xi32>
        %gather3A_514 = vector.shape_cast %broadcast_in_dim3A_513 : vector<16x1xi32> to vector<16xi32>
        %gather3A_515 = tpu.dynamic_gather %scan3A_82[%gather3A_514] in [0] : vector<16xf32>, vector<16xi32> -> vector<16xf32>
        %sub3A_516 = arith.constant 1.000000e+00 : f32
        %sub3A_517 = vector.broadcast %sub3A_516 : f32 to vector<16xf32>
        %sub3A_518 = arith.subf %sub3A_517, %gather3A_515 : vector<16xf32>
        %get3A_519 = arith.constant 9 : i32
        %get3A_520 = arith.index_cast %get3A_519 : i32 to index
        %get3A_521 = arith.constant 0 : index
        %get3A_522 = tpu.vector_load %arg6[%get3A_520, %get3A_521] {strides = array<i32>} : memref<64x64xf32, #tpu.memory_space<vmem>>, vector<16xf32>,
        %mul3A_523 = arith.mulf %get3A_522, %sub3A_518 : vector<16xf32>
        %add3A_524 = arith.addf %add3A_479, %mul3A_523 : vector<16xf32>
        %mul3A_525 = arith.mulf %get3A_522, %gather3A_515 : vector<16xf32>
        %add3A_526 = arith.addf %add3A_481, %mul3A_525 : vector<16xf32>
        %get3A_527 = arith.constant 9 : i32
        %get3A_528 = arith.index_cast %get3A_527 : i32 to index
        %get3A_529 = arith.constant 16 : index
        %get3A_530 = tpu.vector_load %arg6[%get3A_528, %get3A_529] {strides = array<i32>} : memref<64x64xf32, #tpu.memory_space<vmem>>, vector<16xf32>,
        %mul3A_531 = arith.mulf %get3A_530, %sub3A_518 : vector<16xf32>
        %add3A_532 = arith.addf %add3A_487, %mul3A_531 : vector<16xf32>
        %mul3A_533 = arith.mulf %get3A_530, %gather3A_515 : vector<16xf32>
        %add3A_534 = arith.addf %add3A_489, %mul3A_533 : vector<16xf32>
        %get3A_535 = arith.constant 9 : i32
        %get3A_536 = arith.index_cast %get3A_535 : i32 to index
        %get3A_537 = arith.constant 32 : index
        %get3A_538 = tpu.vector_load %arg6[%get3A_536, %get3A_537] {strides = array<i32>} : memref<64x64xf32, #tpu.memory_space<vmem>>, vector<16xf32>,
        %mul3A_539 = arith.mulf %get3A_538, %sub3A_518 : vector<16xf32>
        %add3A_540 = arith.addf %add3A_495, %mul3A_539 : vector<16xf32>
        %mul3A_541 = arith.mulf %get3A_538, %gather3A_515 : vector<16xf32>
        %add3A_542 = arith.addf %add3A_497, %mul3A_541 : vector<16xf32>
        %get3A_543 = arith.constant 9 : i32
        %get3A_544 = arith.index_cast %get3A_543 : i32 to index
        %get3A_545 = arith.constant 48 : index
        %get3A_546 = tpu.vector_load %arg6[%get3A_544, %get3A_545] {strides = array<i32>} : memref<64x64xf32, #tpu.memory_space<vmem>>, vector<16xf32>,
        %mul3A_547 = arith.mulf %get3A_546, %sub3A_518 : vector<16xf32>
        %add3A_548 = arith.addf %add3A_503, %mul3A_547 : vector<16xf32>
        %mul3A_549 = arith.mulf %get3A_546, %gather3A_515 : vector<16xf32>
        %add3A_550 = arith.addf %add3A_505, %mul3A_549 : vector<16xf32>
        %lt3A_551 = arith.constant 0 : i32
        %lt3A_552 = vector.broadcast %lt3A_551 : i32 to vector<16xi32>
        %lt3A_553 = arith.cmpi slt, %broadcast_in_dim3A_44, %lt3A_552 : vector<16xi32>
        %add3A_554 = arith.constant 16 : i32
        %add3A_555 = vector.broadcast %add3A_554 : i32 to vector<16xi32>
        %add3A_556 = arith.addi %broadcast_in_dim3A_44, %add3A_555 : vector<16xi32>
        %select_n3A_557 = arith.select %lt3A_553, %add3A_556, %broadcast_in_dim3A_44 : vector<16xi1>, vector<16xi32>
        %broadcast_in_dim3A_558 = vector.shape_cast %select_n3A_557 : vector<16xi32> to vector<16x1xi32>
        %gather3A_559 = vector.shape_cast %broadcast_in_dim3A_558 : vector<16x1xi32> to vector<16xi32>
        %gather3A_560 = tpu.dynamic_gather %scan3A_82[%gather3A_559] in [0] : vector<16xf32>, vector<16xi32> -> vector<16xf32>
        %sub3A_561 = arith.constant 1.000000e+00 : f32
        %sub3A_562 = vector.broadcast %sub3A_561 : f32 to vector<16xf32>
        %sub3A_563 = arith.subf %sub3A_562, %gather3A_560 : vector<16xf32>
        %get3A_564 = arith.constant 10 : i32
        %get3A_565 = arith.index_cast %get3A_564 : i32 to index
        %get3A_566 = arith.constant 0 : index
        %get3A_567 = tpu.vector_load %arg6[%get3A_565, %get3A_566] {strides = array<i32>} : memref<64x64xf32, #tpu.memory_space<vmem>>, vector<16xf32>,
        %mul3A_568 = arith.mulf %get3A_567, %sub3A_563 : vector<16xf32>
        %add3A_569 = arith.addf %add3A_524, %mul3A_568 : vector<16xf32>
        %mul3A_570 = arith.mulf %get3A_567, %gather3A_560 : vector<16xf32>
        %add3A_571 = arith.addf %add3A_526, %mul3A_570 : vector<16xf32>
        %get3A_572 = arith.constant 10 : i32
        %get3A_573 = arith.index_cast %get3A_572 : i32 to index
        %get3A_574 = arith.constant 16 : index
        %get3A_575 = tpu.vector_load %arg6[%get3A_573, %get3A_574] {strides = array<i32>} : memref<64x64xf32, #tpu.memory_space<vmem>>, vector<16xf32>,
        %mul3A_576 = arith.mulf %get3A_575, %sub3A_563 : vector<16xf32>
        %add3A_577 = arith.addf %add3A_532, %mul3A_576 : vector<16xf32>
        %mul3A_578 = arith.mulf %get3A_575, %gather3A_560 : vector<16xf32>
        %add3A_579 = arith.addf %add3A_534, %mul3A_578 : vector<16xf32>
        %get3A_580 = arith.constant 10 : i32
        %get3A_581 = arith.index_cast %get3A_580 : i32 to index
        %get3A_582 = arith.constant 32 : index
        %get3A_583 = tpu.vector_load %arg6[%get3A_581, %get3A_582] {strides = array<i32>} : memref<64x64xf32, #tpu.memory_space<vmem>>, vector<16xf32>,
        %mul3A_584 = arith.mulf %get3A_583, %sub3A_563 : vector<16xf32>
        %add3A_585 = arith.addf %add3A_540, %mul3A_584 : vector<16xf32>
        %mul3A_586 = arith.mulf %get3A_583, %gather3A_560 : vector<16xf32>
        %add3A_587 = arith.addf %add3A_542, %mul3A_586 : vector<16xf32>
        %get3A_588 = arith.constant 10 : i32
        %get3A_589 = arith.index_cast %get3A_588 : i32 to index
        %get3A_590 = arith.constant 48 : index
        %get3A_591 = tpu.vector_load %arg6[%get3A_589, %get3A_590] {strides = array<i32>} : memref<64x64xf32, #tpu.memory_space<vmem>>, vector<16xf32>,
        %mul3A_592 = arith.mulf %get3A_591, %sub3A_563 : vector<16xf32>
        %add3A_593 = arith.addf %add3A_548, %mul3A_592 : vector<16xf32>
        %mul3A_594 = arith.mulf %get3A_591, %gather3A_560 : vector<16xf32>
        %add3A_595 = arith.addf %add3A_550, %mul3A_594 : vector<16xf32>
        %lt3A_596 = arith.constant 0 : i32
        %lt3A_597 = vector.broadcast %lt3A_596 : i32 to vector<16xi32>
        %lt3A_598 = arith.cmpi slt, %broadcast_in_dim3A_46, %lt3A_597 : vector<16xi32>
        %add3A_599 = arith.constant 16 : i32
        %add3A_600 = vector.broadcast %add3A_599 : i32 to vector<16xi32>
        %add3A_601 = arith.addi %broadcast_in_dim3A_46, %add3A_600 : vector<16xi32>
        %select_n3A_602 = arith.select %lt3A_598, %add3A_601, %broadcast_in_dim3A_46 : vector<16xi1>, vector<16xi32>
        %broadcast_in_dim3A_603 = vector.shape_cast %select_n3A_602 : vector<16xi32> to vector<16x1xi32>
        %gather3A_604 = vector.shape_cast %broadcast_in_dim3A_603 : vector<16x1xi32> to vector<16xi32>
        %gather3A_605 = tpu.dynamic_gather %scan3A_82[%gather3A_604] in [0] : vector<16xf32>, vector<16xi32> -> vector<16xf32>
        %sub3A_606 = arith.constant 1.000000e+00 : f32
        %sub3A_607 = vector.broadcast %sub3A_606 : f32 to vector<16xf32>
        %sub3A_608 = arith.subf %sub3A_607, %gather3A_605 : vector<16xf32>
        %get3A_609 = arith.constant 11 : i32
        %get3A_610 = arith.index_cast %get3A_609 : i32 to index
        %get3A_611 = arith.constant 0 : index
        %get3A_612 = tpu.vector_load %arg6[%get3A_610, %get3A_611] {strides = array<i32>} : memref<64x64xf32, #tpu.memory_space<vmem>>, vector<16xf32>,
        %mul3A_613 = arith.mulf %get3A_612, %sub3A_608 : vector<16xf32>
        %add3A_614 = arith.addf %add3A_569, %mul3A_613 : vector<16xf32>
        %mul3A_615 = arith.mulf %get3A_612, %gather3A_605 : vector<16xf32>
        %add3A_616 = arith.addf %add3A_571, %mul3A_615 : vector<16xf32>
        %get3A_617 = arith.constant 11 : i32
        %get3A_618 = arith.index_cast %get3A_617 : i32 to index
        %get3A_619 = arith.constant 16 : index
        %get3A_620 = tpu.vector_load %arg6[%get3A_618, %get3A_619] {strides = array<i32>} : memref<64x64xf32, #tpu.memory_space<vmem>>, vector<16xf32>,
        %mul3A_621 = arith.mulf %get3A_620, %sub3A_608 : vector<16xf32>
        %add3A_622 = arith.addf %add3A_577, %mul3A_621 : vector<16xf32>
        %mul3A_623 = arith.mulf %get3A_620, %gather3A_605 : vector<16xf32>
        %add3A_624 = arith.addf %add3A_579, %mul3A_623 : vector<16xf32>
        %get3A_625 = arith.constant 11 : i32
        %get3A_626 = arith.index_cast %get3A_625 : i32 to index
        %get3A_627 = arith.constant 32 : index
        %get3A_628 = tpu.vector_load %arg6[%get3A_626, %get3A_627] {strides = array<i32>} : memref<64x64xf32, #tpu.memory_space<vmem>>, vector<16xf32>,
        %mul3A_629 = arith.mulf %get3A_628, %sub3A_608 : vector<16xf32>
        %add3A_630 = arith.addf %add3A_585, %mul3A_629 : vector<16xf32>
        %mul3A_631 = arith.mulf %get3A_628, %gather3A_605 : vector<16xf32>
        %add3A_632 = arith.addf %add3A_587, %mul3A_631 : vector<16xf32>
        %get3A_633 = arith.constant 11 : i32
        %get3A_634 = arith.index_cast %get3A_633 : i32 to index
        %get3A_635 = arith.constant 48 : index
        %get3A_636 = tpu.vector_load %arg6[%get3A_634, %get3A_635] {strides = array<i32>} : memref<64x64xf32, #tpu.memory_space<vmem>>, vector<16xf32>,
        %mul3A_637 = arith.mulf %get3A_636, %sub3A_608 : vector<16xf32>
        %add3A_638 = arith.addf %add3A_593, %mul3A_637 : vector<16xf32>
        %mul3A_639 = arith.mulf %get3A_636, %gather3A_605 : vector<16xf32>
        %add3A_640 = arith.addf %add3A_595, %mul3A_639 : vector<16xf32>
        %lt3A_641 = arith.constant 0 : i32
        %lt3A_642 = vector.broadcast %lt3A_641 : i32 to vector<16xi32>
        %lt3A_643 = arith.cmpi slt, %broadcast_in_dim3A_48, %lt3A_642 : vector<16xi32>
        %add3A_644 = arith.constant 16 : i32
        %add3A_645 = vector.broadcast %add3A_644 : i32 to vector<16xi32>
        %add3A_646 = arith.addi %broadcast_in_dim3A_48, %add3A_645 : vector<16xi32>
        %select_n3A_647 = arith.select %lt3A_643, %add3A_646, %broadcast_in_dim3A_48 : vector<16xi1>, vector<16xi32>
        %broadcast_in_dim3A_648 = vector.shape_cast %select_n3A_647 : vector<16xi32> to vector<16x1xi32>
        %gather3A_649 = vector.shape_cast %broadcast_in_dim3A_648 : vector<16x1xi32> to vector<16xi32>
        %gather3A_650 = tpu.dynamic_gather %scan3A_82[%gather3A_649] in [0] : vector<16xf32>, vector<16xi32> -> vector<16xf32>
        %sub3A_651 = arith.constant 1.000000e+00 : f32
        %sub3A_652 = vector.broadcast %sub3A_651 : f32 to vector<16xf32>
        %sub3A_653 = arith.subf %sub3A_652, %gather3A_650 : vector<16xf32>
        %get3A_654 = arith.constant 12 : i32
        %get3A_655 = arith.index_cast %get3A_654 : i32 to index
        %get3A_656 = arith.constant 0 : index
        %get3A_657 = tpu.vector_load %arg6[%get3A_655, %get3A_656] {strides = array<i32>} : memref<64x64xf32, #tpu.memory_space<vmem>>, vector<16xf32>,
        %mul3A_658 = arith.mulf %get3A_657, %sub3A_653 : vector<16xf32>
        %add3A_659 = arith.addf %add3A_614, %mul3A_658 : vector<16xf32>
        %mul3A_660 = arith.mulf %get3A_657, %gather3A_650 : vector<16xf32>
        %add3A_661 = arith.addf %add3A_616, %mul3A_660 : vector<16xf32>
        %get3A_662 = arith.constant 12 : i32
        %get3A_663 = arith.index_cast %get3A_662 : i32 to index
        %get3A_664 = arith.constant 16 : index
        %get3A_665 = tpu.vector_load %arg6[%get3A_663, %get3A_664] {strides = array<i32>} : memref<64x64xf32, #tpu.memory_space<vmem>>, vector<16xf32>,
        %mul3A_666 = arith.mulf %get3A_665, %sub3A_653 : vector<16xf32>
        %add3A_667 = arith.addf %add3A_622, %mul3A_666 : vector<16xf32>
        %mul3A_668 = arith.mulf %get3A_665, %gather3A_650 : vector<16xf32>
        %add3A_669 = arith.addf %add3A_624, %mul3A_668 : vector<16xf32>
        %get3A_670 = arith.constant 12 : i32
        %get3A_671 = arith.index_cast %get3A_670 : i32 to index
        %get3A_672 = arith.constant 32 : index
        %get3A_673 = tpu.vector_load %arg6[%get3A_671, %get3A_672] {strides = array<i32>} : memref<64x64xf32, #tpu.memory_space<vmem>>, vector<16xf32>,
        %mul3A_674 = arith.mulf %get3A_673, %sub3A_653 : vector<16xf32>
        %add3A_675 = arith.addf %add3A_630, %mul3A_674 : vector<16xf32>
        %mul3A_676 = arith.mulf %get3A_673, %gather3A_650 : vector<16xf32>
        %add3A_677 = arith.addf %add3A_632, %mul3A_676 : vector<16xf32>
        %get3A_678 = arith.constant 12 : i32
        %get3A_679 = arith.index_cast %get3A_678 : i32 to index
        %get3A_680 = arith.constant 48 : index
        %get3A_681 = tpu.vector_load %arg6[%get3A_679, %get3A_680] {strides = array<i32>} : memref<64x64xf32, #tpu.memory_space<vmem>>, vector<16xf32>,
        %mul3A_682 = arith.mulf %get3A_681, %sub3A_653 : vector<16xf32>
        %add3A_683 = arith.addf %add3A_638, %mul3A_682 : vector<16xf32>
        %mul3A_684 = arith.mulf %get3A_681, %gather3A_650 : vector<16xf32>
        %add3A_685 = arith.addf %add3A_640, %mul3A_684 : vector<16xf32>
        %lt3A_686 = arith.constant 0 : i32
        %lt3A_687 = vector.broadcast %lt3A_686 : i32 to vector<16xi32>
        %lt3A_688 = arith.cmpi slt, %broadcast_in_dim3A_50, %lt3A_687 : vector<16xi32>
        %add3A_689 = arith.constant 16 : i32
        %add3A_690 = vector.broadcast %add3A_689 : i32 to vector<16xi32>
        %add3A_691 = arith.addi %broadcast_in_dim3A_50, %add3A_690 : vector<16xi32>
        %select_n3A_692 = arith.select %lt3A_688, %add3A_691, %broadcast_in_dim3A_50 : vector<16xi1>, vector<16xi32>
        %broadcast_in_dim3A_693 = vector.shape_cast %select_n3A_692 : vector<16xi32> to vector<16x1xi32>
        %gather3A_694 = vector.shape_cast %broadcast_in_dim3A_693 : vector<16x1xi32> to vector<16xi32>
        %gather3A_695 = tpu.dynamic_gather %scan3A_82[%gather3A_694] in [0] : vector<16xf32>, vector<16xi32> -> vector<16xf32>
        %sub3A_696 = arith.constant 1.000000e+00 : f32
        %sub3A_697 = vector.broadcast %sub3A_696 : f32 to vector<16xf32>
        %sub3A_698 = arith.subf %sub3A_697, %gather3A_695 : vector<16xf32>
        %get3A_699 = arith.constant 13 : i32
        %get3A_700 = arith.index_cast %get3A_699 : i32 to index
        %get3A_701 = arith.constant 0 : index
        %get3A_702 = tpu.vector_load %arg6[%get3A_700, %get3A_701] {strides = array<i32>} : memref<64x64xf32, #tpu.memory_space<vmem>>, vector<16xf32>,
        %mul3A_703 = arith.mulf %get3A_702, %sub3A_698 : vector<16xf32>
        %add3A_704 = arith.addf %add3A_659, %mul3A_703 : vector<16xf32>
        %mul3A_705 = arith.mulf %get3A_702, %gather3A_695 : vector<16xf32>
        %add3A_706 = arith.addf %add3A_661, %mul3A_705 : vector<16xf32>
        %get3A_707 = arith.constant 13 : i32
        %get3A_708 = arith.index_cast %get3A_707 : i32 to index
        %get3A_709 = arith.constant 16 : index
        %get3A_710 = tpu.vector_load %arg6[%get3A_708, %get3A_709] {strides = array<i32>} : memref<64x64xf32, #tpu.memory_space<vmem>>, vector<16xf32>,
        %mul3A_711 = arith.mulf %get3A_710, %sub3A_698 : vector<16xf32>
        %add3A_712 = arith.addf %add3A_667, %mul3A_711 : vector<16xf32>
        %mul3A_713 = arith.mulf %get3A_710, %gather3A_695 : vector<16xf32>
        %add3A_714 = arith.addf %add3A_669, %mul3A_713 : vector<16xf32>
        %get3A_715 = arith.constant 13 : i32
        %get3A_716 = arith.index_cast %get3A_715 : i32 to index
        %get3A_717 = arith.constant 32 : index
        %get3A_718 = tpu.vector_load %arg6[%get3A_716, %get3A_717] {strides = array<i32>} : memref<64x64xf32, #tpu.memory_space<vmem>>, vector<16xf32>,
        %mul3A_719 = arith.mulf %get3A_718, %sub3A_698 : vector<16xf32>
        %add3A_720 = arith.addf %add3A_675, %mul3A_719 : vector<16xf32>
        %mul3A_721 = arith.mulf %get3A_718, %gather3A_695 : vector<16xf32>
        %add3A_722 = arith.addf %add3A_677, %mul3A_721 : vector<16xf32>
        %get3A_723 = arith.constant 13 : i32
        %get3A_724 = arith.index_cast %get3A_723 : i32 to index
        %get3A_725 = arith.constant 48 : index
        %get3A_726 = tpu.vector_load %arg6[%get3A_724, %get3A_725] {strides = array<i32>} : memref<64x64xf32, #tpu.memory_space<vmem>>, vector<16xf32>,
        %mul3A_727 = arith.mulf %get3A_726, %sub3A_698 : vector<16xf32>
        %add3A_728 = arith.addf %add3A_683, %mul3A_727 : vector<16xf32>
        %mul3A_729 = arith.mulf %get3A_726, %gather3A_695 : vector<16xf32>
        %add3A_730 = arith.addf %add3A_685, %mul3A_729 : vector<16xf32>
        %lt3A_731 = arith.constant 0 : i32
        %lt3A_732 = vector.broadcast %lt3A_731 : i32 to vector<16xi32>
        %lt3A_733 = arith.cmpi slt, %broadcast_in_dim3A_52, %lt3A_732 : vector<16xi32>
        %add3A_734 = arith.constant 16 : i32
        %add3A_735 = vector.broadcast %add3A_734 : i32 to vector<16xi32>
        %add3A_736 = arith.addi %broadcast_in_dim3A_52, %add3A_735 : vector<16xi32>
        %select_n3A_737 = arith.select %lt3A_733, %add3A_736, %broadcast_in_dim3A_52 : vector<16xi1>, vector<16xi32>
        %broadcast_in_dim3A_738 = vector.shape_cast %select_n3A_737 : vector<16xi32> to vector<16x1xi32>
        %gather3A_739 = vector.shape_cast %broadcast_in_dim3A_738 : vector<16x1xi32> to vector<16xi32>
        %gather3A_740 = tpu.dynamic_gather %scan3A_82[%gather3A_739] in [0] : vector<16xf32>, vector<16xi32> -> vector<16xf32>
        %sub3A_741 = arith.constant 1.000000e+00 : f32
        %sub3A_742 = vector.broadcast %sub3A_741 : f32 to vector<16xf32>
        %sub3A_743 = arith.subf %sub3A_742, %gather3A_740 : vector<16xf32>
        %get3A_744 = arith.constant 14 : i32
        %get3A_745 = arith.index_cast %get3A_744 : i32 to index
        %get3A_746 = arith.constant 0 : index
        %get3A_747 = tpu.vector_load %arg6[%get3A_745, %get3A_746] {strides = array<i32>} : memref<64x64xf32, #tpu.memory_space<vmem>>, vector<16xf32>,
        %mul3A_748 = arith.mulf %get3A_747, %sub3A_743 : vector<16xf32>
        %add3A_749 = arith.addf %add3A_704, %mul3A_748 : vector<16xf32>
        %mul3A_750 = arith.mulf %get3A_747, %gather3A_740 : vector<16xf32>
        %add3A_751 = arith.addf %add3A_706, %mul3A_750 : vector<16xf32>
        %get3A_752 = arith.constant 14 : i32
        %get3A_753 = arith.index_cast %get3A_752 : i32 to index
        %get3A_754 = arith.constant 16 : index
        %get3A_755 = tpu.vector_load %arg6[%get3A_753, %get3A_754] {strides = array<i32>} : memref<64x64xf32, #tpu.memory_space<vmem>>, vector<16xf32>,
        %mul3A_756 = arith.mulf %get3A_755, %sub3A_743 : vector<16xf32>
        %add3A_757 = arith.addf %add3A_712, %mul3A_756 : vector<16xf32>
        %mul3A_758 = arith.mulf %get3A_755, %gather3A_740 : vector<16xf32>
        %add3A_759 = arith.addf %add3A_714, %mul3A_758 : vector<16xf32>
        %get3A_760 = arith.constant 14 : i32
        %get3A_761 = arith.index_cast %get3A_760 : i32 to index
        %get3A_762 = arith.constant 32 : index
        %get3A_763 = tpu.vector_load %arg6[%get3A_761, %get3A_762] {strides = array<i32>} : memref<64x64xf32, #tpu.memory_space<vmem>>, vector<16xf32>,
        %mul3A_764 = arith.mulf %get3A_763, %sub3A_743 : vector<16xf32>
        %add3A_765 = arith.addf %add3A_720, %mul3A_764 : vector<16xf32>
        %mul3A_766 = arith.mulf %get3A_763, %gather3A_740 : vector<16xf32>
        %add3A_767 = arith.addf %add3A_722, %mul3A_766 : vector<16xf32>
        %get3A_768 = arith.constant 14 : i32
        %get3A_769 = arith.index_cast %get3A_768 : i32 to index
        %get3A_770 = arith.constant 48 : index
        %get3A_771 = tpu.vector_load %arg6[%get3A_769, %get3A_770] {strides = array<i32>} : memref<64x64xf32, #tpu.memory_space<vmem>>, vector<16xf32>,
        %mul3A_772 = arith.mulf %get3A_771, %sub3A_743 : vector<16xf32>
        %add3A_773 = arith.addf %add3A_728, %mul3A_772 : vector<16xf32>
        %mul3A_774 = arith.mulf %get3A_771, %gather3A_740 : vector<16xf32>
        %add3A_775 = arith.addf %add3A_730, %mul3A_774 : vector<16xf32>
        %lt3A_776 = arith.constant 0 : i32
        %lt3A_777 = vector.broadcast %lt3A_776 : i32 to vector<16xi32>
        %lt3A_778 = arith.cmpi slt, %broadcast_in_dim3A_54, %lt3A_777 : vector<16xi32>
        %add3A_779 = arith.constant 16 : i32
        %add3A_780 = vector.broadcast %add3A_779 : i32 to vector<16xi32>
        %add3A_781 = arith.addi %broadcast_in_dim3A_54, %add3A_780 : vector<16xi32>
        %select_n3A_782 = arith.select %lt3A_778, %add3A_781, %broadcast_in_dim3A_54 : vector<16xi1>, vector<16xi32>
        %broadcast_in_dim3A_783 = vector.shape_cast %select_n3A_782 : vector<16xi32> to vector<16x1xi32>
        %gather3A_784 = vector.shape_cast %broadcast_in_dim3A_783 : vector<16x1xi32> to vector<16xi32>
        %gather3A_785 = tpu.dynamic_gather %scan3A_82[%gather3A_784] in [0] : vector<16xf32>, vector<16xi32> -> vector<16xf32>
        %sub3A_786 = arith.constant 1.000000e+00 : f32
        %sub3A_787 = vector.broadcast %sub3A_786 : f32 to vector<16xf32>
        %sub3A_788 = arith.subf %sub3A_787, %gather3A_785 : vector<16xf32>
        %get3A_789 = arith.constant 15 : i32
        %get3A_790 = arith.index_cast %get3A_789 : i32 to index
        %get3A_791 = arith.constant 0 : index
        %get3A_792 = tpu.vector_load %arg6[%get3A_790, %get3A_791] {strides = array<i32>} : memref<64x64xf32, #tpu.memory_space<vmem>>, vector<16xf32>,
        %mul3A_793 = arith.mulf %get3A_792, %sub3A_788 : vector<16xf32>
        %add3A_794 = arith.addf %add3A_749, %mul3A_793 : vector<16xf32>
        %mul3A_795 = arith.mulf %get3A_792, %gather3A_785 : vector<16xf32>
        %add3A_796 = arith.addf %add3A_751, %mul3A_795 : vector<16xf32>
        %get3A_797 = arith.constant 15 : i32
        %get3A_798 = arith.index_cast %get3A_797 : i32 to index
        %get3A_799 = arith.constant 16 : index
        %get3A_800 = tpu.vector_load %arg6[%get3A_798, %get3A_799] {strides = array<i32>} : memref<64x64xf32, #tpu.memory_space<vmem>>, vector<16xf32>,
        %mul3A_801 = arith.mulf %get3A_800, %sub3A_788 : vector<16xf32>
        %add3A_802 = arith.addf %add3A_757, %mul3A_801 : vector<16xf32>
        %mul3A_803 = arith.mulf %get3A_800, %gather3A_785 : vector<16xf32>
        %add3A_804 = arith.addf %add3A_759, %mul3A_803 : vector<16xf32>
        %get3A_805 = arith.constant 15 : i32
        %get3A_806 = arith.index_cast %get3A_805 : i32 to index
        %get3A_807 = arith.constant 32 : index
        %get3A_808 = tpu.vector_load %arg6[%get3A_806, %get3A_807] {strides = array<i32>} : memref<64x64xf32, #tpu.memory_space<vmem>>, vector<16xf32>,
        %mul3A_809 = arith.mulf %get3A_808, %sub3A_788 : vector<16xf32>
        %add3A_810 = arith.addf %add3A_765, %mul3A_809 : vector<16xf32>
        %mul3A_811 = arith.mulf %get3A_808, %gather3A_785 : vector<16xf32>
        %add3A_812 = arith.addf %add3A_767, %mul3A_811 : vector<16xf32>
        %get3A_813 = arith.constant 15 : i32
        %get3A_814 = arith.index_cast %get3A_813 : i32 to index
        %get3A_815 = arith.constant 48 : index
        %get3A_816 = tpu.vector_load %arg6[%get3A_814, %get3A_815] {strides = array<i32>} : memref<64x64xf32, #tpu.memory_space<vmem>>, vector<16xf32>,
        %mul3A_817 = arith.mulf %get3A_816, %sub3A_788 : vector<16xf32>
        %add3A_818 = arith.addf %add3A_773, %mul3A_817 : vector<16xf32>
        %mul3A_819 = arith.mulf %get3A_816, %gather3A_785 : vector<16xf32>
        %add3A_820 = arith.addf %add3A_775, %mul3A_819 : vector<16xf32>
        %lt3A_821 = arith.constant 0 : i32
        %lt3A_822 = vector.broadcast %lt3A_821 : i32 to vector<16xi32>
        %lt3A_823 = arith.cmpi slt, %broadcast_in_dim3A_24, %lt3A_822 : vector<16xi32>
        %add3A_824 = arith.constant 16 : i32
        %add3A_825 = vector.broadcast %add3A_824 : i32 to vector<16xi32>
        %add3A_826 = arith.addi %broadcast_in_dim3A_24, %add3A_825 : vector<16xi32>
        %select_n3A_827 = arith.select %lt3A_823, %add3A_826, %broadcast_in_dim3A_24 : vector<16xi1>, vector<16xi32>
        %broadcast_in_dim3A_828 = vector.shape_cast %select_n3A_827 : vector<16xi32> to vector<16x1xi32>
        %gather3A_829 = vector.shape_cast %broadcast_in_dim3A_828 : vector<16x1xi32> to vector<16xi32>
        %gather3A_830 = tpu.dynamic_gather %scan3A_83[%gather3A_829] in [0] : vector<16xf32>, vector<16xi32> -> vector<16xf32>
        %sub3A_831 = arith.constant 1.000000e+00 : f32
        %sub3A_832 = vector.broadcast %sub3A_831 : f32 to vector<16xf32>
        %sub3A_833 = arith.subf %sub3A_832, %gather3A_830 : vector<16xf32>
        %get3A_834 = arith.constant 16 : i32
        %get3A_835 = arith.index_cast %get3A_834 : i32 to index
        %get3A_836 = arith.constant 0 : index
        %get3A_837 = tpu.vector_load %arg6[%get3A_835, %get3A_836] {strides = array<i32>} : memref<64x64xf32, #tpu.memory_space<vmem>>, vector<16xf32>,
        %mul3A_838 = arith.mulf %get3A_837, %sub3A_833 : vector<16xf32>
        %add3A_839 = arith.addf %add3A_794, %mul3A_838 : vector<16xf32>
        %mul3A_840 = arith.mulf %get3A_837, %gather3A_830 : vector<16xf32>
        %add3A_841 = arith.addf %add3A_796, %mul3A_840 : vector<16xf32>
        %get3A_842 = arith.constant 16 : i32
        %get3A_843 = arith.index_cast %get3A_842 : i32 to index
        %get3A_844 = arith.constant 16 : index
        %get3A_845 = tpu.vector_load %arg6[%get3A_843, %get3A_844] {strides = array<i32>} : memref<64x64xf32, #tpu.memory_space<vmem>>, vector<16xf32>,
        %mul3A_846 = arith.mulf %get3A_845, %sub3A_833 : vector<16xf32>
        %add3A_847 = arith.addf %add3A_802, %mul3A_846 : vector<16xf32>
        %mul3A_848 = arith.mulf %get3A_845, %gather3A_830 : vector<16xf32>
        %add3A_849 = arith.addf %add3A_804, %mul3A_848 : vector<16xf32>
        %get3A_850 = arith.constant 16 : i32
        %get3A_851 = arith.index_cast %get3A_850 : i32 to index
        %get3A_852 = arith.constant 32 : index
        %get3A_853 = tpu.vector_load %arg6[%get3A_851, %get3A_852] {strides = array<i32>} : memref<64x64xf32, #tpu.memory_space<vmem>>, vector<16xf32>,
        %mul3A_854 = arith.mulf %get3A_853, %sub3A_833 : vector<16xf32>
        %add3A_855 = arith.addf %add3A_810, %mul3A_854 : vector<16xf32>
        %mul3A_856 = arith.mulf %get3A_853, %gather3A_830 : vector<16xf32>
        %add3A_857 = arith.addf %add3A_812, %mul3A_856 : vector<16xf32>
        %get3A_858 = arith.constant 16 : i32
        %get3A_859 = arith.index_cast %get3A_858 : i32 to index
        %get3A_860 = arith.constant 48 : index
        %get3A_861 = tpu.vector_load %arg6[%get3A_859, %get3A_860] {strides = array<i32>} : memref<64x64xf32, #tpu.memory_space<vmem>>, vector<16xf32>,
        %mul3A_862 = arith.mulf %get3A_861, %sub3A_833 : vector<16xf32>
        %add3A_863 = arith.addf %add3A_818, %mul3A_862 : vector<16xf32>
        %mul3A_864 = arith.mulf %get3A_861, %gather3A_830 : vector<16xf32>
        %add3A_865 = arith.addf %add3A_820, %mul3A_864 : vector<16xf32>
        %lt3A_866 = arith.constant 0 : i32
        %lt3A_867 = vector.broadcast %lt3A_866 : i32 to vector<16xi32>
        %lt3A_868 = arith.cmpi slt, %broadcast_in_dim3A_26, %lt3A_867 : vector<16xi32>
        %add3A_869 = arith.constant 16 : i32
        %add3A_870 = vector.broadcast %add3A_869 : i32 to vector<16xi32>
        %add3A_871 = arith.addi %broadcast_in_dim3A_26, %add3A_870 : vector<16xi32>
        %select_n3A_872 = arith.select %lt3A_868, %add3A_871, %broadcast_in_dim3A_26 : vector<16xi1>, vector<16xi32>
        %broadcast_in_dim3A_873 = vector.shape_cast %select_n3A_872 : vector<16xi32> to vector<16x1xi32>
        %gather3A_874 = vector.shape_cast %broadcast_in_dim3A_873 : vector<16x1xi32> to vector<16xi32>
        %gather3A_875 = tpu.dynamic_gather %scan3A_83[%gather3A_874] in [0] : vector<16xf32>, vector<16xi32> -> vector<16xf32>
        %sub3A_876 = arith.constant 1.000000e+00 : f32
        %sub3A_877 = vector.broadcast %sub3A_876 : f32 to vector<16xf32>
        %sub3A_878 = arith.subf %sub3A_877, %gather3A_875 : vector<16xf32>
        %get3A_879 = arith.constant 17 : i32
        %get3A_880 = arith.index_cast %get3A_879 : i32 to index
        %get3A_881 = arith.constant 0 : index
        %get3A_882 = tpu.vector_load %arg6[%get3A_880, %get3A_881] {strides = array<i32>} : memref<64x64xf32, #tpu.memory_space<vmem>>, vector<16xf32>,
        %mul3A_883 = arith.mulf %get3A_882, %sub3A_878 : vector<16xf32>
        %add3A_884 = arith.addf %add3A_839, %mul3A_883 : vector<16xf32>
        %mul3A_885 = arith.mulf %get3A_882, %gather3A_875 : vector<16xf32>
        %add3A_886 = arith.addf %add3A_841, %mul3A_885 : vector<16xf32>
        %get3A_887 = arith.constant 17 : i32
        %get3A_888 = arith.index_cast %get3A_887 : i32 to index
        %get3A_889 = arith.constant 16 : index
        %get3A_890 = tpu.vector_load %arg6[%get3A_888, %get3A_889] {strides = array<i32>} : memref<64x64xf32, #tpu.memory_space<vmem>>, vector<16xf32>,
        %mul3A_891 = arith.mulf %get3A_890, %sub3A_878 : vector<16xf32>
        %add3A_892 = arith.addf %add3A_847, %mul3A_891 : vector<16xf32>
        %mul3A_893 = arith.mulf %get3A_890, %gather3A_875 : vector<16xf32>
        %add3A_894 = arith.addf %add3A_849, %mul3A_893 : vector<16xf32>
        %get3A_895 = arith.constant 17 : i32
        %get3A_896 = arith.index_cast %get3A_895 : i32 to index
        %get3A_897 = arith.constant 32 : index
        %get3A_898 = tpu.vector_load %arg6[%get3A_896, %get3A_897] {strides = array<i32>} : memref<64x64xf32, #tpu.memory_space<vmem>>, vector<16xf32>,
        %mul3A_899 = arith.mulf %get3A_898, %sub3A_878 : vector<16xf32>
        %add3A_900 = arith.addf %add3A_855, %mul3A_899 : vector<16xf32>
        %mul3A_901 = arith.mulf %get3A_898, %gather3A_875 : vector<16xf32>
        %add3A_902 = arith.addf %add3A_857, %mul3A_901 : vector<16xf32>
        %get3A_903 = arith.constant 17 : i32
        %get3A_904 = arith.index_cast %get3A_903 : i32 to index
        %get3A_905 = arith.constant 48 : index
        %get3A_906 = tpu.vector_load %arg6[%get3A_904, %get3A_905] {strides = array<i32>} : memref<64x64xf32, #tpu.memory_space<vmem>>, vector<16xf32>,
        %mul3A_907 = arith.mulf %get3A_906, %sub3A_878 : vector<16xf32>
        %add3A_908 = arith.addf %add3A_863, %mul3A_907 : vector<16xf32>
        %mul3A_909 = arith.mulf %get3A_906, %gather3A_875 : vector<16xf32>
        %add3A_910 = arith.addf %add3A_865, %mul3A_909 : vector<16xf32>
        %lt3A_911 = arith.constant 0 : i32
        %lt3A_912 = vector.broadcast %lt3A_911 : i32 to vector<16xi32>
        %lt3A_913 = arith.cmpi slt, %broadcast_in_dim3A_28, %lt3A_912 : vector<16xi32>
        %add3A_914 = arith.constant 16 : i32
        %add3A_915 = vector.broadcast %add3A_914 : i32 to vector<16xi32>
        %add3A_916 = arith.addi %broadcast_in_dim3A_28, %add3A_915 : vector<16xi32>
        %select_n3A_917 = arith.select %lt3A_913, %add3A_916, %broadcast_in_dim3A_28 : vector<16xi1>, vector<16xi32>
        %broadcast_in_dim3A_918 = vector.shape_cast %select_n3A_917 : vector<16xi32> to vector<16x1xi32>
        %gather3A_919 = vector.shape_cast %broadcast_in_dim3A_918 : vector<16x1xi32> to vector<16xi32>
        %gather3A_920 = tpu.dynamic_gather %scan3A_83[%gather3A_919] in [0] : vector<16xf32>, vector<16xi32> -> vector<16xf32>
        %sub3A_921 = arith.constant 1.000000e+00 : f32
        %sub3A_922 = vector.broadcast %sub3A_921 : f32 to vector<16xf32>
        %sub3A_923 = arith.subf %sub3A_922, %gather3A_920 : vector<16xf32>
        %get3A_924 = arith.constant 18 : i32
        %get3A_925 = arith.index_cast %get3A_924 : i32 to index
        %get3A_926 = arith.constant 0 : index
        %get3A_927 = tpu.vector_load %arg6[%get3A_925, %get3A_926] {strides = array<i32>} : memref<64x64xf32, #tpu.memory_space<vmem>>, vector<16xf32>,
        %mul3A_928 = arith.mulf %get3A_927, %sub3A_923 : vector<16xf32>
        %add3A_929 = arith.addf %add3A_884, %mul3A_928 : vector<16xf32>
        %mul3A_930 = arith.mulf %get3A_927, %gather3A_920 : vector<16xf32>
        %add3A_931 = arith.addf %add3A_886, %mul3A_930 : vector<16xf32>
        %get3A_932 = arith.constant 18 : i32
        %get3A_933 = arith.index_cast %get3A_932 : i32 to index
        %get3A_934 = arith.constant 16 : index
        %get3A_935 = tpu.vector_load %arg6[%get3A_933, %get3A_934] {strides = array<i32>} : memref<64x64xf32, #tpu.memory_space<vmem>>, vector<16xf32>,
        %mul3A_936 = arith.mulf %get3A_935, %sub3A_923 : vector<16xf32>
        %add3A_937 = arith.addf %add3A_892, %mul3A_936 : vector<16xf32>
        %mul3A_938 = arith.mulf %get3A_935, %gather3A_920 : vector<16xf32>
        %add3A_939 = arith.addf %add3A_894, %mul3A_938 : vector<16xf32>
        %get3A_940 = arith.constant 18 : i32
        %get3A_941 = arith.index_cast %get3A_940 : i32 to index
        %get3A_942 = arith.constant 32 : index
        %get3A_943 = tpu.vector_load %arg6[%get3A_941, %get3A_942] {strides = array<i32>} : memref<64x64xf32, #tpu.memory_space<vmem>>, vector<16xf32>,
        %mul3A_944 = arith.mulf %get3A_943, %sub3A_923 : vector<16xf32>
        %add3A_945 = arith.addf %add3A_900, %mul3A_944 : vector<16xf32>
        %mul3A_946 = arith.mulf %get3A_943, %gather3A_920 : vector<16xf32>
        %add3A_947 = arith.addf %add3A_902, %mul3A_946 : vector<16xf32>
        %get3A_948 = arith.constant 18 : i32
        %get3A_949 = arith.index_cast %get3A_948 : i32 to index
        %get3A_950 = arith.constant 48 : index
        %get3A_951 = tpu.vector_load %arg6[%get3A_949, %get3A_950] {strides = array<i32>} : memref<64x64xf32, #tpu.memory_space<vmem>>, vector<16xf32>,
        %mul3A_952 = arith.mulf %get3A_951, %sub3A_923 : vector<16xf32>
        %add3A_953 = arith.addf %add3A_908, %mul3A_952 : vector<16xf32>
        %mul3A_954 = arith.mulf %get3A_951, %gather3A_920 : vector<16xf32>
        %add3A_955 = arith.addf %add3A_910, %mul3A_954 : vector<16xf32>
        %lt3A_956 = arith.constant 0 : i32
        %lt3A_957 = vector.broadcast %lt3A_956 : i32 to vector<16xi32>
        %lt3A_958 = arith.cmpi slt, %broadcast_in_dim3A_30, %lt3A_957 : vector<16xi32>
        %add3A_959 = arith.constant 16 : i32
        %add3A_960 = vector.broadcast %add3A_959 : i32 to vector<16xi32>
        %add3A_961 = arith.addi %broadcast_in_dim3A_30, %add3A_960 : vector<16xi32>
        %select_n3A_962 = arith.select %lt3A_958, %add3A_961, %broadcast_in_dim3A_30 : vector<16xi1>, vector<16xi32>
        %broadcast_in_dim3A_963 = vector.shape_cast %select_n3A_962 : vector<16xi32> to vector<16x1xi32>
        %gather3A_964 = vector.shape_cast %broadcast_in_dim3A_963 : vector<16x1xi32> to vector<16xi32>
        %gather3A_965 = tpu.dynamic_gather %scan3A_83[%gather3A_964] in [0] : vector<16xf32>, vector<16xi32> -> vector<16xf32>
        %sub3A_966 = arith.constant 1.000000e+00 : f32
        %sub3A_967 = vector.broadcast %sub3A_966 : f32 to vector<16xf32>
        %sub3A_968 = arith.subf %sub3A_967, %gather3A_965 : vector<16xf32>
        %get3A_969 = arith.constant 19 : i32
        %get3A_970 = arith.index_cast %get3A_969 : i32 to index
        %get3A_971 = arith.constant 0 : index
        %get3A_972 = tpu.vector_load %arg6[%get3A_970, %get3A_971] {strides = array<i32>} : memref<64x64xf32, #tpu.memory_space<vmem>>, vector<16xf32>,
        %mul3A_973 = arith.mulf %get3A_972, %sub3A_968 : vector<16xf32>
        %add3A_974 = arith.addf %add3A_929, %mul3A_973 : vector<16xf32>
        %mul3A_975 = arith.mulf %get3A_972, %gather3A_965 : vector<16xf32>
        %add3A_976 = arith.addf %add3A_931, %mul3A_975 : vector<16xf32>
        %get3A_977 = arith.constant 19 : i32
        %get3A_978 = arith.index_cast %get3A_977 : i32 to index
        %get3A_979 = arith.constant 16 : index
        %get3A_980 = tpu.vector_load %arg6[%get3A_978, %get3A_979] {strides = array<i32>} : memref<64x64xf32, #tpu.memory_space<vmem>>, vector<16xf32>,
        %mul3A_981 = arith.mulf %get3A_980, %sub3A_968 : vector<16xf32>
        %add3A_982 = arith.addf %add3A_937, %mul3A_981 : vector<16xf32>
        %mul3A_983 = arith.mulf %get3A_980, %gather3A_965 : vector<16xf32>
        %add3A_984 = arith.addf %add3A_939, %mul3A_983 : vector<16xf32>
        %get3A_985 = arith.constant 19 : i32
        %get3A_986 = arith.index_cast %get3A_985 : i32 to index
        %get3A_987 = arith.constant 32 : index
        %get3A_988 = tpu.vector_load %arg6[%get3A_986, %get3A_987] {strides = array<i32>} : memref<64x64xf32, #tpu.memory_space<vmem>>, vector<16xf32>,
        %mul3A_989 = arith.mulf %get3A_988, %sub3A_968 : vector<16xf32>
        %add3A_990 = arith.addf %add3A_945, %mul3A_989 : vector<16xf32>
        %mul3A_991 = arith.mulf %get3A_988, %gather3A_965 : vector<16xf32>
        %add3A_992 = arith.addf %add3A_947, %mul3A_991 : vector<16xf32>
        %get3A_993 = arith.constant 19 : i32
        %get3A_994 = arith.index_cast %get3A_993 : i32 to index
        %get3A_995 = arith.constant 48 : index
        %get3A_996 = tpu.vector_load %arg6[%get3A_994, %get3A_995] {strides = array<i32>} : memref<64x64xf32, #tpu.memory_space<vmem>>, vector<16xf32>,
        %mul3A_997 = arith.mulf %get3A_996, %sub3A_968 : vector<16xf32>
        %add3A_998 = arith.addf %add3A_953, %mul3A_997 : vector<16xf32>
        %mul3A_999 = arith.mulf %get3A_996, %gather3A_965 : vector<16xf32>
        %add3A_1000 = arith.addf %add3A_955, %mul3A_999 : vector<16xf32>
        %lt3A_1001 = arith.constant 0 : i32
        %lt3A_1002 = vector.broadcast %lt3A_1001 : i32 to vector<16xi32>
        %lt3A_1003 = arith.cmpi slt, %broadcast_in_dim3A_32, %lt3A_1002 : vector<16xi32>
        %add3A_1004 = arith.constant 16 : i32
        %add3A_1005 = vector.broadcast %add3A_1004 : i32 to vector<16xi32>
        %add3A_1006 = arith.addi %broadcast_in_dim3A_32, %add3A_1005 : vector<16xi32>
        %select_n3A_1007 = arith.select %lt3A_1003, %add3A_1006, %broadcast_in_dim3A_32 : vector<16xi1>, vector<16xi32>
        %broadcast_in_dim3A_1008 = vector.shape_cast %select_n3A_1007 : vector<16xi32> to vector<16x1xi32>
        %gather3A_1009 = vector.shape_cast %broadcast_in_dim3A_1008 : vector<16x1xi32> to vector<16xi32>
        %gather3A_1010 = tpu.dynamic_gather %scan3A_83[%gather3A_1009] in [0] : vector<16xf32>, vector<16xi32> -> vector<16xf32>
        %sub3A_1011 = arith.constant 1.000000e+00 : f32
        %sub3A_1012 = vector.broadcast %sub3A_1011 : f32 to vector<16xf32>
        %sub3A_1013 = arith.subf %sub3A_1012, %gather3A_1010 : vector<16xf32>
        %get3A_1014 = arith.constant 20 : i32
        %get3A_1015 = arith.index_cast %get3A_1014 : i32 to index
        %get3A_1016 = arith.constant 0 : index
        %get3A_1017 = tpu.vector_load %arg6[%get3A_1015, %get3A_1016] {strides = array<i32>} : memref<64x64xf32, #tpu.memory_space<vmem>>, vector<16xf32>,
        %mul3A_1018 = arith.mulf %get3A_1017, %sub3A_1013 : vector<16xf32>
        %add3A_1019 = arith.addf %add3A_974, %mul3A_1018 : vector<16xf32>
        %mul3A_1020 = arith.mulf %get3A_1017, %gather3A_1010 : vector<16xf32>
        %add3A_1021 = arith.addf %add3A_976, %mul3A_1020 : vector<16xf32>
        %get3A_1022 = arith.constant 20 : i32
        %get3A_1023 = arith.index_cast %get3A_1022 : i32 to index
        %get3A_1024 = arith.constant 16 : index
        %get3A_1025 = tpu.vector_load %arg6[%get3A_1023, %get3A_1024] {strides = array<i32>} : memref<64x64xf32, #tpu.memory_space<vmem>>, vector<16xf32>,
        %mul3A_1026 = arith.mulf %get3A_1025, %sub3A_1013 : vector<16xf32>
        %add3A_1027 = arith.addf %add3A_982, %mul3A_1026 : vector<16xf32>
        %mul3A_1028 = arith.mulf %get3A_1025, %gather3A_1010 : vector<16xf32>
        %add3A_1029 = arith.addf %add3A_984, %mul3A_1028 : vector<16xf32>
        %get3A_1030 = arith.constant 20 : i32
        %get3A_1031 = arith.index_cast %get3A_1030 : i32 to index
        %get3A_1032 = arith.constant 32 : index
        %get3A_1033 = tpu.vector_load %arg6[%get3A_1031, %get3A_1032] {strides = array<i32>} : memref<64x64xf32, #tpu.memory_space<vmem>>, vector<16xf32>,
        %mul3A_1034 = arith.mulf %get3A_1033, %sub3A_1013 : vector<16xf32>
        %add3A_1035 = arith.addf %add3A_990, %mul3A_1034 : vector<16xf32>
        %mul3A_1036 = arith.mulf %get3A_1033, %gather3A_1010 : vector<16xf32>
        %add3A_1037 = arith.addf %add3A_992, %mul3A_1036 : vector<16xf32>
        %get3A_1038 = arith.constant 20 : i32
        %get3A_1039 = arith.index_cast %get3A_1038 : i32 to index
        %get3A_1040 = arith.constant 48 : index
        %get3A_1041 = tpu.vector_load %arg6[%get3A_1039, %get3A_1040] {strides = array<i32>} : memref<64x64xf32, #tpu.memory_space<vmem>>, vector<16xf32>,
        %mul3A_1042 = arith.mulf %get3A_1041, %sub3A_1013 : vector<16xf32>
        %add3A_1043 = arith.addf %add3A_998, %mul3A_1042 : vector<16xf32>
        %mul3A_1044 = arith.mulf %get3A_1041, %gather3A_1010 : vector<16xf32>
        %add3A_1045 = arith.addf %add3A_1000, %mul3A_1044 : vector<16xf32>
        %lt3A_1046 = arith.constant 0 : i32
        %lt3A_1047 = vector.broadcast %lt3A_1046 : i32 to vector<16xi32>
        %lt3A_1048 = arith.cmpi slt, %broadcast_in_dim3A_34, %lt3A_1047 : vector<16xi32>
        %add3A_1049 = arith.constant 16 : i32
        %add3A_1050 = vector.broadcast %add3A_1049 : i32 to vector<16xi32>
        %add3A_1051 = arith.addi %broadcast_in_dim3A_34, %add3A_1050 : vector<16xi32>
        %select_n3A_1052 = arith.select %lt3A_1048, %add3A_1051, %broadcast_in_dim3A_34 : vector<16xi1>, vector<16xi32>
        %broadcast_in_dim3A_1053 = vector.shape_cast %select_n3A_1052 : vector<16xi32> to vector<16x1xi32>
        %gather3A_1054 = vector.shape_cast %broadcast_in_dim3A_1053 : vector<16x1xi32> to vector<16xi32>
        %gather3A_1055 = tpu.dynamic_gather %scan3A_83[%gather3A_1054] in [0] : vector<16xf32>, vector<16xi32> -> vector<16xf32>
        %sub3A_1056 = arith.constant 1.000000e+00 : f32
        %sub3A_1057 = vector.broadcast %sub3A_1056 : f32 to vector<16xf32>
        %sub3A_1058 = arith.subf %sub3A_1057, %gather3A_1055 : vector<16xf32>
        %get3A_1059 = arith.constant 21 : i32
        %get3A_1060 = arith.index_cast %get3A_1059 : i32 to index
        %get3A_1061 = arith.constant 0 : index
        %get3A_1062 = tpu.vector_load %arg6[%get3A_1060, %get3A_1061] {strides = array<i32>} : memref<64x64xf32, #tpu.memory_space<vmem>>, vector<16xf32>,
        %mul3A_1063 = arith.mulf %get3A_1062, %sub3A_1058 : vector<16xf32>
        %add3A_1064 = arith.addf %add3A_1019, %mul3A_1063 : vector<16xf32>
        %mul3A_1065 = arith.mulf %get3A_1062, %gather3A_1055 : vector<16xf32>
        %add3A_1066 = arith.addf %add3A_1021, %mul3A_1065 : vector<16xf32>
        %get3A_1067 = arith.constant 21 : i32
        %get3A_1068 = arith.index_cast %get3A_1067 : i32 to index
        %get3A_1069 = arith.constant 16 : index
        %get3A_1070 = tpu.vector_load %arg6[%get3A_1068, %get3A_1069] {strides = array<i32>} : memref<64x64xf32, #tpu.memory_space<vmem>>, vector<16xf32>,
        %mul3A_1071 = arith.mulf %get3A_1070, %sub3A_1058 : vector<16xf32>
        %add3A_1072 = arith.addf %add3A_1027, %mul3A_1071 : vector<16xf32>
        %mul3A_1073 = arith.mulf %get3A_1070, %gather3A_1055 : vector<16xf32>
        %add3A_1074 = arith.addf %add3A_1029, %mul3A_1073 : vector<16xf32>
        %get3A_1075 = arith.constant 21 : i32
        %get3A_1076 = arith.index_cast %get3A_1075 : i32 to index
        %get3A_1077 = arith.constant 32 : index
        %get3A_1078 = tpu.vector_load %arg6[%get3A_1076, %get3A_1077] {strides = array<i32>} : memref<64x64xf32, #tpu.memory_space<vmem>>, vector<16xf32>,
        %mul3A_1079 = arith.mulf %get3A_1078, %sub3A_1058 : vector<16xf32>
        %add3A_1080 = arith.addf %add3A_1035, %mul3A_1079 : vector<16xf32>
        %mul3A_1081 = arith.mulf %get3A_1078, %gather3A_1055 : vector<16xf32>
        %add3A_1082 = arith.addf %add3A_1037, %mul3A_1081 : vector<16xf32>
        %get3A_1083 = arith.constant 21 : i32
        %get3A_1084 = arith.index_cast %get3A_1083 : i32 to index
        %get3A_1085 = arith.constant 48 : index
        %get3A_1086 = tpu.vector_load %arg6[%get3A_1084, %get3A_1085] {strides = array<i32>} : memref<64x64xf32, #tpu.memory_space<vmem>>, vector<16xf32>,
        %mul3A_1087 = arith.mulf %get3A_1086, %sub3A_1058 : vector<16xf32>
        %add3A_1088 = arith.addf %add3A_1043, %mul3A_1087 : vector<16xf32>
        %mul3A_1089 = arith.mulf %get3A_1086, %gather3A_1055 : vector<16xf32>
        %add3A_1090 = arith.addf %add3A_1045, %mul3A_1089 : vector<16xf32>
        %lt3A_1091 = arith.constant 0 : i32
        %lt3A_1092 = vector.broadcast %lt3A_1091 : i32 to vector<16xi32>
        %lt3A_1093 = arith.cmpi slt, %broadcast_in_dim3A_36, %lt3A_1092 : vector<16xi32>
        %add3A_1094 = arith.constant 16 : i32
        %add3A_1095 = vector.broadcast %add3A_1094 : i32 to vector<16xi32>
        %add3A_1096 = arith.addi %broadcast_in_dim3A_36, %add3A_1095 : vector<16xi32>
        %select_n3A_1097 = arith.select %lt3A_1093, %add3A_1096, %broadcast_in_dim3A_36 : vector<16xi1>, vector<16xi32>
        %broadcast_in_dim3A_1098 = vector.shape_cast %select_n3A_1097 : vector<16xi32> to vector<16x1xi32>
        %gather3A_1099 = vector.shape_cast %broadcast_in_dim3A_1098 : vector<16x1xi32> to vector<16xi32>
        %gather3A_1100 = tpu.dynamic_gather %scan3A_83[%gather3A_1099] in [0] : vector<16xf32>, vector<16xi32> -> vector<16xf32>
        %sub3A_1101 = arith.constant 1.000000e+00 : f32
        %sub3A_1102 = vector.broadcast %sub3A_1101 : f32 to vector<16xf32>
        %sub3A_1103 = arith.subf %sub3A_1102, %gather3A_1100 : vector<16xf32>
        %get3A_1104 = arith.constant 22 : i32
        %get3A_1105 = arith.index_cast %get3A_1104 : i32 to index
        %get3A_1106 = arith.constant 0 : index
        %get3A_1107 = tpu.vector_load %arg6[%get3A_1105, %get3A_1106] {strides = array<i32>} : memref<64x64xf32, #tpu.memory_space<vmem>>, vector<16xf32>,
        %mul3A_1108 = arith.mulf %get3A_1107, %sub3A_1103 : vector<16xf32>
        %add3A_1109 = arith.addf %add3A_1064, %mul3A_1108 : vector<16xf32>
        %mul3A_1110 = arith.mulf %get3A_1107, %gather3A_1100 : vector<16xf32>
        %add3A_1111 = arith.addf %add3A_1066, %mul3A_1110 : vector<16xf32>
        %get3A_1112 = arith.constant 22 : i32
        %get3A_1113 = arith.index_cast %get3A_1112 : i32 to index
        %get3A_1114 = arith.constant 16 : index
        %get3A_1115 = tpu.vector_load %arg6[%get3A_1113, %get3A_1114] {strides = array<i32>} : memref<64x64xf32, #tpu.memory_space<vmem>>, vector<16xf32>,
        %mul3A_1116 = arith.mulf %get3A_1115, %sub3A_1103 : vector<16xf32>
        %add3A_1117 = arith.addf %add3A_1072, %mul3A_1116 : vector<16xf32>
        %mul3A_1118 = arith.mulf %get3A_1115, %gather3A_1100 : vector<16xf32>
        %add3A_1119 = arith.addf %add3A_1074, %mul3A_1118 : vector<16xf32>
        %get3A_1120 = arith.constant 22 : i32
        %get3A_1121 = arith.index_cast %get3A_1120 : i32 to index
        %get3A_1122 = arith.constant 32 : index
        %get3A_1123 = tpu.vector_load %arg6[%get3A_1121, %get3A_1122] {strides = array<i32>} : memref<64x64xf32, #tpu.memory_space<vmem>>, vector<16xf32>,
        %mul3A_1124 = arith.mulf %get3A_1123, %sub3A_1103 : vector<16xf32>
        %add3A_1125 = arith.addf %add3A_1080, %mul3A_1124 : vector<16xf32>
        %mul3A_1126 = arith.mulf %get3A_1123, %gather3A_1100 : vector<16xf32>
        %add3A_1127 = arith.addf %add3A_1082, %mul3A_1126 : vector<16xf32>
        %get3A_1128 = arith.constant 22 : i32
        %get3A_1129 = arith.index_cast %get3A_1128 : i32 to index
        %get3A_1130 = arith.constant 48 : index
        %get3A_1131 = tpu.vector_load %arg6[%get3A_1129, %get3A_1130] {strides = array<i32>} : memref<64x64xf32, #tpu.memory_space<vmem>>, vector<16xf32>,
        %mul3A_1132 = arith.mulf %get3A_1131, %sub3A_1103 : vector<16xf32>
        %add3A_1133 = arith.addf %add3A_1088, %mul3A_1132 : vector<16xf32>
        %mul3A_1134 = arith.mulf %get3A_1131, %gather3A_1100 : vector<16xf32>
        %add3A_1135 = arith.addf %add3A_1090, %mul3A_1134 : vector<16xf32>
        %lt3A_1136 = arith.constant 0 : i32
        %lt3A_1137 = vector.broadcast %lt3A_1136 : i32 to vector<16xi32>
        %lt3A_1138 = arith.cmpi slt, %broadcast_in_dim3A_38, %lt3A_1137 : vector<16xi32>
        %add3A_1139 = arith.constant 16 : i32
        %add3A_1140 = vector.broadcast %add3A_1139 : i32 to vector<16xi32>
        %add3A_1141 = arith.addi %broadcast_in_dim3A_38, %add3A_1140 : vector<16xi32>
        %select_n3A_1142 = arith.select %lt3A_1138, %add3A_1141, %broadcast_in_dim3A_38 : vector<16xi1>, vector<16xi32>
        %broadcast_in_dim3A_1143 = vector.shape_cast %select_n3A_1142 : vector<16xi32> to vector<16x1xi32>
        %gather3A_1144 = vector.shape_cast %broadcast_in_dim3A_1143 : vector<16x1xi32> to vector<16xi32>
        %gather3A_1145 = tpu.dynamic_gather %scan3A_83[%gather3A_1144] in [0] : vector<16xf32>, vector<16xi32> -> vector<16xf32>
        %sub3A_1146 = arith.constant 1.000000e+00 : f32
        %sub3A_1147 = vector.broadcast %sub3A_1146 : f32 to vector<16xf32>
        %sub3A_1148 = arith.subf %sub3A_1147, %gather3A_1145 : vector<16xf32>
        %get3A_1149 = arith.constant 23 : i32
        %get3A_1150 = arith.index_cast %get3A_1149 : i32 to index
        %get3A_1151 = arith.constant 0 : index
        %get3A_1152 = tpu.vector_load %arg6[%get3A_1150, %get3A_1151] {strides = array<i32>} : memref<64x64xf32, #tpu.memory_space<vmem>>, vector<16xf32>,
        %mul3A_1153 = arith.mulf %get3A_1152, %sub3A_1148 : vector<16xf32>
        %add3A_1154 = arith.addf %add3A_1109, %mul3A_1153 : vector<16xf32>
        %mul3A_1155 = arith.mulf %get3A_1152, %gather3A_1145 : vector<16xf32>
        %add3A_1156 = arith.addf %add3A_1111, %mul3A_1155 : vector<16xf32>
        %get3A_1157 = arith.constant 23 : i32
        %get3A_1158 = arith.index_cast %get3A_1157 : i32 to index
        %get3A_1159 = arith.constant 16 : index
        %get3A_1160 = tpu.vector_load %arg6[%get3A_1158, %get3A_1159] {strides = array<i32>} : memref<64x64xf32, #tpu.memory_space<vmem>>, vector<16xf32>,
        %mul3A_1161 = arith.mulf %get3A_1160, %sub3A_1148 : vector<16xf32>
        %add3A_1162 = arith.addf %add3A_1117, %mul3A_1161 : vector<16xf32>
        %mul3A_1163 = arith.mulf %get3A_1160, %gather3A_1145 : vector<16xf32>
        %add3A_1164 = arith.addf %add3A_1119, %mul3A_1163 : vector<16xf32>
        %get3A_1165 = arith.constant 23 : i32
        %get3A_1166 = arith.index_cast %get3A_1165 : i32 to index
        %get3A_1167 = arith.constant 32 : index
        %get3A_1168 = tpu.vector_load %arg6[%get3A_1166, %get3A_1167] {strides = array<i32>} : memref<64x64xf32, #tpu.memory_space<vmem>>, vector<16xf32>,
        %mul3A_1169 = arith.mulf %get3A_1168, %sub3A_1148 : vector<16xf32>
        %add3A_1170 = arith.addf %add3A_1125, %mul3A_1169 : vector<16xf32>
        %mul3A_1171 = arith.mulf %get3A_1168, %gather3A_1145 : vector<16xf32>
        %add3A_1172 = arith.addf %add3A_1127, %mul3A_1171 : vector<16xf32>
        %get3A_1173 = arith.constant 23 : i32
        %get3A_1174 = arith.index_cast %get3A_1173 : i32 to index
        %get3A_1175 = arith.constant 48 : index
        %get3A_1176 = tpu.vector_load %arg6[%get3A_1174, %get3A_1175] {strides = array<i32>} : memref<64x64xf32, #tpu.memory_space<vmem>>, vector<16xf32>,
        %mul3A_1177 = arith.mulf %get3A_1176, %sub3A_1148 : vector<16xf32>
        %add3A_1178 = arith.addf %add3A_1133, %mul3A_1177 : vector<16xf32>
        %mul3A_1179 = arith.mulf %get3A_1176, %gather3A_1145 : vector<16xf32>
        %add3A_1180 = arith.addf %add3A_1135, %mul3A_1179 : vector<16xf32>
        %lt3A_1181 = arith.constant 0 : i32
        %lt3A_1182 = vector.broadcast %lt3A_1181 : i32 to vector<16xi32>
        %lt3A_1183 = arith.cmpi slt, %broadcast_in_dim3A_40, %lt3A_1182 : vector<16xi32>
        %add3A_1184 = arith.constant 16 : i32
        %add3A_1185 = vector.broadcast %add3A_1184 : i32 to vector<16xi32>
        %add3A_1186 = arith.addi %broadcast_in_dim3A_40, %add3A_1185 : vector<16xi32>
        %select_n3A_1187 = arith.select %lt3A_1183, %add3A_1186, %broadcast_in_dim3A_40 : vector<16xi1>, vector<16xi32>
        %broadcast_in_dim3A_1188 = vector.shape_cast %select_n3A_1187 : vector<16xi32> to vector<16x1xi32>
        %gather3A_1189 = vector.shape_cast %broadcast_in_dim3A_1188 : vector<16x1xi32> to vector<16xi32>
        %gather3A_1190 = tpu.dynamic_gather %scan3A_83[%gather3A_1189] in [0] : vector<16xf32>, vector<16xi32> -> vector<16xf32>
        %sub3A_1191 = arith.constant 1.000000e+00 : f32
        %sub3A_1192 = vector.broadcast %sub3A_1191 : f32 to vector<16xf32>
        %sub3A_1193 = arith.subf %sub3A_1192, %gather3A_1190 : vector<16xf32>
        %get3A_1194 = arith.constant 24 : i32
        %get3A_1195 = arith.index_cast %get3A_1194 : i32 to index
        %get3A_1196 = arith.constant 0 : index
        %get3A_1197 = tpu.vector_load %arg6[%get3A_1195, %get3A_1196] {strides = array<i32>} : memref<64x64xf32, #tpu.memory_space<vmem>>, vector<16xf32>,
        %mul3A_1198 = arith.mulf %get3A_1197, %sub3A_1193 : vector<16xf32>
        %add3A_1199 = arith.addf %add3A_1154, %mul3A_1198 : vector<16xf32>
        %mul3A_1200 = arith.mulf %get3A_1197, %gather3A_1190 : vector<16xf32>
        %add3A_1201 = arith.addf %add3A_1156, %mul3A_1200 : vector<16xf32>
        %get3A_1202 = arith.constant 24 : i32
        %get3A_1203 = arith.index_cast %get3A_1202 : i32 to index
        %get3A_1204 = arith.constant 16 : index
        %get3A_1205 = tpu.vector_load %arg6[%get3A_1203, %get3A_1204] {strides = array<i32>} : memref<64x64xf32, #tpu.memory_space<vmem>>, vector<16xf32>,
        %mul3A_1206 = arith.mulf %get3A_1205, %sub3A_1193 : vector<16xf32>
        %add3A_1207 = arith.addf %add3A_1162, %mul3A_1206 : vector<16xf32>
        %mul3A_1208 = arith.mulf %get3A_1205, %gather3A_1190 : vector<16xf32>
        %add3A_1209 = arith.addf %add3A_1164, %mul3A_1208 : vector<16xf32>
        %get3A_1210 = arith.constant 24 : i32
        %get3A_1211 = arith.index_cast %get3A_1210 : i32 to index
        %get3A_1212 = arith.constant 32 : index
        %get3A_1213 = tpu.vector_load %arg6[%get3A_1211, %get3A_1212] {strides = array<i32>} : memref<64x64xf32, #tpu.memory_space<vmem>>, vector<16xf32>,
        %mul3A_1214 = arith.mulf %get3A_1213, %sub3A_1193 : vector<16xf32>
        %add3A_1215 = arith.addf %add3A_1170, %mul3A_1214 : vector<16xf32>
        %mul3A_1216 = arith.mulf %get3A_1213, %gather3A_1190 : vector<16xf32>
        %add3A_1217 = arith.addf %add3A_1172, %mul3A_1216 : vector<16xf32>
        %get3A_1218 = arith.constant 24 : i32
        %get3A_1219 = arith.index_cast %get3A_1218 : i32 to index
        %get3A_1220 = arith.constant 48 : index
        %get3A_1221 = tpu.vector_load %arg6[%get3A_1219, %get3A_1220] {strides = array<i32>} : memref<64x64xf32, #tpu.memory_space<vmem>>, vector<16xf32>,
        %mul3A_1222 = arith.mulf %get3A_1221, %sub3A_1193 : vector<16xf32>
        %add3A_1223 = arith.addf %add3A_1178, %mul3A_1222 : vector<16xf32>
        %mul3A_1224 = arith.mulf %get3A_1221, %gather3A_1190 : vector<16xf32>
        %add3A_1225 = arith.addf %add3A_1180, %mul3A_1224 : vector<16xf32>
        %lt3A_1226 = arith.constant 0 : i32
        %lt3A_1227 = vector.broadcast %lt3A_1226 : i32 to vector<16xi32>
        %lt3A_1228 = arith.cmpi slt, %broadcast_in_dim3A_42, %lt3A_1227 : vector<16xi32>
        %add3A_1229 = arith.constant 16 : i32
        %add3A_1230 = vector.broadcast %add3A_1229 : i32 to vector<16xi32>
        %add3A_1231 = arith.addi %broadcast_in_dim3A_42, %add3A_1230 : vector<16xi32>
        %select_n3A_1232 = arith.select %lt3A_1228, %add3A_1231, %broadcast_in_dim3A_42 : vector<16xi1>, vector<16xi32>
        %broadcast_in_dim3A_1233 = vector.shape_cast %select_n3A_1232 : vector<16xi32> to vector<16x1xi32>
        %gather3A_1234 = vector.shape_cast %broadcast_in_dim3A_1233 : vector<16x1xi32> to vector<16xi32>
        %gather3A_1235 = tpu.dynamic_gather %scan3A_83[%gather3A_1234] in [0] : vector<16xf32>, vector<16xi32> -> vector<16xf32>
        %sub3A_1236 = arith.constant 1.000000e+00 : f32
        %sub3A_1237 = vector.broadcast %sub3A_1236 : f32 to vector<16xf32>
        %sub3A_1238 = arith.subf %sub3A_1237, %gather3A_1235 : vector<16xf32>
        %get3A_1239 = arith.constant 25 : i32
        %get3A_1240 = arith.index_cast %get3A_1239 : i32 to index
        %get3A_1241 = arith.constant 0 : index
        %get3A_1242 = tpu.vector_load %arg6[%get3A_1240, %get3A_1241] {strides = array<i32>} : memref<64x64xf32, #tpu.memory_space<vmem>>, vector<16xf32>,
        %mul3A_1243 = arith.mulf %get3A_1242, %sub3A_1238 : vector<16xf32>
        %add3A_1244 = arith.addf %add3A_1199, %mul3A_1243 : vector<16xf32>
        %mul3A_1245 = arith.mulf %get3A_1242, %gather3A_1235 : vector<16xf32>
        %add3A_1246 = arith.addf %add3A_1201, %mul3A_1245 : vector<16xf32>
        %get3A_1247 = arith.constant 25 : i32
        %get3A_1248 = arith.index_cast %get3A_1247 : i32 to index
        %get3A_1249 = arith.constant 16 : index
        %get3A_1250 = tpu.vector_load %arg6[%get3A_1248, %get3A_1249] {strides = array<i32>} : memref<64x64xf32, #tpu.memory_space<vmem>>, vector<16xf32>,
        %mul3A_1251 = arith.mulf %get3A_1250, %sub3A_1238 : vector<16xf32>
        %add3A_1252 = arith.addf %add3A_1207, %mul3A_1251 : vector<16xf32>
        %mul3A_1253 = arith.mulf %get3A_1250, %gather3A_1235 : vector<16xf32>
        %add3A_1254 = arith.addf %add3A_1209, %mul3A_1253 : vector<16xf32>
        %get3A_1255 = arith.constant 25 : i32
        %get3A_1256 = arith.index_cast %get3A_1255 : i32 to index
        %get3A_1257 = arith.constant 32 : index
        %get3A_1258 = tpu.vector_load %arg6[%get3A_1256, %get3A_1257] {strides = array<i32>} : memref<64x64xf32, #tpu.memory_space<vmem>>, vector<16xf32>,
        %mul3A_1259 = arith.mulf %get3A_1258, %sub3A_1238 : vector<16xf32>
        %add3A_1260 = arith.addf %add3A_1215, %mul3A_1259 : vector<16xf32>
        %mul3A_1261 = arith.mulf %get3A_1258, %gather3A_1235 : vector<16xf32>
        %add3A_1262 = arith.addf %add3A_1217, %mul3A_1261 : vector<16xf32>
        %get3A_1263 = arith.constant 25 : i32
        %get3A_1264 = arith.index_cast %get3A_1263 : i32 to index
        %get3A_1265 = arith.constant 48 : index
        %get3A_1266 = tpu.vector_load %arg6[%get3A_1264, %get3A_1265] {strides = array<i32>} : memref<64x64xf32, #tpu.memory_space<vmem>>, vector<16xf32>,
        %mul3A_1267 = arith.mulf %get3A_1266, %sub3A_1238 : vector<16xf32>
        %add3A_1268 = arith.addf %add3A_1223, %mul3A_1267 : vector<16xf32>
        %mul3A_1269 = arith.mulf %get3A_1266, %gather3A_1235 : vector<16xf32>
        %add3A_1270 = arith.addf %add3A_1225, %mul3A_1269 : vector<16xf32>
        %lt3A_1271 = arith.constant 0 : i32
        %lt3A_1272 = vector.broadcast %lt3A_1271 : i32 to vector<16xi32>
        %lt3A_1273 = arith.cmpi slt, %broadcast_in_dim3A_44, %lt3A_1272 : vector<16xi32>
        %add3A_1274 = arith.constant 16 : i32
        %add3A_1275 = vector.broadcast %add3A_1274 : i32 to vector<16xi32>
        %add3A_1276 = arith.addi %broadcast_in_dim3A_44, %add3A_1275 : vector<16xi32>
        %select_n3A_1277 = arith.select %lt3A_1273, %add3A_1276, %broadcast_in_dim3A_44 : vector<16xi1>, vector<16xi32>
        %broadcast_in_dim3A_1278 = vector.shape_cast %select_n3A_1277 : vector<16xi32> to vector<16x1xi32>
        %gather3A_1279 = vector.shape_cast %broadcast_in_dim3A_1278 : vector<16x1xi32> to vector<16xi32>
        %gather3A_1280 = tpu.dynamic_gather %scan3A_83[%gather3A_1279] in [0] : vector<16xf32>, vector<16xi32> -> vector<16xf32>
        %sub3A_1281 = arith.constant 1.000000e+00 : f32
        %sub3A_1282 = vector.broadcast %sub3A_1281 : f32 to vector<16xf32>
        %sub3A_1283 = arith.subf %sub3A_1282, %gather3A_1280 : vector<16xf32>
        %get3A_1284 = arith.constant 26 : i32
        %get3A_1285 = arith.index_cast %get3A_1284 : i32 to index
        %get3A_1286 = arith.constant 0 : index
        %get3A_1287 = tpu.vector_load %arg6[%get3A_1285, %get3A_1286] {strides = array<i32>} : memref<64x64xf32, #tpu.memory_space<vmem>>, vector<16xf32>,
        %mul3A_1288 = arith.mulf %get3A_1287, %sub3A_1283 : vector<16xf32>
        %add3A_1289 = arith.addf %add3A_1244, %mul3A_1288 : vector<16xf32>
        %mul3A_1290 = arith.mulf %get3A_1287, %gather3A_1280 : vector<16xf32>
        %add3A_1291 = arith.addf %add3A_1246, %mul3A_1290 : vector<16xf32>
        %get3A_1292 = arith.constant 26 : i32
        %get3A_1293 = arith.index_cast %get3A_1292 : i32 to index
        %get3A_1294 = arith.constant 16 : index
        %get3A_1295 = tpu.vector_load %arg6[%get3A_1293, %get3A_1294] {strides = array<i32>} : memref<64x64xf32, #tpu.memory_space<vmem>>, vector<16xf32>,
        %mul3A_1296 = arith.mulf %get3A_1295, %sub3A_1283 : vector<16xf32>
        %add3A_1297 = arith.addf %add3A_1252, %mul3A_1296 : vector<16xf32>
        %mul3A_1298 = arith.mulf %get3A_1295, %gather3A_1280 : vector<16xf32>
        %add3A_1299 = arith.addf %add3A_1254, %mul3A_1298 : vector<16xf32>
        %get3A_1300 = arith.constant 26 : i32
        %get3A_1301 = arith.index_cast %get3A_1300 : i32 to index
        %get3A_1302 = arith.constant 32 : index
        %get3A_1303 = tpu.vector_load %arg6[%get3A_1301, %get3A_1302] {strides = array<i32>} : memref<64x64xf32, #tpu.memory_space<vmem>>, vector<16xf32>,
        %mul3A_1304 = arith.mulf %get3A_1303, %sub3A_1283 : vector<16xf32>
        %add3A_1305 = arith.addf %add3A_1260, %mul3A_1304 : vector<16xf32>
        %mul3A_1306 = arith.mulf %get3A_1303, %gather3A_1280 : vector<16xf32>
        %add3A_1307 = arith.addf %add3A_1262, %mul3A_1306 : vector<16xf32>
        %get3A_1308 = arith.constant 26 : i32
        %get3A_1309 = arith.index_cast %get3A_1308 : i32 to index
        %get3A_1310 = arith.constant 48 : index
        %get3A_1311 = tpu.vector_load %arg6[%get3A_1309, %get3A_1310] {strides = array<i32>} : memref<64x64xf32, #tpu.memory_space<vmem>>, vector<16xf32>,
        %mul3A_1312 = arith.mulf %get3A_1311, %sub3A_1283 : vector<16xf32>
        %add3A_1313 = arith.addf %add3A_1268, %mul3A_1312 : vector<16xf32>
        %mul3A_1314 = arith.mulf %get3A_1311, %gather3A_1280 : vector<16xf32>
        %add3A_1315 = arith.addf %add3A_1270, %mul3A_1314 : vector<16xf32>
        %lt3A_1316 = arith.constant 0 : i32
        %lt3A_1317 = vector.broadcast %lt3A_1316 : i32 to vector<16xi32>
        %lt3A_1318 = arith.cmpi slt, %broadcast_in_dim3A_46, %lt3A_1317 : vector<16xi32>
        %add3A_1319 = arith.constant 16 : i32
        %add3A_1320 = vector.broadcast %add3A_1319 : i32 to vector<16xi32>
        %add3A_1321 = arith.addi %broadcast_in_dim3A_46, %add3A_1320 : vector<16xi32>
        %select_n3A_1322 = arith.select %lt3A_1318, %add3A_1321, %broadcast_in_dim3A_46 : vector<16xi1>, vector<16xi32>
        %broadcast_in_dim3A_1323 = vector.shape_cast %select_n3A_1322 : vector<16xi32> to vector<16x1xi32>
        %gather3A_1324 = vector.shape_cast %broadcast_in_dim3A_1323 : vector<16x1xi32> to vector<16xi32>
        %gather3A_1325 = tpu.dynamic_gather %scan3A_83[%gather3A_1324] in [0] : vector<16xf32>, vector<16xi32> -> vector<16xf32>
        %sub3A_1326 = arith.constant 1.000000e+00 : f32
        %sub3A_1327 = vector.broadcast %sub3A_1326 : f32 to vector<16xf32>
        %sub3A_1328 = arith.subf %sub3A_1327, %gather3A_1325 : vector<16xf32>
        %get3A_1329 = arith.constant 27 : i32
        %get3A_1330 = arith.index_cast %get3A_1329 : i32 to index
        %get3A_1331 = arith.constant 0 : index
        %get3A_1332 = tpu.vector_load %arg6[%get3A_1330, %get3A_1331] {strides = array<i32>} : memref<64x64xf32, #tpu.memory_space<vmem>>, vector<16xf32>,
        %mul3A_1333 = arith.mulf %get3A_1332, %sub3A_1328 : vector<16xf32>
        %add3A_1334 = arith.addf %add3A_1289, %mul3A_1333 : vector<16xf32>
        %mul3A_1335 = arith.mulf %get3A_1332, %gather3A_1325 : vector<16xf32>
        %add3A_1336 = arith.addf %add3A_1291, %mul3A_1335 : vector<16xf32>
        %get3A_1337 = arith.constant 27 : i32
        %get3A_1338 = arith.index_cast %get3A_1337 : i32 to index
        %get3A_1339 = arith.constant 16 : index
        %get3A_1340 = tpu.vector_load %arg6[%get3A_1338, %get3A_1339] {strides = array<i32>} : memref<64x64xf32, #tpu.memory_space<vmem>>, vector<16xf32>,
        %mul3A_1341 = arith.mulf %get3A_1340, %sub3A_1328 : vector<16xf32>
        %add3A_1342 = arith.addf %add3A_1297, %mul3A_1341 : vector<16xf32>
        %mul3A_1343 = arith.mulf %get3A_1340, %gather3A_1325 : vector<16xf32>
        %add3A_1344 = arith.addf %add3A_1299, %mul3A_1343 : vector<16xf32>
        %get3A_1345 = arith.constant 27 : i32
        %get3A_1346 = arith.index_cast %get3A_1345 : i32 to index
        %get3A_1347 = arith.constant 32 : index
        %get3A_1348 = tpu.vector_load %arg6[%get3A_1346, %get3A_1347] {strides = array<i32>} : memref<64x64xf32, #tpu.memory_space<vmem>>, vector<16xf32>,
        %mul3A_1349 = arith.mulf %get3A_1348, %sub3A_1328 : vector<16xf32>
        %add3A_1350 = arith.addf %add3A_1305, %mul3A_1349 : vector<16xf32>
        %mul3A_1351 = arith.mulf %get3A_1348, %gather3A_1325 : vector<16xf32>
        %add3A_1352 = arith.addf %add3A_1307, %mul3A_1351 : vector<16xf32>
        %get3A_1353 = arith.constant 27 : i32
        %get3A_1354 = arith.index_cast %get3A_1353 : i32 to index
        %get3A_1355 = arith.constant 48 : index
        %get3A_1356 = tpu.vector_load %arg6[%get3A_1354, %get3A_1355] {strides = array<i32>} : memref<64x64xf32, #tpu.memory_space<vmem>>, vector<16xf32>,
        %mul3A_1357 = arith.mulf %get3A_1356, %sub3A_1328 : vector<16xf32>
        %add3A_1358 = arith.addf %add3A_1313, %mul3A_1357 : vector<16xf32>
        %mul3A_1359 = arith.mulf %get3A_1356, %gather3A_1325 : vector<16xf32>
        %add3A_1360 = arith.addf %add3A_1315, %mul3A_1359 : vector<16xf32>
        %lt3A_1361 = arith.constant 0 : i32
        %lt3A_1362 = vector.broadcast %lt3A_1361 : i32 to vector<16xi32>
        %lt3A_1363 = arith.cmpi slt, %broadcast_in_dim3A_48, %lt3A_1362 : vector<16xi32>
        %add3A_1364 = arith.constant 16 : i32
        %add3A_1365 = vector.broadcast %add3A_1364 : i32 to vector<16xi32>
        %add3A_1366 = arith.addi %broadcast_in_dim3A_48, %add3A_1365 : vector<16xi32>
        %select_n3A_1367 = arith.select %lt3A_1363, %add3A_1366, %broadcast_in_dim3A_48 : vector<16xi1>, vector<16xi32>
        %broadcast_in_dim3A_1368 = vector.shape_cast %select_n3A_1367 : vector<16xi32> to vector<16x1xi32>
        %gather3A_1369 = vector.shape_cast %broadcast_in_dim3A_1368 : vector<16x1xi32> to vector<16xi32>
        %gather3A_1370 = tpu.dynamic_gather %scan3A_83[%gather3A_1369] in [0] : vector<16xf32>, vector<16xi32> -> vector<16xf32>
        %sub3A_1371 = arith.constant 1.000000e+00 : f32
        %sub3A_1372 = vector.broadcast %sub3A_1371 : f32 to vector<16xf32>
        %sub3A_1373 = arith.subf %sub3A_1372, %gather3A_1370 : vector<16xf32>
        %get3A_1374 = arith.constant 28 : i32
        %get3A_1375 = arith.index_cast %get3A_1374 : i32 to index
        %get3A_1376 = arith.constant 0 : index
        %get3A_1377 = tpu.vector_load %arg6[%get3A_1375, %get3A_1376] {strides = array<i32>} : memref<64x64xf32, #tpu.memory_space<vmem>>, vector<16xf32>,
        %mul3A_1378 = arith.mulf %get3A_1377, %sub3A_1373 : vector<16xf32>
        %add3A_1379 = arith.addf %add3A_1334, %mul3A_1378 : vector<16xf32>
        %mul3A_1380 = arith.mulf %get3A_1377, %gather3A_1370 : vector<16xf32>
        %add3A_1381 = arith.addf %add3A_1336, %mul3A_1380 : vector<16xf32>
        %get3A_1382 = arith.constant 28 : i32
        %get3A_1383 = arith.index_cast %get3A_1382 : i32 to index
        %get3A_1384 = arith.constant 16 : index
        %get3A_1385 = tpu.vector_load %arg6[%get3A_1383, %get3A_1384] {strides = array<i32>} : memref<64x64xf32, #tpu.memory_space<vmem>>, vector<16xf32>,
        %mul3A_1386 = arith.mulf %get3A_1385, %sub3A_1373 : vector<16xf32>
        %add3A_1387 = arith.addf %add3A_1342, %mul3A_1386 : vector<16xf32>
        %mul3A_1388 = arith.mulf %get3A_1385, %gather3A_1370 : vector<16xf32>
        %add3A_1389 = arith.addf %add3A_1344, %mul3A_1388 : vector<16xf32>
        %get3A_1390 = arith.constant 28 : i32
        %get3A_1391 = arith.index_cast %get3A_1390 : i32 to index
        %get3A_1392 = arith.constant 32 : index
        %get3A_1393 = tpu.vector_load %arg6[%get3A_1391, %get3A_1392] {strides = array<i32>} : memref<64x64xf32, #tpu.memory_space<vmem>>, vector<16xf32>,
        %mul3A_1394 = arith.mulf %get3A_1393, %sub3A_1373 : vector<16xf32>
        %add3A_1395 = arith.addf %add3A_1350, %mul3A_1394 : vector<16xf32>
        %mul3A_1396 = arith.mulf %get3A_1393, %gather3A_1370 : vector<16xf32>
        %add3A_1397 = arith.addf %add3A_1352, %mul3A_1396 : vector<16xf32>
        %get3A_1398 = arith.constant 28 : i32
        %get3A_1399 = arith.index_cast %get3A_1398 : i32 to index
        %get3A_1400 = arith.constant 48 : index
        %get3A_1401 = tpu.vector_load %arg6[%get3A_1399, %get3A_1400] {strides = array<i32>} : memref<64x64xf32, #tpu.memory_space<vmem>>, vector<16xf32>,
        %mul3A_1402 = arith.mulf %get3A_1401, %sub3A_1373 : vector<16xf32>
        %add3A_1403 = arith.addf %add3A_1358, %mul3A_1402 : vector<16xf32>
        %mul3A_1404 = arith.mulf %get3A_1401, %gather3A_1370 : vector<16xf32>
        %add3A_1405 = arith.addf %add3A_1360, %mul3A_1404 : vector<16xf32>
        %lt3A_1406 = arith.constant 0 : i32
        %lt3A_1407 = vector.broadcast %lt3A_1406 : i32 to vector<16xi32>
        %lt3A_1408 = arith.cmpi slt, %broadcast_in_dim3A_50, %lt3A_1407 : vector<16xi32>
        %add3A_1409 = arith.constant 16 : i32
        %add3A_1410 = vector.broadcast %add3A_1409 : i32 to vector<16xi32>
        %add3A_1411 = arith.addi %broadcast_in_dim3A_50, %add3A_1410 : vector<16xi32>
        %select_n3A_1412 = arith.select %lt3A_1408, %add3A_1411, %broadcast_in_dim3A_50 : vector<16xi1>, vector<16xi32>
        %broadcast_in_dim3A_1413 = vector.shape_cast %select_n3A_1412 : vector<16xi32> to vector<16x1xi32>
        %gather3A_1414 = vector.shape_cast %broadcast_in_dim3A_1413 : vector<16x1xi32> to vector<16xi32>
        %gather3A_1415 = tpu.dynamic_gather %scan3A_83[%gather3A_1414] in [0] : vector<16xf32>, vector<16xi32> -> vector<16xf32>
        %sub3A_1416 = arith.constant 1.000000e+00 : f32
        %sub3A_1417 = vector.broadcast %sub3A_1416 : f32 to vector<16xf32>
        %sub3A_1418 = arith.subf %sub3A_1417, %gather3A_1415 : vector<16xf32>
        %get3A_1419 = arith.constant 29 : i32
        %get3A_1420 = arith.index_cast %get3A_1419 : i32 to index
        %get3A_1421 = arith.constant 0 : index
        %get3A_1422 = tpu.vector_load %arg6[%get3A_1420, %get3A_1421] {strides = array<i32>} : memref<64x64xf32, #tpu.memory_space<vmem>>, vector<16xf32>,
        %mul3A_1423 = arith.mulf %get3A_1422, %sub3A_1418 : vector<16xf32>
        %add3A_1424 = arith.addf %add3A_1379, %mul3A_1423 : vector<16xf32>
        %mul3A_1425 = arith.mulf %get3A_1422, %gather3A_1415 : vector<16xf32>
        %add3A_1426 = arith.addf %add3A_1381, %mul3A_1425 : vector<16xf32>
        %get3A_1427 = arith.constant 29 : i32
        %get3A_1428 = arith.index_cast %get3A_1427 : i32 to index
        %get3A_1429 = arith.constant 16 : index
        %get3A_1430 = tpu.vector_load %arg6[%get3A_1428, %get3A_1429] {strides = array<i32>} : memref<64x64xf32, #tpu.memory_space<vmem>>, vector<16xf32>,
        %mul3A_1431 = arith.mulf %get3A_1430, %sub3A_1418 : vector<16xf32>
        %add3A_1432 = arith.addf %add3A_1387, %mul3A_1431 : vector<16xf32>
        %mul3A_1433 = arith.mulf %get3A_1430, %gather3A_1415 : vector<16xf32>
        %add3A_1434 = arith.addf %add3A_1389, %mul3A_1433 : vector<16xf32>
        %get3A_1435 = arith.constant 29 : i32
        %get3A_1436 = arith.index_cast %get3A_1435 : i32 to index
        %get3A_1437 = arith.constant 32 : index
        %get3A_1438 = tpu.vector_load %arg6[%get3A_1436, %get3A_1437] {strides = array<i32>} : memref<64x64xf32, #tpu.memory_space<vmem>>, vector<16xf32>,
        %mul3A_1439 = arith.mulf %get3A_1438, %sub3A_1418 : vector<16xf32>
        %add3A_1440 = arith.addf %add3A_1395, %mul3A_1439 : vector<16xf32>
        %mul3A_1441 = arith.mulf %get3A_1438, %gather3A_1415 : vector<16xf32>
        %add3A_1442 = arith.addf %add3A_1397, %mul3A_1441 : vector<16xf32>
        %get3A_1443 = arith.constant 29 : i32
        %get3A_1444 = arith.index_cast %get3A_1443 : i32 to index
        %get3A_1445 = arith.constant 48 : index
        %get3A_1446 = tpu.vector_load %arg6[%get3A_1444, %get3A_1445] {strides = array<i32>} : memref<64x64xf32, #tpu.memory_space<vmem>>, vector<16xf32>,
        %mul3A_1447 = arith.mulf %get3A_1446, %sub3A_1418 : vector<16xf32>
        %add3A_1448 = arith.addf %add3A_1403, %mul3A_1447 : vector<16xf32>
        %mul3A_1449 = arith.mulf %get3A_1446, %gather3A_1415 : vector<16xf32>
        %add3A_1450 = arith.addf %add3A_1405, %mul3A_1449 : vector<16xf32>
        %lt3A_1451 = arith.constant 0 : i32
        %lt3A_1452 = vector.broadcast %lt3A_1451 : i32 to vector<16xi32>
        %lt3A_1453 = arith.cmpi slt, %broadcast_in_dim3A_52, %lt3A_1452 : vector<16xi32>
        %add3A_1454 = arith.constant 16 : i32
        %add3A_1455 = vector.broadcast %add3A_1454 : i32 to vector<16xi32>
        %add3A_1456 = arith.addi %broadcast_in_dim3A_52, %add3A_1455 : vector<16xi32>
        %select_n3A_1457 = arith.select %lt3A_1453, %add3A_1456, %broadcast_in_dim3A_52 : vector<16xi1>, vector<16xi32>
        %broadcast_in_dim3A_1458 = vector.shape_cast %select_n3A_1457 : vector<16xi32> to vector<16x1xi32>
        %gather3A_1459 = vector.shape_cast %broadcast_in_dim3A_1458 : vector<16x1xi32> to vector<16xi32>
        %gather3A_1460 = tpu.dynamic_gather %scan3A_83[%gather3A_1459] in [0] : vector<16xf32>, vector<16xi32> -> vector<16xf32>
        %sub3A_1461 = arith.constant 1.000000e+00 : f32
        %sub3A_1462 = vector.broadcast %sub3A_1461 : f32 to vector<16xf32>
        %sub3A_1463 = arith.subf %sub3A_1462, %gather3A_1460 : vector<16xf32>
        %get3A_1464 = arith.constant 30 : i32
        %get3A_1465 = arith.index_cast %get3A_1464 : i32 to index
        %get3A_1466 = arith.constant 0 : index
        %get3A_1467 = tpu.vector_load %arg6[%get3A_1465, %get3A_1466] {strides = array<i32>} : memref<64x64xf32, #tpu.memory_space<vmem>>, vector<16xf32>,
        %mul3A_1468 = arith.mulf %get3A_1467, %sub3A_1463 : vector<16xf32>
        %add3A_1469 = arith.addf %add3A_1424, %mul3A_1468 : vector<16xf32>
        %mul3A_1470 = arith.mulf %get3A_1467, %gather3A_1460 : vector<16xf32>
        %add3A_1471 = arith.addf %add3A_1426, %mul3A_1470 : vector<16xf32>
        %get3A_1472 = arith.constant 30 : i32
        %get3A_1473 = arith.index_cast %get3A_1472 : i32 to index
        %get3A_1474 = arith.constant 16 : index
        %get3A_1475 = tpu.vector_load %arg6[%get3A_1473, %get3A_1474] {strides = array<i32>} : memref<64x64xf32, #tpu.memory_space<vmem>>, vector<16xf32>,
        %mul3A_1476 = arith.mulf %get3A_1475, %sub3A_1463 : vector<16xf32>
        %add3A_1477 = arith.addf %add3A_1432, %mul3A_1476 : vector<16xf32>
        %mul3A_1478 = arith.mulf %get3A_1475, %gather3A_1460 : vector<16xf32>
        %add3A_1479 = arith.addf %add3A_1434, %mul3A_1478 : vector<16xf32>
        %get3A_1480 = arith.constant 30 : i32
        %get3A_1481 = arith.index_cast %get3A_1480 : i32 to index
        %get3A_1482 = arith.constant 32 : index
        %get3A_1483 = tpu.vector_load %arg6[%get3A_1481, %get3A_1482] {strides = array<i32>} : memref<64x64xf32, #tpu.memory_space<vmem>>, vector<16xf32>,
        %mul3A_1484 = arith.mulf %get3A_1483, %sub3A_1463 : vector<16xf32>
        %add3A_1485 = arith.addf %add3A_1440, %mul3A_1484 : vector<16xf32>
        %mul3A_1486 = arith.mulf %get3A_1483, %gather3A_1460 : vector<16xf32>
        %add3A_1487 = arith.addf %add3A_1442, %mul3A_1486 : vector<16xf32>
        %get3A_1488 = arith.constant 30 : i32
        %get3A_1489 = arith.index_cast %get3A_1488 : i32 to index
        %get3A_1490 = arith.constant 48 : index
        %get3A_1491 = tpu.vector_load %arg6[%get3A_1489, %get3A_1490] {strides = array<i32>} : memref<64x64xf32, #tpu.memory_space<vmem>>, vector<16xf32>,
        %mul3A_1492 = arith.mulf %get3A_1491, %sub3A_1463 : vector<16xf32>
        %add3A_1493 = arith.addf %add3A_1448, %mul3A_1492 : vector<16xf32>
        %mul3A_1494 = arith.mulf %get3A_1491, %gather3A_1460 : vector<16xf32>
        %add3A_1495 = arith.addf %add3A_1450, %mul3A_1494 : vector<16xf32>
        %lt3A_1496 = arith.constant 0 : i32
        %lt3A_1497 = vector.broadcast %lt3A_1496 : i32 to vector<16xi32>
        %lt3A_1498 = arith.cmpi slt, %broadcast_in_dim3A_54, %lt3A_1497 : vector<16xi32>
        %add3A_1499 = arith.constant 16 : i32
        %add3A_1500 = vector.broadcast %add3A_1499 : i32 to vector<16xi32>
        %add3A_1501 = arith.addi %broadcast_in_dim3A_54, %add3A_1500 : vector<16xi32>
        %select_n3A_1502 = arith.select %lt3A_1498, %add3A_1501, %broadcast_in_dim3A_54 : vector<16xi1>, vector<16xi32>
        %broadcast_in_dim3A_1503 = vector.shape_cast %select_n3A_1502 : vector<16xi32> to vector<16x1xi32>
        %gather3A_1504 = vector.shape_cast %broadcast_in_dim3A_1503 : vector<16x1xi32> to vector<16xi32>
        %gather3A_1505 = tpu.dynamic_gather %scan3A_83[%gather3A_1504] in [0] : vector<16xf32>, vector<16xi32> -> vector<16xf32>
        %sub3A_1506 = arith.constant 1.000000e+00 : f32
        %sub3A_1507 = vector.broadcast %sub3A_1506 : f32 to vector<16xf32>
        %sub3A_1508 = arith.subf %sub3A_1507, %gather3A_1505 : vector<16xf32>
        %get3A_1509 = arith.constant 31 : i32
        %get3A_1510 = arith.index_cast %get3A_1509 : i32 to index
        %get3A_1511 = arith.constant 0 : index
        %get3A_1512 = tpu.vector_load %arg6[%get3A_1510, %get3A_1511] {strides = array<i32>} : memref<64x64xf32, #tpu.memory_space<vmem>>, vector<16xf32>,
        %mul3A_1513 = arith.mulf %get3A_1512, %sub3A_1508 : vector<16xf32>
        %add3A_1514 = arith.addf %add3A_1469, %mul3A_1513 : vector<16xf32>
        %mul3A_1515 = arith.mulf %get3A_1512, %gather3A_1505 : vector<16xf32>
        %add3A_1516 = arith.addf %add3A_1471, %mul3A_1515 : vector<16xf32>
        %get3A_1517 = arith.constant 31 : i32
        %get3A_1518 = arith.index_cast %get3A_1517 : i32 to index
        %get3A_1519 = arith.constant 16 : index
        %get3A_1520 = tpu.vector_load %arg6[%get3A_1518, %get3A_1519] {strides = array<i32>} : memref<64x64xf32, #tpu.memory_space<vmem>>, vector<16xf32>,
        %mul3A_1521 = arith.mulf %get3A_1520, %sub3A_1508 : vector<16xf32>
        %add3A_1522 = arith.addf %add3A_1477, %mul3A_1521 : vector<16xf32>
        %mul3A_1523 = arith.mulf %get3A_1520, %gather3A_1505 : vector<16xf32>
        %add3A_1524 = arith.addf %add3A_1479, %mul3A_1523 : vector<16xf32>
        %get3A_1525 = arith.constant 31 : i32
        %get3A_1526 = arith.index_cast %get3A_1525 : i32 to index
        %get3A_1527 = arith.constant 32 : index
        %get3A_1528 = tpu.vector_load %arg6[%get3A_1526, %get3A_1527] {strides = array<i32>} : memref<64x64xf32, #tpu.memory_space<vmem>>, vector<16xf32>,
        %mul3A_1529 = arith.mulf %get3A_1528, %sub3A_1508 : vector<16xf32>
        %add3A_1530 = arith.addf %add3A_1485, %mul3A_1529 : vector<16xf32>
        %mul3A_1531 = arith.mulf %get3A_1528, %gather3A_1505 : vector<16xf32>
        %add3A_1532 = arith.addf %add3A_1487, %mul3A_1531 : vector<16xf32>
        %get3A_1533 = arith.constant 31 : i32
        %get3A_1534 = arith.index_cast %get3A_1533 : i32 to index
        %get3A_1535 = arith.constant 48 : index
        %get3A_1536 = tpu.vector_load %arg6[%get3A_1534, %get3A_1535] {strides = array<i32>} : memref<64x64xf32, #tpu.memory_space<vmem>>, vector<16xf32>,
        %mul3A_1537 = arith.mulf %get3A_1536, %sub3A_1508 : vector<16xf32>
        %add3A_1538 = arith.addf %add3A_1493, %mul3A_1537 : vector<16xf32>
        %mul3A_1539 = arith.mulf %get3A_1536, %gather3A_1505 : vector<16xf32>
        %add3A_1540 = arith.addf %add3A_1495, %mul3A_1539 : vector<16xf32>
        %lt3A_1541 = arith.constant 0 : i32
        %lt3A_1542 = vector.broadcast %lt3A_1541 : i32 to vector<16xi32>
        %lt3A_1543 = arith.cmpi slt, %broadcast_in_dim3A_24, %lt3A_1542 : vector<16xi32>
        %add3A_1544 = arith.constant 16 : i32
        %add3A_1545 = vector.broadcast %add3A_1544 : i32 to vector<16xi32>
        %add3A_1546 = arith.addi %broadcast_in_dim3A_24, %add3A_1545 : vector<16xi32>
        %select_n3A_1547 = arith.select %lt3A_1543, %add3A_1546, %broadcast_in_dim3A_24 : vector<16xi1>, vector<16xi32>
        %broadcast_in_dim3A_1548 = vector.shape_cast %select_n3A_1547 : vector<16xi32> to vector<16x1xi32>
        %gather3A_1549 = vector.shape_cast %broadcast_in_dim3A_1548 : vector<16x1xi32> to vector<16xi32>
        %gather3A_1550 = tpu.dynamic_gather %scan3A_84[%gather3A_1549] in [0] : vector<16xf32>, vector<16xi32> -> vector<16xf32>
        %sub3A_1551 = arith.constant 1.000000e+00 : f32
        %sub3A_1552 = vector.broadcast %sub3A_1551 : f32 to vector<16xf32>
        %sub3A_1553 = arith.subf %sub3A_1552, %gather3A_1550 : vector<16xf32>
        %get3A_1554 = arith.constant 32 : i32
        %get3A_1555 = arith.index_cast %get3A_1554 : i32 to index
        %get3A_1556 = arith.constant 0 : index
        %get3A_1557 = tpu.vector_load %arg6[%get3A_1555, %get3A_1556] {strides = array<i32>} : memref<64x64xf32, #tpu.memory_space<vmem>>, vector<16xf32>,
        %mul3A_1558 = arith.mulf %get3A_1557, %sub3A_1553 : vector<16xf32>
        %add3A_1559 = arith.addf %add3A_1514, %mul3A_1558 : vector<16xf32>
        %mul3A_1560 = arith.mulf %get3A_1557, %gather3A_1550 : vector<16xf32>
        %add3A_1561 = arith.addf %add3A_1516, %mul3A_1560 : vector<16xf32>
        %get3A_1562 = arith.constant 32 : i32
        %get3A_1563 = arith.index_cast %get3A_1562 : i32 to index
        %get3A_1564 = arith.constant 16 : index
        %get3A_1565 = tpu.vector_load %arg6[%get3A_1563, %get3A_1564] {strides = array<i32>} : memref<64x64xf32, #tpu.memory_space<vmem>>, vector<16xf32>,
        %mul3A_1566 = arith.mulf %get3A_1565, %sub3A_1553 : vector<16xf32>
        %add3A_1567 = arith.addf %add3A_1522, %mul3A_1566 : vector<16xf32>
        %mul3A_1568 = arith.mulf %get3A_1565, %gather3A_1550 : vector<16xf32>
        %add3A_1569 = arith.addf %add3A_1524, %mul3A_1568 : vector<16xf32>
        %get3A_1570 = arith.constant 32 : i32
        %get3A_1571 = arith.index_cast %get3A_1570 : i32 to index
        %get3A_1572 = arith.constant 32 : index
        %get3A_1573 = tpu.vector_load %arg6[%get3A_1571, %get3A_1572] {strides = array<i32>} : memref<64x64xf32, #tpu.memory_space<vmem>>, vector<16xf32>,
        %mul3A_1574 = arith.mulf %get3A_1573, %sub3A_1553 : vector<16xf32>
        %add3A_1575 = arith.addf %add3A_1530, %mul3A_1574 : vector<16xf32>
        %mul3A_1576 = arith.mulf %get3A_1573, %gather3A_1550 : vector<16xf32>
        %add3A_1577 = arith.addf %add3A_1532, %mul3A_1576 : vector<16xf32>
        %get3A_1578 = arith.constant 32 : i32
        %get3A_1579 = arith.index_cast %get3A_1578 : i32 to index
        %get3A_1580 = arith.constant 48 : index
        %get3A_1581 = tpu.vector_load %arg6[%get3A_1579, %get3A_1580] {strides = array<i32>} : memref<64x64xf32, #tpu.memory_space<vmem>>, vector<16xf32>,
        %mul3A_1582 = arith.mulf %get3A_1581, %sub3A_1553 : vector<16xf32>
        %add3A_1583 = arith.addf %add3A_1538, %mul3A_1582 : vector<16xf32>
        %mul3A_1584 = arith.mulf %get3A_1581, %gather3A_1550 : vector<16xf32>
        %add3A_1585 = arith.addf %add3A_1540, %mul3A_1584 : vector<16xf32>
        %lt3A_1586 = arith.constant 0 : i32
        %lt3A_1587 = vector.broadcast %lt3A_1586 : i32 to vector<16xi32>
        %lt3A_1588 = arith.cmpi slt, %broadcast_in_dim3A_26, %lt3A_1587 : vector<16xi32>
        %add3A_1589 = arith.constant 16 : i32
        %add3A_1590 = vector.broadcast %add3A_1589 : i32 to vector<16xi32>
        %add3A_1591 = arith.addi %broadcast_in_dim3A_26, %add3A_1590 : vector<16xi32>
        %select_n3A_1592 = arith.select %lt3A_1588, %add3A_1591, %broadcast_in_dim3A_26 : vector<16xi1>, vector<16xi32>
        %broadcast_in_dim3A_1593 = vector.shape_cast %select_n3A_1592 : vector<16xi32> to vector<16x1xi32>
        %gather3A_1594 = vector.shape_cast %broadcast_in_dim3A_1593 : vector<16x1xi32> to vector<16xi32>
        %gather3A_1595 = tpu.dynamic_gather %scan3A_84[%gather3A_1594] in [0] : vector<16xf32>, vector<16xi32> -> vector<16xf32>
        %sub3A_1596 = arith.constant 1.000000e+00 : f32
        %sub3A_1597 = vector.broadcast %sub3A_1596 : f32 to vector<16xf32>
        %sub3A_1598 = arith.subf %sub3A_1597, %gather3A_1595 : vector<16xf32>
        %get3A_1599 = arith.constant 33 : i32
        %get3A_1600 = arith.index_cast %get3A_1599 : i32 to index
        %get3A_1601 = arith.constant 0 : index
        %get3A_1602 = tpu.vector_load %arg6[%get3A_1600, %get3A_1601] {strides = array<i32>} : memref<64x64xf32, #tpu.memory_space<vmem>>, vector<16xf32>,
        %mul3A_1603 = arith.mulf %get3A_1602, %sub3A_1598 : vector<16xf32>
        %add3A_1604 = arith.addf %add3A_1559, %mul3A_1603 : vector<16xf32>
        %mul3A_1605 = arith.mulf %get3A_1602, %gather3A_1595 : vector<16xf32>
        %add3A_1606 = arith.addf %add3A_1561, %mul3A_1605 : vector<16xf32>
        %get3A_1607 = arith.constant 33 : i32
        %get3A_1608 = arith.index_cast %get3A_1607 : i32 to index
        %get3A_1609 = arith.constant 16 : index
        %get3A_1610 = tpu.vector_load %arg6[%get3A_1608, %get3A_1609] {strides = array<i32>} : memref<64x64xf32, #tpu.memory_space<vmem>>, vector<16xf32>,
        %mul3A_1611 = arith.mulf %get3A_1610, %sub3A_1598 : vector<16xf32>
        %add3A_1612 = arith.addf %add3A_1567, %mul3A_1611 : vector<16xf32>
        %mul3A_1613 = arith.mulf %get3A_1610, %gather3A_1595 : vector<16xf32>
        %add3A_1614 = arith.addf %add3A_1569, %mul3A_1613 : vector<16xf32>
        %get3A_1615 = arith.constant 33 : i32
        %get3A_1616 = arith.index_cast %get3A_1615 : i32 to index
        %get3A_1617 = arith.constant 32 : index
        %get3A_1618 = tpu.vector_load %arg6[%get3A_1616, %get3A_1617] {strides = array<i32>} : memref<64x64xf32, #tpu.memory_space<vmem>>, vector<16xf32>,
        %mul3A_1619 = arith.mulf %get3A_1618, %sub3A_1598 : vector<16xf32>
        %add3A_1620 = arith.addf %add3A_1575, %mul3A_1619 : vector<16xf32>
        %mul3A_1621 = arith.mulf %get3A_1618, %gather3A_1595 : vector<16xf32>
        %add3A_1622 = arith.addf %add3A_1577, %mul3A_1621 : vector<16xf32>
        %get3A_1623 = arith.constant 33 : i32
        %get3A_1624 = arith.index_cast %get3A_1623 : i32 to index
        %get3A_1625 = arith.constant 48 : index
        %get3A_1626 = tpu.vector_load %arg6[%get3A_1624, %get3A_1625] {strides = array<i32>} : memref<64x64xf32, #tpu.memory_space<vmem>>, vector<16xf32>,
        %mul3A_1627 = arith.mulf %get3A_1626, %sub3A_1598 : vector<16xf32>
        %add3A_1628 = arith.addf %add3A_1583, %mul3A_1627 : vector<16xf32>
        %mul3A_1629 = arith.mulf %get3A_1626, %gather3A_1595 : vector<16xf32>
        %add3A_1630 = arith.addf %add3A_1585, %mul3A_1629 : vector<16xf32>
        %lt3A_1631 = arith.constant 0 : i32
        %lt3A_1632 = vector.broadcast %lt3A_1631 : i32 to vector<16xi32>
        %lt3A_1633 = arith.cmpi slt, %broadcast_in_dim3A_28, %lt3A_1632 : vector<16xi32>
        %add3A_1634 = arith.constant 16 : i32
        %add3A_1635 = vector.broadcast %add3A_1634 : i32 to vector<16xi32>
        %add3A_1636 = arith.addi %broadcast_in_dim3A_28, %add3A_1635 : vector<16xi32>
        %select_n3A_1637 = arith.select %lt3A_1633, %add3A_1636, %broadcast_in_dim3A_28 : vector<16xi1>, vector<16xi32>
        %broadcast_in_dim3A_1638 = vector.shape_cast %select_n3A_1637 : vector<16xi32> to vector<16x1xi32>
        %gather3A_1639 = vector.shape_cast %broadcast_in_dim3A_1638 : vector<16x1xi32> to vector<16xi32>
        %gather3A_1640 = tpu.dynamic_gather %scan3A_84[%gather3A_1639] in [0] : vector<16xf32>, vector<16xi32> -> vector<16xf32>
        %sub3A_1641 = arith.constant 1.000000e+00 : f32
        %sub3A_1642 = vector.broadcast %sub3A_1641 : f32 to vector<16xf32>
        %sub3A_1643 = arith.subf %sub3A_1642, %gather3A_1640 : vector<16xf32>
        %get3A_1644 = arith.constant 34 : i32
        %get3A_1645 = arith.index_cast %get3A_1644 : i32 to index
        %get3A_1646 = arith.constant 0 : index
        %get3A_1647 = tpu.vector_load %arg6[%get3A_1645, %get3A_1646] {strides = array<i32>} : memref<64x64xf32, #tpu.memory_space<vmem>>, vector<16xf32>,
        %mul3A_1648 = arith.mulf %get3A_1647, %sub3A_1643 : vector<16xf32>
        %add3A_1649 = arith.addf %add3A_1604, %mul3A_1648 : vector<16xf32>
        %mul3A_1650 = arith.mulf %get3A_1647, %gather3A_1640 : vector<16xf32>
        %add3A_1651 = arith.addf %add3A_1606, %mul3A_1650 : vector<16xf32>
        %get3A_1652 = arith.constant 34 : i32
        %get3A_1653 = arith.index_cast %get3A_1652 : i32 to index
        %get3A_1654 = arith.constant 16 : index
        %get3A_1655 = tpu.vector_load %arg6[%get3A_1653, %get3A_1654] {strides = array<i32>} : memref<64x64xf32, #tpu.memory_space<vmem>>, vector<16xf32>,
        %mul3A_1656 = arith.mulf %get3A_1655, %sub3A_1643 : vector<16xf32>
        %add3A_1657 = arith.addf %add3A_1612, %mul3A_1656 : vector<16xf32>
        %mul3A_1658 = arith.mulf %get3A_1655, %gather3A_1640 : vector<16xf32>
        %add3A_1659 = arith.addf %add3A_1614, %mul3A_1658 : vector<16xf32>
        %get3A_1660 = arith.constant 34 : i32
        %get3A_1661 = arith.index_cast %get3A_1660 : i32 to index
        %get3A_1662 = arith.constant 32 : index
        %get3A_1663 = tpu.vector_load %arg6[%get3A_1661, %get3A_1662] {strides = array<i32>} : memref<64x64xf32, #tpu.memory_space<vmem>>, vector<16xf32>,
        %mul3A_1664 = arith.mulf %get3A_1663, %sub3A_1643 : vector<16xf32>
        %add3A_1665 = arith.addf %add3A_1620, %mul3A_1664 : vector<16xf32>
        %mul3A_1666 = arith.mulf %get3A_1663, %gather3A_1640 : vector<16xf32>
        %add3A_1667 = arith.addf %add3A_1622, %mul3A_1666 : vector<16xf32>
        %get3A_1668 = arith.constant 34 : i32
        %get3A_1669 = arith.index_cast %get3A_1668 : i32 to index
        %get3A_1670 = arith.constant 48 : index
        %get3A_1671 = tpu.vector_load %arg6[%get3A_1669, %get3A_1670] {strides = array<i32>} : memref<64x64xf32, #tpu.memory_space<vmem>>, vector<16xf32>,
        %mul3A_1672 = arith.mulf %get3A_1671, %sub3A_1643 : vector<16xf32>
        %add3A_1673 = arith.addf %add3A_1628, %mul3A_1672 : vector<16xf32>
        %mul3A_1674 = arith.mulf %get3A_1671, %gather3A_1640 : vector<16xf32>
        %add3A_1675 = arith.addf %add3A_1630, %mul3A_1674 : vector<16xf32>
        %lt3A_1676 = arith.constant 0 : i32
        %lt3A_1677 = vector.broadcast %lt3A_1676 : i32 to vector<16xi32>
        %lt3A_1678 = arith.cmpi slt, %broadcast_in_dim3A_30, %lt3A_1677 : vector<16xi32>
        %add3A_1679 = arith.constant 16 : i32
        %add3A_1680 = vector.broadcast %add3A_1679 : i32 to vector<16xi32>
        %add3A_1681 = arith.addi %broadcast_in_dim3A_30, %add3A_1680 : vector<16xi32>
        %select_n3A_1682 = arith.select %lt3A_1678, %add3A_1681, %broadcast_in_dim3A_30 : vector<16xi1>, vector<16xi32>
        %broadcast_in_dim3A_1683 = vector.shape_cast %select_n3A_1682 : vector<16xi32> to vector<16x1xi32>
        %gather3A_1684 = vector.shape_cast %broadcast_in_dim3A_1683 : vector<16x1xi32> to vector<16xi32>
        %gather3A_1685 = tpu.dynamic_gather %scan3A_84[%gather3A_1684] in [0] : vector<16xf32>, vector<16xi32> -> vector<16xf32>
        %sub3A_1686 = arith.constant 1.000000e+00 : f32
        %sub3A_1687 = vector.broadcast %sub3A_1686 : f32 to vector<16xf32>
        %sub3A_1688 = arith.subf %sub3A_1687, %gather3A_1685 : vector<16xf32>
        %get3A_1689 = arith.constant 35 : i32
        %get3A_1690 = arith.index_cast %get3A_1689 : i32 to index
        %get3A_1691 = arith.constant 0 : index
        %get3A_1692 = tpu.vector_load %arg6[%get3A_1690, %get3A_1691] {strides = array<i32>} : memref<64x64xf32, #tpu.memory_space<vmem>>, vector<16xf32>,
        %mul3A_1693 = arith.mulf %get3A_1692, %sub3A_1688 : vector<16xf32>
        %add3A_1694 = arith.addf %add3A_1649, %mul3A_1693 : vector<16xf32>
        %mul3A_1695 = arith.mulf %get3A_1692, %gather3A_1685 : vector<16xf32>
        %add3A_1696 = arith.addf %add3A_1651, %mul3A_1695 : vector<16xf32>
        %get3A_1697 = arith.constant 35 : i32
        %get3A_1698 = arith.index_cast %get3A_1697 : i32 to index
        %get3A_1699 = arith.constant 16 : index
        %get3A_1700 = tpu.vector_load %arg6[%get3A_1698, %get3A_1699] {strides = array<i32>} : memref<64x64xf32, #tpu.memory_space<vmem>>, vector<16xf32>,
        %mul3A_1701 = arith.mulf %get3A_1700, %sub3A_1688 : vector<16xf32>
        %add3A_1702 = arith.addf %add3A_1657, %mul3A_1701 : vector<16xf32>
        %mul3A_1703 = arith.mulf %get3A_1700, %gather3A_1685 : vector<16xf32>
        %add3A_1704 = arith.addf %add3A_1659, %mul3A_1703 : vector<16xf32>
        %get3A_1705 = arith.constant 35 : i32
        %get3A_1706 = arith.index_cast %get3A_1705 : i32 to index
        %get3A_1707 = arith.constant 32 : index
        %get3A_1708 = tpu.vector_load %arg6[%get3A_1706, %get3A_1707] {strides = array<i32>} : memref<64x64xf32, #tpu.memory_space<vmem>>, vector<16xf32>,
        %mul3A_1709 = arith.mulf %get3A_1708, %sub3A_1688 : vector<16xf32>
        %add3A_1710 = arith.addf %add3A_1665, %mul3A_1709 : vector<16xf32>
        %mul3A_1711 = arith.mulf %get3A_1708, %gather3A_1685 : vector<16xf32>
        %add3A_1712 = arith.addf %add3A_1667, %mul3A_1711 : vector<16xf32>
        %get3A_1713 = arith.constant 35 : i32
        %get3A_1714 = arith.index_cast %get3A_1713 : i32 to index
        %get3A_1715 = arith.constant 48 : index
        %get3A_1716 = tpu.vector_load %arg6[%get3A_1714, %get3A_1715] {strides = array<i32>} : memref<64x64xf32, #tpu.memory_space<vmem>>, vector<16xf32>,
        %mul3A_1717 = arith.mulf %get3A_1716, %sub3A_1688 : vector<16xf32>
        %add3A_1718 = arith.addf %add3A_1673, %mul3A_1717 : vector<16xf32>
        %mul3A_1719 = arith.mulf %get3A_1716, %gather3A_1685 : vector<16xf32>
        %add3A_1720 = arith.addf %add3A_1675, %mul3A_1719 : vector<16xf32>
        %lt3A_1721 = arith.constant 0 : i32
        %lt3A_1722 = vector.broadcast %lt3A_1721 : i32 to vector<16xi32>
        %lt3A_1723 = arith.cmpi slt, %broadcast_in_dim3A_32, %lt3A_1722 : vector<16xi32>
        %add3A_1724 = arith.constant 16 : i32
        %add3A_1725 = vector.broadcast %add3A_1724 : i32 to vector<16xi32>
        %add3A_1726 = arith.addi %broadcast_in_dim3A_32, %add3A_1725 : vector<16xi32>
        %select_n3A_1727 = arith.select %lt3A_1723, %add3A_1726, %broadcast_in_dim3A_32 : vector<16xi1>, vector<16xi32>
        %broadcast_in_dim3A_1728 = vector.shape_cast %select_n3A_1727 : vector<16xi32> to vector<16x1xi32>
        %gather3A_1729 = vector.shape_cast %broadcast_in_dim3A_1728 : vector<16x1xi32> to vector<16xi32>
        %gather3A_1730 = tpu.dynamic_gather %scan3A_84[%gather3A_1729] in [0] : vector<16xf32>, vector<16xi32> -> vector<16xf32>
        %sub3A_1731 = arith.constant 1.000000e+00 : f32
        %sub3A_1732 = vector.broadcast %sub3A_1731 : f32 to vector<16xf32>
        %sub3A_1733 = arith.subf %sub3A_1732, %gather3A_1730 : vector<16xf32>
        %get3A_1734 = arith.constant 36 : i32
        %get3A_1735 = arith.index_cast %get3A_1734 : i32 to index
        %get3A_1736 = arith.constant 0 : index
        %get3A_1737 = tpu.vector_load %arg6[%get3A_1735, %get3A_1736] {strides = array<i32>} : memref<64x64xf32, #tpu.memory_space<vmem>>, vector<16xf32>,
        %mul3A_1738 = arith.mulf %get3A_1737, %sub3A_1733 : vector<16xf32>
        %add3A_1739 = arith.addf %add3A_1694, %mul3A_1738 : vector<16xf32>
        %mul3A_1740 = arith.mulf %get3A_1737, %gather3A_1730 : vector<16xf32>
        %add3A_1741 = arith.addf %add3A_1696, %mul3A_1740 : vector<16xf32>
        %get3A_1742 = arith.constant 36 : i32
        %get3A_1743 = arith.index_cast %get3A_1742 : i32 to index
        %get3A_1744 = arith.constant 16 : index
        %get3A_1745 = tpu.vector_load %arg6[%get3A_1743, %get3A_1744] {strides = array<i32>} : memref<64x64xf32, #tpu.memory_space<vmem>>, vector<16xf32>,
        %mul3A_1746 = arith.mulf %get3A_1745, %sub3A_1733 : vector<16xf32>
        %add3A_1747 = arith.addf %add3A_1702, %mul3A_1746 : vector<16xf32>
        %mul3A_1748 = arith.mulf %get3A_1745, %gather3A_1730 : vector<16xf32>
        %add3A_1749 = arith.addf %add3A_1704, %mul3A_1748 : vector<16xf32>
        %get3A_1750 = arith.constant 36 : i32
        %get3A_1751 = arith.index_cast %get3A_1750 : i32 to index
        %get3A_1752 = arith.constant 32 : index
        %get3A_1753 = tpu.vector_load %arg6[%get3A_1751, %get3A_1752] {strides = array<i32>} : memref<64x64xf32, #tpu.memory_space<vmem>>, vector<16xf32>,
        %mul3A_1754 = arith.mulf %get3A_1753, %sub3A_1733 : vector<16xf32>
        %add3A_1755 = arith.addf %add3A_1710, %mul3A_1754 : vector<16xf32>
        %mul3A_1756 = arith.mulf %get3A_1753, %gather3A_1730 : vector<16xf32>
        %add3A_1757 = arith.addf %add3A_1712, %mul3A_1756 : vector<16xf32>
        %get3A_1758 = arith.constant 36 : i32
        %get3A_1759 = arith.index_cast %get3A_1758 : i32 to index
        %get3A_1760 = arith.constant 48 : index
        %get3A_1761 = tpu.vector_load %arg6[%get3A_1759, %get3A_1760] {strides = array<i32>} : memref<64x64xf32, #tpu.memory_space<vmem>>, vector<16xf32>,
        %mul3A_1762 = arith.mulf %get3A_1761, %sub3A_1733 : vector<16xf32>
        %add3A_1763 = arith.addf %add3A_1718, %mul3A_1762 : vector<16xf32>
        %mul3A_1764 = arith.mulf %get3A_1761, %gather3A_1730 : vector<16xf32>
        %add3A_1765 = arith.addf %add3A_1720, %mul3A_1764 : vector<16xf32>
        %lt3A_1766 = arith.constant 0 : i32
        %lt3A_1767 = vector.broadcast %lt3A_1766 : i32 to vector<16xi32>
        %lt3A_1768 = arith.cmpi slt, %broadcast_in_dim3A_34, %lt3A_1767 : vector<16xi32>
        %add3A_1769 = arith.constant 16 : i32
        %add3A_1770 = vector.broadcast %add3A_1769 : i32 to vector<16xi32>
        %add3A_1771 = arith.addi %broadcast_in_dim3A_34, %add3A_1770 : vector<16xi32>
        %select_n3A_1772 = arith.select %lt3A_1768, %add3A_1771, %broadcast_in_dim3A_34 : vector<16xi1>, vector<16xi32>
        %broadcast_in_dim3A_1773 = vector.shape_cast %select_n3A_1772 : vector<16xi32> to vector<16x1xi32>
        %gather3A_1774 = vector.shape_cast %broadcast_in_dim3A_1773 : vector<16x1xi32> to vector<16xi32>
        %gather3A_1775 = tpu.dynamic_gather %scan3A_84[%gather3A_1774] in [0] : vector<16xf32>, vector<16xi32> -> vector<16xf32>
        %sub3A_1776 = arith.constant 1.000000e+00 : f32
        %sub3A_1777 = vector.broadcast %sub3A_1776 : f32 to vector<16xf32>
        %sub3A_1778 = arith.subf %sub3A_1777, %gather3A_1775 : vector<16xf32>
        %get3A_1779 = arith.constant 37 : i32
        %get3A_1780 = arith.index_cast %get3A_1779 : i32 to index
        %get3A_1781 = arith.constant 0 : index
        %get3A_1782 = tpu.vector_load %arg6[%get3A_1780, %get3A_1781] {strides = array<i32>} : memref<64x64xf32, #tpu.memory_space<vmem>>, vector<16xf32>,
        %mul3A_1783 = arith.mulf %get3A_1782, %sub3A_1778 : vector<16xf32>
        %add3A_1784 = arith.addf %add3A_1739, %mul3A_1783 : vector<16xf32>
        %mul3A_1785 = arith.mulf %get3A_1782, %gather3A_1775 : vector<16xf32>
        %add3A_1786 = arith.addf %add3A_1741, %mul3A_1785 : vector<16xf32>
        %get3A_1787 = arith.constant 37 : i32
        %get3A_1788 = arith.index_cast %get3A_1787 : i32 to index
        %get3A_1789 = arith.constant 16 : index
        %get3A_1790 = tpu.vector_load %arg6[%get3A_1788, %get3A_1789] {strides = array<i32>} : memref<64x64xf32, #tpu.memory_space<vmem>>, vector<16xf32>,
        %mul3A_1791 = arith.mulf %get3A_1790, %sub3A_1778 : vector<16xf32>
        %add3A_1792 = arith.addf %add3A_1747, %mul3A_1791 : vector<16xf32>
        %mul3A_1793 = arith.mulf %get3A_1790, %gather3A_1775 : vector<16xf32>
        %add3A_1794 = arith.addf %add3A_1749, %mul3A_1793 : vector<16xf32>
        %get3A_1795 = arith.constant 37 : i32
        %get3A_1796 = arith.index_cast %get3A_1795 : i32 to index
        %get3A_1797 = arith.constant 32 : index
        %get3A_1798 = tpu.vector_load %arg6[%get3A_1796, %get3A_1797] {strides = array<i32>} : memref<64x64xf32, #tpu.memory_space<vmem>>, vector<16xf32>,
        %mul3A_1799 = arith.mulf %get3A_1798, %sub3A_1778 : vector<16xf32>
        %add3A_1800 = arith.addf %add3A_1755, %mul3A_1799 : vector<16xf32>
        %mul3A_1801 = arith.mulf %get3A_1798, %gather3A_1775 : vector<16xf32>
        %add3A_1802 = arith.addf %add3A_1757, %mul3A_1801 : vector<16xf32>
        %get3A_1803 = arith.constant 37 : i32
        %get3A_1804 = arith.index_cast %get3A_1803 : i32 to index
        %get3A_1805 = arith.constant 48 : index
        %get3A_1806 = tpu.vector_load %arg6[%get3A_1804, %get3A_1805] {strides = array<i32>} : memref<64x64xf32, #tpu.memory_space<vmem>>, vector<16xf32>,
        %mul3A_1807 = arith.mulf %get3A_1806, %sub3A_1778 : vector<16xf32>
        %add3A_1808 = arith.addf %add3A_1763, %mul3A_1807 : vector<16xf32>
        %mul3A_1809 = arith.mulf %get3A_1806, %gather3A_1775 : vector<16xf32>
        %add3A_1810 = arith.addf %add3A_1765, %mul3A_1809 : vector<16xf32>
        %lt3A_1811 = arith.constant 0 : i32
        %lt3A_1812 = vector.broadcast %lt3A_1811 : i32 to vector<16xi32>
        %lt3A_1813 = arith.cmpi slt, %broadcast_in_dim3A_36, %lt3A_1812 : vector<16xi32>
        %add3A_1814 = arith.constant 16 : i32
        %add3A_1815 = vector.broadcast %add3A_1814 : i32 to vector<16xi32>
        %add3A_1816 = arith.addi %broadcast_in_dim3A_36, %add3A_1815 : vector<16xi32>
        %select_n3A_1817 = arith.select %lt3A_1813, %add3A_1816, %broadcast_in_dim3A_36 : vector<16xi1>, vector<16xi32>
        %broadcast_in_dim3A_1818 = vector.shape_cast %select_n3A_1817 : vector<16xi32> to vector<16x1xi32>
        %gather3A_1819 = vector.shape_cast %broadcast_in_dim3A_1818 : vector<16x1xi32> to vector<16xi32>
        %gather3A_1820 = tpu.dynamic_gather %scan3A_84[%gather3A_1819] in [0] : vector<16xf32>, vector<16xi32> -> vector<16xf32>
        %sub3A_1821 = arith.constant 1.000000e+00 : f32
        %sub3A_1822 = vector.broadcast %sub3A_1821 : f32 to vector<16xf32>
        %sub3A_1823 = arith.subf %sub3A_1822, %gather3A_1820 : vector<16xf32>
        %get3A_1824 = arith.constant 38 : i32
        %get3A_1825 = arith.index_cast %get3A_1824 : i32 to index
        %get3A_1826 = arith.constant 0 : index
        %get3A_1827 = tpu.vector_load %arg6[%get3A_1825, %get3A_1826] {strides = array<i32>} : memref<64x64xf32, #tpu.memory_space<vmem>>, vector<16xf32>,
        %mul3A_1828 = arith.mulf %get3A_1827, %sub3A_1823 : vector<16xf32>
        %add3A_1829 = arith.addf %add3A_1784, %mul3A_1828 : vector<16xf32>
        %mul3A_1830 = arith.mulf %get3A_1827, %gather3A_1820 : vector<16xf32>
        %add3A_1831 = arith.addf %add3A_1786, %mul3A_1830 : vector<16xf32>
        %get3A_1832 = arith.constant 38 : i32
        %get3A_1833 = arith.index_cast %get3A_1832 : i32 to index
        %get3A_1834 = arith.constant 16 : index
        %get3A_1835 = tpu.vector_load %arg6[%get3A_1833, %get3A_1834] {strides = array<i32>} : memref<64x64xf32, #tpu.memory_space<vmem>>, vector<16xf32>,
        %mul3A_1836 = arith.mulf %get3A_1835, %sub3A_1823 : vector<16xf32>
        %add3A_1837 = arith.addf %add3A_1792, %mul3A_1836 : vector<16xf32>
        %mul3A_1838 = arith.mulf %get3A_1835, %gather3A_1820 : vector<16xf32>
        %add3A_1839 = arith.addf %add3A_1794, %mul3A_1838 : vector<16xf32>
        %get3A_1840 = arith.constant 38 : i32
        %get3A_1841 = arith.index_cast %get3A_1840 : i32 to index
        %get3A_1842 = arith.constant 32 : index
        %get3A_1843 = tpu.vector_load %arg6[%get3A_1841, %get3A_1842] {strides = array<i32>} : memref<64x64xf32, #tpu.memory_space<vmem>>, vector<16xf32>,
        %mul3A_1844 = arith.mulf %get3A_1843, %sub3A_1823 : vector<16xf32>
        %add3A_1845 = arith.addf %add3A_1800, %mul3A_1844 : vector<16xf32>
        %mul3A_1846 = arith.mulf %get3A_1843, %gather3A_1820 : vector<16xf32>
        %add3A_1847 = arith.addf %add3A_1802, %mul3A_1846 : vector<16xf32>
        %get3A_1848 = arith.constant 38 : i32
        %get3A_1849 = arith.index_cast %get3A_1848 : i32 to index
        %get3A_1850 = arith.constant 48 : index
        %get3A_1851 = tpu.vector_load %arg6[%get3A_1849, %get3A_1850] {strides = array<i32>} : memref<64x64xf32, #tpu.memory_space<vmem>>, vector<16xf32>,
        %mul3A_1852 = arith.mulf %get3A_1851, %sub3A_1823 : vector<16xf32>
        %add3A_1853 = arith.addf %add3A_1808, %mul3A_1852 : vector<16xf32>
        %mul3A_1854 = arith.mulf %get3A_1851, %gather3A_1820 : vector<16xf32>
        %add3A_1855 = arith.addf %add3A_1810, %mul3A_1854 : vector<16xf32>
        %lt3A_1856 = arith.constant 0 : i32
        %lt3A_1857 = vector.broadcast %lt3A_1856 : i32 to vector<16xi32>
        %lt3A_1858 = arith.cmpi slt, %broadcast_in_dim3A_38, %lt3A_1857 : vector<16xi32>
        %add3A_1859 = arith.constant 16 : i32
        %add3A_1860 = vector.broadcast %add3A_1859 : i32 to vector<16xi32>
        %add3A_1861 = arith.addi %broadcast_in_dim3A_38, %add3A_1860 : vector<16xi32>
        %select_n3A_1862 = arith.select %lt3A_1858, %add3A_1861, %broadcast_in_dim3A_38 : vector<16xi1>, vector<16xi32>
        %broadcast_in_dim3A_1863 = vector.shape_cast %select_n3A_1862 : vector<16xi32> to vector<16x1xi32>
        %gather3A_1864 = vector.shape_cast %broadcast_in_dim3A_1863 : vector<16x1xi32> to vector<16xi32>
        %gather3A_1865 = tpu.dynamic_gather %scan3A_84[%gather3A_1864] in [0] : vector<16xf32>, vector<16xi32> -> vector<16xf32>
        %sub3A_1866 = arith.constant 1.000000e+00 : f32
        %sub3A_1867 = vector.broadcast %sub3A_1866 : f32 to vector<16xf32>
        %sub3A_1868 = arith.subf %sub3A_1867, %gather3A_1865 : vector<16xf32>
        %get3A_1869 = arith.constant 39 : i32
        %get3A_1870 = arith.index_cast %get3A_1869 : i32 to index
        %get3A_1871 = arith.constant 0 : index
        %get3A_1872 = tpu.vector_load %arg6[%get3A_1870, %get3A_1871] {strides = array<i32>} : memref<64x64xf32, #tpu.memory_space<vmem>>, vector<16xf32>,
        %mul3A_1873 = arith.mulf %get3A_1872, %sub3A_1868 : vector<16xf32>
        %add3A_1874 = arith.addf %add3A_1829, %mul3A_1873 : vector<16xf32>
        %mul3A_1875 = arith.mulf %get3A_1872, %gather3A_1865 : vector<16xf32>
        %add3A_1876 = arith.addf %add3A_1831, %mul3A_1875 : vector<16xf32>
        %get3A_1877 = arith.constant 39 : i32
        %get3A_1878 = arith.index_cast %get3A_1877 : i32 to index
        %get3A_1879 = arith.constant 16 : index
        %get3A_1880 = tpu.vector_load %arg6[%get3A_1878, %get3A_1879] {strides = array<i32>} : memref<64x64xf32, #tpu.memory_space<vmem>>, vector<16xf32>,
        %mul3A_1881 = arith.mulf %get3A_1880, %sub3A_1868 : vector<16xf32>
        %add3A_1882 = arith.addf %add3A_1837, %mul3A_1881 : vector<16xf32>
        %mul3A_1883 = arith.mulf %get3A_1880, %gather3A_1865 : vector<16xf32>
        %add3A_1884 = arith.addf %add3A_1839, %mul3A_1883 : vector<16xf32>
        %get3A_1885 = arith.constant 39 : i32
        %get3A_1886 = arith.index_cast %get3A_1885 : i32 to index
        %get3A_1887 = arith.constant 32 : index
        %get3A_1888 = tpu.vector_load %arg6[%get3A_1886, %get3A_1887] {strides = array<i32>} : memref<64x64xf32, #tpu.memory_space<vmem>>, vector<16xf32>,
        %mul3A_1889 = arith.mulf %get3A_1888, %sub3A_1868 : vector<16xf32>
        %add3A_1890 = arith.addf %add3A_1845, %mul3A_1889 : vector<16xf32>
        %mul3A_1891 = arith.mulf %get3A_1888, %gather3A_1865 : vector<16xf32>
        %add3A_1892 = arith.addf %add3A_1847, %mul3A_1891 : vector<16xf32>
        %get3A_1893 = arith.constant 39 : i32
        %get3A_1894 = arith.index_cast %get3A_1893 : i32 to index
        %get3A_1895 = arith.constant 48 : index
        %get3A_1896 = tpu.vector_load %arg6[%get3A_1894, %get3A_1895] {strides = array<i32>} : memref<64x64xf32, #tpu.memory_space<vmem>>, vector<16xf32>,
        %mul3A_1897 = arith.mulf %get3A_1896, %sub3A_1868 : vector<16xf32>
        %add3A_1898 = arith.addf %add3A_1853, %mul3A_1897 : vector<16xf32>
        %mul3A_1899 = arith.mulf %get3A_1896, %gather3A_1865 : vector<16xf32>
        %add3A_1900 = arith.addf %add3A_1855, %mul3A_1899 : vector<16xf32>
        %lt3A_1901 = arith.constant 0 : i32
        %lt3A_1902 = vector.broadcast %lt3A_1901 : i32 to vector<16xi32>
        %lt3A_1903 = arith.cmpi slt, %broadcast_in_dim3A_40, %lt3A_1902 : vector<16xi32>
        %add3A_1904 = arith.constant 16 : i32
        %add3A_1905 = vector.broadcast %add3A_1904 : i32 to vector<16xi32>
        %add3A_1906 = arith.addi %broadcast_in_dim3A_40, %add3A_1905 : vector<16xi32>
        %select_n3A_1907 = arith.select %lt3A_1903, %add3A_1906, %broadcast_in_dim3A_40 : vector<16xi1>, vector<16xi32>
        %broadcast_in_dim3A_1908 = vector.shape_cast %select_n3A_1907 : vector<16xi32> to vector<16x1xi32>
        %gather3A_1909 = vector.shape_cast %broadcast_in_dim3A_1908 : vector<16x1xi32> to vector<16xi32>
        %gather3A_1910 = tpu.dynamic_gather %scan3A_84[%gather3A_1909] in [0] : vector<16xf32>, vector<16xi32> -> vector<16xf32>
        %sub3A_1911 = arith.constant 1.000000e+00 : f32
        %sub3A_1912 = vector.broadcast %sub3A_1911 : f32 to vector<16xf32>
        %sub3A_1913 = arith.subf %sub3A_1912, %gather3A_1910 : vector<16xf32>
        %get3A_1914 = arith.constant 40 : i32
        %get3A_1915 = arith.index_cast %get3A_1914 : i32 to index
        %get3A_1916 = arith.constant 0 : index
        %get3A_1917 = tpu.vector_load %arg6[%get3A_1915, %get3A_1916] {strides = array<i32>} : memref<64x64xf32, #tpu.memory_space<vmem>>, vector<16xf32>,
        %mul3A_1918 = arith.mulf %get3A_1917, %sub3A_1913 : vector<16xf32>
        %add3A_1919 = arith.addf %add3A_1874, %mul3A_1918 : vector<16xf32>
        %mul3A_1920 = arith.mulf %get3A_1917, %gather3A_1910 : vector<16xf32>
        %add3A_1921 = arith.addf %add3A_1876, %mul3A_1920 : vector<16xf32>
        %get3A_1922 = arith.constant 40 : i32
        %get3A_1923 = arith.index_cast %get3A_1922 : i32 to index
        %get3A_1924 = arith.constant 16 : index
        %get3A_1925 = tpu.vector_load %arg6[%get3A_1923, %get3A_1924] {strides = array<i32>} : memref<64x64xf32, #tpu.memory_space<vmem>>, vector<16xf32>,
        %mul3A_1926 = arith.mulf %get3A_1925, %sub3A_1913 : vector<16xf32>
        %add3A_1927 = arith.addf %add3A_1882, %mul3A_1926 : vector<16xf32>
        %mul3A_1928 = arith.mulf %get3A_1925, %gather3A_1910 : vector<16xf32>
        %add3A_1929 = arith.addf %add3A_1884, %mul3A_1928 : vector<16xf32>
        %get3A_1930 = arith.constant 40 : i32
        %get3A_1931 = arith.index_cast %get3A_1930 : i32 to index
        %get3A_1932 = arith.constant 32 : index
        %get3A_1933 = tpu.vector_load %arg6[%get3A_1931, %get3A_1932] {strides = array<i32>} : memref<64x64xf32, #tpu.memory_space<vmem>>, vector<16xf32>,
        %mul3A_1934 = arith.mulf %get3A_1933, %sub3A_1913 : vector<16xf32>
        %add3A_1935 = arith.addf %add3A_1890, %mul3A_1934 : vector<16xf32>
        %mul3A_1936 = arith.mulf %get3A_1933, %gather3A_1910 : vector<16xf32>
        %add3A_1937 = arith.addf %add3A_1892, %mul3A_1936 : vector<16xf32>
        %get3A_1938 = arith.constant 40 : i32
        %get3A_1939 = arith.index_cast %get3A_1938 : i32 to index
        %get3A_1940 = arith.constant 48 : index
        %get3A_1941 = tpu.vector_load %arg6[%get3A_1939, %get3A_1940] {strides = array<i32>} : memref<64x64xf32, #tpu.memory_space<vmem>>, vector<16xf32>,
        %mul3A_1942 = arith.mulf %get3A_1941, %sub3A_1913 : vector<16xf32>
        %add3A_1943 = arith.addf %add3A_1898, %mul3A_1942 : vector<16xf32>
        %mul3A_1944 = arith.mulf %get3A_1941, %gather3A_1910 : vector<16xf32>
        %add3A_1945 = arith.addf %add3A_1900, %mul3A_1944 : vector<16xf32>
        %lt3A_1946 = arith.constant 0 : i32
        %lt3A_1947 = vector.broadcast %lt3A_1946 : i32 to vector<16xi32>
        %lt3A_1948 = arith.cmpi slt, %broadcast_in_dim3A_42, %lt3A_1947 : vector<16xi32>
        %add3A_1949 = arith.constant 16 : i32
        %add3A_1950 = vector.broadcast %add3A_1949 : i32 to vector<16xi32>
        %add3A_1951 = arith.addi %broadcast_in_dim3A_42, %add3A_1950 : vector<16xi32>
        %select_n3A_1952 = arith.select %lt3A_1948, %add3A_1951, %broadcast_in_dim3A_42 : vector<16xi1>, vector<16xi32>
        %broadcast_in_dim3A_1953 = vector.shape_cast %select_n3A_1952 : vector<16xi32> to vector<16x1xi32>
        %gather3A_1954 = vector.shape_cast %broadcast_in_dim3A_1953 : vector<16x1xi32> to vector<16xi32>
        %gather3A_1955 = tpu.dynamic_gather %scan3A_84[%gather3A_1954] in [0] : vector<16xf32>, vector<16xi32> -> vector<16xf32>
        %sub3A_1956 = arith.constant 1.000000e+00 : f32
        %sub3A_1957 = vector.broadcast %sub3A_1956 : f32 to vector<16xf32>
        %sub3A_1958 = arith.subf %sub3A_1957, %gather3A_1955 : vector<16xf32>
        %get3A_1959 = arith.constant 41 : i32
        %get3A_1960 = arith.index_cast %get3A_1959 : i32 to index
        %get3A_1961 = arith.constant 0 : index
        %get3A_1962 = tpu.vector_load %arg6[%get3A_1960, %get3A_1961] {strides = array<i32>} : memref<64x64xf32, #tpu.memory_space<vmem>>, vector<16xf32>,
        %mul3A_1963 = arith.mulf %get3A_1962, %sub3A_1958 : vector<16xf32>
        %add3A_1964 = arith.addf %add3A_1919, %mul3A_1963 : vector<16xf32>
        %mul3A_1965 = arith.mulf %get3A_1962, %gather3A_1955 : vector<16xf32>
        %add3A_1966 = arith.addf %add3A_1921, %mul3A_1965 : vector<16xf32>
        %get3A_1967 = arith.constant 41 : i32
        %get3A_1968 = arith.index_cast %get3A_1967 : i32 to index
        %get3A_1969 = arith.constant 16 : index
        %get3A_1970 = tpu.vector_load %arg6[%get3A_1968, %get3A_1969] {strides = array<i32>} : memref<64x64xf32, #tpu.memory_space<vmem>>, vector<16xf32>,
        %mul3A_1971 = arith.mulf %get3A_1970, %sub3A_1958 : vector<16xf32>
        %add3A_1972 = arith.addf %add3A_1927, %mul3A_1971 : vector<16xf32>
        %mul3A_1973 = arith.mulf %get3A_1970, %gather3A_1955 : vector<16xf32>
        %add3A_1974 = arith.addf %add3A_1929, %mul3A_1973 : vector<16xf32>
        %get3A_1975 = arith.constant 41 : i32
        %get3A_1976 = arith.index_cast %get3A_1975 : i32 to index
        %get3A_1977 = arith.constant 32 : index
        %get3A_1978 = tpu.vector_load %arg6[%get3A_1976, %get3A_1977] {strides = array<i32>} : memref<64x64xf32, #tpu.memory_space<vmem>>, vector<16xf32>,
        %mul3A_1979 = arith.mulf %get3A_1978, %sub3A_1958 : vector<16xf32>
        %add3A_1980 = arith.addf %add3A_1935, %mul3A_1979 : vector<16xf32>
        %mul3A_1981 = arith.mulf %get3A_1978, %gather3A_1955 : vector<16xf32>
        %add3A_1982 = arith.addf %add3A_1937, %mul3A_1981 : vector<16xf32>
        %get3A_1983 = arith.constant 41 : i32
        %get3A_1984 = arith.index_cast %get3A_1983 : i32 to index
        %get3A_1985 = arith.constant 48 : index
        %get3A_1986 = tpu.vector_load %arg6[%get3A_1984, %get3A_1985] {strides = array<i32>} : memref<64x64xf32, #tpu.memory_space<vmem>>, vector<16xf32>,
        %mul3A_1987 = arith.mulf %get3A_1986, %sub3A_1958 : vector<16xf32>
        %add3A_1988 = arith.addf %add3A_1943, %mul3A_1987 : vector<16xf32>
        %mul3A_1989 = arith.mulf %get3A_1986, %gather3A_1955 : vector<16xf32>
        %add3A_1990 = arith.addf %add3A_1945, %mul3A_1989 : vector<16xf32>
        %lt3A_1991 = arith.constant 0 : i32
        %lt3A_1992 = vector.broadcast %lt3A_1991 : i32 to vector<16xi32>
        %lt3A_1993 = arith.cmpi slt, %broadcast_in_dim3A_44, %lt3A_1992 : vector<16xi32>
        %add3A_1994 = arith.constant 16 : i32
        %add3A_1995 = vector.broadcast %add3A_1994 : i32 to vector<16xi32>
        %add3A_1996 = arith.addi %broadcast_in_dim3A_44, %add3A_1995 : vector<16xi32>
        %select_n3A_1997 = arith.select %lt3A_1993, %add3A_1996, %broadcast_in_dim3A_44 : vector<16xi1>, vector<16xi32>
        %broadcast_in_dim3A_1998 = vector.shape_cast %select_n3A_1997 : vector<16xi32> to vector<16x1xi32>
        %gather3A_1999 = vector.shape_cast %broadcast_in_dim3A_1998 : vector<16x1xi32> to vector<16xi32>
        %gather3A_2000 = tpu.dynamic_gather %scan3A_84[%gather3A_1999] in [0] : vector<16xf32>, vector<16xi32> -> vector<16xf32>
        %sub3A_2001 = arith.constant 1.000000e+00 : f32
        %sub3A_2002 = vector.broadcast %sub3A_2001 : f32 to vector<16xf32>
        %sub3A_2003 = arith.subf %sub3A_2002, %gather3A_2000 : vector<16xf32>
        %get3A_2004 = arith.constant 42 : i32
        %get3A_2005 = arith.index_cast %get3A_2004 : i32 to index
        %get3A_2006 = arith.constant 0 : index
        %get3A_2007 = tpu.vector_load %arg6[%get3A_2005, %get3A_2006] {strides = array<i32>} : memref<64x64xf32, #tpu.memory_space<vmem>>, vector<16xf32>,
        %mul3A_2008 = arith.mulf %get3A_2007, %sub3A_2003 : vector<16xf32>
        %add3A_2009 = arith.addf %add3A_1964, %mul3A_2008 : vector<16xf32>
        %mul3A_2010 = arith.mulf %get3A_2007, %gather3A_2000 : vector<16xf32>
        %add3A_2011 = arith.addf %add3A_1966, %mul3A_2010 : vector<16xf32>
        %get3A_2012 = arith.constant 42 : i32
        %get3A_2013 = arith.index_cast %get3A_2012 : i32 to index
        %get3A_2014 = arith.constant 16 : index
        %get3A_2015 = tpu.vector_load %arg6[%get3A_2013, %get3A_2014] {strides = array<i32>} : memref<64x64xf32, #tpu.memory_space<vmem>>, vector<16xf32>,
        %mul3A_2016 = arith.mulf %get3A_2015, %sub3A_2003 : vector<16xf32>
        %add3A_2017 = arith.addf %add3A_1972, %mul3A_2016 : vector<16xf32>
        %mul3A_2018 = arith.mulf %get3A_2015, %gather3A_2000 : vector<16xf32>
        %add3A_2019 = arith.addf %add3A_1974, %mul3A_2018 : vector<16xf32>
        %get3A_2020 = arith.constant 42 : i32
        %get3A_2021 = arith.index_cast %get3A_2020 : i32 to index
        %get3A_2022 = arith.constant 32 : index
        %get3A_2023 = tpu.vector_load %arg6[%get3A_2021, %get3A_2022] {strides = array<i32>} : memref<64x64xf32, #tpu.memory_space<vmem>>, vector<16xf32>,
        %mul3A_2024 = arith.mulf %get3A_2023, %sub3A_2003 : vector<16xf32>
        %add3A_2025 = arith.addf %add3A_1980, %mul3A_2024 : vector<16xf32>
        %mul3A_2026 = arith.mulf %get3A_2023, %gather3A_2000 : vector<16xf32>
        %add3A_2027 = arith.addf %add3A_1982, %mul3A_2026 : vector<16xf32>
        %get3A_2028 = arith.constant 42 : i32
        %get3A_2029 = arith.index_cast %get3A_2028 : i32 to index
        %get3A_2030 = arith.constant 48 : index
        %get3A_2031 = tpu.vector_load %arg6[%get3A_2029, %get3A_2030] {strides = array<i32>} : memref<64x64xf32, #tpu.memory_space<vmem>>, vector<16xf32>,
        %mul3A_2032 = arith.mulf %get3A_2031, %sub3A_2003 : vector<16xf32>
        %add3A_2033 = arith.addf %add3A_1988, %mul3A_2032 : vector<16xf32>
        %mul3A_2034 = arith.mulf %get3A_2031, %gather3A_2000 : vector<16xf32>
        %add3A_2035 = arith.addf %add3A_1990, %mul3A_2034 : vector<16xf32>
        %lt3A_2036 = arith.constant 0 : i32
        %lt3A_2037 = vector.broadcast %lt3A_2036 : i32 to vector<16xi32>
        %lt3A_2038 = arith.cmpi slt, %broadcast_in_dim3A_46, %lt3A_2037 : vector<16xi32>
        %add3A_2039 = arith.constant 16 : i32
        %add3A_2040 = vector.broadcast %add3A_2039 : i32 to vector<16xi32>
        %add3A_2041 = arith.addi %broadcast_in_dim3A_46, %add3A_2040 : vector<16xi32>
        %select_n3A_2042 = arith.select %lt3A_2038, %add3A_2041, %broadcast_in_dim3A_46 : vector<16xi1>, vector<16xi32>
        %broadcast_in_dim3A_2043 = vector.shape_cast %select_n3A_2042 : vector<16xi32> to vector<16x1xi32>
        %gather3A_2044 = vector.shape_cast %broadcast_in_dim3A_2043 : vector<16x1xi32> to vector<16xi32>
        %gather3A_2045 = tpu.dynamic_gather %scan3A_84[%gather3A_2044] in [0] : vector<16xf32>, vector<16xi32> -> vector<16xf32>
        %sub3A_2046 = arith.constant 1.000000e+00 : f32
        %sub3A_2047 = vector.broadcast %sub3A_2046 : f32 to vector<16xf32>
        %sub3A_2048 = arith.subf %sub3A_2047, %gather3A_2045 : vector<16xf32>
        %get3A_2049 = arith.constant 43 : i32
        %get3A_2050 = arith.index_cast %get3A_2049 : i32 to index
        %get3A_2051 = arith.constant 0 : index
        %get3A_2052 = tpu.vector_load %arg6[%get3A_2050, %get3A_2051] {strides = array<i32>} : memref<64x64xf32, #tpu.memory_space<vmem>>, vector<16xf32>,
        %mul3A_2053 = arith.mulf %get3A_2052, %sub3A_2048 : vector<16xf32>
        %add3A_2054 = arith.addf %add3A_2009, %mul3A_2053 : vector<16xf32>
        %mul3A_2055 = arith.mulf %get3A_2052, %gather3A_2045 : vector<16xf32>
        %add3A_2056 = arith.addf %add3A_2011, %mul3A_2055 : vector<16xf32>
        %get3A_2057 = arith.constant 43 : i32
        %get3A_2058 = arith.index_cast %get3A_2057 : i32 to index
        %get3A_2059 = arith.constant 16 : index
        %get3A_2060 = tpu.vector_load %arg6[%get3A_2058, %get3A_2059] {strides = array<i32>} : memref<64x64xf32, #tpu.memory_space<vmem>>, vector<16xf32>,
        %mul3A_2061 = arith.mulf %get3A_2060, %sub3A_2048 : vector<16xf32>
        %add3A_2062 = arith.addf %add3A_2017, %mul3A_2061 : vector<16xf32>
        %mul3A_2063 = arith.mulf %get3A_2060, %gather3A_2045 : vector<16xf32>
        %add3A_2064 = arith.addf %add3A_2019, %mul3A_2063 : vector<16xf32>
        %get3A_2065 = arith.constant 43 : i32
        %get3A_2066 = arith.index_cast %get3A_2065 : i32 to index
        %get3A_2067 = arith.constant 32 : index
        %get3A_2068 = tpu.vector_load %arg6[%get3A_2066, %get3A_2067] {strides = array<i32>} : memref<64x64xf32, #tpu.memory_space<vmem>>, vector<16xf32>,
        %mul3A_2069 = arith.mulf %get3A_2068, %sub3A_2048 : vector<16xf32>
        %add3A_2070 = arith.addf %add3A_2025, %mul3A_2069 : vector<16xf32>
        %mul3A_2071 = arith.mulf %get3A_2068, %gather3A_2045 : vector<16xf32>
        %add3A_2072 = arith.addf %add3A_2027, %mul3A_2071 : vector<16xf32>
        %get3A_2073 = arith.constant 43 : i32
        %get3A_2074 = arith.index_cast %get3A_2073 : i32 to index
        %get3A_2075 = arith.constant 48 : index
        %get3A_2076 = tpu.vector_load %arg6[%get3A_2074, %get3A_2075] {strides = array<i32>} : memref<64x64xf32, #tpu.memory_space<vmem>>, vector<16xf32>,
        %mul3A_2077 = arith.mulf %get3A_2076, %sub3A_2048 : vector<16xf32>
        %add3A_2078 = arith.addf %add3A_2033, %mul3A_2077 : vector<16xf32>
        %mul3A_2079 = arith.mulf %get3A_2076, %gather3A_2045 : vector<16xf32>
        %add3A_2080 = arith.addf %add3A_2035, %mul3A_2079 : vector<16xf32>
        %lt3A_2081 = arith.constant 0 : i32
        %lt3A_2082 = vector.broadcast %lt3A_2081 : i32 to vector<16xi32>
        %lt3A_2083 = arith.cmpi slt, %broadcast_in_dim3A_48, %lt3A_2082 : vector<16xi32>
        %add3A_2084 = arith.constant 16 : i32
        %add3A_2085 = vector.broadcast %add3A_2084 : i32 to vector<16xi32>
        %add3A_2086 = arith.addi %broadcast_in_dim3A_48, %add3A_2085 : vector<16xi32>
        %select_n3A_2087 = arith.select %lt3A_2083, %add3A_2086, %broadcast_in_dim3A_48 : vector<16xi1>, vector<16xi32>
        %broadcast_in_dim3A_2088 = vector.shape_cast %select_n3A_2087 : vector<16xi32> to vector<16x1xi32>
        %gather3A_2089 = vector.shape_cast %broadcast_in_dim3A_2088 : vector<16x1xi32> to vector<16xi32>
        %gather3A_2090 = tpu.dynamic_gather %scan3A_84[%gather3A_2089] in [0] : vector<16xf32>, vector<16xi32> -> vector<16xf32>
        %sub3A_2091 = arith.constant 1.000000e+00 : f32
        %sub3A_2092 = vector.broadcast %sub3A_2091 : f32 to vector<16xf32>
        %sub3A_2093 = arith.subf %sub3A_2092, %gather3A_2090 : vector<16xf32>
        %get3A_2094 = arith.constant 44 : i32
        %get3A_2095 = arith.index_cast %get3A_2094 : i32 to index
        %get3A_2096 = arith.constant 0 : index
        %get3A_2097 = tpu.vector_load %arg6[%get3A_2095, %get3A_2096] {strides = array<i32>} : memref<64x64xf32, #tpu.memory_space<vmem>>, vector<16xf32>,
        %mul3A_2098 = arith.mulf %get3A_2097, %sub3A_2093 : vector<16xf32>
        %add3A_2099 = arith.addf %add3A_2054, %mul3A_2098 : vector<16xf32>
        %mul3A_2100 = arith.mulf %get3A_2097, %gather3A_2090 : vector<16xf32>
        %add3A_2101 = arith.addf %add3A_2056, %mul3A_2100 : vector<16xf32>
        %get3A_2102 = arith.constant 44 : i32
        %get3A_2103 = arith.index_cast %get3A_2102 : i32 to index
        %get3A_2104 = arith.constant 16 : index
        %get3A_2105 = tpu.vector_load %arg6[%get3A_2103, %get3A_2104] {strides = array<i32>} : memref<64x64xf32, #tpu.memory_space<vmem>>, vector<16xf32>,
        %mul3A_2106 = arith.mulf %get3A_2105, %sub3A_2093 : vector<16xf32>
        %add3A_2107 = arith.addf %add3A_2062, %mul3A_2106 : vector<16xf32>
        %mul3A_2108 = arith.mulf %get3A_2105, %gather3A_2090 : vector<16xf32>
        %add3A_2109 = arith.addf %add3A_2064, %mul3A_2108 : vector<16xf32>
        %get3A_2110 = arith.constant 44 : i32
        %get3A_2111 = arith.index_cast %get3A_2110 : i32 to index
        %get3A_2112 = arith.constant 32 : index
        %get3A_2113 = tpu.vector_load %arg6[%get3A_2111, %get3A_2112] {strides = array<i32>} : memref<64x64xf32, #tpu.memory_space<vmem>>, vector<16xf32>,
        %mul3A_2114 = arith.mulf %get3A_2113, %sub3A_2093 : vector<16xf32>
        %add3A_2115 = arith.addf %add3A_2070, %mul3A_2114 : vector<16xf32>
        %mul3A_2116 = arith.mulf %get3A_2113, %gather3A_2090 : vector<16xf32>
        %add3A_2117 = arith.addf %add3A_2072, %mul3A_2116 : vector<16xf32>
        %get3A_2118 = arith.constant 44 : i32
        %get3A_2119 = arith.index_cast %get3A_2118 : i32 to index
        %get3A_2120 = arith.constant 48 : index
        %get3A_2121 = tpu.vector_load %arg6[%get3A_2119, %get3A_2120] {strides = array<i32>} : memref<64x64xf32, #tpu.memory_space<vmem>>, vector<16xf32>,
        %mul3A_2122 = arith.mulf %get3A_2121, %sub3A_2093 : vector<16xf32>
        %add3A_2123 = arith.addf %add3A_2078, %mul3A_2122 : vector<16xf32>
        %mul3A_2124 = arith.mulf %get3A_2121, %gather3A_2090 : vector<16xf32>
        %add3A_2125 = arith.addf %add3A_2080, %mul3A_2124 : vector<16xf32>
        %lt3A_2126 = arith.constant 0 : i32
        %lt3A_2127 = vector.broadcast %lt3A_2126 : i32 to vector<16xi32>
        %lt3A_2128 = arith.cmpi slt, %broadcast_in_dim3A_50, %lt3A_2127 : vector<16xi32>
        %add3A_2129 = arith.constant 16 : i32
        %add3A_2130 = vector.broadcast %add3A_2129 : i32 to vector<16xi32>
        %add3A_2131 = arith.addi %broadcast_in_dim3A_50, %add3A_2130 : vector<16xi32>
        %select_n3A_2132 = arith.select %lt3A_2128, %add3A_2131, %broadcast_in_dim3A_50 : vector<16xi1>, vector<16xi32>
        %broadcast_in_dim3A_2133 = vector.shape_cast %select_n3A_2132 : vector<16xi32> to vector<16x1xi32>
        %gather3A_2134 = vector.shape_cast %broadcast_in_dim3A_2133 : vector<16x1xi32> to vector<16xi32>
        %gather3A_2135 = tpu.dynamic_gather %scan3A_84[%gather3A_2134] in [0] : vector<16xf32>, vector<16xi32> -> vector<16xf32>
        %sub3A_2136 = arith.constant 1.000000e+00 : f32
        %sub3A_2137 = vector.broadcast %sub3A_2136 : f32 to vector<16xf32>
        %sub3A_2138 = arith.subf %sub3A_2137, %gather3A_2135 : vector<16xf32>
        %get3A_2139 = arith.constant 45 : i32
        %get3A_2140 = arith.index_cast %get3A_2139 : i32 to index
        %get3A_2141 = arith.constant 0 : index
        %get3A_2142 = tpu.vector_load %arg6[%get3A_2140, %get3A_2141] {strides = array<i32>} : memref<64x64xf32, #tpu.memory_space<vmem>>, vector<16xf32>,
        %mul3A_2143 = arith.mulf %get3A_2142, %sub3A_2138 : vector<16xf32>
        %add3A_2144 = arith.addf %add3A_2099, %mul3A_2143 : vector<16xf32>
        %mul3A_2145 = arith.mulf %get3A_2142, %gather3A_2135 : vector<16xf32>
        %add3A_2146 = arith.addf %add3A_2101, %mul3A_2145 : vector<16xf32>
        %get3A_2147 = arith.constant 45 : i32
        %get3A_2148 = arith.index_cast %get3A_2147 : i32 to index
        %get3A_2149 = arith.constant 16 : index
        %get3A_2150 = tpu.vector_load %arg6[%get3A_2148, %get3A_2149] {strides = array<i32>} : memref<64x64xf32, #tpu.memory_space<vmem>>, vector<16xf32>,
        %mul3A_2151 = arith.mulf %get3A_2150, %sub3A_2138 : vector<16xf32>
        %add3A_2152 = arith.addf %add3A_2107, %mul3A_2151 : vector<16xf32>
        %mul3A_2153 = arith.mulf %get3A_2150, %gather3A_2135 : vector<16xf32>
        %add3A_2154 = arith.addf %add3A_2109, %mul3A_2153 : vector<16xf32>
        %get3A_2155 = arith.constant 45 : i32
        %get3A_2156 = arith.index_cast %get3A_2155 : i32 to index
        %get3A_2157 = arith.constant 32 : index
        %get3A_2158 = tpu.vector_load %arg6[%get3A_2156, %get3A_2157] {strides = array<i32>} : memref<64x64xf32, #tpu.memory_space<vmem>>, vector<16xf32>,
        %mul3A_2159 = arith.mulf %get3A_2158, %sub3A_2138 : vector<16xf32>
        %add3A_2160 = arith.addf %add3A_2115, %mul3A_2159 : vector<16xf32>
        %mul3A_2161 = arith.mulf %get3A_2158, %gather3A_2135 : vector<16xf32>
        %add3A_2162 = arith.addf %add3A_2117, %mul3A_2161 : vector<16xf32>
        %get3A_2163 = arith.constant 45 : i32
        %get3A_2164 = arith.index_cast %get3A_2163 : i32 to index
        %get3A_2165 = arith.constant 48 : index
        %get3A_2166 = tpu.vector_load %arg6[%get3A_2164, %get3A_2165] {strides = array<i32>} : memref<64x64xf32, #tpu.memory_space<vmem>>, vector<16xf32>,
        %mul3A_2167 = arith.mulf %get3A_2166, %sub3A_2138 : vector<16xf32>
        %add3A_2168 = arith.addf %add3A_2123, %mul3A_2167 : vector<16xf32>
        %mul3A_2169 = arith.mulf %get3A_2166, %gather3A_2135 : vector<16xf32>
        %add3A_2170 = arith.addf %add3A_2125, %mul3A_2169 : vector<16xf32>
        %lt3A_2171 = arith.constant 0 : i32
        %lt3A_2172 = vector.broadcast %lt3A_2171 : i32 to vector<16xi32>
        %lt3A_2173 = arith.cmpi slt, %broadcast_in_dim3A_52, %lt3A_2172 : vector<16xi32>
        %add3A_2174 = arith.constant 16 : i32
        %add3A_2175 = vector.broadcast %add3A_2174 : i32 to vector<16xi32>
        %add3A_2176 = arith.addi %broadcast_in_dim3A_52, %add3A_2175 : vector<16xi32>
        %select_n3A_2177 = arith.select %lt3A_2173, %add3A_2176, %broadcast_in_dim3A_52 : vector<16xi1>, vector<16xi32>
        %broadcast_in_dim3A_2178 = vector.shape_cast %select_n3A_2177 : vector<16xi32> to vector<16x1xi32>
        %gather3A_2179 = vector.shape_cast %broadcast_in_dim3A_2178 : vector<16x1xi32> to vector<16xi32>
        %gather3A_2180 = tpu.dynamic_gather %scan3A_84[%gather3A_2179] in [0] : vector<16xf32>, vector<16xi32> -> vector<16xf32>
        %sub3A_2181 = arith.constant 1.000000e+00 : f32
        %sub3A_2182 = vector.broadcast %sub3A_2181 : f32 to vector<16xf32>
        %sub3A_2183 = arith.subf %sub3A_2182, %gather3A_2180 : vector<16xf32>
        %get3A_2184 = arith.constant 46 : i32
        %get3A_2185 = arith.index_cast %get3A_2184 : i32 to index
        %get3A_2186 = arith.constant 0 : index
        %get3A_2187 = tpu.vector_load %arg6[%get3A_2185, %get3A_2186] {strides = array<i32>} : memref<64x64xf32, #tpu.memory_space<vmem>>, vector<16xf32>,
        %mul3A_2188 = arith.mulf %get3A_2187, %sub3A_2183 : vector<16xf32>
        %add3A_2189 = arith.addf %add3A_2144, %mul3A_2188 : vector<16xf32>
        %mul3A_2190 = arith.mulf %get3A_2187, %gather3A_2180 : vector<16xf32>
        %add3A_2191 = arith.addf %add3A_2146, %mul3A_2190 : vector<16xf32>
        %get3A_2192 = arith.constant 46 : i32
        %get3A_2193 = arith.index_cast %get3A_2192 : i32 to index
        %get3A_2194 = arith.constant 16 : index
        %get3A_2195 = tpu.vector_load %arg6[%get3A_2193, %get3A_2194] {strides = array<i32>} : memref<64x64xf32, #tpu.memory_space<vmem>>, vector<16xf32>,
        %mul3A_2196 = arith.mulf %get3A_2195, %sub3A_2183 : vector<16xf32>
        %add3A_2197 = arith.addf %add3A_2152, %mul3A_2196 : vector<16xf32>
        %mul3A_2198 = arith.mulf %get3A_2195, %gather3A_2180 : vector<16xf32>
        %add3A_2199 = arith.addf %add3A_2154, %mul3A_2198 : vector<16xf32>
        %get3A_2200 = arith.constant 46 : i32
        %get3A_2201 = arith.index_cast %get3A_2200 : i32 to index
        %get3A_2202 = arith.constant 32 : index
        %get3A_2203 = tpu.vector_load %arg6[%get3A_2201, %get3A_2202] {strides = array<i32>} : memref<64x64xf32, #tpu.memory_space<vmem>>, vector<16xf32>,
        %mul3A_2204 = arith.mulf %get3A_2203, %sub3A_2183 : vector<16xf32>
        %add3A_2205 = arith.addf %add3A_2160, %mul3A_2204 : vector<16xf32>
        %mul3A_2206 = arith.mulf %get3A_2203, %gather3A_2180 : vector<16xf32>
        %add3A_2207 = arith.addf %add3A_2162, %mul3A_2206 : vector<16xf32>
        %get3A_2208 = arith.constant 46 : i32
        %get3A_2209 = arith.index_cast %get3A_2208 : i32 to index
        %get3A_2210 = arith.constant 48 : index
        %get3A_2211 = tpu.vector_load %arg6[%get3A_2209, %get3A_2210] {strides = array<i32>} : memref<64x64xf32, #tpu.memory_space<vmem>>, vector<16xf32>,
        %mul3A_2212 = arith.mulf %get3A_2211, %sub3A_2183 : vector<16xf32>
        %add3A_2213 = arith.addf %add3A_2168, %mul3A_2212 : vector<16xf32>
        %mul3A_2214 = arith.mulf %get3A_2211, %gather3A_2180 : vector<16xf32>
        %add3A_2215 = arith.addf %add3A_2170, %mul3A_2214 : vector<16xf32>
        %lt3A_2216 = arith.constant 0 : i32
        %lt3A_2217 = vector.broadcast %lt3A_2216 : i32 to vector<16xi32>
        %lt3A_2218 = arith.cmpi slt, %broadcast_in_dim3A_54, %lt3A_2217 : vector<16xi32>
        %add3A_2219 = arith.constant 16 : i32
        %add3A_2220 = vector.broadcast %add3A_2219 : i32 to vector<16xi32>
        %add3A_2221 = arith.addi %broadcast_in_dim3A_54, %add3A_2220 : vector<16xi32>
        %select_n3A_2222 = arith.select %lt3A_2218, %add3A_2221, %broadcast_in_dim3A_54 : vector<16xi1>, vector<16xi32>
        %broadcast_in_dim3A_2223 = vector.shape_cast %select_n3A_2222 : vector<16xi32> to vector<16x1xi32>
        %gather3A_2224 = vector.shape_cast %broadcast_in_dim3A_2223 : vector<16x1xi32> to vector<16xi32>
        %gather3A_2225 = tpu.dynamic_gather %scan3A_84[%gather3A_2224] in [0] : vector<16xf32>, vector<16xi32> -> vector<16xf32>
        %sub3A_2226 = arith.constant 1.000000e+00 : f32
        %sub3A_2227 = vector.broadcast %sub3A_2226 : f32 to vector<16xf32>
        %sub3A_2228 = arith.subf %sub3A_2227, %gather3A_2225 : vector<16xf32>
        %get3A_2229 = arith.constant 47 : i32
        %get3A_2230 = arith.index_cast %get3A_2229 : i32 to index
        %get3A_2231 = arith.constant 0 : index
        %get3A_2232 = tpu.vector_load %arg6[%get3A_2230, %get3A_2231] {strides = array<i32>} : memref<64x64xf32, #tpu.memory_space<vmem>>, vector<16xf32>,
        %mul3A_2233 = arith.mulf %get3A_2232, %sub3A_2228 : vector<16xf32>
        %add3A_2234 = arith.addf %add3A_2189, %mul3A_2233 : vector<16xf32>
        %mul3A_2235 = arith.mulf %get3A_2232, %gather3A_2225 : vector<16xf32>
        %add3A_2236 = arith.addf %add3A_2191, %mul3A_2235 : vector<16xf32>
        %get3A_2237 = arith.constant 47 : i32
        %get3A_2238 = arith.index_cast %get3A_2237 : i32 to index
        %get3A_2239 = arith.constant 16 : index
        %get3A_2240 = tpu.vector_load %arg6[%get3A_2238, %get3A_2239] {strides = array<i32>} : memref<64x64xf32, #tpu.memory_space<vmem>>, vector<16xf32>,
        %mul3A_2241 = arith.mulf %get3A_2240, %sub3A_2228 : vector<16xf32>
        %add3A_2242 = arith.addf %add3A_2197, %mul3A_2241 : vector<16xf32>
        %mul3A_2243 = arith.mulf %get3A_2240, %gather3A_2225 : vector<16xf32>
        %add3A_2244 = arith.addf %add3A_2199, %mul3A_2243 : vector<16xf32>
        %get3A_2245 = arith.constant 47 : i32
        %get3A_2246 = arith.index_cast %get3A_2245 : i32 to index
        %get3A_2247 = arith.constant 32 : index
        %get3A_2248 = tpu.vector_load %arg6[%get3A_2246, %get3A_2247] {strides = array<i32>} : memref<64x64xf32, #tpu.memory_space<vmem>>, vector<16xf32>,
        %mul3A_2249 = arith.mulf %get3A_2248, %sub3A_2228 : vector<16xf32>
        %add3A_2250 = arith.addf %add3A_2205, %mul3A_2249 : vector<16xf32>
        %mul3A_2251 = arith.mulf %get3A_2248, %gather3A_2225 : vector<16xf32>
        %add3A_2252 = arith.addf %add3A_2207, %mul3A_2251 : vector<16xf32>
        %get3A_2253 = arith.constant 47 : i32
        %get3A_2254 = arith.index_cast %get3A_2253 : i32 to index
        %get3A_2255 = arith.constant 48 : index
        %get3A_2256 = tpu.vector_load %arg6[%get3A_2254, %get3A_2255] {strides = array<i32>} : memref<64x64xf32, #tpu.memory_space<vmem>>, vector<16xf32>,
        %mul3A_2257 = arith.mulf %get3A_2256, %sub3A_2228 : vector<16xf32>
        %add3A_2258 = arith.addf %add3A_2213, %mul3A_2257 : vector<16xf32>
        %mul3A_2259 = arith.mulf %get3A_2256, %gather3A_2225 : vector<16xf32>
        %add3A_2260 = arith.addf %add3A_2215, %mul3A_2259 : vector<16xf32>
        %lt3A_2261 = arith.constant 0 : i32
        %lt3A_2262 = vector.broadcast %lt3A_2261 : i32 to vector<16xi32>
        %lt3A_2263 = arith.cmpi slt, %broadcast_in_dim3A_24, %lt3A_2262 : vector<16xi32>
        %add3A_2264 = arith.constant 16 : i32
        %add3A_2265 = vector.broadcast %add3A_2264 : i32 to vector<16xi32>
        %add3A_2266 = arith.addi %broadcast_in_dim3A_24, %add3A_2265 : vector<16xi32>
        %select_n3A_2267 = arith.select %lt3A_2263, %add3A_2266, %broadcast_in_dim3A_24 : vector<16xi1>, vector<16xi32>
        %broadcast_in_dim3A_2268 = vector.shape_cast %select_n3A_2267 : vector<16xi32> to vector<16x1xi32>
        %gather3A_2269 = vector.shape_cast %broadcast_in_dim3A_2268 : vector<16x1xi32> to vector<16xi32>
        %gather3A_2270 = tpu.dynamic_gather %scan3A_85[%gather3A_2269] in [0] : vector<16xf32>, vector<16xi32> -> vector<16xf32>
        %sub3A_2271 = arith.constant 1.000000e+00 : f32
        %sub3A_2272 = vector.broadcast %sub3A_2271 : f32 to vector<16xf32>
        %sub3A_2273 = arith.subf %sub3A_2272, %gather3A_2270 : vector<16xf32>
        %get3A_2274 = arith.constant 48 : i32
        %get3A_2275 = arith.index_cast %get3A_2274 : i32 to index
        %get3A_2276 = arith.constant 0 : index
        %get3A_2277 = tpu.vector_load %arg6[%get3A_2275, %get3A_2276] {strides = array<i32>} : memref<64x64xf32, #tpu.memory_space<vmem>>, vector<16xf32>,
        %mul3A_2278 = arith.mulf %get3A_2277, %sub3A_2273 : vector<16xf32>
        %add3A_2279 = arith.addf %add3A_2234, %mul3A_2278 : vector<16xf32>
        %mul3A_2280 = arith.mulf %get3A_2277, %gather3A_2270 : vector<16xf32>
        %add3A_2281 = arith.addf %add3A_2236, %mul3A_2280 : vector<16xf32>
        %get3A_2282 = arith.constant 48 : i32
        %get3A_2283 = arith.index_cast %get3A_2282 : i32 to index
        %get3A_2284 = arith.constant 16 : index
        %get3A_2285 = tpu.vector_load %arg6[%get3A_2283, %get3A_2284] {strides = array<i32>} : memref<64x64xf32, #tpu.memory_space<vmem>>, vector<16xf32>,
        %mul3A_2286 = arith.mulf %get3A_2285, %sub3A_2273 : vector<16xf32>
        %add3A_2287 = arith.addf %add3A_2242, %mul3A_2286 : vector<16xf32>
        %mul3A_2288 = arith.mulf %get3A_2285, %gather3A_2270 : vector<16xf32>
        %add3A_2289 = arith.addf %add3A_2244, %mul3A_2288 : vector<16xf32>
        %get3A_2290 = arith.constant 48 : i32
        %get3A_2291 = arith.index_cast %get3A_2290 : i32 to index
        %get3A_2292 = arith.constant 32 : index
        %get3A_2293 = tpu.vector_load %arg6[%get3A_2291, %get3A_2292] {strides = array<i32>} : memref<64x64xf32, #tpu.memory_space<vmem>>, vector<16xf32>,
        %mul3A_2294 = arith.mulf %get3A_2293, %sub3A_2273 : vector<16xf32>
        %add3A_2295 = arith.addf %add3A_2250, %mul3A_2294 : vector<16xf32>
        %mul3A_2296 = arith.mulf %get3A_2293, %gather3A_2270 : vector<16xf32>
        %add3A_2297 = arith.addf %add3A_2252, %mul3A_2296 : vector<16xf32>
        %get3A_2298 = arith.constant 48 : i32
        %get3A_2299 = arith.index_cast %get3A_2298 : i32 to index
        %get3A_2300 = arith.constant 48 : index
        %get3A_2301 = tpu.vector_load %arg6[%get3A_2299, %get3A_2300] {strides = array<i32>} : memref<64x64xf32, #tpu.memory_space<vmem>>, vector<16xf32>,
        %mul3A_2302 = arith.mulf %get3A_2301, %sub3A_2273 : vector<16xf32>
        %add3A_2303 = arith.addf %add3A_2258, %mul3A_2302 : vector<16xf32>
        %mul3A_2304 = arith.mulf %get3A_2301, %gather3A_2270 : vector<16xf32>
        %add3A_2305 = arith.addf %add3A_2260, %mul3A_2304 : vector<16xf32>
        %lt3A_2306 = arith.constant 0 : i32
        %lt3A_2307 = vector.broadcast %lt3A_2306 : i32 to vector<16xi32>
        %lt3A_2308 = arith.cmpi slt, %broadcast_in_dim3A_26, %lt3A_2307 : vector<16xi32>
        %add3A_2309 = arith.constant 16 : i32
        %add3A_2310 = vector.broadcast %add3A_2309 : i32 to vector<16xi32>
        %add3A_2311 = arith.addi %broadcast_in_dim3A_26, %add3A_2310 : vector<16xi32>
        %select_n3A_2312 = arith.select %lt3A_2308, %add3A_2311, %broadcast_in_dim3A_26 : vector<16xi1>, vector<16xi32>
        %broadcast_in_dim3A_2313 = vector.shape_cast %select_n3A_2312 : vector<16xi32> to vector<16x1xi32>
        %gather3A_2314 = vector.shape_cast %broadcast_in_dim3A_2313 : vector<16x1xi32> to vector<16xi32>
        %gather3A_2315 = tpu.dynamic_gather %scan3A_85[%gather3A_2314] in [0] : vector<16xf32>, vector<16xi32> -> vector<16xf32>
        %sub3A_2316 = arith.constant 1.000000e+00 : f32
        %sub3A_2317 = vector.broadcast %sub3A_2316 : f32 to vector<16xf32>
        %sub3A_2318 = arith.subf %sub3A_2317, %gather3A_2315 : vector<16xf32>
        %get3A_2319 = arith.constant 49 : i32
        %get3A_2320 = arith.index_cast %get3A_2319 : i32 to index
        %get3A_2321 = arith.constant 0 : index
        %get3A_2322 = tpu.vector_load %arg6[%get3A_2320, %get3A_2321] {strides = array<i32>} : memref<64x64xf32, #tpu.memory_space<vmem>>, vector<16xf32>,
        %mul3A_2323 = arith.mulf %get3A_2322, %sub3A_2318 : vector<16xf32>
        %add3A_2324 = arith.addf %add3A_2279, %mul3A_2323 : vector<16xf32>
        %mul3A_2325 = arith.mulf %get3A_2322, %gather3A_2315 : vector<16xf32>
        %add3A_2326 = arith.addf %add3A_2281, %mul3A_2325 : vector<16xf32>
        %get3A_2327 = arith.constant 49 : i32
        %get3A_2328 = arith.index_cast %get3A_2327 : i32 to index
        %get3A_2329 = arith.constant 16 : index
        %get3A_2330 = tpu.vector_load %arg6[%get3A_2328, %get3A_2329] {strides = array<i32>} : memref<64x64xf32, #tpu.memory_space<vmem>>, vector<16xf32>,
        %mul3A_2331 = arith.mulf %get3A_2330, %sub3A_2318 : vector<16xf32>
        %add3A_2332 = arith.addf %add3A_2287, %mul3A_2331 : vector<16xf32>
        %mul3A_2333 = arith.mulf %get3A_2330, %gather3A_2315 : vector<16xf32>
        %add3A_2334 = arith.addf %add3A_2289, %mul3A_2333 : vector<16xf32>
        %get3A_2335 = arith.constant 49 : i32
        %get3A_2336 = arith.index_cast %get3A_2335 : i32 to index
        %get3A_2337 = arith.constant 32 : index
        %get3A_2338 = tpu.vector_load %arg6[%get3A_2336, %get3A_2337] {strides = array<i32>} : memref<64x64xf32, #tpu.memory_space<vmem>>, vector<16xf32>,
        %mul3A_2339 = arith.mulf %get3A_2338, %sub3A_2318 : vector<16xf32>
        %add3A_2340 = arith.addf %add3A_2295, %mul3A_2339 : vector<16xf32>
        %mul3A_2341 = arith.mulf %get3A_2338, %gather3A_2315 : vector<16xf32>
        %add3A_2342 = arith.addf %add3A_2297, %mul3A_2341 : vector<16xf32>
        %get3A_2343 = arith.constant 49 : i32
        %get3A_2344 = arith.index_cast %get3A_2343 : i32 to index
        %get3A_2345 = arith.constant 48 : index
        %get3A_2346 = tpu.vector_load %arg6[%get3A_2344, %get3A_2345] {strides = array<i32>} : memref<64x64xf32, #tpu.memory_space<vmem>>, vector<16xf32>,
        %mul3A_2347 = arith.mulf %get3A_2346, %sub3A_2318 : vector<16xf32>
        %add3A_2348 = arith.addf %add3A_2303, %mul3A_2347 : vector<16xf32>
        %mul3A_2349 = arith.mulf %get3A_2346, %gather3A_2315 : vector<16xf32>
        %add3A_2350 = arith.addf %add3A_2305, %mul3A_2349 : vector<16xf32>
        %lt3A_2351 = arith.constant 0 : i32
        %lt3A_2352 = vector.broadcast %lt3A_2351 : i32 to vector<16xi32>
        %lt3A_2353 = arith.cmpi slt, %broadcast_in_dim3A_28, %lt3A_2352 : vector<16xi32>
        %add3A_2354 = arith.constant 16 : i32
        %add3A_2355 = vector.broadcast %add3A_2354 : i32 to vector<16xi32>
        %add3A_2356 = arith.addi %broadcast_in_dim3A_28, %add3A_2355 : vector<16xi32>
        %select_n3A_2357 = arith.select %lt3A_2353, %add3A_2356, %broadcast_in_dim3A_28 : vector<16xi1>, vector<16xi32>
        %broadcast_in_dim3A_2358 = vector.shape_cast %select_n3A_2357 : vector<16xi32> to vector<16x1xi32>
        %gather3A_2359 = vector.shape_cast %broadcast_in_dim3A_2358 : vector<16x1xi32> to vector<16xi32>
        %gather3A_2360 = tpu.dynamic_gather %scan3A_85[%gather3A_2359] in [0] : vector<16xf32>, vector<16xi32> -> vector<16xf32>
        %sub3A_2361 = arith.constant 1.000000e+00 : f32
        %sub3A_2362 = vector.broadcast %sub3A_2361 : f32 to vector<16xf32>
        %sub3A_2363 = arith.subf %sub3A_2362, %gather3A_2360 : vector<16xf32>
        %get3A_2364 = arith.constant 50 : i32
        %get3A_2365 = arith.index_cast %get3A_2364 : i32 to index
        %get3A_2366 = arith.constant 0 : index
        %get3A_2367 = tpu.vector_load %arg6[%get3A_2365, %get3A_2366] {strides = array<i32>} : memref<64x64xf32, #tpu.memory_space<vmem>>, vector<16xf32>,
        %mul3A_2368 = arith.mulf %get3A_2367, %sub3A_2363 : vector<16xf32>
        %add3A_2369 = arith.addf %add3A_2324, %mul3A_2368 : vector<16xf32>
        %mul3A_2370 = arith.mulf %get3A_2367, %gather3A_2360 : vector<16xf32>
        %add3A_2371 = arith.addf %add3A_2326, %mul3A_2370 : vector<16xf32>
        %get3A_2372 = arith.constant 50 : i32
        %get3A_2373 = arith.index_cast %get3A_2372 : i32 to index
        %get3A_2374 = arith.constant 16 : index
        %get3A_2375 = tpu.vector_load %arg6[%get3A_2373, %get3A_2374] {strides = array<i32>} : memref<64x64xf32, #tpu.memory_space<vmem>>, vector<16xf32>,
        %mul3A_2376 = arith.mulf %get3A_2375, %sub3A_2363 : vector<16xf32>
        %add3A_2377 = arith.addf %add3A_2332, %mul3A_2376 : vector<16xf32>
        %mul3A_2378 = arith.mulf %get3A_2375, %gather3A_2360 : vector<16xf32>
        %add3A_2379 = arith.addf %add3A_2334, %mul3A_2378 : vector<16xf32>
        %get3A_2380 = arith.constant 50 : i32
        %get3A_2381 = arith.index_cast %get3A_2380 : i32 to index
        %get3A_2382 = arith.constant 32 : index
        %get3A_2383 = tpu.vector_load %arg6[%get3A_2381, %get3A_2382] {strides = array<i32>} : memref<64x64xf32, #tpu.memory_space<vmem>>, vector<16xf32>,
        %mul3A_2384 = arith.mulf %get3A_2383, %sub3A_2363 : vector<16xf32>
        %add3A_2385 = arith.addf %add3A_2340, %mul3A_2384 : vector<16xf32>
        %mul3A_2386 = arith.mulf %get3A_2383, %gather3A_2360 : vector<16xf32>
        %add3A_2387 = arith.addf %add3A_2342, %mul3A_2386 : vector<16xf32>
        %get3A_2388 = arith.constant 50 : i32
        %get3A_2389 = arith.index_cast %get3A_2388 : i32 to index
        %get3A_2390 = arith.constant 48 : index
        %get3A_2391 = tpu.vector_load %arg6[%get3A_2389, %get3A_2390] {strides = array<i32>} : memref<64x64xf32, #tpu.memory_space<vmem>>, vector<16xf32>,
        %mul3A_2392 = arith.mulf %get3A_2391, %sub3A_2363 : vector<16xf32>
        %add3A_2393 = arith.addf %add3A_2348, %mul3A_2392 : vector<16xf32>
        %mul3A_2394 = arith.mulf %get3A_2391, %gather3A_2360 : vector<16xf32>
        %add3A_2395 = arith.addf %add3A_2350, %mul3A_2394 : vector<16xf32>
        %lt3A_2396 = arith.constant 0 : i32
        %lt3A_2397 = vector.broadcast %lt3A_2396 : i32 to vector<16xi32>
        %lt3A_2398 = arith.cmpi slt, %broadcast_in_dim3A_30, %lt3A_2397 : vector<16xi32>
        %add3A_2399 = arith.constant 16 : i32
        %add3A_2400 = vector.broadcast %add3A_2399 : i32 to vector<16xi32>
        %add3A_2401 = arith.addi %broadcast_in_dim3A_30, %add3A_2400 : vector<16xi32>
        %select_n3A_2402 = arith.select %lt3A_2398, %add3A_2401, %broadcast_in_dim3A_30 : vector<16xi1>, vector<16xi32>
        %broadcast_in_dim3A_2403 = vector.shape_cast %select_n3A_2402 : vector<16xi32> to vector<16x1xi32>
        %gather3A_2404 = vector.shape_cast %broadcast_in_dim3A_2403 : vector<16x1xi32> to vector<16xi32>
        %gather3A_2405 = tpu.dynamic_gather %scan3A_85[%gather3A_2404] in [0] : vector<16xf32>, vector<16xi32> -> vector<16xf32>
        %sub3A_2406 = arith.constant 1.000000e+00 : f32
        %sub3A_2407 = vector.broadcast %sub3A_2406 : f32 to vector<16xf32>
        %sub3A_2408 = arith.subf %sub3A_2407, %gather3A_2405 : vector<16xf32>
        %get3A_2409 = arith.constant 51 : i32
        %get3A_2410 = arith.index_cast %get3A_2409 : i32 to index
        %get3A_2411 = arith.constant 0 : index
        %get3A_2412 = tpu.vector_load %arg6[%get3A_2410, %get3A_2411] {strides = array<i32>} : memref<64x64xf32, #tpu.memory_space<vmem>>, vector<16xf32>,
        %mul3A_2413 = arith.mulf %get3A_2412, %sub3A_2408 : vector<16xf32>
        %add3A_2414 = arith.addf %add3A_2369, %mul3A_2413 : vector<16xf32>
        %mul3A_2415 = arith.mulf %get3A_2412, %gather3A_2405 : vector<16xf32>
        %add3A_2416 = arith.addf %add3A_2371, %mul3A_2415 : vector<16xf32>
        %get3A_2417 = arith.constant 51 : i32
        %get3A_2418 = arith.index_cast %get3A_2417 : i32 to index
        %get3A_2419 = arith.constant 16 : index
        %get3A_2420 = tpu.vector_load %arg6[%get3A_2418, %get3A_2419] {strides = array<i32>} : memref<64x64xf32, #tpu.memory_space<vmem>>, vector<16xf32>,
        %mul3A_2421 = arith.mulf %get3A_2420, %sub3A_2408 : vector<16xf32>
        %add3A_2422 = arith.addf %add3A_2377, %mul3A_2421 : vector<16xf32>
        %mul3A_2423 = arith.mulf %get3A_2420, %gather3A_2405 : vector<16xf32>
        %add3A_2424 = arith.addf %add3A_2379, %mul3A_2423 : vector<16xf32>
        %get3A_2425 = arith.constant 51 : i32
        %get3A_2426 = arith.index_cast %get3A_2425 : i32 to index
        %get3A_2427 = arith.constant 32 : index
        %get3A_2428 = tpu.vector_load %arg6[%get3A_2426, %get3A_2427] {strides = array<i32>} : memref<64x64xf32, #tpu.memory_space<vmem>>, vector<16xf32>,
        %mul3A_2429 = arith.mulf %get3A_2428, %sub3A_2408 : vector<16xf32>
        %add3A_2430 = arith.addf %add3A_2385, %mul3A_2429 : vector<16xf32>
        %mul3A_2431 = arith.mulf %get3A_2428, %gather3A_2405 : vector<16xf32>
        %add3A_2432 = arith.addf %add3A_2387, %mul3A_2431 : vector<16xf32>
        %get3A_2433 = arith.constant 51 : i32
        %get3A_2434 = arith.index_cast %get3A_2433 : i32 to index
        %get3A_2435 = arith.constant 48 : index
        %get3A_2436 = tpu.vector_load %arg6[%get3A_2434, %get3A_2435] {strides = array<i32>} : memref<64x64xf32, #tpu.memory_space<vmem>>, vector<16xf32>,
        %mul3A_2437 = arith.mulf %get3A_2436, %sub3A_2408 : vector<16xf32>
        %add3A_2438 = arith.addf %add3A_2393, %mul3A_2437 : vector<16xf32>
        %mul3A_2439 = arith.mulf %get3A_2436, %gather3A_2405 : vector<16xf32>
        %add3A_2440 = arith.addf %add3A_2395, %mul3A_2439 : vector<16xf32>
        %lt3A_2441 = arith.constant 0 : i32
        %lt3A_2442 = vector.broadcast %lt3A_2441 : i32 to vector<16xi32>
        %lt3A_2443 = arith.cmpi slt, %broadcast_in_dim3A_32, %lt3A_2442 : vector<16xi32>
        %add3A_2444 = arith.constant 16 : i32
        %add3A_2445 = vector.broadcast %add3A_2444 : i32 to vector<16xi32>
        %add3A_2446 = arith.addi %broadcast_in_dim3A_32, %add3A_2445 : vector<16xi32>
        %select_n3A_2447 = arith.select %lt3A_2443, %add3A_2446, %broadcast_in_dim3A_32 : vector<16xi1>, vector<16xi32>
        %broadcast_in_dim3A_2448 = vector.shape_cast %select_n3A_2447 : vector<16xi32> to vector<16x1xi32>
        %gather3A_2449 = vector.shape_cast %broadcast_in_dim3A_2448 : vector<16x1xi32> to vector<16xi32>
        %gather3A_2450 = tpu.dynamic_gather %scan3A_85[%gather3A_2449] in [0] : vector<16xf32>, vector<16xi32> -> vector<16xf32>
        %sub3A_2451 = arith.constant 1.000000e+00 : f32
        %sub3A_2452 = vector.broadcast %sub3A_2451 : f32 to vector<16xf32>
        %sub3A_2453 = arith.subf %sub3A_2452, %gather3A_2450 : vector<16xf32>
        %get3A_2454 = arith.constant 52 : i32
        %get3A_2455 = arith.index_cast %get3A_2454 : i32 to index
        %get3A_2456 = arith.constant 0 : index
        %get3A_2457 = tpu.vector_load %arg6[%get3A_2455, %get3A_2456] {strides = array<i32>} : memref<64x64xf32, #tpu.memory_space<vmem>>, vector<16xf32>,
        %mul3A_2458 = arith.mulf %get3A_2457, %sub3A_2453 : vector<16xf32>
        %add3A_2459 = arith.addf %add3A_2414, %mul3A_2458 : vector<16xf32>
        %mul3A_2460 = arith.mulf %get3A_2457, %gather3A_2450 : vector<16xf32>
        %add3A_2461 = arith.addf %add3A_2416, %mul3A_2460 : vector<16xf32>
        %get3A_2462 = arith.constant 52 : i32
        %get3A_2463 = arith.index_cast %get3A_2462 : i32 to index
        %get3A_2464 = arith.constant 16 : index
        %get3A_2465 = tpu.vector_load %arg6[%get3A_2463, %get3A_2464] {strides = array<i32>} : memref<64x64xf32, #tpu.memory_space<vmem>>, vector<16xf32>,
        %mul3A_2466 = arith.mulf %get3A_2465, %sub3A_2453 : vector<16xf32>
        %add3A_2467 = arith.addf %add3A_2422, %mul3A_2466 : vector<16xf32>
        %mul3A_2468 = arith.mulf %get3A_2465, %gather3A_2450 : vector<16xf32>
        %add3A_2469 = arith.addf %add3A_2424, %mul3A_2468 : vector<16xf32>
        %get3A_2470 = arith.constant 52 : i32
        %get3A_2471 = arith.index_cast %get3A_2470 : i32 to index
        %get3A_2472 = arith.constant 32 : index
        %get3A_2473 = tpu.vector_load %arg6[%get3A_2471, %get3A_2472] {strides = array<i32>} : memref<64x64xf32, #tpu.memory_space<vmem>>, vector<16xf32>,
        %mul3A_2474 = arith.mulf %get3A_2473, %sub3A_2453 : vector<16xf32>
        %add3A_2475 = arith.addf %add3A_2430, %mul3A_2474 : vector<16xf32>
        %mul3A_2476 = arith.mulf %get3A_2473, %gather3A_2450 : vector<16xf32>
        %add3A_2477 = arith.addf %add3A_2432, %mul3A_2476 : vector<16xf32>
        %get3A_2478 = arith.constant 52 : i32
        %get3A_2479 = arith.index_cast %get3A_2478 : i32 to index
        %get3A_2480 = arith.constant 48 : index
        %get3A_2481 = tpu.vector_load %arg6[%get3A_2479, %get3A_2480] {strides = array<i32>} : memref<64x64xf32, #tpu.memory_space<vmem>>, vector<16xf32>,
        %mul3A_2482 = arith.mulf %get3A_2481, %sub3A_2453 : vector<16xf32>
        %add3A_2483 = arith.addf %add3A_2438, %mul3A_2482 : vector<16xf32>
        %mul3A_2484 = arith.mulf %get3A_2481, %gather3A_2450 : vector<16xf32>
        %add3A_2485 = arith.addf %add3A_2440, %mul3A_2484 : vector<16xf32>
        %lt3A_2486 = arith.constant 0 : i32
        %lt3A_2487 = vector.broadcast %lt3A_2486 : i32 to vector<16xi32>
        %lt3A_2488 = arith.cmpi slt, %broadcast_in_dim3A_34, %lt3A_2487 : vector<16xi32>
        %add3A_2489 = arith.constant 16 : i32
        %add3A_2490 = vector.broadcast %add3A_2489 : i32 to vector<16xi32>
        %add3A_2491 = arith.addi %broadcast_in_dim3A_34, %add3A_2490 : vector<16xi32>
        %select_n3A_2492 = arith.select %lt3A_2488, %add3A_2491, %broadcast_in_dim3A_34 : vector<16xi1>, vector<16xi32>
        %broadcast_in_dim3A_2493 = vector.shape_cast %select_n3A_2492 : vector<16xi32> to vector<16x1xi32>
        %gather3A_2494 = vector.shape_cast %broadcast_in_dim3A_2493 : vector<16x1xi32> to vector<16xi32>
        %gather3A_2495 = tpu.dynamic_gather %scan3A_85[%gather3A_2494] in [0] : vector<16xf32>, vector<16xi32> -> vector<16xf32>
        %sub3A_2496 = arith.constant 1.000000e+00 : f32
        %sub3A_2497 = vector.broadcast %sub3A_2496 : f32 to vector<16xf32>
        %sub3A_2498 = arith.subf %sub3A_2497, %gather3A_2495 : vector<16xf32>
        %get3A_2499 = arith.constant 53 : i32
        %get3A_2500 = arith.index_cast %get3A_2499 : i32 to index
        %get3A_2501 = arith.constant 0 : index
        %get3A_2502 = tpu.vector_load %arg6[%get3A_2500, %get3A_2501] {strides = array<i32>} : memref<64x64xf32, #tpu.memory_space<vmem>>, vector<16xf32>,
        %mul3A_2503 = arith.mulf %get3A_2502, %sub3A_2498 : vector<16xf32>
        %add3A_2504 = arith.addf %add3A_2459, %mul3A_2503 : vector<16xf32>
        %mul3A_2505 = arith.mulf %get3A_2502, %gather3A_2495 : vector<16xf32>
        %add3A_2506 = arith.addf %add3A_2461, %mul3A_2505 : vector<16xf32>
        %get3A_2507 = arith.constant 53 : i32
        %get3A_2508 = arith.index_cast %get3A_2507 : i32 to index
        %get3A_2509 = arith.constant 16 : index
        %get3A_2510 = tpu.vector_load %arg6[%get3A_2508, %get3A_2509] {strides = array<i32>} : memref<64x64xf32, #tpu.memory_space<vmem>>, vector<16xf32>,
        %mul3A_2511 = arith.mulf %get3A_2510, %sub3A_2498 : vector<16xf32>
        %add3A_2512 = arith.addf %add3A_2467, %mul3A_2511 : vector<16xf32>
        %mul3A_2513 = arith.mulf %get3A_2510, %gather3A_2495 : vector<16xf32>
        %add3A_2514 = arith.addf %add3A_2469, %mul3A_2513 : vector<16xf32>
        %get3A_2515 = arith.constant 53 : i32
        %get3A_2516 = arith.index_cast %get3A_2515 : i32 to index
        %get3A_2517 = arith.constant 32 : index
        %get3A_2518 = tpu.vector_load %arg6[%get3A_2516, %get3A_2517] {strides = array<i32>} : memref<64x64xf32, #tpu.memory_space<vmem>>, vector<16xf32>,
        %mul3A_2519 = arith.mulf %get3A_2518, %sub3A_2498 : vector<16xf32>
        %add3A_2520 = arith.addf %add3A_2475, %mul3A_2519 : vector<16xf32>
        %mul3A_2521 = arith.mulf %get3A_2518, %gather3A_2495 : vector<16xf32>
        %add3A_2522 = arith.addf %add3A_2477, %mul3A_2521 : vector<16xf32>
        %get3A_2523 = arith.constant 53 : i32
        %get3A_2524 = arith.index_cast %get3A_2523 : i32 to index
        %get3A_2525 = arith.constant 48 : index
        %get3A_2526 = tpu.vector_load %arg6[%get3A_2524, %get3A_2525] {strides = array<i32>} : memref<64x64xf32, #tpu.memory_space<vmem>>, vector<16xf32>,
        %mul3A_2527 = arith.mulf %get3A_2526, %sub3A_2498 : vector<16xf32>
        %add3A_2528 = arith.addf %add3A_2483, %mul3A_2527 : vector<16xf32>
        %mul3A_2529 = arith.mulf %get3A_2526, %gather3A_2495 : vector<16xf32>
        %add3A_2530 = arith.addf %add3A_2485, %mul3A_2529 : vector<16xf32>
        %lt3A_2531 = arith.constant 0 : i32
        %lt3A_2532 = vector.broadcast %lt3A_2531 : i32 to vector<16xi32>
        %lt3A_2533 = arith.cmpi slt, %broadcast_in_dim3A_36, %lt3A_2532 : vector<16xi32>
        %add3A_2534 = arith.constant 16 : i32
        %add3A_2535 = vector.broadcast %add3A_2534 : i32 to vector<16xi32>
        %add3A_2536 = arith.addi %broadcast_in_dim3A_36, %add3A_2535 : vector<16xi32>
        %select_n3A_2537 = arith.select %lt3A_2533, %add3A_2536, %broadcast_in_dim3A_36 : vector<16xi1>, vector<16xi32>
        %broadcast_in_dim3A_2538 = vector.shape_cast %select_n3A_2537 : vector<16xi32> to vector<16x1xi32>
        %gather3A_2539 = vector.shape_cast %broadcast_in_dim3A_2538 : vector<16x1xi32> to vector<16xi32>
        %gather3A_2540 = tpu.dynamic_gather %scan3A_85[%gather3A_2539] in [0] : vector<16xf32>, vector<16xi32> -> vector<16xf32>
        %sub3A_2541 = arith.constant 1.000000e+00 : f32
        %sub3A_2542 = vector.broadcast %sub3A_2541 : f32 to vector<16xf32>
        %sub3A_2543 = arith.subf %sub3A_2542, %gather3A_2540 : vector<16xf32>
        %get3A_2544 = arith.constant 54 : i32
        %get3A_2545 = arith.index_cast %get3A_2544 : i32 to index
        %get3A_2546 = arith.constant 0 : index
        %get3A_2547 = tpu.vector_load %arg6[%get3A_2545, %get3A_2546] {strides = array<i32>} : memref<64x64xf32, #tpu.memory_space<vmem>>, vector<16xf32>,
        %mul3A_2548 = arith.mulf %get3A_2547, %sub3A_2543 : vector<16xf32>
        %add3A_2549 = arith.addf %add3A_2504, %mul3A_2548 : vector<16xf32>
        %mul3A_2550 = arith.mulf %get3A_2547, %gather3A_2540 : vector<16xf32>
        %add3A_2551 = arith.addf %add3A_2506, %mul3A_2550 : vector<16xf32>
        %get3A_2552 = arith.constant 54 : i32
        %get3A_2553 = arith.index_cast %get3A_2552 : i32 to index
        %get3A_2554 = arith.constant 16 : index
        %get3A_2555 = tpu.vector_load %arg6[%get3A_2553, %get3A_2554] {strides = array<i32>} : memref<64x64xf32, #tpu.memory_space<vmem>>, vector<16xf32>,
        %mul3A_2556 = arith.mulf %get3A_2555, %sub3A_2543 : vector<16xf32>
        %add3A_2557 = arith.addf %add3A_2512, %mul3A_2556 : vector<16xf32>
        %mul3A_2558 = arith.mulf %get3A_2555, %gather3A_2540 : vector<16xf32>
        %add3A_2559 = arith.addf %add3A_2514, %mul3A_2558 : vector<16xf32>
        %get3A_2560 = arith.constant 54 : i32
        %get3A_2561 = arith.index_cast %get3A_2560 : i32 to index
        %get3A_2562 = arith.constant 32 : index
        %get3A_2563 = tpu.vector_load %arg6[%get3A_2561, %get3A_2562] {strides = array<i32>} : memref<64x64xf32, #tpu.memory_space<vmem>>, vector<16xf32>,
        %mul3A_2564 = arith.mulf %get3A_2563, %sub3A_2543 : vector<16xf32>
        %add3A_2565 = arith.addf %add3A_2520, %mul3A_2564 : vector<16xf32>
        %mul3A_2566 = arith.mulf %get3A_2563, %gather3A_2540 : vector<16xf32>
        %add3A_2567 = arith.addf %add3A_2522, %mul3A_2566 : vector<16xf32>
        %get3A_2568 = arith.constant 54 : i32
        %get3A_2569 = arith.index_cast %get3A_2568 : i32 to index
        %get3A_2570 = arith.constant 48 : index
        %get3A_2571 = tpu.vector_load %arg6[%get3A_2569, %get3A_2570] {strides = array<i32>} : memref<64x64xf32, #tpu.memory_space<vmem>>, vector<16xf32>,
        %mul3A_2572 = arith.mulf %get3A_2571, %sub3A_2543 : vector<16xf32>
        %add3A_2573 = arith.addf %add3A_2528, %mul3A_2572 : vector<16xf32>
        %mul3A_2574 = arith.mulf %get3A_2571, %gather3A_2540 : vector<16xf32>
        %add3A_2575 = arith.addf %add3A_2530, %mul3A_2574 : vector<16xf32>
        %lt3A_2576 = arith.constant 0 : i32
        %lt3A_2577 = vector.broadcast %lt3A_2576 : i32 to vector<16xi32>
        %lt3A_2578 = arith.cmpi slt, %broadcast_in_dim3A_38, %lt3A_2577 : vector<16xi32>
        %add3A_2579 = arith.constant 16 : i32
        %add3A_2580 = vector.broadcast %add3A_2579 : i32 to vector<16xi32>
        %add3A_2581 = arith.addi %broadcast_in_dim3A_38, %add3A_2580 : vector<16xi32>
        %select_n3A_2582 = arith.select %lt3A_2578, %add3A_2581, %broadcast_in_dim3A_38 : vector<16xi1>, vector<16xi32>
        %broadcast_in_dim3A_2583 = vector.shape_cast %select_n3A_2582 : vector<16xi32> to vector<16x1xi32>
        %gather3A_2584 = vector.shape_cast %broadcast_in_dim3A_2583 : vector<16x1xi32> to vector<16xi32>
        %gather3A_2585 = tpu.dynamic_gather %scan3A_85[%gather3A_2584] in [0] : vector<16xf32>, vector<16xi32> -> vector<16xf32>
        %sub3A_2586 = arith.constant 1.000000e+00 : f32
        %sub3A_2587 = vector.broadcast %sub3A_2586 : f32 to vector<16xf32>
        %sub3A_2588 = arith.subf %sub3A_2587, %gather3A_2585 : vector<16xf32>
        %get3A_2589 = arith.constant 55 : i32
        %get3A_2590 = arith.index_cast %get3A_2589 : i32 to index
        %get3A_2591 = arith.constant 0 : index
        %get3A_2592 = tpu.vector_load %arg6[%get3A_2590, %get3A_2591] {strides = array<i32>} : memref<64x64xf32, #tpu.memory_space<vmem>>, vector<16xf32>,
        %mul3A_2593 = arith.mulf %get3A_2592, %sub3A_2588 : vector<16xf32>
        %add3A_2594 = arith.addf %add3A_2549, %mul3A_2593 : vector<16xf32>
        %mul3A_2595 = arith.mulf %get3A_2592, %gather3A_2585 : vector<16xf32>
        %add3A_2596 = arith.addf %add3A_2551, %mul3A_2595 : vector<16xf32>
        %get3A_2597 = arith.constant 55 : i32
        %get3A_2598 = arith.index_cast %get3A_2597 : i32 to index
        %get3A_2599 = arith.constant 16 : index
        %get3A_2600 = tpu.vector_load %arg6[%get3A_2598, %get3A_2599] {strides = array<i32>} : memref<64x64xf32, #tpu.memory_space<vmem>>, vector<16xf32>,
        %mul3A_2601 = arith.mulf %get3A_2600, %sub3A_2588 : vector<16xf32>
        %add3A_2602 = arith.addf %add3A_2557, %mul3A_2601 : vector<16xf32>
        %mul3A_2603 = arith.mulf %get3A_2600, %gather3A_2585 : vector<16xf32>
        %add3A_2604 = arith.addf %add3A_2559, %mul3A_2603 : vector<16xf32>
        %get3A_2605 = arith.constant 55 : i32
        %get3A_2606 = arith.index_cast %get3A_2605 : i32 to index
        %get3A_2607 = arith.constant 32 : index
        %get3A_2608 = tpu.vector_load %arg6[%get3A_2606, %get3A_2607] {strides = array<i32>} : memref<64x64xf32, #tpu.memory_space<vmem>>, vector<16xf32>,
        %mul3A_2609 = arith.mulf %get3A_2608, %sub3A_2588 : vector<16xf32>
        %add3A_2610 = arith.addf %add3A_2565, %mul3A_2609 : vector<16xf32>
        %mul3A_2611 = arith.mulf %get3A_2608, %gather3A_2585 : vector<16xf32>
        %add3A_2612 = arith.addf %add3A_2567, %mul3A_2611 : vector<16xf32>
        %get3A_2613 = arith.constant 55 : i32
        %get3A_2614 = arith.index_cast %get3A_2613 : i32 to index
        %get3A_2615 = arith.constant 48 : index
        %get3A_2616 = tpu.vector_load %arg6[%get3A_2614, %get3A_2615] {strides = array<i32>} : memref<64x64xf32, #tpu.memory_space<vmem>>, vector<16xf32>,
        %mul3A_2617 = arith.mulf %get3A_2616, %sub3A_2588 : vector<16xf32>
        %add3A_2618 = arith.addf %add3A_2573, %mul3A_2617 : vector<16xf32>
        %mul3A_2619 = arith.mulf %get3A_2616, %gather3A_2585 : vector<16xf32>
        %add3A_2620 = arith.addf %add3A_2575, %mul3A_2619 : vector<16xf32>
        %lt3A_2621 = arith.constant 0 : i32
        %lt3A_2622 = vector.broadcast %lt3A_2621 : i32 to vector<16xi32>
        %lt3A_2623 = arith.cmpi slt, %broadcast_in_dim3A_40, %lt3A_2622 : vector<16xi32>
        %add3A_2624 = arith.constant 16 : i32
        %add3A_2625 = vector.broadcast %add3A_2624 : i32 to vector<16xi32>
        %add3A_2626 = arith.addi %broadcast_in_dim3A_40, %add3A_2625 : vector<16xi32>
        %select_n3A_2627 = arith.select %lt3A_2623, %add3A_2626, %broadcast_in_dim3A_40 : vector<16xi1>, vector<16xi32>
        %broadcast_in_dim3A_2628 = vector.shape_cast %select_n3A_2627 : vector<16xi32> to vector<16x1xi32>
        %gather3A_2629 = vector.shape_cast %broadcast_in_dim3A_2628 : vector<16x1xi32> to vector<16xi32>
        %gather3A_2630 = tpu.dynamic_gather %scan3A_85[%gather3A_2629] in [0] : vector<16xf32>, vector<16xi32> -> vector<16xf32>
        %sub3A_2631 = arith.constant 1.000000e+00 : f32
        %sub3A_2632 = vector.broadcast %sub3A_2631 : f32 to vector<16xf32>
        %sub3A_2633 = arith.subf %sub3A_2632, %gather3A_2630 : vector<16xf32>
        %get3A_2634 = arith.constant 56 : i32
        %get3A_2635 = arith.index_cast %get3A_2634 : i32 to index
        %get3A_2636 = arith.constant 0 : index
        %get3A_2637 = tpu.vector_load %arg6[%get3A_2635, %get3A_2636] {strides = array<i32>} : memref<64x64xf32, #tpu.memory_space<vmem>>, vector<16xf32>,
        %mul3A_2638 = arith.mulf %get3A_2637, %sub3A_2633 : vector<16xf32>
        %add3A_2639 = arith.addf %add3A_2594, %mul3A_2638 : vector<16xf32>
        %mul3A_2640 = arith.mulf %get3A_2637, %gather3A_2630 : vector<16xf32>
        %add3A_2641 = arith.addf %add3A_2596, %mul3A_2640 : vector<16xf32>
        %get3A_2642 = arith.constant 56 : i32
        %get3A_2643 = arith.index_cast %get3A_2642 : i32 to index
        %get3A_2644 = arith.constant 16 : index
        %get3A_2645 = tpu.vector_load %arg6[%get3A_2643, %get3A_2644] {strides = array<i32>} : memref<64x64xf32, #tpu.memory_space<vmem>>, vector<16xf32>,
        %mul3A_2646 = arith.mulf %get3A_2645, %sub3A_2633 : vector<16xf32>
        %add3A_2647 = arith.addf %add3A_2602, %mul3A_2646 : vector<16xf32>
        %mul3A_2648 = arith.mulf %get3A_2645, %gather3A_2630 : vector<16xf32>
        %add3A_2649 = arith.addf %add3A_2604, %mul3A_2648 : vector<16xf32>
        %get3A_2650 = arith.constant 56 : i32
        %get3A_2651 = arith.index_cast %get3A_2650 : i32 to index
        %get3A_2652 = arith.constant 32 : index
        %get3A_2653 = tpu.vector_load %arg6[%get3A_2651, %get3A_2652] {strides = array<i32>} : memref<64x64xf32, #tpu.memory_space<vmem>>, vector<16xf32>,
        %mul3A_2654 = arith.mulf %get3A_2653, %sub3A_2633 : vector<16xf32>
        %add3A_2655 = arith.addf %add3A_2610, %mul3A_2654 : vector<16xf32>
        %mul3A_2656 = arith.mulf %get3A_2653, %gather3A_2630 : vector<16xf32>
        %add3A_2657 = arith.addf %add3A_2612, %mul3A_2656 : vector<16xf32>
        %get3A_2658 = arith.constant 56 : i32
        %get3A_2659 = arith.index_cast %get3A_2658 : i32 to index
        %get3A_2660 = arith.constant 48 : index
        %get3A_2661 = tpu.vector_load %arg6[%get3A_2659, %get3A_2660] {strides = array<i32>} : memref<64x64xf32, #tpu.memory_space<vmem>>, vector<16xf32>,
        %mul3A_2662 = arith.mulf %get3A_2661, %sub3A_2633 : vector<16xf32>
        %add3A_2663 = arith.addf %add3A_2618, %mul3A_2662 : vector<16xf32>
        %mul3A_2664 = arith.mulf %get3A_2661, %gather3A_2630 : vector<16xf32>
        %add3A_2665 = arith.addf %add3A_2620, %mul3A_2664 : vector<16xf32>
        %lt3A_2666 = arith.constant 0 : i32
        %lt3A_2667 = vector.broadcast %lt3A_2666 : i32 to vector<16xi32>
        %lt3A_2668 = arith.cmpi slt, %broadcast_in_dim3A_42, %lt3A_2667 : vector<16xi32>
        %add3A_2669 = arith.constant 16 : i32
        %add3A_2670 = vector.broadcast %add3A_2669 : i32 to vector<16xi32>
        %add3A_2671 = arith.addi %broadcast_in_dim3A_42, %add3A_2670 : vector<16xi32>
        %select_n3A_2672 = arith.select %lt3A_2668, %add3A_2671, %broadcast_in_dim3A_42 : vector<16xi1>, vector<16xi32>
        %broadcast_in_dim3A_2673 = vector.shape_cast %select_n3A_2672 : vector<16xi32> to vector<16x1xi32>
        %gather3A_2674 = vector.shape_cast %broadcast_in_dim3A_2673 : vector<16x1xi32> to vector<16xi32>
        %gather3A_2675 = tpu.dynamic_gather %scan3A_85[%gather3A_2674] in [0] : vector<16xf32>, vector<16xi32> -> vector<16xf32>
        %sub3A_2676 = arith.constant 1.000000e+00 : f32
        %sub3A_2677 = vector.broadcast %sub3A_2676 : f32 to vector<16xf32>
        %sub3A_2678 = arith.subf %sub3A_2677, %gather3A_2675 : vector<16xf32>
        %get3A_2679 = arith.constant 57 : i32
        %get3A_2680 = arith.index_cast %get3A_2679 : i32 to index
        %get3A_2681 = arith.constant 0 : index
        %get3A_2682 = tpu.vector_load %arg6[%get3A_2680, %get3A_2681] {strides = array<i32>} : memref<64x64xf32, #tpu.memory_space<vmem>>, vector<16xf32>,
        %mul3A_2683 = arith.mulf %get3A_2682, %sub3A_2678 : vector<16xf32>
        %add3A_2684 = arith.addf %add3A_2639, %mul3A_2683 : vector<16xf32>
        %mul3A_2685 = arith.mulf %get3A_2682, %gather3A_2675 : vector<16xf32>
        %add3A_2686 = arith.addf %add3A_2641, %mul3A_2685 : vector<16xf32>
        %get3A_2687 = arith.constant 57 : i32
        %get3A_2688 = arith.index_cast %get3A_2687 : i32 to index
        %get3A_2689 = arith.constant 16 : index
        %get3A_2690 = tpu.vector_load %arg6[%get3A_2688, %get3A_2689] {strides = array<i32>} : memref<64x64xf32, #tpu.memory_space<vmem>>, vector<16xf32>,
        %mul3A_2691 = arith.mulf %get3A_2690, %sub3A_2678 : vector<16xf32>
        %add3A_2692 = arith.addf %add3A_2647, %mul3A_2691 : vector<16xf32>
        %mul3A_2693 = arith.mulf %get3A_2690, %gather3A_2675 : vector<16xf32>
        %add3A_2694 = arith.addf %add3A_2649, %mul3A_2693 : vector<16xf32>
        %get3A_2695 = arith.constant 57 : i32
        %get3A_2696 = arith.index_cast %get3A_2695 : i32 to index
        %get3A_2697 = arith.constant 32 : index
        %get3A_2698 = tpu.vector_load %arg6[%get3A_2696, %get3A_2697] {strides = array<i32>} : memref<64x64xf32, #tpu.memory_space<vmem>>, vector<16xf32>,
        %mul3A_2699 = arith.mulf %get3A_2698, %sub3A_2678 : vector<16xf32>
        %add3A_2700 = arith.addf %add3A_2655, %mul3A_2699 : vector<16xf32>
        %mul3A_2701 = arith.mulf %get3A_2698, %gather3A_2675 : vector<16xf32>
        %add3A_2702 = arith.addf %add3A_2657, %mul3A_2701 : vector<16xf32>
        %get3A_2703 = arith.constant 57 : i32
        %get3A_2704 = arith.index_cast %get3A_2703 : i32 to index
        %get3A_2705 = arith.constant 48 : index
        %get3A_2706 = tpu.vector_load %arg6[%get3A_2704, %get3A_2705] {strides = array<i32>} : memref<64x64xf32, #tpu.memory_space<vmem>>, vector<16xf32>,
        %mul3A_2707 = arith.mulf %get3A_2706, %sub3A_2678 : vector<16xf32>
        %add3A_2708 = arith.addf %add3A_2663, %mul3A_2707 : vector<16xf32>
        %mul3A_2709 = arith.mulf %get3A_2706, %gather3A_2675 : vector<16xf32>
        %add3A_2710 = arith.addf %add3A_2665, %mul3A_2709 : vector<16xf32>
        %lt3A_2711 = arith.constant 0 : i32
        %lt3A_2712 = vector.broadcast %lt3A_2711 : i32 to vector<16xi32>
        %lt3A_2713 = arith.cmpi slt, %broadcast_in_dim3A_44, %lt3A_2712 : vector<16xi32>
        %add3A_2714 = arith.constant 16 : i32
        %add3A_2715 = vector.broadcast %add3A_2714 : i32 to vector<16xi32>
        %add3A_2716 = arith.addi %broadcast_in_dim3A_44, %add3A_2715 : vector<16xi32>
        %select_n3A_2717 = arith.select %lt3A_2713, %add3A_2716, %broadcast_in_dim3A_44 : vector<16xi1>, vector<16xi32>
        %broadcast_in_dim3A_2718 = vector.shape_cast %select_n3A_2717 : vector<16xi32> to vector<16x1xi32>
        %gather3A_2719 = vector.shape_cast %broadcast_in_dim3A_2718 : vector<16x1xi32> to vector<16xi32>
        %gather3A_2720 = tpu.dynamic_gather %scan3A_85[%gather3A_2719] in [0] : vector<16xf32>, vector<16xi32> -> vector<16xf32>
        %sub3A_2721 = arith.constant 1.000000e+00 : f32
        %sub3A_2722 = vector.broadcast %sub3A_2721 : f32 to vector<16xf32>
        %sub3A_2723 = arith.subf %sub3A_2722, %gather3A_2720 : vector<16xf32>
        %get3A_2724 = arith.constant 58 : i32
        %get3A_2725 = arith.index_cast %get3A_2724 : i32 to index
        %get3A_2726 = arith.constant 0 : index
        %get3A_2727 = tpu.vector_load %arg6[%get3A_2725, %get3A_2726] {strides = array<i32>} : memref<64x64xf32, #tpu.memory_space<vmem>>, vector<16xf32>,
        %mul3A_2728 = arith.mulf %get3A_2727, %sub3A_2723 : vector<16xf32>
        %add3A_2729 = arith.addf %add3A_2684, %mul3A_2728 : vector<16xf32>
        %mul3A_2730 = arith.mulf %get3A_2727, %gather3A_2720 : vector<16xf32>
        %add3A_2731 = arith.addf %add3A_2686, %mul3A_2730 : vector<16xf32>
        %get3A_2732 = arith.constant 58 : i32
        %get3A_2733 = arith.index_cast %get3A_2732 : i32 to index
        %get3A_2734 = arith.constant 16 : index
        %get3A_2735 = tpu.vector_load %arg6[%get3A_2733, %get3A_2734] {strides = array<i32>} : memref<64x64xf32, #tpu.memory_space<vmem>>, vector<16xf32>,
        %mul3A_2736 = arith.mulf %get3A_2735, %sub3A_2723 : vector<16xf32>
        %add3A_2737 = arith.addf %add3A_2692, %mul3A_2736 : vector<16xf32>
        %mul3A_2738 = arith.mulf %get3A_2735, %gather3A_2720 : vector<16xf32>
        %add3A_2739 = arith.addf %add3A_2694, %mul3A_2738 : vector<16xf32>
        %get3A_2740 = arith.constant 58 : i32
        %get3A_2741 = arith.index_cast %get3A_2740 : i32 to index
        %get3A_2742 = arith.constant 32 : index
        %get3A_2743 = tpu.vector_load %arg6[%get3A_2741, %get3A_2742] {strides = array<i32>} : memref<64x64xf32, #tpu.memory_space<vmem>>, vector<16xf32>,
        %mul3A_2744 = arith.mulf %get3A_2743, %sub3A_2723 : vector<16xf32>
        %add3A_2745 = arith.addf %add3A_2700, %mul3A_2744 : vector<16xf32>
        %mul3A_2746 = arith.mulf %get3A_2743, %gather3A_2720 : vector<16xf32>
        %add3A_2747 = arith.addf %add3A_2702, %mul3A_2746 : vector<16xf32>
        %get3A_2748 = arith.constant 58 : i32
        %get3A_2749 = arith.index_cast %get3A_2748 : i32 to index
        %get3A_2750 = arith.constant 48 : index
        %get3A_2751 = tpu.vector_load %arg6[%get3A_2749, %get3A_2750] {strides = array<i32>} : memref<64x64xf32, #tpu.memory_space<vmem>>, vector<16xf32>,
        %mul3A_2752 = arith.mulf %get3A_2751, %sub3A_2723 : vector<16xf32>
        %add3A_2753 = arith.addf %add3A_2708, %mul3A_2752 : vector<16xf32>
        %mul3A_2754 = arith.mulf %get3A_2751, %gather3A_2720 : vector<16xf32>
        %add3A_2755 = arith.addf %add3A_2710, %mul3A_2754 : vector<16xf32>
        %lt3A_2756 = arith.constant 0 : i32
        %lt3A_2757 = vector.broadcast %lt3A_2756 : i32 to vector<16xi32>
        %lt3A_2758 = arith.cmpi slt, %broadcast_in_dim3A_46, %lt3A_2757 : vector<16xi32>
        %add3A_2759 = arith.constant 16 : i32
        %add3A_2760 = vector.broadcast %add3A_2759 : i32 to vector<16xi32>
        %add3A_2761 = arith.addi %broadcast_in_dim3A_46, %add3A_2760 : vector<16xi32>
        %select_n3A_2762 = arith.select %lt3A_2758, %add3A_2761, %broadcast_in_dim3A_46 : vector<16xi1>, vector<16xi32>
        %broadcast_in_dim3A_2763 = vector.shape_cast %select_n3A_2762 : vector<16xi32> to vector<16x1xi32>
        %gather3A_2764 = vector.shape_cast %broadcast_in_dim3A_2763 : vector<16x1xi32> to vector<16xi32>
        %gather3A_2765 = tpu.dynamic_gather %scan3A_85[%gather3A_2764] in [0] : vector<16xf32>, vector<16xi32> -> vector<16xf32>
        %sub3A_2766 = arith.constant 1.000000e+00 : f32
        %sub3A_2767 = vector.broadcast %sub3A_2766 : f32 to vector<16xf32>
        %sub3A_2768 = arith.subf %sub3A_2767, %gather3A_2765 : vector<16xf32>
        %get3A_2769 = arith.constant 59 : i32
        %get3A_2770 = arith.index_cast %get3A_2769 : i32 to index
        %get3A_2771 = arith.constant 0 : index
        %get3A_2772 = tpu.vector_load %arg6[%get3A_2770, %get3A_2771] {strides = array<i32>} : memref<64x64xf32, #tpu.memory_space<vmem>>, vector<16xf32>,
        %mul3A_2773 = arith.mulf %get3A_2772, %sub3A_2768 : vector<16xf32>
        %add3A_2774 = arith.addf %add3A_2729, %mul3A_2773 : vector<16xf32>
        %mul3A_2775 = arith.mulf %get3A_2772, %gather3A_2765 : vector<16xf32>
        %add3A_2776 = arith.addf %add3A_2731, %mul3A_2775 : vector<16xf32>
        %get3A_2777 = arith.constant 59 : i32
        %get3A_2778 = arith.index_cast %get3A_2777 : i32 to index
        %get3A_2779 = arith.constant 16 : index
        %get3A_2780 = tpu.vector_load %arg6[%get3A_2778, %get3A_2779] {strides = array<i32>} : memref<64x64xf32, #tpu.memory_space<vmem>>, vector<16xf32>,
        %mul3A_2781 = arith.mulf %get3A_2780, %sub3A_2768 : vector<16xf32>
        %add3A_2782 = arith.addf %add3A_2737, %mul3A_2781 : vector<16xf32>
        %mul3A_2783 = arith.mulf %get3A_2780, %gather3A_2765 : vector<16xf32>
        %add3A_2784 = arith.addf %add3A_2739, %mul3A_2783 : vector<16xf32>
        %get3A_2785 = arith.constant 59 : i32
        %get3A_2786 = arith.index_cast %get3A_2785 : i32 to index
        %get3A_2787 = arith.constant 32 : index
        %get3A_2788 = tpu.vector_load %arg6[%get3A_2786, %get3A_2787] {strides = array<i32>} : memref<64x64xf32, #tpu.memory_space<vmem>>, vector<16xf32>,
        %mul3A_2789 = arith.mulf %get3A_2788, %sub3A_2768 : vector<16xf32>
        %add3A_2790 = arith.addf %add3A_2745, %mul3A_2789 : vector<16xf32>
        %mul3A_2791 = arith.mulf %get3A_2788, %gather3A_2765 : vector<16xf32>
        %add3A_2792 = arith.addf %add3A_2747, %mul3A_2791 : vector<16xf32>
        %get3A_2793 = arith.constant 59 : i32
        %get3A_2794 = arith.index_cast %get3A_2793 : i32 to index
        %get3A_2795 = arith.constant 48 : index
        %get3A_2796 = tpu.vector_load %arg6[%get3A_2794, %get3A_2795] {strides = array<i32>} : memref<64x64xf32, #tpu.memory_space<vmem>>, vector<16xf32>,
        %mul3A_2797 = arith.mulf %get3A_2796, %sub3A_2768 : vector<16xf32>
        %add3A_2798 = arith.addf %add3A_2753, %mul3A_2797 : vector<16xf32>
        %mul3A_2799 = arith.mulf %get3A_2796, %gather3A_2765 : vector<16xf32>
        %add3A_2800 = arith.addf %add3A_2755, %mul3A_2799 : vector<16xf32>
        %lt3A_2801 = arith.constant 0 : i32
        %lt3A_2802 = vector.broadcast %lt3A_2801 : i32 to vector<16xi32>
        %lt3A_2803 = arith.cmpi slt, %broadcast_in_dim3A_48, %lt3A_2802 : vector<16xi32>
        %add3A_2804 = arith.constant 16 : i32
        %add3A_2805 = vector.broadcast %add3A_2804 : i32 to vector<16xi32>
        %add3A_2806 = arith.addi %broadcast_in_dim3A_48, %add3A_2805 : vector<16xi32>
        %select_n3A_2807 = arith.select %lt3A_2803, %add3A_2806, %broadcast_in_dim3A_48 : vector<16xi1>, vector<16xi32>
        %broadcast_in_dim3A_2808 = vector.shape_cast %select_n3A_2807 : vector<16xi32> to vector<16x1xi32>
        %gather3A_2809 = vector.shape_cast %broadcast_in_dim3A_2808 : vector<16x1xi32> to vector<16xi32>
        %gather3A_2810 = tpu.dynamic_gather %scan3A_85[%gather3A_2809] in [0] : vector<16xf32>, vector<16xi32> -> vector<16xf32>
        %sub3A_2811 = arith.constant 1.000000e+00 : f32
        %sub3A_2812 = vector.broadcast %sub3A_2811 : f32 to vector<16xf32>
        %sub3A_2813 = arith.subf %sub3A_2812, %gather3A_2810 : vector<16xf32>
        %get3A_2814 = arith.constant 60 : i32
        %get3A_2815 = arith.index_cast %get3A_2814 : i32 to index
        %get3A_2816 = arith.constant 0 : index
        %get3A_2817 = tpu.vector_load %arg6[%get3A_2815, %get3A_2816] {strides = array<i32>} : memref<64x64xf32, #tpu.memory_space<vmem>>, vector<16xf32>,
        %mul3A_2818 = arith.mulf %get3A_2817, %sub3A_2813 : vector<16xf32>
        %add3A_2819 = arith.addf %add3A_2774, %mul3A_2818 : vector<16xf32>
        %mul3A_2820 = arith.mulf %get3A_2817, %gather3A_2810 : vector<16xf32>
        %add3A_2821 = arith.addf %add3A_2776, %mul3A_2820 : vector<16xf32>
        %get3A_2822 = arith.constant 60 : i32
        %get3A_2823 = arith.index_cast %get3A_2822 : i32 to index
        %get3A_2824 = arith.constant 16 : index
        %get3A_2825 = tpu.vector_load %arg6[%get3A_2823, %get3A_2824] {strides = array<i32>} : memref<64x64xf32, #tpu.memory_space<vmem>>, vector<16xf32>,
        %mul3A_2826 = arith.mulf %get3A_2825, %sub3A_2813 : vector<16xf32>
        %add3A_2827 = arith.addf %add3A_2782, %mul3A_2826 : vector<16xf32>
        %mul3A_2828 = arith.mulf %get3A_2825, %gather3A_2810 : vector<16xf32>
        %add3A_2829 = arith.addf %add3A_2784, %mul3A_2828 : vector<16xf32>
        %get3A_2830 = arith.constant 60 : i32
        %get3A_2831 = arith.index_cast %get3A_2830 : i32 to index
        %get3A_2832 = arith.constant 32 : index
        %get3A_2833 = tpu.vector_load %arg6[%get3A_2831, %get3A_2832] {strides = array<i32>} : memref<64x64xf32, #tpu.memory_space<vmem>>, vector<16xf32>,
        %mul3A_2834 = arith.mulf %get3A_2833, %sub3A_2813 : vector<16xf32>
        %add3A_2835 = arith.addf %add3A_2790, %mul3A_2834 : vector<16xf32>
        %mul3A_2836 = arith.mulf %get3A_2833, %gather3A_2810 : vector<16xf32>
        %add3A_2837 = arith.addf %add3A_2792, %mul3A_2836 : vector<16xf32>
        %get3A_2838 = arith.constant 60 : i32
        %get3A_2839 = arith.index_cast %get3A_2838 : i32 to index
        %get3A_2840 = arith.constant 48 : index
        %get3A_2841 = tpu.vector_load %arg6[%get3A_2839, %get3A_2840] {strides = array<i32>} : memref<64x64xf32, #tpu.memory_space<vmem>>, vector<16xf32>,
        %mul3A_2842 = arith.mulf %get3A_2841, %sub3A_2813 : vector<16xf32>
        %add3A_2843 = arith.addf %add3A_2798, %mul3A_2842 : vector<16xf32>
        %mul3A_2844 = arith.mulf %get3A_2841, %gather3A_2810 : vector<16xf32>
        %add3A_2845 = arith.addf %add3A_2800, %mul3A_2844 : vector<16xf32>
        %lt3A_2846 = arith.constant 0 : i32
        %lt3A_2847 = vector.broadcast %lt3A_2846 : i32 to vector<16xi32>
        %lt3A_2848 = arith.cmpi slt, %broadcast_in_dim3A_50, %lt3A_2847 : vector<16xi32>
        %add3A_2849 = arith.constant 16 : i32
        %add3A_2850 = vector.broadcast %add3A_2849 : i32 to vector<16xi32>
        %add3A_2851 = arith.addi %broadcast_in_dim3A_50, %add3A_2850 : vector<16xi32>
        %select_n3A_2852 = arith.select %lt3A_2848, %add3A_2851, %broadcast_in_dim3A_50 : vector<16xi1>, vector<16xi32>
        %broadcast_in_dim3A_2853 = vector.shape_cast %select_n3A_2852 : vector<16xi32> to vector<16x1xi32>
        %gather3A_2854 = vector.shape_cast %broadcast_in_dim3A_2853 : vector<16x1xi32> to vector<16xi32>
        %gather3A_2855 = tpu.dynamic_gather %scan3A_85[%gather3A_2854] in [0] : vector<16xf32>, vector<16xi32> -> vector<16xf32>
        %sub3A_2856 = arith.constant 1.000000e+00 : f32
        %sub3A_2857 = vector.broadcast %sub3A_2856 : f32 to vector<16xf32>
        %sub3A_2858 = arith.subf %sub3A_2857, %gather3A_2855 : vector<16xf32>
        %get3A_2859 = arith.constant 61 : i32
        %get3A_2860 = arith.index_cast %get3A_2859 : i32 to index
        %get3A_2861 = arith.constant 0 : index
        %get3A_2862 = tpu.vector_load %arg6[%get3A_2860, %get3A_2861] {strides = array<i32>} : memref<64x64xf32, #tpu.memory_space<vmem>>, vector<16xf32>,
        %mul3A_2863 = arith.mulf %get3A_2862, %sub3A_2858 : vector<16xf32>
        %add3A_2864 = arith.addf %add3A_2819, %mul3A_2863 : vector<16xf32>
        %mul3A_2865 = arith.mulf %get3A_2862, %gather3A_2855 : vector<16xf32>
        %add3A_2866 = arith.addf %add3A_2821, %mul3A_2865 : vector<16xf32>
        %get3A_2867 = arith.constant 61 : i32
        %get3A_2868 = arith.index_cast %get3A_2867 : i32 to index
        %get3A_2869 = arith.constant 16 : index
        %get3A_2870 = tpu.vector_load %arg6[%get3A_2868, %get3A_2869] {strides = array<i32>} : memref<64x64xf32, #tpu.memory_space<vmem>>, vector<16xf32>,
        %mul3A_2871 = arith.mulf %get3A_2870, %sub3A_2858 : vector<16xf32>
        %add3A_2872 = arith.addf %add3A_2827, %mul3A_2871 : vector<16xf32>
        %mul3A_2873 = arith.mulf %get3A_2870, %gather3A_2855 : vector<16xf32>
        %add3A_2874 = arith.addf %add3A_2829, %mul3A_2873 : vector<16xf32>
        %get3A_2875 = arith.constant 61 : i32
        %get3A_2876 = arith.index_cast %get3A_2875 : i32 to index
        %get3A_2877 = arith.constant 32 : index
        %get3A_2878 = tpu.vector_load %arg6[%get3A_2876, %get3A_2877] {strides = array<i32>} : memref<64x64xf32, #tpu.memory_space<vmem>>, vector<16xf32>,
        %mul3A_2879 = arith.mulf %get3A_2878, %sub3A_2858 : vector<16xf32>
        %add3A_2880 = arith.addf %add3A_2835, %mul3A_2879 : vector<16xf32>
        %mul3A_2881 = arith.mulf %get3A_2878, %gather3A_2855 : vector<16xf32>
        %add3A_2882 = arith.addf %add3A_2837, %mul3A_2881 : vector<16xf32>
        %get3A_2883 = arith.constant 61 : i32
        %get3A_2884 = arith.index_cast %get3A_2883 : i32 to index
        %get3A_2885 = arith.constant 48 : index
        %get3A_2886 = tpu.vector_load %arg6[%get3A_2884, %get3A_2885] {strides = array<i32>} : memref<64x64xf32, #tpu.memory_space<vmem>>, vector<16xf32>,
        %mul3A_2887 = arith.mulf %get3A_2886, %sub3A_2858 : vector<16xf32>
        %add3A_2888 = arith.addf %add3A_2843, %mul3A_2887 : vector<16xf32>
        %mul3A_2889 = arith.mulf %get3A_2886, %gather3A_2855 : vector<16xf32>
        %add3A_2890 = arith.addf %add3A_2845, %mul3A_2889 : vector<16xf32>
        %lt3A_2891 = arith.constant 0 : i32
        %lt3A_2892 = vector.broadcast %lt3A_2891 : i32 to vector<16xi32>
        %lt3A_2893 = arith.cmpi slt, %broadcast_in_dim3A_52, %lt3A_2892 : vector<16xi32>
        %add3A_2894 = arith.constant 16 : i32
        %add3A_2895 = vector.broadcast %add3A_2894 : i32 to vector<16xi32>
        %add3A_2896 = arith.addi %broadcast_in_dim3A_52, %add3A_2895 : vector<16xi32>
        %select_n3A_2897 = arith.select %lt3A_2893, %add3A_2896, %broadcast_in_dim3A_52 : vector<16xi1>, vector<16xi32>
        %broadcast_in_dim3A_2898 = vector.shape_cast %select_n3A_2897 : vector<16xi32> to vector<16x1xi32>
        %gather3A_2899 = vector.shape_cast %broadcast_in_dim3A_2898 : vector<16x1xi32> to vector<16xi32>
        %gather3A_2900 = tpu.dynamic_gather %scan3A_85[%gather3A_2899] in [0] : vector<16xf32>, vector<16xi32> -> vector<16xf32>
        %sub3A_2901 = arith.constant 1.000000e+00 : f32
        %sub3A_2902 = vector.broadcast %sub3A_2901 : f32 to vector<16xf32>
        %sub3A_2903 = arith.subf %sub3A_2902, %gather3A_2900 : vector<16xf32>
        %get3A_2904 = arith.constant 62 : i32
        %get3A_2905 = arith.index_cast %get3A_2904 : i32 to index
        %get3A_2906 = arith.constant 0 : index
        %get3A_2907 = tpu.vector_load %arg6[%get3A_2905, %get3A_2906] {strides = array<i32>} : memref<64x64xf32, #tpu.memory_space<vmem>>, vector<16xf32>,
        %mul3A_2908 = arith.mulf %get3A_2907, %sub3A_2903 : vector<16xf32>
        %add3A_2909 = arith.addf %add3A_2864, %mul3A_2908 : vector<16xf32>
        %mul3A_2910 = arith.mulf %get3A_2907, %gather3A_2900 : vector<16xf32>
        %add3A_2911 = arith.addf %add3A_2866, %mul3A_2910 : vector<16xf32>
        %get3A_2912 = arith.constant 62 : i32
        %get3A_2913 = arith.index_cast %get3A_2912 : i32 to index
        %get3A_2914 = arith.constant 16 : index
        %get3A_2915 = tpu.vector_load %arg6[%get3A_2913, %get3A_2914] {strides = array<i32>} : memref<64x64xf32, #tpu.memory_space<vmem>>, vector<16xf32>,
        %mul3A_2916 = arith.mulf %get3A_2915, %sub3A_2903 : vector<16xf32>
        %add3A_2917 = arith.addf %add3A_2872, %mul3A_2916 : vector<16xf32>
        %mul3A_2918 = arith.mulf %get3A_2915, %gather3A_2900 : vector<16xf32>
        %add3A_2919 = arith.addf %add3A_2874, %mul3A_2918 : vector<16xf32>
        %get3A_2920 = arith.constant 62 : i32
        %get3A_2921 = arith.index_cast %get3A_2920 : i32 to index
        %get3A_2922 = arith.constant 32 : index
        %get3A_2923 = tpu.vector_load %arg6[%get3A_2921, %get3A_2922] {strides = array<i32>} : memref<64x64xf32, #tpu.memory_space<vmem>>, vector<16xf32>,
        %mul3A_2924 = arith.mulf %get3A_2923, %sub3A_2903 : vector<16xf32>
        %add3A_2925 = arith.addf %add3A_2880, %mul3A_2924 : vector<16xf32>
        %mul3A_2926 = arith.mulf %get3A_2923, %gather3A_2900 : vector<16xf32>
        %add3A_2927 = arith.addf %add3A_2882, %mul3A_2926 : vector<16xf32>
        %get3A_2928 = arith.constant 62 : i32
        %get3A_2929 = arith.index_cast %get3A_2928 : i32 to index
        %get3A_2930 = arith.constant 48 : index
        %get3A_2931 = tpu.vector_load %arg6[%get3A_2929, %get3A_2930] {strides = array<i32>} : memref<64x64xf32, #tpu.memory_space<vmem>>, vector<16xf32>,
        %mul3A_2932 = arith.mulf %get3A_2931, %sub3A_2903 : vector<16xf32>
        %add3A_2933 = arith.addf %add3A_2888, %mul3A_2932 : vector<16xf32>
        %mul3A_2934 = arith.mulf %get3A_2931, %gather3A_2900 : vector<16xf32>
        %add3A_2935 = arith.addf %add3A_2890, %mul3A_2934 : vector<16xf32>
        %lt3A_2936 = arith.constant 0 : i32
        %lt3A_2937 = vector.broadcast %lt3A_2936 : i32 to vector<16xi32>
        %lt3A_2938 = arith.cmpi slt, %broadcast_in_dim3A_54, %lt3A_2937 : vector<16xi32>
        %add3A_2939 = arith.constant 16 : i32
        %add3A_2940 = vector.broadcast %add3A_2939 : i32 to vector<16xi32>
        %add3A_2941 = arith.addi %broadcast_in_dim3A_54, %add3A_2940 : vector<16xi32>
        %select_n3A_2942 = arith.select %lt3A_2938, %add3A_2941, %broadcast_in_dim3A_54 : vector<16xi1>, vector<16xi32>
        %broadcast_in_dim3A_2943 = vector.shape_cast %select_n3A_2942 : vector<16xi32> to vector<16x1xi32>
        %gather3A_2944 = vector.shape_cast %broadcast_in_dim3A_2943 : vector<16x1xi32> to vector<16xi32>
        %gather3A_2945 = tpu.dynamic_gather %scan3A_85[%gather3A_2944] in [0] : vector<16xf32>, vector<16xi32> -> vector<16xf32>
        %sub3A_2946 = arith.constant 1.000000e+00 : f32
        %sub3A_2947 = vector.broadcast %sub3A_2946 : f32 to vector<16xf32>
        %sub3A_2948 = arith.subf %sub3A_2947, %gather3A_2945 : vector<16xf32>
        %get3A_2949 = arith.constant 63 : i32
        %get3A_2950 = arith.index_cast %get3A_2949 : i32 to index
        %get3A_2951 = arith.constant 0 : index
        %get3A_2952 = tpu.vector_load %arg6[%get3A_2950, %get3A_2951] {strides = array<i32>} : memref<64x64xf32, #tpu.memory_space<vmem>>, vector<16xf32>,
        %mul3A_2953 = arith.mulf %get3A_2952, %sub3A_2948 : vector<16xf32>
        %add3A_2954 = arith.addf %add3A_2909, %mul3A_2953 : vector<16xf32>
        %mul3A_2955 = arith.mulf %get3A_2952, %gather3A_2945 : vector<16xf32>
        %add3A_2956 = arith.addf %add3A_2911, %mul3A_2955 : vector<16xf32>
        %get3A_2957 = arith.constant 63 : i32
        %get3A_2958 = arith.index_cast %get3A_2957 : i32 to index
        %get3A_2959 = arith.constant 16 : index
        %get3A_2960 = tpu.vector_load %arg6[%get3A_2958, %get3A_2959] {strides = array<i32>} : memref<64x64xf32, #tpu.memory_space<vmem>>, vector<16xf32>,
        %mul3A_2961 = arith.mulf %get3A_2960, %sub3A_2948 : vector<16xf32>
        %add3A_2962 = arith.addf %add3A_2917, %mul3A_2961 : vector<16xf32>
        %mul3A_2963 = arith.mulf %get3A_2960, %gather3A_2945 : vector<16xf32>
        %add3A_2964 = arith.addf %add3A_2919, %mul3A_2963 : vector<16xf32>
        %get3A_2965 = arith.constant 63 : i32
        %get3A_2966 = arith.index_cast %get3A_2965 : i32 to index
        %get3A_2967 = arith.constant 32 : index
        %get3A_2968 = tpu.vector_load %arg6[%get3A_2966, %get3A_2967] {strides = array<i32>} : memref<64x64xf32, #tpu.memory_space<vmem>>, vector<16xf32>,
        %mul3A_2969 = arith.mulf %get3A_2968, %sub3A_2948 : vector<16xf32>
        %add3A_2970 = arith.addf %add3A_2925, %mul3A_2969 : vector<16xf32>
        %mul3A_2971 = arith.mulf %get3A_2968, %gather3A_2945 : vector<16xf32>
        %add3A_2972 = arith.addf %add3A_2927, %mul3A_2971 : vector<16xf32>
        %get3A_2973 = arith.constant 63 : i32
        %get3A_2974 = arith.index_cast %get3A_2973 : i32 to index
        %get3A_2975 = arith.constant 48 : index
        %get3A_2976 = tpu.vector_load %arg6[%get3A_2974, %get3A_2975] {strides = array<i32>} : memref<64x64xf32, #tpu.memory_space<vmem>>, vector<16xf32>,
        %mul3A_2977 = arith.mulf %get3A_2976, %sub3A_2948 : vector<16xf32>
        %add3A_2978 = arith.addf %add3A_2933, %mul3A_2977 : vector<16xf32>
        %mul3A_2979 = arith.mulf %get3A_2976, %gather3A_2945 : vector<16xf32>
        %add3A_2980 = arith.addf %add3A_2935, %mul3A_2979 : vector<16xf32>
        %div3A = arith.divf %add3A_2954, %scan3A_86 : vector<16xf32>
        %broadcast_in_dim3A_2981 = vector.broadcast %scan3A_55 : f32 to vector<16xf32>
        %select_n3A_2982 = arith.select %eq3A_88, %div3A, %broadcast_in_dim3A_2981 : vector<16xi1>, vector<16xf32>
        %div3A_2983 = arith.divf %add3A_2962, %scan3A_86 : vector<16xf32>
        %broadcast_in_dim3A_2984 = vector.broadcast %scan3A_55 : f32 to vector<16xf32>
        %select_n3A_2985 = arith.select %eq3A_91, %div3A_2983, %broadcast_in_dim3A_2984 : vector<16xi1>, vector<16xf32>
        %div3A_2986 = arith.divf %add3A_2970, %scan3A_86 : vector<16xf32>
        %broadcast_in_dim3A_2987 = vector.broadcast %scan3A_55 : f32 to vector<16xf32>
        %select_n3A_2988 = arith.select %eq3A_94, %div3A_2986, %broadcast_in_dim3A_2987 : vector<16xi1>, vector<16xf32>
        %div3A_2989 = arith.divf %add3A_2978, %scan3A_86 : vector<16xf32>
        %broadcast_in_dim3A_2990 = vector.broadcast %scan3A_55 : f32 to vector<16xf32>
        %select_n3A_2991 = arith.select %eq3A_97, %div3A_2989, %broadcast_in_dim3A_2990 : vector<16xi1>, vector<16xf32>
        %div3A_2992 = arith.divf %add3A_2956, %max3A_101 : vector<16xf32>
        %broadcast_in_dim3A_2993 = vector.broadcast %scan3A_55 : f32 to vector<16xf32>
        %select_n3A_2994 = arith.select %eq3A_88, %broadcast_in_dim3A_2993, %div3A_2992 : vector<16xi1>, vector<16xf32>
        %div3A_2995 = arith.divf %add3A_2964, %max3A_101 : vector<16xf32>
        %broadcast_in_dim3A_2996 = vector.broadcast %scan3A_55 : f32 to vector<16xf32>
        %select_n3A_2997 = arith.select %eq3A_91, %broadcast_in_dim3A_2996, %div3A_2995 : vector<16xi1>, vector<16xf32>
        %div3A_2998 = arith.divf %add3A_2972, %max3A_101 : vector<16xf32>
        %broadcast_in_dim3A_2999 = vector.broadcast %scan3A_55 : f32 to vector<16xf32>
        %select_n3A_3000 = arith.select %eq3A_94, %broadcast_in_dim3A_2999, %div3A_2998 : vector<16xi1>, vector<16xf32>
        %div3A_3001 = arith.divf %add3A_2980, %max3A_101 : vector<16xf32>
        %broadcast_in_dim3A_3002 = vector.broadcast %scan3A_55 : f32 to vector<16xf32>
        %select_n3A_3003 = arith.select %eq3A_97, %broadcast_in_dim3A_3002, %div3A_3001 : vector<16xi1>, vector<16xf32>
        %min3A = arith.minimumf %select_n3A_2982, %select_n3A_2985 : vector<16xf32>
        %min3A_3004 = arith.minimumf %select_n3A_2988, %select_n3A_2991 : vector<16xf32>
        %min3A_3005 = arith.minimumf %min3A, %min3A_3004 : vector<16xf32>
        %lt3A_3006 = arith.constant 0 : i32
        %lt3A_3007 = vector.broadcast %lt3A_3006 : i32 to vector<16xi32>
        %lt3A_3008 = arith.cmpi slt, %xor3A_14, %lt3A_3007 : vector<16xi32>
        %add3A_3009 = arith.constant 16 : i32
        %add3A_3010 = vector.broadcast %add3A_3009 : i32 to vector<16xi32>
        %add3A_3011 = arith.addi %xor3A_14, %add3A_3010 : vector<16xi32>
        %select_n3A_3012 = arith.select %lt3A_3008, %add3A_3011, %xor3A_14 : vector<16xi1>, vector<16xi32>
        %broadcast_in_dim3A_3013 = vector.shape_cast %select_n3A_3012 : vector<16xi32> to vector<16x1xi32>
        %gather3A_3014 = vector.shape_cast %broadcast_in_dim3A_3013 : vector<16x1xi32> to vector<16xi32>
        %gather3A_3015 = tpu.dynamic_gather %min3A_3005[%gather3A_3014] in [0] : vector<16xf32>, vector<16xi32> -> vector<16xf32>
        %min3A_3016 = arith.minimumf %min3A_3005, %gather3A_3015 : vector<16xf32>
        %lt3A_3017 = arith.constant 0 : i32
        %lt3A_3018 = vector.broadcast %lt3A_3017 : i32 to vector<16xi32>
        %lt3A_3019 = arith.cmpi slt, %xor3A_17, %lt3A_3018 : vector<16xi32>
        %add3A_3020 = arith.constant 16 : i32
        %add3A_3021 = vector.broadcast %add3A_3020 : i32 to vector<16xi32>
        %add3A_3022 = arith.addi %xor3A_17, %add3A_3021 : vector<16xi32>
        %select_n3A_3023 = arith.select %lt3A_3019, %add3A_3022, %xor3A_17 : vector<16xi1>, vector<16xi32>
        %broadcast_in_dim3A_3024 = vector.shape_cast %select_n3A_3023 : vector<16xi32> to vector<16x1xi32>
        %gather3A_3025 = vector.shape_cast %broadcast_in_dim3A_3024 : vector<16x1xi32> to vector<16xi32>
        %gather3A_3026 = tpu.dynamic_gather %min3A_3016[%gather3A_3025] in [0] : vector<16xf32>, vector<16xi32> -> vector<16xf32>
        %min3A_3027 = arith.minimumf %min3A_3016, %gather3A_3026 : vector<16xf32>
        %lt3A_3028 = arith.constant 0 : i32
        %lt3A_3029 = vector.broadcast %lt3A_3028 : i32 to vector<16xi32>
        %lt3A_3030 = arith.cmpi slt, %xor3A_20, %lt3A_3029 : vector<16xi32>
        %add3A_3031 = arith.constant 16 : i32
        %add3A_3032 = vector.broadcast %add3A_3031 : i32 to vector<16xi32>
        %add3A_3033 = arith.addi %xor3A_20, %add3A_3032 : vector<16xi32>
        %select_n3A_3034 = arith.select %lt3A_3030, %add3A_3033, %xor3A_20 : vector<16xi1>, vector<16xi32>
        %broadcast_in_dim3A_3035 = vector.shape_cast %select_n3A_3034 : vector<16xi32> to vector<16x1xi32>
        %gather3A_3036 = vector.shape_cast %broadcast_in_dim3A_3035 : vector<16x1xi32> to vector<16xi32>
        %gather3A_3037 = tpu.dynamic_gather %min3A_3027[%gather3A_3036] in [0] : vector<16xf32>, vector<16xi32> -> vector<16xf32>
        %min3A_3038 = arith.minimumf %min3A_3027, %gather3A_3037 : vector<16xf32>
        %lt3A_3039 = arith.constant 0 : i32
        %lt3A_3040 = vector.broadcast %lt3A_3039 : i32 to vector<16xi32>
        %lt3A_3041 = arith.cmpi slt, %xor3A_23, %lt3A_3040 : vector<16xi32>
        %add3A_3042 = arith.constant 16 : i32
        %add3A_3043 = vector.broadcast %add3A_3042 : i32 to vector<16xi32>
        %add3A_3044 = arith.addi %xor3A_23, %add3A_3043 : vector<16xi32>
        %select_n3A_3045 = arith.select %lt3A_3041, %add3A_3044, %xor3A_23 : vector<16xi1>, vector<16xi32>
        %broadcast_in_dim3A_3046 = vector.shape_cast %select_n3A_3045 : vector<16xi32> to vector<16x1xi32>
        %gather3A_3047 = vector.shape_cast %broadcast_in_dim3A_3046 : vector<16x1xi32> to vector<16xi32>
        %gather3A_3048 = tpu.dynamic_gather %min3A_3038[%gather3A_3047] in [0] : vector<16xf32>, vector<16xi32> -> vector<16xf32>
        %min3A_3049 = arith.minimumf %min3A_3038, %gather3A_3048 : vector<16xf32>
        %eq3A_3050 = arith.cmpf oeq, %select_n3A_2982, %min3A_3049 : vector<16xf32>
        %broadcast_in_dim3A_3051 = vector.broadcast %scan3A_56 : i32 to vector<16xi32>
        %select_n3A_3052 = arith.select %eq3A_3050, %add3A_3, %broadcast_in_dim3A_3051 : vector<16xi1>, vector<16xi32>
        %eq3A_3053 = arith.cmpf oeq, %select_n3A_2985, %min3A_3049 : vector<16xf32>
        %broadcast_in_dim3A_3054 = vector.broadcast %scan3A_56 : i32 to vector<16xi32>
        %select_n3A_3055 = arith.select %eq3A_3053, %add3A_6, %broadcast_in_dim3A_3054 : vector<16xi1>, vector<16xi32>
        %eq3A_3056 = arith.cmpf oeq, %select_n3A_2988, %min3A_3049 : vector<16xf32>
        %broadcast_in_dim3A_3057 = vector.broadcast %scan3A_56 : i32 to vector<16xi32>
        %select_n3A_3058 = arith.select %eq3A_3056, %add3A_9, %broadcast_in_dim3A_3057 : vector<16xi1>, vector<16xi32>
        %eq3A_3059 = arith.cmpf oeq, %select_n3A_2991, %min3A_3049 : vector<16xf32>
        %broadcast_in_dim3A_3060 = vector.broadcast %scan3A_56 : i32 to vector<16xi32>
        %select_n3A_3061 = arith.select %eq3A_3059, %add3A_12, %broadcast_in_dim3A_3060 : vector<16xi1>, vector<16xi32>
        %min3A_3062 = arith.minsi %select_n3A_3052, %select_n3A_3055 : vector<16xi32>
        %min3A_3063 = arith.minsi %select_n3A_3058, %select_n3A_3061 : vector<16xi32>
        %min3A_3064 = arith.minsi %min3A_3062, %min3A_3063 : vector<16xi32>
        %lt3A_3065 = arith.constant 0 : i32
        %lt3A_3066 = vector.broadcast %lt3A_3065 : i32 to vector<16xi32>
        %lt3A_3067 = arith.cmpi slt, %xor3A_14, %lt3A_3066 : vector<16xi32>
        %add3A_3068 = arith.constant 16 : i32
        %add3A_3069 = vector.broadcast %add3A_3068 : i32 to vector<16xi32>
        %add3A_3070 = arith.addi %xor3A_14, %add3A_3069 : vector<16xi32>
        %select_n3A_3071 = arith.select %lt3A_3067, %add3A_3070, %xor3A_14 : vector<16xi1>, vector<16xi32>
        %broadcast_in_dim3A_3072 = vector.shape_cast %select_n3A_3071 : vector<16xi32> to vector<16x1xi32>
        %gather3A_3073 = vector.shape_cast %broadcast_in_dim3A_3072 : vector<16x1xi32> to vector<16xi32>
        %gather3A_3074 = tpu.dynamic_gather %min3A_3064[%gather3A_3073] in [0] : vector<16xi32>, vector<16xi32> -> vector<16xi32>
        %min3A_3075 = arith.minsi %min3A_3064, %gather3A_3074 : vector<16xi32>
        %lt3A_3076 = arith.constant 0 : i32
        %lt3A_3077 = vector.broadcast %lt3A_3076 : i32 to vector<16xi32>
        %lt3A_3078 = arith.cmpi slt, %xor3A_17, %lt3A_3077 : vector<16xi32>
        %add3A_3079 = arith.constant 16 : i32
        %add3A_3080 = vector.broadcast %add3A_3079 : i32 to vector<16xi32>
        %add3A_3081 = arith.addi %xor3A_17, %add3A_3080 : vector<16xi32>
        %select_n3A_3082 = arith.select %lt3A_3078, %add3A_3081, %xor3A_17 : vector<16xi1>, vector<16xi32>
        %broadcast_in_dim3A_3083 = vector.shape_cast %select_n3A_3082 : vector<16xi32> to vector<16x1xi32>
        %gather3A_3084 = vector.shape_cast %broadcast_in_dim3A_3083 : vector<16x1xi32> to vector<16xi32>
        %gather3A_3085 = tpu.dynamic_gather %min3A_3075[%gather3A_3084] in [0] : vector<16xi32>, vector<16xi32> -> vector<16xi32>
        %min3A_3086 = arith.minsi %min3A_3075, %gather3A_3085 : vector<16xi32>
        %lt3A_3087 = arith.constant 0 : i32
        %lt3A_3088 = vector.broadcast %lt3A_3087 : i32 to vector<16xi32>
        %lt3A_3089 = arith.cmpi slt, %xor3A_20, %lt3A_3088 : vector<16xi32>
        %add3A_3090 = arith.constant 16 : i32
        %add3A_3091 = vector.broadcast %add3A_3090 : i32 to vector<16xi32>
        %add3A_3092 = arith.addi %xor3A_20, %add3A_3091 : vector<16xi32>
        %select_n3A_3093 = arith.select %lt3A_3089, %add3A_3092, %xor3A_20 : vector<16xi1>, vector<16xi32>
        %broadcast_in_dim3A_3094 = vector.shape_cast %select_n3A_3093 : vector<16xi32> to vector<16x1xi32>
        %gather3A_3095 = vector.shape_cast %broadcast_in_dim3A_3094 : vector<16x1xi32> to vector<16xi32>
        %gather3A_3096 = tpu.dynamic_gather %min3A_3086[%gather3A_3095] in [0] : vector<16xi32>, vector<16xi32> -> vector<16xi32>
        %min3A_3097 = arith.minsi %min3A_3086, %gather3A_3096 : vector<16xi32>
        %lt3A_3098 = arith.constant 0 : i32
        %lt3A_3099 = vector.broadcast %lt3A_3098 : i32 to vector<16xi32>
        %lt3A_3100 = arith.cmpi slt, %xor3A_23, %lt3A_3099 : vector<16xi32>
        %add3A_3101 = arith.constant 16 : i32
        %add3A_3102 = vector.broadcast %add3A_3101 : i32 to vector<16xi32>
        %add3A_3103 = arith.addi %xor3A_23, %add3A_3102 : vector<16xi32>
        %select_n3A_3104 = arith.select %lt3A_3100, %add3A_3103, %xor3A_23 : vector<16xi1>, vector<16xi32>
        %broadcast_in_dim3A_3105 = vector.shape_cast %select_n3A_3104 : vector<16xi32> to vector<16x1xi32>
        %gather3A_3106 = vector.shape_cast %broadcast_in_dim3A_3105 : vector<16x1xi32> to vector<16xi32>
        %gather3A_3107 = tpu.dynamic_gather %min3A_3097[%gather3A_3106] in [0] : vector<16xi32>, vector<16xi32> -> vector<16xi32>
        %min3A_3108 = arith.minsi %min3A_3097, %gather3A_3107 : vector<16xi32>
        %eq3A_3109 = arith.cmpi eq, %add3A_3, %min3A_3108 : vector<16xi32>
        %broadcast_in_dim3A_3110 = vector.broadcast %scan3A_55 : f32 to vector<16xf32>
        %select_n3A_3111 = arith.select %eq3A_3109, %broadcast_in_dim3A_3110, %select_n3A_2982 : vector<16xi1>, vector<16xf32>
        %eq3A_3112 = arith.cmpi eq, %add3A_6, %min3A_3108 : vector<16xi32>
        %broadcast_in_dim3A_3113 = vector.broadcast %scan3A_55 : f32 to vector<16xf32>
        %select_n3A_3114 = arith.select %eq3A_3112, %broadcast_in_dim3A_3113, %select_n3A_2985 : vector<16xi1>, vector<16xf32>
        %eq3A_3115 = arith.cmpi eq, %add3A_9, %min3A_3108 : vector<16xi32>
        %broadcast_in_dim3A_3116 = vector.broadcast %scan3A_55 : f32 to vector<16xf32>
        %select_n3A_3117 = arith.select %eq3A_3115, %broadcast_in_dim3A_3116, %select_n3A_2988 : vector<16xi1>, vector<16xf32>
        %eq3A_3118 = arith.cmpi eq, %add3A_12, %min3A_3108 : vector<16xi32>
        %broadcast_in_dim3A_3119 = vector.broadcast %scan3A_55 : f32 to vector<16xf32>
        %select_n3A_3120 = arith.select %eq3A_3118, %broadcast_in_dim3A_3119, %select_n3A_2991 : vector<16xi1>, vector<16xf32>
        %min3A_3121 = arith.minimumf %select_n3A_3111, %select_n3A_3114 : vector<16xf32>
        %min3A_3122 = arith.minimumf %select_n3A_3117, %select_n3A_3120 : vector<16xf32>
        %min3A_3123 = arith.minimumf %min3A_3121, %min3A_3122 : vector<16xf32>
        %lt3A_3124 = arith.constant 0 : i32
        %lt3A_3125 = vector.broadcast %lt3A_3124 : i32 to vector<16xi32>
        %lt3A_3126 = arith.cmpi slt, %xor3A_14, %lt3A_3125 : vector<16xi32>
        %add3A_3127 = arith.constant 16 : i32
        %add3A_3128 = vector.broadcast %add3A_3127 : i32 to vector<16xi32>
        %add3A_3129 = arith.addi %xor3A_14, %add3A_3128 : vector<16xi32>
        %select_n3A_3130 = arith.select %lt3A_3126, %add3A_3129, %xor3A_14 : vector<16xi1>, vector<16xi32>
        %broadcast_in_dim3A_3131 = vector.shape_cast %select_n3A_3130 : vector<16xi32> to vector<16x1xi32>
        %gather3A_3132 = vector.shape_cast %broadcast_in_dim3A_3131 : vector<16x1xi32> to vector<16xi32>
        %gather3A_3133 = tpu.dynamic_gather %min3A_3123[%gather3A_3132] in [0] : vector<16xf32>, vector<16xi32> -> vector<16xf32>
        %min3A_3134 = arith.minimumf %min3A_3123, %gather3A_3133 : vector<16xf32>
        %lt3A_3135 = arith.constant 0 : i32
        %lt3A_3136 = vector.broadcast %lt3A_3135 : i32 to vector<16xi32>
        %lt3A_3137 = arith.cmpi slt, %xor3A_17, %lt3A_3136 : vector<16xi32>
        %add3A_3138 = arith.constant 16 : i32
        %add3A_3139 = vector.broadcast %add3A_3138 : i32 to vector<16xi32>
        %add3A_3140 = arith.addi %xor3A_17, %add3A_3139 : vector<16xi32>
        %select_n3A_3141 = arith.select %lt3A_3137, %add3A_3140, %xor3A_17 : vector<16xi1>, vector<16xi32>
        %broadcast_in_dim3A_3142 = vector.shape_cast %select_n3A_3141 : vector<16xi32> to vector<16x1xi32>
        %gather3A_3143 = vector.shape_cast %broadcast_in_dim3A_3142 : vector<16x1xi32> to vector<16xi32>
        %gather3A_3144 = tpu.dynamic_gather %min3A_3134[%gather3A_3143] in [0] : vector<16xf32>, vector<16xi32> -> vector<16xf32>
        %min3A_3145 = arith.minimumf %min3A_3134, %gather3A_3144 : vector<16xf32>
        %lt3A_3146 = arith.constant 0 : i32
        %lt3A_3147 = vector.broadcast %lt3A_3146 : i32 to vector<16xi32>
        %lt3A_3148 = arith.cmpi slt, %xor3A_20, %lt3A_3147 : vector<16xi32>
        %add3A_3149 = arith.constant 16 : i32
        %add3A_3150 = vector.broadcast %add3A_3149 : i32 to vector<16xi32>
        %add3A_3151 = arith.addi %xor3A_20, %add3A_3150 : vector<16xi32>
        %select_n3A_3152 = arith.select %lt3A_3148, %add3A_3151, %xor3A_20 : vector<16xi1>, vector<16xi32>
        %broadcast_in_dim3A_3153 = vector.shape_cast %select_n3A_3152 : vector<16xi32> to vector<16x1xi32>
        %gather3A_3154 = vector.shape_cast %broadcast_in_dim3A_3153 : vector<16x1xi32> to vector<16xi32>
        %gather3A_3155 = tpu.dynamic_gather %min3A_3145[%gather3A_3154] in [0] : vector<16xf32>, vector<16xi32> -> vector<16xf32>
        %min3A_3156 = arith.minimumf %min3A_3145, %gather3A_3155 : vector<16xf32>
        %lt3A_3157 = arith.constant 0 : i32
        %lt3A_3158 = vector.broadcast %lt3A_3157 : i32 to vector<16xi32>
        %lt3A_3159 = arith.cmpi slt, %xor3A_23, %lt3A_3158 : vector<16xi32>
        %add3A_3160 = arith.constant 16 : i32
        %add3A_3161 = vector.broadcast %add3A_3160 : i32 to vector<16xi32>
        %add3A_3162 = arith.addi %xor3A_23, %add3A_3161 : vector<16xi32>
        %select_n3A_3163 = arith.select %lt3A_3159, %add3A_3162, %xor3A_23 : vector<16xi1>, vector<16xi32>
        %broadcast_in_dim3A_3164 = vector.shape_cast %select_n3A_3163 : vector<16xi32> to vector<16x1xi32>
        %gather3A_3165 = vector.shape_cast %broadcast_in_dim3A_3164 : vector<16x1xi32> to vector<16xi32>
        %gather3A_3166 = tpu.dynamic_gather %min3A_3156[%gather3A_3165] in [0] : vector<16xf32>, vector<16xi32> -> vector<16xf32>
        %min3A_3167 = arith.minimumf %min3A_3156, %gather3A_3166 : vector<16xf32>
        %min3A_3168 = arith.minimumf %select_n3A_2994, %select_n3A_2997 : vector<16xf32>
        %min3A_3169 = arith.minimumf %select_n3A_3000, %select_n3A_3003 : vector<16xf32>
        %min3A_3170 = arith.minimumf %min3A_3168, %min3A_3169 : vector<16xf32>
        %lt3A_3171 = arith.constant 0 : i32
        %lt3A_3172 = vector.broadcast %lt3A_3171 : i32 to vector<16xi32>
        %lt3A_3173 = arith.cmpi slt, %xor3A_14, %lt3A_3172 : vector<16xi32>
        %add3A_3174 = arith.constant 16 : i32
        %add3A_3175 = vector.broadcast %add3A_3174 : i32 to vector<16xi32>
        %add3A_3176 = arith.addi %xor3A_14, %add3A_3175 : vector<16xi32>
        %select_n3A_3177 = arith.select %lt3A_3173, %add3A_3176, %xor3A_14 : vector<16xi1>, vector<16xi32>
        %broadcast_in_dim3A_3178 = vector.shape_cast %select_n3A_3177 : vector<16xi32> to vector<16x1xi32>
        %gather3A_3179 = vector.shape_cast %broadcast_in_dim3A_3178 : vector<16x1xi32> to vector<16xi32>
        %gather3A_3180 = tpu.dynamic_gather %min3A_3170[%gather3A_3179] in [0] : vector<16xf32>, vector<16xi32> -> vector<16xf32>
        %min3A_3181 = arith.minimumf %min3A_3170, %gather3A_3180 : vector<16xf32>
        %lt3A_3182 = arith.constant 0 : i32
        %lt3A_3183 = vector.broadcast %lt3A_3182 : i32 to vector<16xi32>
        %lt3A_3184 = arith.cmpi slt, %xor3A_17, %lt3A_3183 : vector<16xi32>
        %add3A_3185 = arith.constant 16 : i32
        %add3A_3186 = vector.broadcast %add3A_3185 : i32 to vector<16xi32>
        %add3A_3187 = arith.addi %xor3A_17, %add3A_3186 : vector<16xi32>
        %select_n3A_3188 = arith.select %lt3A_3184, %add3A_3187, %xor3A_17 : vector<16xi1>, vector<16xi32>
        %broadcast_in_dim3A_3189 = vector.shape_cast %select_n3A_3188 : vector<16xi32> to vector<16x1xi32>
        %gather3A_3190 = vector.shape_cast %broadcast_in_dim3A_3189 : vector<16x1xi32> to vector<16xi32>
        %gather3A_3191 = tpu.dynamic_gather %min3A_3181[%gather3A_3190] in [0] : vector<16xf32>, vector<16xi32> -> vector<16xf32>
        %min3A_3192 = arith.minimumf %min3A_3181, %gather3A_3191 : vector<16xf32>
        %lt3A_3193 = arith.constant 0 : i32
        %lt3A_3194 = vector.broadcast %lt3A_3193 : i32 to vector<16xi32>
        %lt3A_3195 = arith.cmpi slt, %xor3A_20, %lt3A_3194 : vector<16xi32>
        %add3A_3196 = arith.constant 16 : i32
        %add3A_3197 = vector.broadcast %add3A_3196 : i32 to vector<16xi32>
        %add3A_3198 = arith.addi %xor3A_20, %add3A_3197 : vector<16xi32>
        %select_n3A_3199 = arith.select %lt3A_3195, %add3A_3198, %xor3A_20 : vector<16xi1>, vector<16xi32>
        %broadcast_in_dim3A_3200 = vector.shape_cast %select_n3A_3199 : vector<16xi32> to vector<16x1xi32>
        %gather3A_3201 = vector.shape_cast %broadcast_in_dim3A_3200 : vector<16x1xi32> to vector<16xi32>
        %gather3A_3202 = tpu.dynamic_gather %min3A_3192[%gather3A_3201] in [0] : vector<16xf32>, vector<16xi32> -> vector<16xf32>
        %min3A_3203 = arith.minimumf %min3A_3192, %gather3A_3202 : vector<16xf32>
        %lt3A_3204 = arith.constant 0 : i32
        %lt3A_3205 = vector.broadcast %lt3A_3204 : i32 to vector<16xi32>
        %lt3A_3206 = arith.cmpi slt, %xor3A_23, %lt3A_3205 : vector<16xi32>
        %add3A_3207 = arith.constant 16 : i32
        %add3A_3208 = vector.broadcast %add3A_3207 : i32 to vector<16xi32>
        %add3A_3209 = arith.addi %xor3A_23, %add3A_3208 : vector<16xi32>
        %select_n3A_3210 = arith.select %lt3A_3206, %add3A_3209, %xor3A_23 : vector<16xi1>, vector<16xi32>
        %broadcast_in_dim3A_3211 = vector.shape_cast %select_n3A_3210 : vector<16xi32> to vector<16x1xi32>
        %gather3A_3212 = vector.shape_cast %broadcast_in_dim3A_3211 : vector<16x1xi32> to vector<16xi32>
        %gather3A_3213 = tpu.dynamic_gather %min3A_3203[%gather3A_3212] in [0] : vector<16xf32>, vector<16xi32> -> vector<16xf32>
        %min3A_3214 = arith.minimumf %min3A_3203, %gather3A_3213 : vector<16xf32>
        %eq3A_3215 = arith.cmpf oeq, %select_n3A_2994, %min3A_3214 : vector<16xf32>
        %broadcast_in_dim3A_3216 = vector.broadcast %scan3A_56 : i32 to vector<16xi32>
        %select_n3A_3217 = arith.select %eq3A_3215, %add3A_3, %broadcast_in_dim3A_3216 : vector<16xi1>, vector<16xi32>
        %eq3A_3218 = arith.cmpf oeq, %select_n3A_2997, %min3A_3214 : vector<16xf32>
        %broadcast_in_dim3A_3219 = vector.broadcast %scan3A_56 : i32 to vector<16xi32>
        %select_n3A_3220 = arith.select %eq3A_3218, %add3A_6, %broadcast_in_dim3A_3219 : vector<16xi1>, vector<16xi32>
        %eq3A_3221 = arith.cmpf oeq, %select_n3A_3000, %min3A_3214 : vector<16xf32>
        %broadcast_in_dim3A_3222 = vector.broadcast %scan3A_56 : i32 to vector<16xi32>
        %select_n3A_3223 = arith.select %eq3A_3221, %add3A_9, %broadcast_in_dim3A_3222 : vector<16xi1>, vector<16xi32>
        %eq3A_3224 = arith.cmpf oeq, %select_n3A_3003, %min3A_3214 : vector<16xf32>
        %broadcast_in_dim3A_3225 = vector.broadcast %scan3A_56 : i32 to vector<16xi32>
        %select_n3A_3226 = arith.select %eq3A_3224, %add3A_12, %broadcast_in_dim3A_3225 : vector<16xi1>, vector<16xi32>
        %min3A_3227 = arith.minsi %select_n3A_3217, %select_n3A_3220 : vector<16xi32>
        %min3A_3228 = arith.minsi %select_n3A_3223, %select_n3A_3226 : vector<16xi32>
        %min3A_3229 = arith.minsi %min3A_3227, %min3A_3228 : vector<16xi32>
        %lt3A_3230 = arith.constant 0 : i32
        %lt3A_3231 = vector.broadcast %lt3A_3230 : i32 to vector<16xi32>
        %lt3A_3232 = arith.cmpi slt, %xor3A_14, %lt3A_3231 : vector<16xi32>
        %add3A_3233 = arith.constant 16 : i32
        %add3A_3234 = vector.broadcast %add3A_3233 : i32 to vector<16xi32>
        %add3A_3235 = arith.addi %xor3A_14, %add3A_3234 : vector<16xi32>
        %select_n3A_3236 = arith.select %lt3A_3232, %add3A_3235, %xor3A_14 : vector<16xi1>, vector<16xi32>
        %broadcast_in_dim3A_3237 = vector.shape_cast %select_n3A_3236 : vector<16xi32> to vector<16x1xi32>
        %gather3A_3238 = vector.shape_cast %broadcast_in_dim3A_3237 : vector<16x1xi32> to vector<16xi32>
        %gather3A_3239 = tpu.dynamic_gather %min3A_3229[%gather3A_3238] in [0] : vector<16xi32>, vector<16xi32> -> vector<16xi32>
        %min3A_3240 = arith.minsi %min3A_3229, %gather3A_3239 : vector<16xi32>
        %lt3A_3241 = arith.constant 0 : i32
        %lt3A_3242 = vector.broadcast %lt3A_3241 : i32 to vector<16xi32>
        %lt3A_3243 = arith.cmpi slt, %xor3A_17, %lt3A_3242 : vector<16xi32>
        %add3A_3244 = arith.constant 16 : i32
        %add3A_3245 = vector.broadcast %add3A_3244 : i32 to vector<16xi32>
        %add3A_3246 = arith.addi %xor3A_17, %add3A_3245 : vector<16xi32>
        %select_n3A_3247 = arith.select %lt3A_3243, %add3A_3246, %xor3A_17 : vector<16xi1>, vector<16xi32>
        %broadcast_in_dim3A_3248 = vector.shape_cast %select_n3A_3247 : vector<16xi32> to vector<16x1xi32>
        %gather3A_3249 = vector.shape_cast %broadcast_in_dim3A_3248 : vector<16x1xi32> to vector<16xi32>
        %gather3A_3250 = tpu.dynamic_gather %min3A_3240[%gather3A_3249] in [0] : vector<16xi32>, vector<16xi32> -> vector<16xi32>
        %min3A_3251 = arith.minsi %min3A_3240, %gather3A_3250 : vector<16xi32>
        %lt3A_3252 = arith.constant 0 : i32
        %lt3A_3253 = vector.broadcast %lt3A_3252 : i32 to vector<16xi32>
        %lt3A_3254 = arith.cmpi slt, %xor3A_20, %lt3A_3253 : vector<16xi32>
        %add3A_3255 = arith.constant 16 : i32
        %add3A_3256 = vector.broadcast %add3A_3255 : i32 to vector<16xi32>
        %add3A_3257 = arith.addi %xor3A_20, %add3A_3256 : vector<16xi32>
        %select_n3A_3258 = arith.select %lt3A_3254, %add3A_3257, %xor3A_20 : vector<16xi1>, vector<16xi32>
        %broadcast_in_dim3A_3259 = vector.shape_cast %select_n3A_3258 : vector<16xi32> to vector<16x1xi32>
        %gather3A_3260 = vector.shape_cast %broadcast_in_dim3A_3259 : vector<16x1xi32> to vector<16xi32>
        %gather3A_3261 = tpu.dynamic_gather %min3A_3251[%gather3A_3260] in [0] : vector<16xi32>, vector<16xi32> -> vector<16xi32>
        %min3A_3262 = arith.minsi %min3A_3251, %gather3A_3261 : vector<16xi32>
        %lt3A_3263 = arith.constant 0 : i32
        %lt3A_3264 = vector.broadcast %lt3A_3263 : i32 to vector<16xi32>
        %lt3A_3265 = arith.cmpi slt, %xor3A_23, %lt3A_3264 : vector<16xi32>
        %add3A_3266 = arith.constant 16 : i32
        %add3A_3267 = vector.broadcast %add3A_3266 : i32 to vector<16xi32>
        %add3A_3268 = arith.addi %xor3A_23, %add3A_3267 : vector<16xi32>
        %select_n3A_3269 = arith.select %lt3A_3265, %add3A_3268, %xor3A_23 : vector<16xi1>, vector<16xi32>
        %broadcast_in_dim3A_3270 = vector.shape_cast %select_n3A_3269 : vector<16xi32> to vector<16x1xi32>
        %gather3A_3271 = vector.shape_cast %broadcast_in_dim3A_3270 : vector<16x1xi32> to vector<16xi32>
        %gather3A_3272 = tpu.dynamic_gather %min3A_3262[%gather3A_3271] in [0] : vector<16xi32>, vector<16xi32> -> vector<16xi32>
        %min3A_3273 = arith.minsi %min3A_3262, %gather3A_3272 : vector<16xi32>
        %eq3A_3274 = arith.cmpi eq, %add3A_3, %min3A_3273 : vector<16xi32>
        %broadcast_in_dim3A_3275 = vector.broadcast %scan3A_55 : f32 to vector<16xf32>
        %select_n3A_3276 = arith.select %eq3A_3274, %broadcast_in_dim3A_3275, %select_n3A_2994 : vector<16xi1>, vector<16xf32>
        %eq3A_3277 = arith.cmpi eq, %add3A_6, %min3A_3273 : vector<16xi32>
        %broadcast_in_dim3A_3278 = vector.broadcast %scan3A_55 : f32 to vector<16xf32>
        %select_n3A_3279 = arith.select %eq3A_3277, %broadcast_in_dim3A_3278, %select_n3A_2997 : vector<16xi1>, vector<16xf32>
        %eq3A_3280 = arith.cmpi eq, %add3A_9, %min3A_3273 : vector<16xi32>
        %broadcast_in_dim3A_3281 = vector.broadcast %scan3A_55 : f32 to vector<16xf32>
        %select_n3A_3282 = arith.select %eq3A_3280, %broadcast_in_dim3A_3281, %select_n3A_3000 : vector<16xi1>, vector<16xf32>
        %eq3A_3283 = arith.cmpi eq, %add3A_12, %min3A_3273 : vector<16xi32>
        %broadcast_in_dim3A_3284 = vector.broadcast %scan3A_55 : f32 to vector<16xf32>
        %select_n3A_3285 = arith.select %eq3A_3283, %broadcast_in_dim3A_3284, %select_n3A_3003 : vector<16xi1>, vector<16xf32>
        %min3A_3286 = arith.minimumf %select_n3A_3276, %select_n3A_3279 : vector<16xf32>
        %min3A_3287 = arith.minimumf %select_n3A_3282, %select_n3A_3285 : vector<16xf32>
        %min3A_3288 = arith.minimumf %min3A_3286, %min3A_3287 : vector<16xf32>
        %lt3A_3289 = arith.constant 0 : i32
        %lt3A_3290 = vector.broadcast %lt3A_3289 : i32 to vector<16xi32>
        %lt3A_3291 = arith.cmpi slt, %xor3A_14, %lt3A_3290 : vector<16xi32>
        %add3A_3292 = arith.constant 16 : i32
        %add3A_3293 = vector.broadcast %add3A_3292 : i32 to vector<16xi32>
        %add3A_3294 = arith.addi %xor3A_14, %add3A_3293 : vector<16xi32>
        %select_n3A_3295 = arith.select %lt3A_3291, %add3A_3294, %xor3A_14 : vector<16xi1>, vector<16xi32>
        %broadcast_in_dim3A_3296 = vector.shape_cast %select_n3A_3295 : vector<16xi32> to vector<16x1xi32>
        %gather3A_3297 = vector.shape_cast %broadcast_in_dim3A_3296 : vector<16x1xi32> to vector<16xi32>
        %gather3A_3298 = tpu.dynamic_gather %min3A_3288[%gather3A_3297] in [0] : vector<16xf32>, vector<16xi32> -> vector<16xf32>
        %min3A_3299 = arith.minimumf %min3A_3288, %gather3A_3298 : vector<16xf32>
        %lt3A_3300 = arith.constant 0 : i32
        %lt3A_3301 = vector.broadcast %lt3A_3300 : i32 to vector<16xi32>
        %lt3A_3302 = arith.cmpi slt, %xor3A_17, %lt3A_3301 : vector<16xi32>
        %add3A_3303 = arith.constant 16 : i32
        %add3A_3304 = vector.broadcast %add3A_3303 : i32 to vector<16xi32>
        %add3A_3305 = arith.addi %xor3A_17, %add3A_3304 : vector<16xi32>
        %select_n3A_3306 = arith.select %lt3A_3302, %add3A_3305, %xor3A_17 : vector<16xi1>, vector<16xi32>
        %broadcast_in_dim3A_3307 = vector.shape_cast %select_n3A_3306 : vector<16xi32> to vector<16x1xi32>
        %gather3A_3308 = vector.shape_cast %broadcast_in_dim3A_3307 : vector<16x1xi32> to vector<16xi32>
        %gather3A_3309 = tpu.dynamic_gather %min3A_3299[%gather3A_3308] in [0] : vector<16xf32>, vector<16xi32> -> vector<16xf32>
        %min3A_3310 = arith.minimumf %min3A_3299, %gather3A_3309 : vector<16xf32>
        %lt3A_3311 = arith.constant 0 : i32
        %lt3A_3312 = vector.broadcast %lt3A_3311 : i32 to vector<16xi32>
        %lt3A_3313 = arith.cmpi slt, %xor3A_20, %lt3A_3312 : vector<16xi32>
        %add3A_3314 = arith.constant 16 : i32
        %add3A_3315 = vector.broadcast %add3A_3314 : i32 to vector<16xi32>
        %add3A_3316 = arith.addi %xor3A_20, %add3A_3315 : vector<16xi32>
        %select_n3A_3317 = arith.select %lt3A_3313, %add3A_3316, %xor3A_20 : vector<16xi1>, vector<16xi32>
        %broadcast_in_dim3A_3318 = vector.shape_cast %select_n3A_3317 : vector<16xi32> to vector<16x1xi32>
        %gather3A_3319 = vector.shape_cast %broadcast_in_dim3A_3318 : vector<16x1xi32> to vector<16xi32>
        %gather3A_3320 = tpu.dynamic_gather %min3A_3310[%gather3A_3319] in [0] : vector<16xf32>, vector<16xi32> -> vector<16xf32>
        %min3A_3321 = arith.minimumf %min3A_3310, %gather3A_3320 : vector<16xf32>
        %lt3A_3322 = arith.constant 0 : i32
        %lt3A_3323 = vector.broadcast %lt3A_3322 : i32 to vector<16xi32>
        %lt3A_3324 = arith.cmpi slt, %xor3A_23, %lt3A_3323 : vector<16xi32>
        %add3A_3325 = arith.constant 16 : i32
        %add3A_3326 = vector.broadcast %add3A_3325 : i32 to vector<16xi32>
        %add3A_3327 = arith.addi %xor3A_23, %add3A_3326 : vector<16xi32>
        %select_n3A_3328 = arith.select %lt3A_3324, %add3A_3327, %xor3A_23 : vector<16xi1>, vector<16xi32>
        %broadcast_in_dim3A_3329 = vector.shape_cast %select_n3A_3328 : vector<16xi32> to vector<16x1xi32>
        %gather3A_3330 = vector.shape_cast %broadcast_in_dim3A_3329 : vector<16x1xi32> to vector<16xi32>
        %gather3A_3331 = tpu.dynamic_gather %min3A_3321[%gather3A_3330] in [0] : vector<16xf32>, vector<16xi32> -> vector<16xf32>
        %min3A_3332 = arith.minimumf %min3A_3321, %gather3A_3331 : vector<16xf32>
        %broadcast_in_dim3A_3333 = vector.broadcast %scan3A_81 : i32 to vector<16xi32>
        %lt3A_3334 = arith.constant 61 : i32
        %lt3A_3335 = vector.broadcast %lt3A_3334 : i32 to vector<16xi32>
        %lt3A_3336 = arith.cmpi slt, %broadcast_in_dim3A_3333, %lt3A_3335 : vector<16xi32>
        %select_n3A_3337 = arith.select %lt3A_3336, %min3A_3167, %min3A_3049 : vector<16xi1>, vector<16xf32>
        %lt3A_3338 = vector.broadcast %scan3A_55 : f32 to vector<16xf32>
        %lt3A_3339 = arith.cmpf olt, %select_n3A_3337, %lt3A_3338 : vector<16xf32>
        %lt3A_3340 = vector.broadcast %scan3A_55 : f32 to vector<16xf32>
        %lt3A_3341 = arith.cmpf olt, %min3A_3332, %lt3A_3340 : vector<16xf32>
        %broadcast_in_dim3A_3342 = arith.constant 1.000000e+00 : f32
        %broadcast_in_dim3A_3343 = vector.broadcast %broadcast_in_dim3A_3342 : f32 to vector<16xf32>
        %gather3A_3344 = tpu.vector_load_idx %arg6[%min3A_3108, %add3A_3] : memref<64x64xf32, #tpu.memory_space<vmem>>[vector<16xi32>, vector<16xi32>], vector<16xf32>,
        %sub3A_3345 = arith.subf %gather3A_3344, %select_n3A_3337 : vector<16xf32>
        %lt3A_3346 = arith.constant 0.000000e+00 : f32
        %lt3A_3347 = vector.broadcast %lt3A_3346 : f32 to vector<16xf32>
        %lt3A_3348 = arith.cmpf olt, %sub3A_3345, %lt3A_3347 : vector<16xf32>
        %and3A = arith.andi %lt3A_3348, %lt3A_3339 : vector<16xi1>
        %not3A = arith.constant dense<true> : vector<16xi1>
        %not3A_3349 = arith.xori %eq3A_88, %not3A : vector<16xi1>
        %and3A_3350 = arith.andi %and3A, %not3A_3349 : vector<16xi1>
        %sub3A_3351 = arith.subf %gather3A_3344, %min3A_3332 : vector<16xf32>
        %lt3A_3352 = arith.constant 0.000000e+00 : f32
        %lt3A_3353 = vector.broadcast %lt3A_3352 : f32 to vector<16xf32>
        %lt3A_3354 = arith.cmpf olt, %sub3A_3351, %lt3A_3353 : vector<16xf32>
        %and3A_3355 = arith.andi %lt3A_3354, %lt3A_3341 : vector<16xi1>
        %not3A_3356 = arith.constant dense<true> : vector<16xi1>
        %not3A_3357 = arith.xori %eq3A_88, %not3A_3356 : vector<16xi1>
        %and3A_3358 = arith.andi %and3A_3355, %not3A_3357 : vector<16xi1>
        tpu.vector_store_idx %arg7[%min3A_3108, %add3A_3], %broadcast_in_dim3A_3343 masked %and3A_3350 : memref<64x64xf32, #tpu.memory_space<vmem>>[vector<16xi32>, vector<16xi32>], vector<16xf32>, vector<16xi1>
        tpu.vector_store_idx %arg7[%add3A_3, %min3A_3108], %broadcast_in_dim3A_3343 masked %and3A_3358 : memref<64x64xf32, #tpu.memory_space<vmem>>[vector<16xi32>, vector<16xi32>], vector<16xf32>, vector<16xi1>
        %or3A = arith.ori %and3A_3350, %and3A_3358 : vector<16xi1>
        %jit3A = arith.constant 1.000000e+00 : f32
        %jit3A_3359 = arith.constant 0.000000e+00 : f32
        %broadcast_in_dim3A_3360 = vector.broadcast %jit3A : f32 to vector<16xf32>
        %broadcast_in_dim3A_3361 = vector.broadcast %jit3A_3359 : f32 to vector<16xf32>
        %select_n3A_3362 = arith.select %or3A, %broadcast_in_dim3A_3360, %broadcast_in_dim3A_3361 : vector<16xi1>, vector<16xf32>
        %add3A_3363 = arith.constant 0.000000e+00 : f32
        %add3A_3364 = vector.broadcast %add3A_3363 : f32 to vector<16xf32>
        %add3A_3365 = arith.addf %add3A_3364, %select_n3A_3362 : vector<16xf32>
        %gather3A_3366 = tpu.vector_load_idx %arg6[%min3A_3108, %add3A_6] : memref<64x64xf32, #tpu.memory_space<vmem>>[vector<16xi32>, vector<16xi32>], vector<16xf32>,
        %sub3A_3367 = arith.subf %gather3A_3366, %select_n3A_3337 : vector<16xf32>
        %lt3A_3368 = arith.constant 0.000000e+00 : f32
        %lt3A_3369 = vector.broadcast %lt3A_3368 : f32 to vector<16xf32>
        %lt3A_3370 = arith.cmpf olt, %sub3A_3367, %lt3A_3369 : vector<16xf32>
        %and3A_3371 = arith.andi %lt3A_3370, %lt3A_3339 : vector<16xi1>
        %not3A_3372 = arith.constant dense<true> : vector<16xi1>
        %not3A_3373 = arith.xori %eq3A_91, %not3A_3372 : vector<16xi1>
        %and3A_3374 = arith.andi %and3A_3371, %not3A_3373 : vector<16xi1>
        %sub3A_3375 = arith.subf %gather3A_3366, %min3A_3332 : vector<16xf32>
        %lt3A_3376 = arith.constant 0.000000e+00 : f32
        %lt3A_3377 = vector.broadcast %lt3A_3376 : f32 to vector<16xf32>
        %lt3A_3378 = arith.cmpf olt, %sub3A_3375, %lt3A_3377 : vector<16xf32>
        %and3A_3379 = arith.andi %lt3A_3378, %lt3A_3341 : vector<16xi1>
        %not3A_3380 = arith.constant dense<true> : vector<16xi1>
        %not3A_3381 = arith.xori %eq3A_91, %not3A_3380 : vector<16xi1>
        %and3A_3382 = arith.andi %and3A_3379, %not3A_3381 : vector<16xi1>
        tpu.vector_store_idx %arg7[%min3A_3108, %add3A_6], %broadcast_in_dim3A_3343 masked %and3A_3374 : memref<64x64xf32, #tpu.memory_space<vmem>>[vector<16xi32>, vector<16xi32>], vector<16xf32>, vector<16xi1>
        tpu.vector_store_idx %arg7[%add3A_6, %min3A_3108], %broadcast_in_dim3A_3343 masked %and3A_3382 : memref<64x64xf32, #tpu.memory_space<vmem>>[vector<16xi32>, vector<16xi32>], vector<16xf32>, vector<16xi1>
        %or3A_3383 = arith.ori %and3A_3374, %and3A_3382 : vector<16xi1>
        %jit3A_3384 = arith.constant 1.000000e+00 : f32
        %jit3A_3385 = arith.constant 0.000000e+00 : f32
        %broadcast_in_dim3A_3386 = vector.broadcast %jit3A_3384 : f32 to vector<16xf32>
        %broadcast_in_dim3A_3387 = vector.broadcast %jit3A_3385 : f32 to vector<16xf32>
        %select_n3A_3388 = arith.select %or3A_3383, %broadcast_in_dim3A_3386, %broadcast_in_dim3A_3387 : vector<16xi1>, vector<16xf32>
        %add3A_3389 = arith.addf %add3A_3365, %select_n3A_3388 : vector<16xf32>
        %gather3A_3390 = tpu.vector_load_idx %arg6[%min3A_3108, %add3A_9] : memref<64x64xf32, #tpu.memory_space<vmem>>[vector<16xi32>, vector<16xi32>], vector<16xf32>,
        %sub3A_3391 = arith.subf %gather3A_3390, %select_n3A_3337 : vector<16xf32>
        %lt3A_3392 = arith.constant 0.000000e+00 : f32
        %lt3A_3393 = vector.broadcast %lt3A_3392 : f32 to vector<16xf32>
        %lt3A_3394 = arith.cmpf olt, %sub3A_3391, %lt3A_3393 : vector<16xf32>
        %and3A_3395 = arith.andi %lt3A_3394, %lt3A_3339 : vector<16xi1>
        %not3A_3396 = arith.constant dense<true> : vector<16xi1>
        %not3A_3397 = arith.xori %eq3A_94, %not3A_3396 : vector<16xi1>
        %and3A_3398 = arith.andi %and3A_3395, %not3A_3397 : vector<16xi1>
        %sub3A_3399 = arith.subf %gather3A_3390, %min3A_3332 : vector<16xf32>
        %lt3A_3400 = arith.constant 0.000000e+00 : f32
        %lt3A_3401 = vector.broadcast %lt3A_3400 : f32 to vector<16xf32>
        %lt3A_3402 = arith.cmpf olt, %sub3A_3399, %lt3A_3401 : vector<16xf32>
        %and3A_3403 = arith.andi %lt3A_3402, %lt3A_3341 : vector<16xi1>
        %not3A_3404 = arith.constant dense<true> : vector<16xi1>
        %not3A_3405 = arith.xori %eq3A_94, %not3A_3404 : vector<16xi1>
        %and3A_3406 = arith.andi %and3A_3403, %not3A_3405 : vector<16xi1>
        tpu.vector_store_idx %arg7[%min3A_3108, %add3A_9], %broadcast_in_dim3A_3343 masked %and3A_3398 : memref<64x64xf32, #tpu.memory_space<vmem>>[vector<16xi32>, vector<16xi32>], vector<16xf32>, vector<16xi1>
        tpu.vector_store_idx %arg7[%add3A_9, %min3A_3108], %broadcast_in_dim3A_3343 masked %and3A_3406 : memref<64x64xf32, #tpu.memory_space<vmem>>[vector<16xi32>, vector<16xi32>], vector<16xf32>, vector<16xi1>
        %or3A_3407 = arith.ori %and3A_3398, %and3A_3406 : vector<16xi1>
        %jit3A_3408 = arith.constant 1.000000e+00 : f32
        %jit3A_3409 = arith.constant 0.000000e+00 : f32
        %broadcast_in_dim3A_3410 = vector.broadcast %jit3A_3408 : f32 to vector<16xf32>
        %broadcast_in_dim3A_3411 = vector.broadcast %jit3A_3409 : f32 to vector<16xf32>
        %select_n3A_3412 = arith.select %or3A_3407, %broadcast_in_dim3A_3410, %broadcast_in_dim3A_3411 : vector<16xi1>, vector<16xf32>
        %add3A_3413 = arith.addf %add3A_3389, %select_n3A_3412 : vector<16xf32>
        %gather3A_3414 = tpu.vector_load_idx %arg6[%min3A_3108, %add3A_12] : memref<64x64xf32, #tpu.memory_space<vmem>>[vector<16xi32>, vector<16xi32>], vector<16xf32>,
        %sub3A_3415 = arith.subf %gather3A_3414, %select_n3A_3337 : vector<16xf32>
        %lt3A_3416 = arith.constant 0.000000e+00 : f32
        %lt3A_3417 = vector.broadcast %lt3A_3416 : f32 to vector<16xf32>
        %lt3A_3418 = arith.cmpf olt, %sub3A_3415, %lt3A_3417 : vector<16xf32>
        %and3A_3419 = arith.andi %lt3A_3418, %lt3A_3339 : vector<16xi1>
        %not3A_3420 = arith.constant dense<true> : vector<16xi1>
        %not3A_3421 = arith.xori %eq3A_97, %not3A_3420 : vector<16xi1>
        %and3A_3422 = arith.andi %and3A_3419, %not3A_3421 : vector<16xi1>
        %sub3A_3423 = arith.subf %gather3A_3414, %min3A_3332 : vector<16xf32>
        %lt3A_3424 = arith.constant 0.000000e+00 : f32
        %lt3A_3425 = vector.broadcast %lt3A_3424 : f32 to vector<16xf32>
        %lt3A_3426 = arith.cmpf olt, %sub3A_3423, %lt3A_3425 : vector<16xf32>
        %and3A_3427 = arith.andi %lt3A_3426, %lt3A_3341 : vector<16xi1>
        %not3A_3428 = arith.constant dense<true> : vector<16xi1>
        %not3A_3429 = arith.xori %eq3A_97, %not3A_3428 : vector<16xi1>
        %and3A_3430 = arith.andi %and3A_3427, %not3A_3429 : vector<16xi1>
        tpu.vector_store_idx %arg7[%min3A_3108, %add3A_12], %broadcast_in_dim3A_3343 masked %and3A_3422 : memref<64x64xf32, #tpu.memory_space<vmem>>[vector<16xi32>, vector<16xi32>], vector<16xf32>, vector<16xi1>
        tpu.vector_store_idx %arg7[%add3A_12, %min3A_3108], %broadcast_in_dim3A_3343 masked %and3A_3430 : memref<64x64xf32, #tpu.memory_space<vmem>>[vector<16xi32>, vector<16xi32>], vector<16xf32>, vector<16xi1>
        %or3A_3431 = arith.ori %and3A_3422, %and3A_3430 : vector<16xi1>
        %jit3A_3432 = arith.constant 1.000000e+00 : f32
        %jit3A_3433 = arith.constant 0.000000e+00 : f32
        %broadcast_in_dim3A_3434 = vector.broadcast %jit3A_3432 : f32 to vector<16xf32>
        %broadcast_in_dim3A_3435 = vector.broadcast %jit3A_3433 : f32 to vector<16xf32>
        %select_n3A_3436 = arith.select %or3A_3431, %broadcast_in_dim3A_3434, %broadcast_in_dim3A_3435 : vector<16xi1>, vector<16xf32>
        %add3A_3437 = arith.addf %add3A_3413, %select_n3A_3436 : vector<16xf32>
        %lt3A_3438 = arith.constant 0 : i32
        %lt3A_3439 = vector.broadcast %lt3A_3438 : i32 to vector<16xi32>
        %lt3A_3440 = arith.cmpi slt, %xor3A_14, %lt3A_3439 : vector<16xi32>
        %add3A_3441 = arith.constant 16 : i32
        %add3A_3442 = vector.broadcast %add3A_3441 : i32 to vector<16xi32>
        %add3A_3443 = arith.addi %xor3A_14, %add3A_3442 : vector<16xi32>
        %select_n3A_3444 = arith.select %lt3A_3440, %add3A_3443, %xor3A_14 : vector<16xi1>, vector<16xi32>
        %broadcast_in_dim3A_3445 = vector.shape_cast %select_n3A_3444 : vector<16xi32> to vector<16x1xi32>
        %gather3A_3446 = vector.shape_cast %broadcast_in_dim3A_3445 : vector<16x1xi32> to vector<16xi32>
        %gather3A_3447 = tpu.dynamic_gather %add3A_3437[%gather3A_3446] in [0] : vector<16xf32>, vector<16xi32> -> vector<16xf32>
        %add3A_3448 = arith.addf %add3A_3437, %gather3A_3447 : vector<16xf32>
        %lt3A_3449 = arith.constant 0 : i32
        %lt3A_3450 = vector.broadcast %lt3A_3449 : i32 to vector<16xi32>
        %lt3A_3451 = arith.cmpi slt, %xor3A_17, %lt3A_3450 : vector<16xi32>
        %add3A_3452 = arith.constant 16 : i32
        %add3A_3453 = vector.broadcast %add3A_3452 : i32 to vector<16xi32>
        %add3A_3454 = arith.addi %xor3A_17, %add3A_3453 : vector<16xi32>
        %select_n3A_3455 = arith.select %lt3A_3451, %add3A_3454, %xor3A_17 : vector<16xi1>, vector<16xi32>
        %broadcast_in_dim3A_3456 = vector.shape_cast %select_n3A_3455 : vector<16xi32> to vector<16x1xi32>
        %gather3A_3457 = vector.shape_cast %broadcast_in_dim3A_3456 : vector<16x1xi32> to vector<16xi32>
        %gather3A_3458 = tpu.dynamic_gather %add3A_3448[%gather3A_3457] in [0] : vector<16xf32>, vector<16xi32> -> vector<16xf32>
        %add3A_3459 = arith.addf %add3A_3448, %gather3A_3458 : vector<16xf32>
        %lt3A_3460 = arith.constant 0 : i32
        %lt3A_3461 = vector.broadcast %lt3A_3460 : i32 to vector<16xi32>
        %lt3A_3462 = arith.cmpi slt, %xor3A_20, %lt3A_3461 : vector<16xi32>
        %add3A_3463 = arith.constant 16 : i32
        %add3A_3464 = vector.broadcast %add3A_3463 : i32 to vector<16xi32>
        %add3A_3465 = arith.addi %xor3A_20, %add3A_3464 : vector<16xi32>
        %select_n3A_3466 = arith.select %lt3A_3462, %add3A_3465, %xor3A_20 : vector<16xi1>, vector<16xi32>
        %broadcast_in_dim3A_3467 = vector.shape_cast %select_n3A_3466 : vector<16xi32> to vector<16x1xi32>
        %gather3A_3468 = vector.shape_cast %broadcast_in_dim3A_3467 : vector<16x1xi32> to vector<16xi32>
        %gather3A_3469 = tpu.dynamic_gather %add3A_3459[%gather3A_3468] in [0] : vector<16xf32>, vector<16xi32> -> vector<16xf32>
        %add3A_3470 = arith.addf %add3A_3459, %gather3A_3469 : vector<16xf32>
        %lt3A_3471 = arith.constant 0 : i32
        %lt3A_3472 = vector.broadcast %lt3A_3471 : i32 to vector<16xi32>
        %lt3A_3473 = arith.cmpi slt, %xor3A_23, %lt3A_3472 : vector<16xi32>
        %add3A_3474 = arith.constant 16 : i32
        %add3A_3475 = vector.broadcast %add3A_3474 : i32 to vector<16xi32>
        %add3A_3476 = arith.addi %xor3A_23, %add3A_3475 : vector<16xi32>
        %select_n3A_3477 = arith.select %lt3A_3473, %add3A_3476, %xor3A_23 : vector<16xi1>, vector<16xi32>
        %broadcast_in_dim3A_3478 = vector.shape_cast %select_n3A_3477 : vector<16xi32> to vector<16x1xi32>
        %gather3A_3479 = vector.shape_cast %broadcast_in_dim3A_3478 : vector<16x1xi32> to vector<16xi32>
        %gather3A_3480 = tpu.dynamic_gather %add3A_3470[%gather3A_3479] in [0] : vector<16xf32>, vector<16xi32> -> vector<16xf32>
        %add3A_3481 = arith.addf %add3A_3470, %gather3A_3480 : vector<16xf32>
        %gt3A = arith.constant 0.000000e+00 : f32
        %gt3A_3482 = vector.broadcast %gt3A : f32 to vector<16xf32>
        %gt3A_3483 = arith.cmpf ogt, %add3A_3481, %gt3A_3482 : vector<16xf32>
        %jit3A_3484 = arith.constant 1.000000e+00 : f32
        %jit3A_3485 = arith.constant 0.000000e+00 : f32
        %broadcast_in_dim3A_3486 = vector.broadcast %jit3A_3484 : f32 to vector<16xf32>
        %broadcast_in_dim3A_3487 = vector.broadcast %jit3A_3485 : f32 to vector<16xf32>
        %select_n3A_3488 = arith.select %gt3A_3483, %broadcast_in_dim3A_3486, %broadcast_in_dim3A_3487 : vector<16xi1>, vector<16xf32>
        %eq3A_3489 = arith.cmpi eq, %add3A_3, %min3A_3108 : vector<16xi32>
        %sub3A_3490 = arith.constant 1.000000e+00 : f32
        %sub3A_3491 = vector.broadcast %sub3A_3490 : f32 to vector<16xf32>
        %sub3A_3492 = arith.subf %sub3A_3491, %select_n3A_3488 : vector<16xf32>
        %mul3A_3493 = arith.mulf %scan3A_82, %sub3A_3492 : vector<16xf32>
        %select_n3A_3494 = arith.select %eq3A_3489, %mul3A_3493, %scan3A_82 : vector<16xi1>, vector<16xf32>
        %eq3A_3495 = arith.cmpi eq, %add3A_6, %min3A_3108 : vector<16xi32>
        %sub3A_3496 = arith.constant 1.000000e+00 : f32
        %sub3A_3497 = vector.broadcast %sub3A_3496 : f32 to vector<16xf32>
        %sub3A_3498 = arith.subf %sub3A_3497, %select_n3A_3488 : vector<16xf32>
        %mul3A_3499 = arith.mulf %scan3A_83, %sub3A_3498 : vector<16xf32>
        %select_n3A_3500 = arith.select %eq3A_3495, %mul3A_3499, %scan3A_83 : vector<16xi1>, vector<16xf32>
        %eq3A_3501 = arith.cmpi eq, %add3A_9, %min3A_3108 : vector<16xi32>
        %sub3A_3502 = arith.constant 1.000000e+00 : f32
        %sub3A_3503 = vector.broadcast %sub3A_3502 : f32 to vector<16xf32>
        %sub3A_3504 = arith.subf %sub3A_3503, %select_n3A_3488 : vector<16xf32>
        %mul3A_3505 = arith.mulf %scan3A_84, %sub3A_3504 : vector<16xf32>
        %select_n3A_3506 = arith.select %eq3A_3501, %mul3A_3505, %scan3A_84 : vector<16xi1>, vector<16xf32>
        %eq3A_3507 = arith.cmpi eq, %add3A_12, %min3A_3108 : vector<16xi32>
        %sub3A_3508 = arith.constant 1.000000e+00 : f32
        %sub3A_3509 = vector.broadcast %sub3A_3508 : f32 to vector<16xf32>
        %sub3A_3510 = arith.subf %sub3A_3509, %select_n3A_3488 : vector<16xf32>
        %mul3A_3511 = arith.mulf %scan3A_85, %sub3A_3510 : vector<16xf32>
        %select_n3A_3512 = arith.select %eq3A_3507, %mul3A_3511, %scan3A_85 : vector<16xi1>, vector<16xf32>
        %add3A_3513 = arith.addf %scan3A_86, %select_n3A_3488 : vector<16xf32>
        scf.yield %select_n3A_3494, %select_n3A_3500, %select_n3A_3506, %select_n3A_3512, %add3A_3513 : vector<16xf32>, vector<16xf32>, vector<16xf32>, vector<16xf32>, vector<16xf32>
      }
      %scan3A_80 = arith.constant 62 : i32
      "tpu.region"() ({
        %run_scoped3A = tpu.sem_alloc : memref<!tpu.dma_semaphore, #tpu.memory_space<semaphore_mem>>
        %dma_start3A = arith.constant 0 : i32
        %dma_start3A_81 = arith.constant 0 : i32
        %dma_start3A_82 = tpu.memref_slice %arg5[%add3A_65, %dma_start3A, %dma_start3A_81] : memref<128x64x64xf32, #tpu.memory_space<hbm>> -> memref<1x64x64xf32, #tpu.memory_space<hbm>>
        %dma_start3A_83 = tpu.memref_squeeze %dma_start3A_82 : memref<1x64x64xf32, #tpu.memory_space<hbm>> -> memref<64x64xf32, #tpu.memory_space<hbm>>
        %dma_start3A_84 = arith.constant 0 : i32
        %dma_start3A_85 = arith.constant 0 : i32
        %dma_start3A_86 = tpu.memref_slice %arg5[%add3A_65, %dma_start3A_84, %dma_start3A_85] : memref<128x64x64xf32, #tpu.memory_space<hbm>> -> memref<1x64x64xf32, #tpu.memory_space<hbm>>
        %dma_start3A_87 = tpu.memref_squeeze %dma_start3A_86 : memref<1x64x64xf32, #tpu.memory_space<hbm>> -> memref<64x64xf32, #tpu.memory_space<hbm>>
        tpu.enqueue_dma source(%arg7 : memref<64x64xf32, #tpu.memory_space<vmem>>) target(%dma_start3A_87 : memref<64x64xf32, #tpu.memory_space<hbm>>) target_semaphore(%run_scoped3A : memref<!tpu.dma_semaphore, #tpu.memory_space<semaphore_mem>>)
        %dma_wait3A = arith.constant 0 : i32
        %dma_wait3A_88 = arith.constant 0 : i32
        %dma_wait3A_89 = tpu.memref_slice %arg5[%add3A_65, %dma_wait3A, %dma_wait3A_88] : memref<128x64x64xf32, #tpu.memory_space<hbm>> -> memref<1x64x64xf32, #tpu.memory_space<hbm>>
        %dma_wait3A_90 = tpu.memref_squeeze %dma_wait3A_89 : memref<1x64x64xf32, #tpu.memory_space<hbm>> -> memref<64x64xf32, #tpu.memory_space<hbm>>
        %dma_wait3A_91 = arith.constant 0 : i32
        %dma_wait3A_92 = arith.constant 0 : i32
        %dma_wait3A_93 = tpu.memref_slice %arg5[%add3A_65, %dma_wait3A_91, %dma_wait3A_92] : memref<128x64x64xf32, #tpu.memory_space<hbm>> -> memref<1x64x64xf32, #tpu.memory_space<hbm>>
        %dma_wait3A_94 = tpu.memref_squeeze %dma_wait3A_93 : memref<1x64x64xf32, #tpu.memory_space<hbm>> -> memref<64x64xf32, #tpu.memory_space<hbm>>
        tpu.wait_dma2 semaphore(%run_scoped3A : memref<!tpu.dma_semaphore, #tpu.memory_space<semaphore_mem>>) src(%arg7 : memref<64x64xf32, #tpu.memory_space<vmem>>) dst(%dma_wait3A_94 : memref<64x64xf32, #tpu.memory_space<hbm>>)
        tpu.yield
      }) : () -> ()
    }
    %scan3A_61 = arith.constant 4 : i32
    return
  }
}

module attributes {stable_mosaic.version = 14 : i64} {
  func.func @_out_kernel(%arg0: i32, %arg1: memref<32x64x64xf32, #tpu.memory_space<vmem>>, %arg2: memref<32x64x256xf32, #tpu.memory_space<vmem>>, %arg3: memref<256x256xf32, #tpu.memory_space<vmem>>, %arg4: memref<64x256xf32, #tpu.memory_space<vmem>>, %arg5: memref<32x64x256xf32, #tpu.memory_space<vmem>>) attributes {dimension_semantics = [#tpu.dimension_semantics<arbitrary>], iteration_bounds = array<i64: 4>, scalar_prefetch = 0 : i64, scratch_operands = 0 : i64, tpu.core_type = #tpu.core_type<tc>, window_params = [{transform_indices = @transform_0, window_bounds = array<i64: 32, 64, 64>}, {transform_indices = @transform_1, window_bounds = array<i64: 32, 64, 256>}, {pipeline_mode = #tpu.pipeline_mode<synchronous>, transform_indices = @transform_2, window_bounds = array<i64: 256, 256>}, {pipeline_mode = #tpu.pipeline_mode<synchronous>, transform_indices = @transform_3, window_bounds = array<i64: 64, 256>}, {transform_indices = @transform_4, window_bounds = array<i64: 32, 64, 256>}]} {
    %get3A = arith.constant 0 : index
    %get3A_0 = arith.constant 0 : index
    %get3A_1 = vector.load %arg3[%get3A, %get3A_0] : memref<256x256xf32, #tpu.memory_space<vmem>>, vector<256x256xf32>
    %get3A_2 = arith.constant 0 : index
    %get3A_3 = arith.constant 0 : index
    %get3A_4 = vector.load %arg4[%get3A_2, %get3A_3] : memref<64x256xf32, #tpu.memory_space<vmem>>, vector<64x256xf32>
    %get3A_5 = arith.constant 0 : index
    %get3A_6 = arith.constant 0 : index
    %get3A_7 = arith.constant 0 : index
    %get3A_8 = vector.load %arg1[%get3A_5, %get3A_6, %get3A_7] : memref<32x64x64xf32, #tpu.memory_space<vmem>>, vector<1x64x64xf32>
    %get3A_9 = vector.shape_cast %get3A_8 : vector<1x64x64xf32> to vector<64x64xf32>
    %get3A_10 = arith.constant 0 : index
    %get3A_11 = arith.constant 0 : index
    %get3A_12 = arith.constant 0 : index
    %get3A_13 = vector.load %arg2[%get3A_10, %get3A_11, %get3A_12] : memref<32x64x256xf32, #tpu.memory_space<vmem>>, vector<1x64x256xf32>
    %get3A_14 = vector.shape_cast %get3A_13 : vector<1x64x256xf32> to vector<64x256xf32>
    %dot_general3A = arith.constant dense<0.000000e+00> : vector<64x256xf32>
    %dot_general3A_15 = tpu.matmul %get3A_9, %get3A_14, %dot_general3A {dimension_numbers = #tpu.dot_dimension_numbers<[1], [0], [0], [1], [0, 0, 1, 1], [], []>, transpose_lhs_hint = false} : vector<64x64xf32>, vector<64x256xf32>, vector<64x256xf32> -> vector<64x256xf32>
    %dot_general3A_16 = arith.constant dense<0.000000e+00> : vector<64x256xf32>
    %dot_general3A_17 = tpu.matmul %dot_general3A_15, %get3A_1, %dot_general3A_16 {dimension_numbers = #tpu.dot_dimension_numbers<[1], [0], [0], [1], [0, 0, 1, 1], [], []>, transpose_lhs_hint = false} : vector<64x256xf32>, vector<256x256xf32>, vector<64x256xf32> -> vector<64x256xf32>
    %add3A = arith.addf %dot_general3A_17, %get3A_4 : vector<64x256xf32>
    %max3A = arith.constant 0.000000e+00 : f32
    %max3A_18 = vector.broadcast %max3A : f32 to vector<64x256xf32>
    %max3A_19 = arith.maximumf %add3A, %max3A_18 : vector<64x256xf32>
    %swap3A = arith.constant 0 : index
    %swap3A_20 = arith.constant 0 : index
    %swap3A_21 = arith.constant 0 : index
    %swap3A_22 = vector.load %arg5[%swap3A, %swap3A_20, %swap3A_21] : memref<32x64x256xf32, #tpu.memory_space<vmem>>, vector<1x64x256xf32>
    %swap3A_23 = vector.shape_cast %swap3A_22 : vector<1x64x256xf32> to vector<64x256xf32>
    %swap3A_24 = vector.shape_cast %max3A_19 : vector<64x256xf32> to vector<1x64x256xf32>
    tpu.vector_store %arg5[%swap3A, %swap3A_20, %swap3A_21], %swap3A_24 {strides = array<i32>} : memref<32x64x256xf32, #tpu.memory_space<vmem>>, vector<1x64x256xf32>,
    %get3A_25 = arith.constant 1 : index
    %get3A_26 = arith.constant 0 : index
    %get3A_27 = arith.constant 0 : index
    %get3A_28 = vector.load %arg1[%get3A_25, %get3A_26, %get3A_27] : memref<32x64x64xf32, #tpu.memory_space<vmem>>, vector<1x64x64xf32>
    %get3A_29 = vector.shape_cast %get3A_28 : vector<1x64x64xf32> to vector<64x64xf32>
    %get3A_30 = arith.constant 1 : index
    %get3A_31 = arith.constant 0 : index
    %get3A_32 = arith.constant 0 : index
    %get3A_33 = vector.load %arg2[%get3A_30, %get3A_31, %get3A_32] : memref<32x64x256xf32, #tpu.memory_space<vmem>>, vector<1x64x256xf32>
    %get3A_34 = vector.shape_cast %get3A_33 : vector<1x64x256xf32> to vector<64x256xf32>
    %dot_general3A_35 = arith.constant dense<0.000000e+00> : vector<64x256xf32>
    %dot_general3A_36 = tpu.matmul %get3A_29, %get3A_34, %dot_general3A_35 {dimension_numbers = #tpu.dot_dimension_numbers<[1], [0], [0], [1], [0, 0, 1, 1], [], []>, transpose_lhs_hint = false} : vector<64x64xf32>, vector<64x256xf32>, vector<64x256xf32> -> vector<64x256xf32>
    %dot_general3A_37 = arith.constant dense<0.000000e+00> : vector<64x256xf32>
    %dot_general3A_38 = tpu.matmul %dot_general3A_36, %get3A_1, %dot_general3A_37 {dimension_numbers = #tpu.dot_dimension_numbers<[1], [0], [0], [1], [0, 0, 1, 1], [], []>, transpose_lhs_hint = false} : vector<64x256xf32>, vector<256x256xf32>, vector<64x256xf32> -> vector<64x256xf32>
    %add3A_39 = arith.addf %dot_general3A_38, %get3A_4 : vector<64x256xf32>
    %max3A_40 = arith.constant 0.000000e+00 : f32
    %max3A_41 = vector.broadcast %max3A_40 : f32 to vector<64x256xf32>
    %max3A_42 = arith.maximumf %add3A_39, %max3A_41 : vector<64x256xf32>
    %swap3A_43 = arith.constant 1 : index
    %swap3A_44 = arith.constant 0 : index
    %swap3A_45 = arith.constant 0 : index
    %swap3A_46 = vector.load %arg5[%swap3A_43, %swap3A_44, %swap3A_45] : memref<32x64x256xf32, #tpu.memory_space<vmem>>, vector<1x64x256xf32>
    %swap3A_47 = vector.shape_cast %swap3A_46 : vector<1x64x256xf32> to vector<64x256xf32>
    %swap3A_48 = vector.shape_cast %max3A_42 : vector<64x256xf32> to vector<1x64x256xf32>
    tpu.vector_store %arg5[%swap3A_43, %swap3A_44, %swap3A_45], %swap3A_48 {strides = array<i32>} : memref<32x64x256xf32, #tpu.memory_space<vmem>>, vector<1x64x256xf32>,
    %get3A_49 = arith.constant 2 : index
    %get3A_50 = arith.constant 0 : index
    %get3A_51 = arith.constant 0 : index
    %get3A_52 = vector.load %arg1[%get3A_49, %get3A_50, %get3A_51] : memref<32x64x64xf32, #tpu.memory_space<vmem>>, vector<1x64x64xf32>
    %get3A_53 = vector.shape_cast %get3A_52 : vector<1x64x64xf32> to vector<64x64xf32>
    %get3A_54 = arith.constant 2 : index
    %get3A_55 = arith.constant 0 : index
    %get3A_56 = arith.constant 0 : index
    %get3A_57 = vector.load %arg2[%get3A_54, %get3A_55, %get3A_56] : memref<32x64x256xf32, #tpu.memory_space<vmem>>, vector<1x64x256xf32>
    %get3A_58 = vector.shape_cast %get3A_57 : vector<1x64x256xf32> to vector<64x256xf32>
    %dot_general3A_59 = arith.constant dense<0.000000e+00> : vector<64x256xf32>
    %dot_general3A_60 = tpu.matmul %get3A_53, %get3A_58, %dot_general3A_59 {dimension_numbers = #tpu.dot_dimension_numbers<[1], [0], [0], [1], [0, 0, 1, 1], [], []>, transpose_lhs_hint = false} : vector<64x64xf32>, vector<64x256xf32>, vector<64x256xf32> -> vector<64x256xf32>
    %dot_general3A_61 = arith.constant dense<0.000000e+00> : vector<64x256xf32>
    %dot_general3A_62 = tpu.matmul %dot_general3A_60, %get3A_1, %dot_general3A_61 {dimension_numbers = #tpu.dot_dimension_numbers<[1], [0], [0], [1], [0, 0, 1, 1], [], []>, transpose_lhs_hint = false} : vector<64x256xf32>, vector<256x256xf32>, vector<64x256xf32> -> vector<64x256xf32>
    %add3A_63 = arith.addf %dot_general3A_62, %get3A_4 : vector<64x256xf32>
    %max3A_64 = arith.constant 0.000000e+00 : f32
    %max3A_65 = vector.broadcast %max3A_64 : f32 to vector<64x256xf32>
    %max3A_66 = arith.maximumf %add3A_63, %max3A_65 : vector<64x256xf32>
    %swap3A_67 = arith.constant 2 : index
    %swap3A_68 = arith.constant 0 : index
    %swap3A_69 = arith.constant 0 : index
    %swap3A_70 = vector.load %arg5[%swap3A_67, %swap3A_68, %swap3A_69] : memref<32x64x256xf32, #tpu.memory_space<vmem>>, vector<1x64x256xf32>
    %swap3A_71 = vector.shape_cast %swap3A_70 : vector<1x64x256xf32> to vector<64x256xf32>
    %swap3A_72 = vector.shape_cast %max3A_66 : vector<64x256xf32> to vector<1x64x256xf32>
    tpu.vector_store %arg5[%swap3A_67, %swap3A_68, %swap3A_69], %swap3A_72 {strides = array<i32>} : memref<32x64x256xf32, #tpu.memory_space<vmem>>, vector<1x64x256xf32>,
    %get3A_73 = arith.constant 3 : index
    %get3A_74 = arith.constant 0 : index
    %get3A_75 = arith.constant 0 : index
    %get3A_76 = vector.load %arg1[%get3A_73, %get3A_74, %get3A_75] : memref<32x64x64xf32, #tpu.memory_space<vmem>>, vector<1x64x64xf32>
    %get3A_77 = vector.shape_cast %get3A_76 : vector<1x64x64xf32> to vector<64x64xf32>
    %get3A_78 = arith.constant 3 : index
    %get3A_79 = arith.constant 0 : index
    %get3A_80 = arith.constant 0 : index
    %get3A_81 = vector.load %arg2[%get3A_78, %get3A_79, %get3A_80] : memref<32x64x256xf32, #tpu.memory_space<vmem>>, vector<1x64x256xf32>
    %get3A_82 = vector.shape_cast %get3A_81 : vector<1x64x256xf32> to vector<64x256xf32>
    %dot_general3A_83 = arith.constant dense<0.000000e+00> : vector<64x256xf32>
    %dot_general3A_84 = tpu.matmul %get3A_77, %get3A_82, %dot_general3A_83 {dimension_numbers = #tpu.dot_dimension_numbers<[1], [0], [0], [1], [0, 0, 1, 1], [], []>, transpose_lhs_hint = false} : vector<64x64xf32>, vector<64x256xf32>, vector<64x256xf32> -> vector<64x256xf32>
    %dot_general3A_85 = arith.constant dense<0.000000e+00> : vector<64x256xf32>
    %dot_general3A_86 = tpu.matmul %dot_general3A_84, %get3A_1, %dot_general3A_85 {dimension_numbers = #tpu.dot_dimension_numbers<[1], [0], [0], [1], [0, 0, 1, 1], [], []>, transpose_lhs_hint = false} : vector<64x256xf32>, vector<256x256xf32>, vector<64x256xf32> -> vector<64x256xf32>
    %add3A_87 = arith.addf %dot_general3A_86, %get3A_4 : vector<64x256xf32>
    %max3A_88 = arith.constant 0.000000e+00 : f32
    %max3A_89 = vector.broadcast %max3A_88 : f32 to vector<64x256xf32>
    %max3A_90 = arith.maximumf %add3A_87, %max3A_89 : vector<64x256xf32>
    %swap3A_91 = arith.constant 3 : index
    %swap3A_92 = arith.constant 0 : index
    %swap3A_93 = arith.constant 0 : index
    %swap3A_94 = vector.load %arg5[%swap3A_91, %swap3A_92, %swap3A_93] : memref<32x64x256xf32, #tpu.memory_space<vmem>>, vector<1x64x256xf32>
    %swap3A_95 = vector.shape_cast %swap3A_94 : vector<1x64x256xf32> to vector<64x256xf32>
    %swap3A_96 = vector.shape_cast %max3A_90 : vector<64x256xf32> to vector<1x64x256xf32>
    tpu.vector_store %arg5[%swap3A_91, %swap3A_92, %swap3A_93], %swap3A_96 {strides = array<i32>} : memref<32x64x256xf32, #tpu.memory_space<vmem>>, vector<1x64x256xf32>,
    %get3A_97 = arith.constant 4 : index
    %get3A_98 = arith.constant 0 : index
    %get3A_99 = arith.constant 0 : index
    %get3A_100 = vector.load %arg1[%get3A_97, %get3A_98, %get3A_99] : memref<32x64x64xf32, #tpu.memory_space<vmem>>, vector<1x64x64xf32>
    %get3A_101 = vector.shape_cast %get3A_100 : vector<1x64x64xf32> to vector<64x64xf32>
    %get3A_102 = arith.constant 4 : index
    %get3A_103 = arith.constant 0 : index
    %get3A_104 = arith.constant 0 : index
    %get3A_105 = vector.load %arg2[%get3A_102, %get3A_103, %get3A_104] : memref<32x64x256xf32, #tpu.memory_space<vmem>>, vector<1x64x256xf32>
    %get3A_106 = vector.shape_cast %get3A_105 : vector<1x64x256xf32> to vector<64x256xf32>
    %dot_general3A_107 = arith.constant dense<0.000000e+00> : vector<64x256xf32>
    %dot_general3A_108 = tpu.matmul %get3A_101, %get3A_106, %dot_general3A_107 {dimension_numbers = #tpu.dot_dimension_numbers<[1], [0], [0], [1], [0, 0, 1, 1], [], []>, transpose_lhs_hint = false} : vector<64x64xf32>, vector<64x256xf32>, vector<64x256xf32> -> vector<64x256xf32>
    %dot_general3A_109 = arith.constant dense<0.000000e+00> : vector<64x256xf32>
    %dot_general3A_110 = tpu.matmul %dot_general3A_108, %get3A_1, %dot_general3A_109 {dimension_numbers = #tpu.dot_dimension_numbers<[1], [0], [0], [1], [0, 0, 1, 1], [], []>, transpose_lhs_hint = false} : vector<64x256xf32>, vector<256x256xf32>, vector<64x256xf32> -> vector<64x256xf32>
    %add3A_111 = arith.addf %dot_general3A_110, %get3A_4 : vector<64x256xf32>
    %max3A_112 = arith.constant 0.000000e+00 : f32
    %max3A_113 = vector.broadcast %max3A_112 : f32 to vector<64x256xf32>
    %max3A_114 = arith.maximumf %add3A_111, %max3A_113 : vector<64x256xf32>
    %swap3A_115 = arith.constant 4 : index
    %swap3A_116 = arith.constant 0 : index
    %swap3A_117 = arith.constant 0 : index
    %swap3A_118 = vector.load %arg5[%swap3A_115, %swap3A_116, %swap3A_117] : memref<32x64x256xf32, #tpu.memory_space<vmem>>, vector<1x64x256xf32>
    %swap3A_119 = vector.shape_cast %swap3A_118 : vector<1x64x256xf32> to vector<64x256xf32>
    %swap3A_120 = vector.shape_cast %max3A_114 : vector<64x256xf32> to vector<1x64x256xf32>
    tpu.vector_store %arg5[%swap3A_115, %swap3A_116, %swap3A_117], %swap3A_120 {strides = array<i32>} : memref<32x64x256xf32, #tpu.memory_space<vmem>>, vector<1x64x256xf32>,
    %get3A_121 = arith.constant 5 : index
    %get3A_122 = arith.constant 0 : index
    %get3A_123 = arith.constant 0 : index
    %get3A_124 = vector.load %arg1[%get3A_121, %get3A_122, %get3A_123] : memref<32x64x64xf32, #tpu.memory_space<vmem>>, vector<1x64x64xf32>
    %get3A_125 = vector.shape_cast %get3A_124 : vector<1x64x64xf32> to vector<64x64xf32>
    %get3A_126 = arith.constant 5 : index
    %get3A_127 = arith.constant 0 : index
    %get3A_128 = arith.constant 0 : index
    %get3A_129 = vector.load %arg2[%get3A_126, %get3A_127, %get3A_128] : memref<32x64x256xf32, #tpu.memory_space<vmem>>, vector<1x64x256xf32>
    %get3A_130 = vector.shape_cast %get3A_129 : vector<1x64x256xf32> to vector<64x256xf32>
    %dot_general3A_131 = arith.constant dense<0.000000e+00> : vector<64x256xf32>
    %dot_general3A_132 = tpu.matmul %get3A_125, %get3A_130, %dot_general3A_131 {dimension_numbers = #tpu.dot_dimension_numbers<[1], [0], [0], [1], [0, 0, 1, 1], [], []>, transpose_lhs_hint = false} : vector<64x64xf32>, vector<64x256xf32>, vector<64x256xf32> -> vector<64x256xf32>
    %dot_general3A_133 = arith.constant dense<0.000000e+00> : vector<64x256xf32>
    %dot_general3A_134 = tpu.matmul %dot_general3A_132, %get3A_1, %dot_general3A_133 {dimension_numbers = #tpu.dot_dimension_numbers<[1], [0], [0], [1], [0, 0, 1, 1], [], []>, transpose_lhs_hint = false} : vector<64x256xf32>, vector<256x256xf32>, vector<64x256xf32> -> vector<64x256xf32>
    %add3A_135 = arith.addf %dot_general3A_134, %get3A_4 : vector<64x256xf32>
    %max3A_136 = arith.constant 0.000000e+00 : f32
    %max3A_137 = vector.broadcast %max3A_136 : f32 to vector<64x256xf32>
    %max3A_138 = arith.maximumf %add3A_135, %max3A_137 : vector<64x256xf32>
    %swap3A_139 = arith.constant 5 : index
    %swap3A_140 = arith.constant 0 : index
    %swap3A_141 = arith.constant 0 : index
    %swap3A_142 = vector.load %arg5[%swap3A_139, %swap3A_140, %swap3A_141] : memref<32x64x256xf32, #tpu.memory_space<vmem>>, vector<1x64x256xf32>
    %swap3A_143 = vector.shape_cast %swap3A_142 : vector<1x64x256xf32> to vector<64x256xf32>
    %swap3A_144 = vector.shape_cast %max3A_138 : vector<64x256xf32> to vector<1x64x256xf32>
    tpu.vector_store %arg5[%swap3A_139, %swap3A_140, %swap3A_141], %swap3A_144 {strides = array<i32>} : memref<32x64x256xf32, #tpu.memory_space<vmem>>, vector<1x64x256xf32>,
    %get3A_145 = arith.constant 6 : index
    %get3A_146 = arith.constant 0 : index
    %get3A_147 = arith.constant 0 : index
    %get3A_148 = vector.load %arg1[%get3A_145, %get3A_146, %get3A_147] : memref<32x64x64xf32, #tpu.memory_space<vmem>>, vector<1x64x64xf32>
    %get3A_149 = vector.shape_cast %get3A_148 : vector<1x64x64xf32> to vector<64x64xf32>
    %get3A_150 = arith.constant 6 : index
    %get3A_151 = arith.constant 0 : index
    %get3A_152 = arith.constant 0 : index
    %get3A_153 = vector.load %arg2[%get3A_150, %get3A_151, %get3A_152] : memref<32x64x256xf32, #tpu.memory_space<vmem>>, vector<1x64x256xf32>
    %get3A_154 = vector.shape_cast %get3A_153 : vector<1x64x256xf32> to vector<64x256xf32>
    %dot_general3A_155 = arith.constant dense<0.000000e+00> : vector<64x256xf32>
    %dot_general3A_156 = tpu.matmul %get3A_149, %get3A_154, %dot_general3A_155 {dimension_numbers = #tpu.dot_dimension_numbers<[1], [0], [0], [1], [0, 0, 1, 1], [], []>, transpose_lhs_hint = false} : vector<64x64xf32>, vector<64x256xf32>, vector<64x256xf32> -> vector<64x256xf32>
    %dot_general3A_157 = arith.constant dense<0.000000e+00> : vector<64x256xf32>
    %dot_general3A_158 = tpu.matmul %dot_general3A_156, %get3A_1, %dot_general3A_157 {dimension_numbers = #tpu.dot_dimension_numbers<[1], [0], [0], [1], [0, 0, 1, 1], [], []>, transpose_lhs_hint = false} : vector<64x256xf32>, vector<256x256xf32>, vector<64x256xf32> -> vector<64x256xf32>
    %add3A_159 = arith.addf %dot_general3A_158, %get3A_4 : vector<64x256xf32>
    %max3A_160 = arith.constant 0.000000e+00 : f32
    %max3A_161 = vector.broadcast %max3A_160 : f32 to vector<64x256xf32>
    %max3A_162 = arith.maximumf %add3A_159, %max3A_161 : vector<64x256xf32>
    %swap3A_163 = arith.constant 6 : index
    %swap3A_164 = arith.constant 0 : index
    %swap3A_165 = arith.constant 0 : index
    %swap3A_166 = vector.load %arg5[%swap3A_163, %swap3A_164, %swap3A_165] : memref<32x64x256xf32, #tpu.memory_space<vmem>>, vector<1x64x256xf32>
    %swap3A_167 = vector.shape_cast %swap3A_166 : vector<1x64x256xf32> to vector<64x256xf32>
    %swap3A_168 = vector.shape_cast %max3A_162 : vector<64x256xf32> to vector<1x64x256xf32>
    tpu.vector_store %arg5[%swap3A_163, %swap3A_164, %swap3A_165], %swap3A_168 {strides = array<i32>} : memref<32x64x256xf32, #tpu.memory_space<vmem>>, vector<1x64x256xf32>,
    %get3A_169 = arith.constant 7 : index
    %get3A_170 = arith.constant 0 : index
    %get3A_171 = arith.constant 0 : index
    %get3A_172 = vector.load %arg1[%get3A_169, %get3A_170, %get3A_171] : memref<32x64x64xf32, #tpu.memory_space<vmem>>, vector<1x64x64xf32>
    %get3A_173 = vector.shape_cast %get3A_172 : vector<1x64x64xf32> to vector<64x64xf32>
    %get3A_174 = arith.constant 7 : index
    %get3A_175 = arith.constant 0 : index
    %get3A_176 = arith.constant 0 : index
    %get3A_177 = vector.load %arg2[%get3A_174, %get3A_175, %get3A_176] : memref<32x64x256xf32, #tpu.memory_space<vmem>>, vector<1x64x256xf32>
    %get3A_178 = vector.shape_cast %get3A_177 : vector<1x64x256xf32> to vector<64x256xf32>
    %dot_general3A_179 = arith.constant dense<0.000000e+00> : vector<64x256xf32>
    %dot_general3A_180 = tpu.matmul %get3A_173, %get3A_178, %dot_general3A_179 {dimension_numbers = #tpu.dot_dimension_numbers<[1], [0], [0], [1], [0, 0, 1, 1], [], []>, transpose_lhs_hint = false} : vector<64x64xf32>, vector<64x256xf32>, vector<64x256xf32> -> vector<64x256xf32>
    %dot_general3A_181 = arith.constant dense<0.000000e+00> : vector<64x256xf32>
    %dot_general3A_182 = tpu.matmul %dot_general3A_180, %get3A_1, %dot_general3A_181 {dimension_numbers = #tpu.dot_dimension_numbers<[1], [0], [0], [1], [0, 0, 1, 1], [], []>, transpose_lhs_hint = false} : vector<64x256xf32>, vector<256x256xf32>, vector<64x256xf32> -> vector<64x256xf32>
    %add3A_183 = arith.addf %dot_general3A_182, %get3A_4 : vector<64x256xf32>
    %max3A_184 = arith.constant 0.000000e+00 : f32
    %max3A_185 = vector.broadcast %max3A_184 : f32 to vector<64x256xf32>
    %max3A_186 = arith.maximumf %add3A_183, %max3A_185 : vector<64x256xf32>
    %swap3A_187 = arith.constant 7 : index
    %swap3A_188 = arith.constant 0 : index
    %swap3A_189 = arith.constant 0 : index
    %swap3A_190 = vector.load %arg5[%swap3A_187, %swap3A_188, %swap3A_189] : memref<32x64x256xf32, #tpu.memory_space<vmem>>, vector<1x64x256xf32>
    %swap3A_191 = vector.shape_cast %swap3A_190 : vector<1x64x256xf32> to vector<64x256xf32>
    %swap3A_192 = vector.shape_cast %max3A_186 : vector<64x256xf32> to vector<1x64x256xf32>
    tpu.vector_store %arg5[%swap3A_187, %swap3A_188, %swap3A_189], %swap3A_192 {strides = array<i32>} : memref<32x64x256xf32, #tpu.memory_space<vmem>>, vector<1x64x256xf32>,
    %get3A_193 = arith.constant 8 : index
    %get3A_194 = arith.constant 0 : index
    %get3A_195 = arith.constant 0 : index
    %get3A_196 = vector.load %arg1[%get3A_193, %get3A_194, %get3A_195] : memref<32x64x64xf32, #tpu.memory_space<vmem>>, vector<1x64x64xf32>
    %get3A_197 = vector.shape_cast %get3A_196 : vector<1x64x64xf32> to vector<64x64xf32>
    %get3A_198 = arith.constant 8 : index
    %get3A_199 = arith.constant 0 : index
    %get3A_200 = arith.constant 0 : index
    %get3A_201 = vector.load %arg2[%get3A_198, %get3A_199, %get3A_200] : memref<32x64x256xf32, #tpu.memory_space<vmem>>, vector<1x64x256xf32>
    %get3A_202 = vector.shape_cast %get3A_201 : vector<1x64x256xf32> to vector<64x256xf32>
    %dot_general3A_203 = arith.constant dense<0.000000e+00> : vector<64x256xf32>
    %dot_general3A_204 = tpu.matmul %get3A_197, %get3A_202, %dot_general3A_203 {dimension_numbers = #tpu.dot_dimension_numbers<[1], [0], [0], [1], [0, 0, 1, 1], [], []>, transpose_lhs_hint = false} : vector<64x64xf32>, vector<64x256xf32>, vector<64x256xf32> -> vector<64x256xf32>
    %dot_general3A_205 = arith.constant dense<0.000000e+00> : vector<64x256xf32>
    %dot_general3A_206 = tpu.matmul %dot_general3A_204, %get3A_1, %dot_general3A_205 {dimension_numbers = #tpu.dot_dimension_numbers<[1], [0], [0], [1], [0, 0, 1, 1], [], []>, transpose_lhs_hint = false} : vector<64x256xf32>, vector<256x256xf32>, vector<64x256xf32> -> vector<64x256xf32>
    %add3A_207 = arith.addf %dot_general3A_206, %get3A_4 : vector<64x256xf32>
    %max3A_208 = arith.constant 0.000000e+00 : f32
    %max3A_209 = vector.broadcast %max3A_208 : f32 to vector<64x256xf32>
    %max3A_210 = arith.maximumf %add3A_207, %max3A_209 : vector<64x256xf32>
    %swap3A_211 = arith.constant 8 : index
    %swap3A_212 = arith.constant 0 : index
    %swap3A_213 = arith.constant 0 : index
    %swap3A_214 = vector.load %arg5[%swap3A_211, %swap3A_212, %swap3A_213] : memref<32x64x256xf32, #tpu.memory_space<vmem>>, vector<1x64x256xf32>
    %swap3A_215 = vector.shape_cast %swap3A_214 : vector<1x64x256xf32> to vector<64x256xf32>
    %swap3A_216 = vector.shape_cast %max3A_210 : vector<64x256xf32> to vector<1x64x256xf32>
    tpu.vector_store %arg5[%swap3A_211, %swap3A_212, %swap3A_213], %swap3A_216 {strides = array<i32>} : memref<32x64x256xf32, #tpu.memory_space<vmem>>, vector<1x64x256xf32>,
    %get3A_217 = arith.constant 9 : index
    %get3A_218 = arith.constant 0 : index
    %get3A_219 = arith.constant 0 : index
    %get3A_220 = vector.load %arg1[%get3A_217, %get3A_218, %get3A_219] : memref<32x64x64xf32, #tpu.memory_space<vmem>>, vector<1x64x64xf32>
    %get3A_221 = vector.shape_cast %get3A_220 : vector<1x64x64xf32> to vector<64x64xf32>
    %get3A_222 = arith.constant 9 : index
    %get3A_223 = arith.constant 0 : index
    %get3A_224 = arith.constant 0 : index
    %get3A_225 = vector.load %arg2[%get3A_222, %get3A_223, %get3A_224] : memref<32x64x256xf32, #tpu.memory_space<vmem>>, vector<1x64x256xf32>
    %get3A_226 = vector.shape_cast %get3A_225 : vector<1x64x256xf32> to vector<64x256xf32>
    %dot_general3A_227 = arith.constant dense<0.000000e+00> : vector<64x256xf32>
    %dot_general3A_228 = tpu.matmul %get3A_221, %get3A_226, %dot_general3A_227 {dimension_numbers = #tpu.dot_dimension_numbers<[1], [0], [0], [1], [0, 0, 1, 1], [], []>, transpose_lhs_hint = false} : vector<64x64xf32>, vector<64x256xf32>, vector<64x256xf32> -> vector<64x256xf32>
    %dot_general3A_229 = arith.constant dense<0.000000e+00> : vector<64x256xf32>
    %dot_general3A_230 = tpu.matmul %dot_general3A_228, %get3A_1, %dot_general3A_229 {dimension_numbers = #tpu.dot_dimension_numbers<[1], [0], [0], [1], [0, 0, 1, 1], [], []>, transpose_lhs_hint = false} : vector<64x256xf32>, vector<256x256xf32>, vector<64x256xf32> -> vector<64x256xf32>
    %add3A_231 = arith.addf %dot_general3A_230, %get3A_4 : vector<64x256xf32>
    %max3A_232 = arith.constant 0.000000e+00 : f32
    %max3A_233 = vector.broadcast %max3A_232 : f32 to vector<64x256xf32>
    %max3A_234 = arith.maximumf %add3A_231, %max3A_233 : vector<64x256xf32>
    %swap3A_235 = arith.constant 9 : index
    %swap3A_236 = arith.constant 0 : index
    %swap3A_237 = arith.constant 0 : index
    %swap3A_238 = vector.load %arg5[%swap3A_235, %swap3A_236, %swap3A_237] : memref<32x64x256xf32, #tpu.memory_space<vmem>>, vector<1x64x256xf32>
    %swap3A_239 = vector.shape_cast %swap3A_238 : vector<1x64x256xf32> to vector<64x256xf32>
    %swap3A_240 = vector.shape_cast %max3A_234 : vector<64x256xf32> to vector<1x64x256xf32>
    tpu.vector_store %arg5[%swap3A_235, %swap3A_236, %swap3A_237], %swap3A_240 {strides = array<i32>} : memref<32x64x256xf32, #tpu.memory_space<vmem>>, vector<1x64x256xf32>,
    %get3A_241 = arith.constant 10 : index
    %get3A_242 = arith.constant 0 : index
    %get3A_243 = arith.constant 0 : index
    %get3A_244 = vector.load %arg1[%get3A_241, %get3A_242, %get3A_243] : memref<32x64x64xf32, #tpu.memory_space<vmem>>, vector<1x64x64xf32>
    %get3A_245 = vector.shape_cast %get3A_244 : vector<1x64x64xf32> to vector<64x64xf32>
    %get3A_246 = arith.constant 10 : index
    %get3A_247 = arith.constant 0 : index
    %get3A_248 = arith.constant 0 : index
    %get3A_249 = vector.load %arg2[%get3A_246, %get3A_247, %get3A_248] : memref<32x64x256xf32, #tpu.memory_space<vmem>>, vector<1x64x256xf32>
    %get3A_250 = vector.shape_cast %get3A_249 : vector<1x64x256xf32> to vector<64x256xf32>
    %dot_general3A_251 = arith.constant dense<0.000000e+00> : vector<64x256xf32>
    %dot_general3A_252 = tpu.matmul %get3A_245, %get3A_250, %dot_general3A_251 {dimension_numbers = #tpu.dot_dimension_numbers<[1], [0], [0], [1], [0, 0, 1, 1], [], []>, transpose_lhs_hint = false} : vector<64x64xf32>, vector<64x256xf32>, vector<64x256xf32> -> vector<64x256xf32>
    %dot_general3A_253 = arith.constant dense<0.000000e+00> : vector<64x256xf32>
    %dot_general3A_254 = tpu.matmul %dot_general3A_252, %get3A_1, %dot_general3A_253 {dimension_numbers = #tpu.dot_dimension_numbers<[1], [0], [0], [1], [0, 0, 1, 1], [], []>, transpose_lhs_hint = false} : vector<64x256xf32>, vector<256x256xf32>, vector<64x256xf32> -> vector<64x256xf32>
    %add3A_255 = arith.addf %dot_general3A_254, %get3A_4 : vector<64x256xf32>
    %max3A_256 = arith.constant 0.000000e+00 : f32
    %max3A_257 = vector.broadcast %max3A_256 : f32 to vector<64x256xf32>
    %max3A_258 = arith.maximumf %add3A_255, %max3A_257 : vector<64x256xf32>
    %swap3A_259 = arith.constant 10 : index
    %swap3A_260 = arith.constant 0 : index
    %swap3A_261 = arith.constant 0 : index
    %swap3A_262 = vector.load %arg5[%swap3A_259, %swap3A_260, %swap3A_261] : memref<32x64x256xf32, #tpu.memory_space<vmem>>, vector<1x64x256xf32>
    %swap3A_263 = vector.shape_cast %swap3A_262 : vector<1x64x256xf32> to vector<64x256xf32>
    %swap3A_264 = vector.shape_cast %max3A_258 : vector<64x256xf32> to vector<1x64x256xf32>
    tpu.vector_store %arg5[%swap3A_259, %swap3A_260, %swap3A_261], %swap3A_264 {strides = array<i32>} : memref<32x64x256xf32, #tpu.memory_space<vmem>>, vector<1x64x256xf32>,
    %get3A_265 = arith.constant 11 : index
    %get3A_266 = arith.constant 0 : index
    %get3A_267 = arith.constant 0 : index
    %get3A_268 = vector.load %arg1[%get3A_265, %get3A_266, %get3A_267] : memref<32x64x64xf32, #tpu.memory_space<vmem>>, vector<1x64x64xf32>
    %get3A_269 = vector.shape_cast %get3A_268 : vector<1x64x64xf32> to vector<64x64xf32>
    %get3A_270 = arith.constant 11 : index
    %get3A_271 = arith.constant 0 : index
    %get3A_272 = arith.constant 0 : index
    %get3A_273 = vector.load %arg2[%get3A_270, %get3A_271, %get3A_272] : memref<32x64x256xf32, #tpu.memory_space<vmem>>, vector<1x64x256xf32>
    %get3A_274 = vector.shape_cast %get3A_273 : vector<1x64x256xf32> to vector<64x256xf32>
    %dot_general3A_275 = arith.constant dense<0.000000e+00> : vector<64x256xf32>
    %dot_general3A_276 = tpu.matmul %get3A_269, %get3A_274, %dot_general3A_275 {dimension_numbers = #tpu.dot_dimension_numbers<[1], [0], [0], [1], [0, 0, 1, 1], [], []>, transpose_lhs_hint = false} : vector<64x64xf32>, vector<64x256xf32>, vector<64x256xf32> -> vector<64x256xf32>
    %dot_general3A_277 = arith.constant dense<0.000000e+00> : vector<64x256xf32>
    %dot_general3A_278 = tpu.matmul %dot_general3A_276, %get3A_1, %dot_general3A_277 {dimension_numbers = #tpu.dot_dimension_numbers<[1], [0], [0], [1], [0, 0, 1, 1], [], []>, transpose_lhs_hint = false} : vector<64x256xf32>, vector<256x256xf32>, vector<64x256xf32> -> vector<64x256xf32>
    %add3A_279 = arith.addf %dot_general3A_278, %get3A_4 : vector<64x256xf32>
    %max3A_280 = arith.constant 0.000000e+00 : f32
    %max3A_281 = vector.broadcast %max3A_280 : f32 to vector<64x256xf32>
    %max3A_282 = arith.maximumf %add3A_279, %max3A_281 : vector<64x256xf32>
    %swap3A_283 = arith.constant 11 : index
    %swap3A_284 = arith.constant 0 : index
    %swap3A_285 = arith.constant 0 : index
    %swap3A_286 = vector.load %arg5[%swap3A_283, %swap3A_284, %swap3A_285] : memref<32x64x256xf32, #tpu.memory_space<vmem>>, vector<1x64x256xf32>
    %swap3A_287 = vector.shape_cast %swap3A_286 : vector<1x64x256xf32> to vector<64x256xf32>
    %swap3A_288 = vector.shape_cast %max3A_282 : vector<64x256xf32> to vector<1x64x256xf32>
    tpu.vector_store %arg5[%swap3A_283, %swap3A_284, %swap3A_285], %swap3A_288 {strides = array<i32>} : memref<32x64x256xf32, #tpu.memory_space<vmem>>, vector<1x64x256xf32>,
    %get3A_289 = arith.constant 12 : index
    %get3A_290 = arith.constant 0 : index
    %get3A_291 = arith.constant 0 : index
    %get3A_292 = vector.load %arg1[%get3A_289, %get3A_290, %get3A_291] : memref<32x64x64xf32, #tpu.memory_space<vmem>>, vector<1x64x64xf32>
    %get3A_293 = vector.shape_cast %get3A_292 : vector<1x64x64xf32> to vector<64x64xf32>
    %get3A_294 = arith.constant 12 : index
    %get3A_295 = arith.constant 0 : index
    %get3A_296 = arith.constant 0 : index
    %get3A_297 = vector.load %arg2[%get3A_294, %get3A_295, %get3A_296] : memref<32x64x256xf32, #tpu.memory_space<vmem>>, vector<1x64x256xf32>
    %get3A_298 = vector.shape_cast %get3A_297 : vector<1x64x256xf32> to vector<64x256xf32>
    %dot_general3A_299 = arith.constant dense<0.000000e+00> : vector<64x256xf32>
    %dot_general3A_300 = tpu.matmul %get3A_293, %get3A_298, %dot_general3A_299 {dimension_numbers = #tpu.dot_dimension_numbers<[1], [0], [0], [1], [0, 0, 1, 1], [], []>, transpose_lhs_hint = false} : vector<64x64xf32>, vector<64x256xf32>, vector<64x256xf32> -> vector<64x256xf32>
    %dot_general3A_301 = arith.constant dense<0.000000e+00> : vector<64x256xf32>
    %dot_general3A_302 = tpu.matmul %dot_general3A_300, %get3A_1, %dot_general3A_301 {dimension_numbers = #tpu.dot_dimension_numbers<[1], [0], [0], [1], [0, 0, 1, 1], [], []>, transpose_lhs_hint = false} : vector<64x256xf32>, vector<256x256xf32>, vector<64x256xf32> -> vector<64x256xf32>
    %add3A_303 = arith.addf %dot_general3A_302, %get3A_4 : vector<64x256xf32>
    %max3A_304 = arith.constant 0.000000e+00 : f32
    %max3A_305 = vector.broadcast %max3A_304 : f32 to vector<64x256xf32>
    %max3A_306 = arith.maximumf %add3A_303, %max3A_305 : vector<64x256xf32>
    %swap3A_307 = arith.constant 12 : index
    %swap3A_308 = arith.constant 0 : index
    %swap3A_309 = arith.constant 0 : index
    %swap3A_310 = vector.load %arg5[%swap3A_307, %swap3A_308, %swap3A_309] : memref<32x64x256xf32, #tpu.memory_space<vmem>>, vector<1x64x256xf32>
    %swap3A_311 = vector.shape_cast %swap3A_310 : vector<1x64x256xf32> to vector<64x256xf32>
    %swap3A_312 = vector.shape_cast %max3A_306 : vector<64x256xf32> to vector<1x64x256xf32>
    tpu.vector_store %arg5[%swap3A_307, %swap3A_308, %swap3A_309], %swap3A_312 {strides = array<i32>} : memref<32x64x256xf32, #tpu.memory_space<vmem>>, vector<1x64x256xf32>,
    %get3A_313 = arith.constant 13 : index
    %get3A_314 = arith.constant 0 : index
    %get3A_315 = arith.constant 0 : index
    %get3A_316 = vector.load %arg1[%get3A_313, %get3A_314, %get3A_315] : memref<32x64x64xf32, #tpu.memory_space<vmem>>, vector<1x64x64xf32>
    %get3A_317 = vector.shape_cast %get3A_316 : vector<1x64x64xf32> to vector<64x64xf32>
    %get3A_318 = arith.constant 13 : index
    %get3A_319 = arith.constant 0 : index
    %get3A_320 = arith.constant 0 : index
    %get3A_321 = vector.load %arg2[%get3A_318, %get3A_319, %get3A_320] : memref<32x64x256xf32, #tpu.memory_space<vmem>>, vector<1x64x256xf32>
    %get3A_322 = vector.shape_cast %get3A_321 : vector<1x64x256xf32> to vector<64x256xf32>
    %dot_general3A_323 = arith.constant dense<0.000000e+00> : vector<64x256xf32>
    %dot_general3A_324 = tpu.matmul %get3A_317, %get3A_322, %dot_general3A_323 {dimension_numbers = #tpu.dot_dimension_numbers<[1], [0], [0], [1], [0, 0, 1, 1], [], []>, transpose_lhs_hint = false} : vector<64x64xf32>, vector<64x256xf32>, vector<64x256xf32> -> vector<64x256xf32>
    %dot_general3A_325 = arith.constant dense<0.000000e+00> : vector<64x256xf32>
    %dot_general3A_326 = tpu.matmul %dot_general3A_324, %get3A_1, %dot_general3A_325 {dimension_numbers = #tpu.dot_dimension_numbers<[1], [0], [0], [1], [0, 0, 1, 1], [], []>, transpose_lhs_hint = false} : vector<64x256xf32>, vector<256x256xf32>, vector<64x256xf32> -> vector<64x256xf32>
    %add3A_327 = arith.addf %dot_general3A_326, %get3A_4 : vector<64x256xf32>
    %max3A_328 = arith.constant 0.000000e+00 : f32
    %max3A_329 = vector.broadcast %max3A_328 : f32 to vector<64x256xf32>
    %max3A_330 = arith.maximumf %add3A_327, %max3A_329 : vector<64x256xf32>
    %swap3A_331 = arith.constant 13 : index
    %swap3A_332 = arith.constant 0 : index
    %swap3A_333 = arith.constant 0 : index
    %swap3A_334 = vector.load %arg5[%swap3A_331, %swap3A_332, %swap3A_333] : memref<32x64x256xf32, #tpu.memory_space<vmem>>, vector<1x64x256xf32>
    %swap3A_335 = vector.shape_cast %swap3A_334 : vector<1x64x256xf32> to vector<64x256xf32>
    %swap3A_336 = vector.shape_cast %max3A_330 : vector<64x256xf32> to vector<1x64x256xf32>
    tpu.vector_store %arg5[%swap3A_331, %swap3A_332, %swap3A_333], %swap3A_336 {strides = array<i32>} : memref<32x64x256xf32, #tpu.memory_space<vmem>>, vector<1x64x256xf32>,
    %get3A_337 = arith.constant 14 : index
    %get3A_338 = arith.constant 0 : index
    %get3A_339 = arith.constant 0 : index
    %get3A_340 = vector.load %arg1[%get3A_337, %get3A_338, %get3A_339] : memref<32x64x64xf32, #tpu.memory_space<vmem>>, vector<1x64x64xf32>
    %get3A_341 = vector.shape_cast %get3A_340 : vector<1x64x64xf32> to vector<64x64xf32>
    %get3A_342 = arith.constant 14 : index
    %get3A_343 = arith.constant 0 : index
    %get3A_344 = arith.constant 0 : index
    %get3A_345 = vector.load %arg2[%get3A_342, %get3A_343, %get3A_344] : memref<32x64x256xf32, #tpu.memory_space<vmem>>, vector<1x64x256xf32>
    %get3A_346 = vector.shape_cast %get3A_345 : vector<1x64x256xf32> to vector<64x256xf32>
    %dot_general3A_347 = arith.constant dense<0.000000e+00> : vector<64x256xf32>
    %dot_general3A_348 = tpu.matmul %get3A_341, %get3A_346, %dot_general3A_347 {dimension_numbers = #tpu.dot_dimension_numbers<[1], [0], [0], [1], [0, 0, 1, 1], [], []>, transpose_lhs_hint = false} : vector<64x64xf32>, vector<64x256xf32>, vector<64x256xf32> -> vector<64x256xf32>
    %dot_general3A_349 = arith.constant dense<0.000000e+00> : vector<64x256xf32>
    %dot_general3A_350 = tpu.matmul %dot_general3A_348, %get3A_1, %dot_general3A_349 {dimension_numbers = #tpu.dot_dimension_numbers<[1], [0], [0], [1], [0, 0, 1, 1], [], []>, transpose_lhs_hint = false} : vector<64x256xf32>, vector<256x256xf32>, vector<64x256xf32> -> vector<64x256xf32>
    %add3A_351 = arith.addf %dot_general3A_350, %get3A_4 : vector<64x256xf32>
    %max3A_352 = arith.constant 0.000000e+00 : f32
    %max3A_353 = vector.broadcast %max3A_352 : f32 to vector<64x256xf32>
    %max3A_354 = arith.maximumf %add3A_351, %max3A_353 : vector<64x256xf32>
    %swap3A_355 = arith.constant 14 : index
    %swap3A_356 = arith.constant 0 : index
    %swap3A_357 = arith.constant 0 : index
    %swap3A_358 = vector.load %arg5[%swap3A_355, %swap3A_356, %swap3A_357] : memref<32x64x256xf32, #tpu.memory_space<vmem>>, vector<1x64x256xf32>
    %swap3A_359 = vector.shape_cast %swap3A_358 : vector<1x64x256xf32> to vector<64x256xf32>
    %swap3A_360 = vector.shape_cast %max3A_354 : vector<64x256xf32> to vector<1x64x256xf32>
    tpu.vector_store %arg5[%swap3A_355, %swap3A_356, %swap3A_357], %swap3A_360 {strides = array<i32>} : memref<32x64x256xf32, #tpu.memory_space<vmem>>, vector<1x64x256xf32>,
    %get3A_361 = arith.constant 15 : index
    %get3A_362 = arith.constant 0 : index
    %get3A_363 = arith.constant 0 : index
    %get3A_364 = vector.load %arg1[%get3A_361, %get3A_362, %get3A_363] : memref<32x64x64xf32, #tpu.memory_space<vmem>>, vector<1x64x64xf32>
    %get3A_365 = vector.shape_cast %get3A_364 : vector<1x64x64xf32> to vector<64x64xf32>
    %get3A_366 = arith.constant 15 : index
    %get3A_367 = arith.constant 0 : index
    %get3A_368 = arith.constant 0 : index
    %get3A_369 = vector.load %arg2[%get3A_366, %get3A_367, %get3A_368] : memref<32x64x256xf32, #tpu.memory_space<vmem>>, vector<1x64x256xf32>
    %get3A_370 = vector.shape_cast %get3A_369 : vector<1x64x256xf32> to vector<64x256xf32>
    %dot_general3A_371 = arith.constant dense<0.000000e+00> : vector<64x256xf32>
    %dot_general3A_372 = tpu.matmul %get3A_365, %get3A_370, %dot_general3A_371 {dimension_numbers = #tpu.dot_dimension_numbers<[1], [0], [0], [1], [0, 0, 1, 1], [], []>, transpose_lhs_hint = false} : vector<64x64xf32>, vector<64x256xf32>, vector<64x256xf32> -> vector<64x256xf32>
    %dot_general3A_373 = arith.constant dense<0.000000e+00> : vector<64x256xf32>
    %dot_general3A_374 = tpu.matmul %dot_general3A_372, %get3A_1, %dot_general3A_373 {dimension_numbers = #tpu.dot_dimension_numbers<[1], [0], [0], [1], [0, 0, 1, 1], [], []>, transpose_lhs_hint = false} : vector<64x256xf32>, vector<256x256xf32>, vector<64x256xf32> -> vector<64x256xf32>
    %add3A_375 = arith.addf %dot_general3A_374, %get3A_4 : vector<64x256xf32>
    %max3A_376 = arith.constant 0.000000e+00 : f32
    %max3A_377 = vector.broadcast %max3A_376 : f32 to vector<64x256xf32>
    %max3A_378 = arith.maximumf %add3A_375, %max3A_377 : vector<64x256xf32>
    %swap3A_379 = arith.constant 15 : index
    %swap3A_380 = arith.constant 0 : index
    %swap3A_381 = arith.constant 0 : index
    %swap3A_382 = vector.load %arg5[%swap3A_379, %swap3A_380, %swap3A_381] : memref<32x64x256xf32, #tpu.memory_space<vmem>>, vector<1x64x256xf32>
    %swap3A_383 = vector.shape_cast %swap3A_382 : vector<1x64x256xf32> to vector<64x256xf32>
    %swap3A_384 = vector.shape_cast %max3A_378 : vector<64x256xf32> to vector<1x64x256xf32>
    tpu.vector_store %arg5[%swap3A_379, %swap3A_380, %swap3A_381], %swap3A_384 {strides = array<i32>} : memref<32x64x256xf32, #tpu.memory_space<vmem>>, vector<1x64x256xf32>,
    %get3A_385 = arith.constant 16 : index
    %get3A_386 = arith.constant 0 : index
    %get3A_387 = arith.constant 0 : index
    %get3A_388 = vector.load %arg1[%get3A_385, %get3A_386, %get3A_387] : memref<32x64x64xf32, #tpu.memory_space<vmem>>, vector<1x64x64xf32>
    %get3A_389 = vector.shape_cast %get3A_388 : vector<1x64x64xf32> to vector<64x64xf32>
    %get3A_390 = arith.constant 16 : index
    %get3A_391 = arith.constant 0 : index
    %get3A_392 = arith.constant 0 : index
    %get3A_393 = vector.load %arg2[%get3A_390, %get3A_391, %get3A_392] : memref<32x64x256xf32, #tpu.memory_space<vmem>>, vector<1x64x256xf32>
    %get3A_394 = vector.shape_cast %get3A_393 : vector<1x64x256xf32> to vector<64x256xf32>
    %dot_general3A_395 = arith.constant dense<0.000000e+00> : vector<64x256xf32>
    %dot_general3A_396 = tpu.matmul %get3A_389, %get3A_394, %dot_general3A_395 {dimension_numbers = #tpu.dot_dimension_numbers<[1], [0], [0], [1], [0, 0, 1, 1], [], []>, transpose_lhs_hint = false} : vector<64x64xf32>, vector<64x256xf32>, vector<64x256xf32> -> vector<64x256xf32>
    %dot_general3A_397 = arith.constant dense<0.000000e+00> : vector<64x256xf32>
    %dot_general3A_398 = tpu.matmul %dot_general3A_396, %get3A_1, %dot_general3A_397 {dimension_numbers = #tpu.dot_dimension_numbers<[1], [0], [0], [1], [0, 0, 1, 1], [], []>, transpose_lhs_hint = false} : vector<64x256xf32>, vector<256x256xf32>, vector<64x256xf32> -> vector<64x256xf32>
    %add3A_399 = arith.addf %dot_general3A_398, %get3A_4 : vector<64x256xf32>
    %max3A_400 = arith.constant 0.000000e+00 : f32
    %max3A_401 = vector.broadcast %max3A_400 : f32 to vector<64x256xf32>
    %max3A_402 = arith.maximumf %add3A_399, %max3A_401 : vector<64x256xf32>
    %swap3A_403 = arith.constant 16 : index
    %swap3A_404 = arith.constant 0 : index
    %swap3A_405 = arith.constant 0 : index
    %swap3A_406 = vector.load %arg5[%swap3A_403, %swap3A_404, %swap3A_405] : memref<32x64x256xf32, #tpu.memory_space<vmem>>, vector<1x64x256xf32>
    %swap3A_407 = vector.shape_cast %swap3A_406 : vector<1x64x256xf32> to vector<64x256xf32>
    %swap3A_408 = vector.shape_cast %max3A_402 : vector<64x256xf32> to vector<1x64x256xf32>
    tpu.vector_store %arg5[%swap3A_403, %swap3A_404, %swap3A_405], %swap3A_408 {strides = array<i32>} : memref<32x64x256xf32, #tpu.memory_space<vmem>>, vector<1x64x256xf32>,
    %get3A_409 = arith.constant 17 : index
    %get3A_410 = arith.constant 0 : index
    %get3A_411 = arith.constant 0 : index
    %get3A_412 = vector.load %arg1[%get3A_409, %get3A_410, %get3A_411] : memref<32x64x64xf32, #tpu.memory_space<vmem>>, vector<1x64x64xf32>
    %get3A_413 = vector.shape_cast %get3A_412 : vector<1x64x64xf32> to vector<64x64xf32>
    %get3A_414 = arith.constant 17 : index
    %get3A_415 = arith.constant 0 : index
    %get3A_416 = arith.constant 0 : index
    %get3A_417 = vector.load %arg2[%get3A_414, %get3A_415, %get3A_416] : memref<32x64x256xf32, #tpu.memory_space<vmem>>, vector<1x64x256xf32>
    %get3A_418 = vector.shape_cast %get3A_417 : vector<1x64x256xf32> to vector<64x256xf32>
    %dot_general3A_419 = arith.constant dense<0.000000e+00> : vector<64x256xf32>
    %dot_general3A_420 = tpu.matmul %get3A_413, %get3A_418, %dot_general3A_419 {dimension_numbers = #tpu.dot_dimension_numbers<[1], [0], [0], [1], [0, 0, 1, 1], [], []>, transpose_lhs_hint = false} : vector<64x64xf32>, vector<64x256xf32>, vector<64x256xf32> -> vector<64x256xf32>
    %dot_general3A_421 = arith.constant dense<0.000000e+00> : vector<64x256xf32>
    %dot_general3A_422 = tpu.matmul %dot_general3A_420, %get3A_1, %dot_general3A_421 {dimension_numbers = #tpu.dot_dimension_numbers<[1], [0], [0], [1], [0, 0, 1, 1], [], []>, transpose_lhs_hint = false} : vector<64x256xf32>, vector<256x256xf32>, vector<64x256xf32> -> vector<64x256xf32>
    %add3A_423 = arith.addf %dot_general3A_422, %get3A_4 : vector<64x256xf32>
    %max3A_424 = arith.constant 0.000000e+00 : f32
    %max3A_425 = vector.broadcast %max3A_424 : f32 to vector<64x256xf32>
    %max3A_426 = arith.maximumf %add3A_423, %max3A_425 : vector<64x256xf32>
    %swap3A_427 = arith.constant 17 : index
    %swap3A_428 = arith.constant 0 : index
    %swap3A_429 = arith.constant 0 : index
    %swap3A_430 = vector.load %arg5[%swap3A_427, %swap3A_428, %swap3A_429] : memref<32x64x256xf32, #tpu.memory_space<vmem>>, vector<1x64x256xf32>
    %swap3A_431 = vector.shape_cast %swap3A_430 : vector<1x64x256xf32> to vector<64x256xf32>
    %swap3A_432 = vector.shape_cast %max3A_426 : vector<64x256xf32> to vector<1x64x256xf32>
    tpu.vector_store %arg5[%swap3A_427, %swap3A_428, %swap3A_429], %swap3A_432 {strides = array<i32>} : memref<32x64x256xf32, #tpu.memory_space<vmem>>, vector<1x64x256xf32>,
    %get3A_433 = arith.constant 18 : index
    %get3A_434 = arith.constant 0 : index
    %get3A_435 = arith.constant 0 : index
    %get3A_436 = vector.load %arg1[%get3A_433, %get3A_434, %get3A_435] : memref<32x64x64xf32, #tpu.memory_space<vmem>>, vector<1x64x64xf32>
    %get3A_437 = vector.shape_cast %get3A_436 : vector<1x64x64xf32> to vector<64x64xf32>
    %get3A_438 = arith.constant 18 : index
    %get3A_439 = arith.constant 0 : index
    %get3A_440 = arith.constant 0 : index
    %get3A_441 = vector.load %arg2[%get3A_438, %get3A_439, %get3A_440] : memref<32x64x256xf32, #tpu.memory_space<vmem>>, vector<1x64x256xf32>
    %get3A_442 = vector.shape_cast %get3A_441 : vector<1x64x256xf32> to vector<64x256xf32>
    %dot_general3A_443 = arith.constant dense<0.000000e+00> : vector<64x256xf32>
    %dot_general3A_444 = tpu.matmul %get3A_437, %get3A_442, %dot_general3A_443 {dimension_numbers = #tpu.dot_dimension_numbers<[1], [0], [0], [1], [0, 0, 1, 1], [], []>, transpose_lhs_hint = false} : vector<64x64xf32>, vector<64x256xf32>, vector<64x256xf32> -> vector<64x256xf32>
    %dot_general3A_445 = arith.constant dense<0.000000e+00> : vector<64x256xf32>
    %dot_general3A_446 = tpu.matmul %dot_general3A_444, %get3A_1, %dot_general3A_445 {dimension_numbers = #tpu.dot_dimension_numbers<[1], [0], [0], [1], [0, 0, 1, 1], [], []>, transpose_lhs_hint = false} : vector<64x256xf32>, vector<256x256xf32>, vector<64x256xf32> -> vector<64x256xf32>
    %add3A_447 = arith.addf %dot_general3A_446, %get3A_4 : vector<64x256xf32>
    %max3A_448 = arith.constant 0.000000e+00 : f32
    %max3A_449 = vector.broadcast %max3A_448 : f32 to vector<64x256xf32>
    %max3A_450 = arith.maximumf %add3A_447, %max3A_449 : vector<64x256xf32>
    %swap3A_451 = arith.constant 18 : index
    %swap3A_452 = arith.constant 0 : index
    %swap3A_453 = arith.constant 0 : index
    %swap3A_454 = vector.load %arg5[%swap3A_451, %swap3A_452, %swap3A_453] : memref<32x64x256xf32, #tpu.memory_space<vmem>>, vector<1x64x256xf32>
    %swap3A_455 = vector.shape_cast %swap3A_454 : vector<1x64x256xf32> to vector<64x256xf32>
    %swap3A_456 = vector.shape_cast %max3A_450 : vector<64x256xf32> to vector<1x64x256xf32>
    tpu.vector_store %arg5[%swap3A_451, %swap3A_452, %swap3A_453], %swap3A_456 {strides = array<i32>} : memref<32x64x256xf32, #tpu.memory_space<vmem>>, vector<1x64x256xf32>,
    %get3A_457 = arith.constant 19 : index
    %get3A_458 = arith.constant 0 : index
    %get3A_459 = arith.constant 0 : index
    %get3A_460 = vector.load %arg1[%get3A_457, %get3A_458, %get3A_459] : memref<32x64x64xf32, #tpu.memory_space<vmem>>, vector<1x64x64xf32>
    %get3A_461 = vector.shape_cast %get3A_460 : vector<1x64x64xf32> to vector<64x64xf32>
    %get3A_462 = arith.constant 19 : index
    %get3A_463 = arith.constant 0 : index
    %get3A_464 = arith.constant 0 : index
    %get3A_465 = vector.load %arg2[%get3A_462, %get3A_463, %get3A_464] : memref<32x64x256xf32, #tpu.memory_space<vmem>>, vector<1x64x256xf32>
    %get3A_466 = vector.shape_cast %get3A_465 : vector<1x64x256xf32> to vector<64x256xf32>
    %dot_general3A_467 = arith.constant dense<0.000000e+00> : vector<64x256xf32>
    %dot_general3A_468 = tpu.matmul %get3A_461, %get3A_466, %dot_general3A_467 {dimension_numbers = #tpu.dot_dimension_numbers<[1], [0], [0], [1], [0, 0, 1, 1], [], []>, transpose_lhs_hint = false} : vector<64x64xf32>, vector<64x256xf32>, vector<64x256xf32> -> vector<64x256xf32>
    %dot_general3A_469 = arith.constant dense<0.000000e+00> : vector<64x256xf32>
    %dot_general3A_470 = tpu.matmul %dot_general3A_468, %get3A_1, %dot_general3A_469 {dimension_numbers = #tpu.dot_dimension_numbers<[1], [0], [0], [1], [0, 0, 1, 1], [], []>, transpose_lhs_hint = false} : vector<64x256xf32>, vector<256x256xf32>, vector<64x256xf32> -> vector<64x256xf32>
    %add3A_471 = arith.addf %dot_general3A_470, %get3A_4 : vector<64x256xf32>
    %max3A_472 = arith.constant 0.000000e+00 : f32
    %max3A_473 = vector.broadcast %max3A_472 : f32 to vector<64x256xf32>
    %max3A_474 = arith.maximumf %add3A_471, %max3A_473 : vector<64x256xf32>
    %swap3A_475 = arith.constant 19 : index
    %swap3A_476 = arith.constant 0 : index
    %swap3A_477 = arith.constant 0 : index
    %swap3A_478 = vector.load %arg5[%swap3A_475, %swap3A_476, %swap3A_477] : memref<32x64x256xf32, #tpu.memory_space<vmem>>, vector<1x64x256xf32>
    %swap3A_479 = vector.shape_cast %swap3A_478 : vector<1x64x256xf32> to vector<64x256xf32>
    %swap3A_480 = vector.shape_cast %max3A_474 : vector<64x256xf32> to vector<1x64x256xf32>
    tpu.vector_store %arg5[%swap3A_475, %swap3A_476, %swap3A_477], %swap3A_480 {strides = array<i32>} : memref<32x64x256xf32, #tpu.memory_space<vmem>>, vector<1x64x256xf32>,
    %get3A_481 = arith.constant 20 : index
    %get3A_482 = arith.constant 0 : index
    %get3A_483 = arith.constant 0 : index
    %get3A_484 = vector.load %arg1[%get3A_481, %get3A_482, %get3A_483] : memref<32x64x64xf32, #tpu.memory_space<vmem>>, vector<1x64x64xf32>
    %get3A_485 = vector.shape_cast %get3A_484 : vector<1x64x64xf32> to vector<64x64xf32>
    %get3A_486 = arith.constant 20 : index
    %get3A_487 = arith.constant 0 : index
    %get3A_488 = arith.constant 0 : index
    %get3A_489 = vector.load %arg2[%get3A_486, %get3A_487, %get3A_488] : memref<32x64x256xf32, #tpu.memory_space<vmem>>, vector<1x64x256xf32>
    %get3A_490 = vector.shape_cast %get3A_489 : vector<1x64x256xf32> to vector<64x256xf32>
    %dot_general3A_491 = arith.constant dense<0.000000e+00> : vector<64x256xf32>
    %dot_general3A_492 = tpu.matmul %get3A_485, %get3A_490, %dot_general3A_491 {dimension_numbers = #tpu.dot_dimension_numbers<[1], [0], [0], [1], [0, 0, 1, 1], [], []>, transpose_lhs_hint = false} : vector<64x64xf32>, vector<64x256xf32>, vector<64x256xf32> -> vector<64x256xf32>
    %dot_general3A_493 = arith.constant dense<0.000000e+00> : vector<64x256xf32>
    %dot_general3A_494 = tpu.matmul %dot_general3A_492, %get3A_1, %dot_general3A_493 {dimension_numbers = #tpu.dot_dimension_numbers<[1], [0], [0], [1], [0, 0, 1, 1], [], []>, transpose_lhs_hint = false} : vector<64x256xf32>, vector<256x256xf32>, vector<64x256xf32> -> vector<64x256xf32>
    %add3A_495 = arith.addf %dot_general3A_494, %get3A_4 : vector<64x256xf32>
    %max3A_496 = arith.constant 0.000000e+00 : f32
    %max3A_497 = vector.broadcast %max3A_496 : f32 to vector<64x256xf32>
    %max3A_498 = arith.maximumf %add3A_495, %max3A_497 : vector<64x256xf32>
    %swap3A_499 = arith.constant 20 : index
    %swap3A_500 = arith.constant 0 : index
    %swap3A_501 = arith.constant 0 : index
    %swap3A_502 = vector.load %arg5[%swap3A_499, %swap3A_500, %swap3A_501] : memref<32x64x256xf32, #tpu.memory_space<vmem>>, vector<1x64x256xf32>
    %swap3A_503 = vector.shape_cast %swap3A_502 : vector<1x64x256xf32> to vector<64x256xf32>
    %swap3A_504 = vector.shape_cast %max3A_498 : vector<64x256xf32> to vector<1x64x256xf32>
    tpu.vector_store %arg5[%swap3A_499, %swap3A_500, %swap3A_501], %swap3A_504 {strides = array<i32>} : memref<32x64x256xf32, #tpu.memory_space<vmem>>, vector<1x64x256xf32>,
    %get3A_505 = arith.constant 21 : index
    %get3A_506 = arith.constant 0 : index
    %get3A_507 = arith.constant 0 : index
    %get3A_508 = vector.load %arg1[%get3A_505, %get3A_506, %get3A_507] : memref<32x64x64xf32, #tpu.memory_space<vmem>>, vector<1x64x64xf32>
    %get3A_509 = vector.shape_cast %get3A_508 : vector<1x64x64xf32> to vector<64x64xf32>
    %get3A_510 = arith.constant 21 : index
    %get3A_511 = arith.constant 0 : index
    %get3A_512 = arith.constant 0 : index
    %get3A_513 = vector.load %arg2[%get3A_510, %get3A_511, %get3A_512] : memref<32x64x256xf32, #tpu.memory_space<vmem>>, vector<1x64x256xf32>
    %get3A_514 = vector.shape_cast %get3A_513 : vector<1x64x256xf32> to vector<64x256xf32>
    %dot_general3A_515 = arith.constant dense<0.000000e+00> : vector<64x256xf32>
    %dot_general3A_516 = tpu.matmul %get3A_509, %get3A_514, %dot_general3A_515 {dimension_numbers = #tpu.dot_dimension_numbers<[1], [0], [0], [1], [0, 0, 1, 1], [], []>, transpose_lhs_hint = false} : vector<64x64xf32>, vector<64x256xf32>, vector<64x256xf32> -> vector<64x256xf32>
    %dot_general3A_517 = arith.constant dense<0.000000e+00> : vector<64x256xf32>
    %dot_general3A_518 = tpu.matmul %dot_general3A_516, %get3A_1, %dot_general3A_517 {dimension_numbers = #tpu.dot_dimension_numbers<[1], [0], [0], [1], [0, 0, 1, 1], [], []>, transpose_lhs_hint = false} : vector<64x256xf32>, vector<256x256xf32>, vector<64x256xf32> -> vector<64x256xf32>
    %add3A_519 = arith.addf %dot_general3A_518, %get3A_4 : vector<64x256xf32>
    %max3A_520 = arith.constant 0.000000e+00 : f32
    %max3A_521 = vector.broadcast %max3A_520 : f32 to vector<64x256xf32>
    %max3A_522 = arith.maximumf %add3A_519, %max3A_521 : vector<64x256xf32>
    %swap3A_523 = arith.constant 21 : index
    %swap3A_524 = arith.constant 0 : index
    %swap3A_525 = arith.constant 0 : index
    %swap3A_526 = vector.load %arg5[%swap3A_523, %swap3A_524, %swap3A_525] : memref<32x64x256xf32, #tpu.memory_space<vmem>>, vector<1x64x256xf32>
    %swap3A_527 = vector.shape_cast %swap3A_526 : vector<1x64x256xf32> to vector<64x256xf32>
    %swap3A_528 = vector.shape_cast %max3A_522 : vector<64x256xf32> to vector<1x64x256xf32>
    tpu.vector_store %arg5[%swap3A_523, %swap3A_524, %swap3A_525], %swap3A_528 {strides = array<i32>} : memref<32x64x256xf32, #tpu.memory_space<vmem>>, vector<1x64x256xf32>,
    %get3A_529 = arith.constant 22 : index
    %get3A_530 = arith.constant 0 : index
    %get3A_531 = arith.constant 0 : index
    %get3A_532 = vector.load %arg1[%get3A_529, %get3A_530, %get3A_531] : memref<32x64x64xf32, #tpu.memory_space<vmem>>, vector<1x64x64xf32>
    %get3A_533 = vector.shape_cast %get3A_532 : vector<1x64x64xf32> to vector<64x64xf32>
    %get3A_534 = arith.constant 22 : index
    %get3A_535 = arith.constant 0 : index
    %get3A_536 = arith.constant 0 : index
    %get3A_537 = vector.load %arg2[%get3A_534, %get3A_535, %get3A_536] : memref<32x64x256xf32, #tpu.memory_space<vmem>>, vector<1x64x256xf32>
    %get3A_538 = vector.shape_cast %get3A_537 : vector<1x64x256xf32> to vector<64x256xf32>
    %dot_general3A_539 = arith.constant dense<0.000000e+00> : vector<64x256xf32>
    %dot_general3A_540 = tpu.matmul %get3A_533, %get3A_538, %dot_general3A_539 {dimension_numbers = #tpu.dot_dimension_numbers<[1], [0], [0], [1], [0, 0, 1, 1], [], []>, transpose_lhs_hint = false} : vector<64x64xf32>, vector<64x256xf32>, vector<64x256xf32> -> vector<64x256xf32>
    %dot_general3A_541 = arith.constant dense<0.000000e+00> : vector<64x256xf32>
    %dot_general3A_542 = tpu.matmul %dot_general3A_540, %get3A_1, %dot_general3A_541 {dimension_numbers = #tpu.dot_dimension_numbers<[1], [0], [0], [1], [0, 0, 1, 1], [], []>, transpose_lhs_hint = false} : vector<64x256xf32>, vector<256x256xf32>, vector<64x256xf32> -> vector<64x256xf32>
    %add3A_543 = arith.addf %dot_general3A_542, %get3A_4 : vector<64x256xf32>
    %max3A_544 = arith.constant 0.000000e+00 : f32
    %max3A_545 = vector.broadcast %max3A_544 : f32 to vector<64x256xf32>
    %max3A_546 = arith.maximumf %add3A_543, %max3A_545 : vector<64x256xf32>
    %swap3A_547 = arith.constant 22 : index
    %swap3A_548 = arith.constant 0 : index
    %swap3A_549 = arith.constant 0 : index
    %swap3A_550 = vector.load %arg5[%swap3A_547, %swap3A_548, %swap3A_549] : memref<32x64x256xf32, #tpu.memory_space<vmem>>, vector<1x64x256xf32>
    %swap3A_551 = vector.shape_cast %swap3A_550 : vector<1x64x256xf32> to vector<64x256xf32>
    %swap3A_552 = vector.shape_cast %max3A_546 : vector<64x256xf32> to vector<1x64x256xf32>
    tpu.vector_store %arg5[%swap3A_547, %swap3A_548, %swap3A_549], %swap3A_552 {strides = array<i32>} : memref<32x64x256xf32, #tpu.memory_space<vmem>>, vector<1x64x256xf32>,
    %get3A_553 = arith.constant 23 : index
    %get3A_554 = arith.constant 0 : index
    %get3A_555 = arith.constant 0 : index
    %get3A_556 = vector.load %arg1[%get3A_553, %get3A_554, %get3A_555] : memref<32x64x64xf32, #tpu.memory_space<vmem>>, vector<1x64x64xf32>
    %get3A_557 = vector.shape_cast %get3A_556 : vector<1x64x64xf32> to vector<64x64xf32>
    %get3A_558 = arith.constant 23 : index
    %get3A_559 = arith.constant 0 : index
    %get3A_560 = arith.constant 0 : index
    %get3A_561 = vector.load %arg2[%get3A_558, %get3A_559, %get3A_560] : memref<32x64x256xf32, #tpu.memory_space<vmem>>, vector<1x64x256xf32>
    %get3A_562 = vector.shape_cast %get3A_561 : vector<1x64x256xf32> to vector<64x256xf32>
    %dot_general3A_563 = arith.constant dense<0.000000e+00> : vector<64x256xf32>
    %dot_general3A_564 = tpu.matmul %get3A_557, %get3A_562, %dot_general3A_563 {dimension_numbers = #tpu.dot_dimension_numbers<[1], [0], [0], [1], [0, 0, 1, 1], [], []>, transpose_lhs_hint = false} : vector<64x64xf32>, vector<64x256xf32>, vector<64x256xf32> -> vector<64x256xf32>
    %dot_general3A_565 = arith.constant dense<0.000000e+00> : vector<64x256xf32>
    %dot_general3A_566 = tpu.matmul %dot_general3A_564, %get3A_1, %dot_general3A_565 {dimension_numbers = #tpu.dot_dimension_numbers<[1], [0], [0], [1], [0, 0, 1, 1], [], []>, transpose_lhs_hint = false} : vector<64x256xf32>, vector<256x256xf32>, vector<64x256xf32> -> vector<64x256xf32>
    %add3A_567 = arith.addf %dot_general3A_566, %get3A_4 : vector<64x256xf32>
    %max3A_568 = arith.constant 0.000000e+00 : f32
    %max3A_569 = vector.broadcast %max3A_568 : f32 to vector<64x256xf32>
    %max3A_570 = arith.maximumf %add3A_567, %max3A_569 : vector<64x256xf32>
    %swap3A_571 = arith.constant 23 : index
    %swap3A_572 = arith.constant 0 : index
    %swap3A_573 = arith.constant 0 : index
    %swap3A_574 = vector.load %arg5[%swap3A_571, %swap3A_572, %swap3A_573] : memref<32x64x256xf32, #tpu.memory_space<vmem>>, vector<1x64x256xf32>
    %swap3A_575 = vector.shape_cast %swap3A_574 : vector<1x64x256xf32> to vector<64x256xf32>
    %swap3A_576 = vector.shape_cast %max3A_570 : vector<64x256xf32> to vector<1x64x256xf32>
    tpu.vector_store %arg5[%swap3A_571, %swap3A_572, %swap3A_573], %swap3A_576 {strides = array<i32>} : memref<32x64x256xf32, #tpu.memory_space<vmem>>, vector<1x64x256xf32>,
    %get3A_577 = arith.constant 24 : index
    %get3A_578 = arith.constant 0 : index
    %get3A_579 = arith.constant 0 : index
    %get3A_580 = vector.load %arg1[%get3A_577, %get3A_578, %get3A_579] : memref<32x64x64xf32, #tpu.memory_space<vmem>>, vector<1x64x64xf32>
    %get3A_581 = vector.shape_cast %get3A_580 : vector<1x64x64xf32> to vector<64x64xf32>
    %get3A_582 = arith.constant 24 : index
    %get3A_583 = arith.constant 0 : index
    %get3A_584 = arith.constant 0 : index
    %get3A_585 = vector.load %arg2[%get3A_582, %get3A_583, %get3A_584] : memref<32x64x256xf32, #tpu.memory_space<vmem>>, vector<1x64x256xf32>
    %get3A_586 = vector.shape_cast %get3A_585 : vector<1x64x256xf32> to vector<64x256xf32>
    %dot_general3A_587 = arith.constant dense<0.000000e+00> : vector<64x256xf32>
    %dot_general3A_588 = tpu.matmul %get3A_581, %get3A_586, %dot_general3A_587 {dimension_numbers = #tpu.dot_dimension_numbers<[1], [0], [0], [1], [0, 0, 1, 1], [], []>, transpose_lhs_hint = false} : vector<64x64xf32>, vector<64x256xf32>, vector<64x256xf32> -> vector<64x256xf32>
    %dot_general3A_589 = arith.constant dense<0.000000e+00> : vector<64x256xf32>
    %dot_general3A_590 = tpu.matmul %dot_general3A_588, %get3A_1, %dot_general3A_589 {dimension_numbers = #tpu.dot_dimension_numbers<[1], [0], [0], [1], [0, 0, 1, 1], [], []>, transpose_lhs_hint = false} : vector<64x256xf32>, vector<256x256xf32>, vector<64x256xf32> -> vector<64x256xf32>
    %add3A_591 = arith.addf %dot_general3A_590, %get3A_4 : vector<64x256xf32>
    %max3A_592 = arith.constant 0.000000e+00 : f32
    %max3A_593 = vector.broadcast %max3A_592 : f32 to vector<64x256xf32>
    %max3A_594 = arith.maximumf %add3A_591, %max3A_593 : vector<64x256xf32>
    %swap3A_595 = arith.constant 24 : index
    %swap3A_596 = arith.constant 0 : index
    %swap3A_597 = arith.constant 0 : index
    %swap3A_598 = vector.load %arg5[%swap3A_595, %swap3A_596, %swap3A_597] : memref<32x64x256xf32, #tpu.memory_space<vmem>>, vector<1x64x256xf32>
    %swap3A_599 = vector.shape_cast %swap3A_598 : vector<1x64x256xf32> to vector<64x256xf32>
    %swap3A_600 = vector.shape_cast %max3A_594 : vector<64x256xf32> to vector<1x64x256xf32>
    tpu.vector_store %arg5[%swap3A_595, %swap3A_596, %swap3A_597], %swap3A_600 {strides = array<i32>} : memref<32x64x256xf32, #tpu.memory_space<vmem>>, vector<1x64x256xf32>,
    %get3A_601 = arith.constant 25 : index
    %get3A_602 = arith.constant 0 : index
    %get3A_603 = arith.constant 0 : index
    %get3A_604 = vector.load %arg1[%get3A_601, %get3A_602, %get3A_603] : memref<32x64x64xf32, #tpu.memory_space<vmem>>, vector<1x64x64xf32>
    %get3A_605 = vector.shape_cast %get3A_604 : vector<1x64x64xf32> to vector<64x64xf32>
    %get3A_606 = arith.constant 25 : index
    %get3A_607 = arith.constant 0 : index
    %get3A_608 = arith.constant 0 : index
    %get3A_609 = vector.load %arg2[%get3A_606, %get3A_607, %get3A_608] : memref<32x64x256xf32, #tpu.memory_space<vmem>>, vector<1x64x256xf32>
    %get3A_610 = vector.shape_cast %get3A_609 : vector<1x64x256xf32> to vector<64x256xf32>
    %dot_general3A_611 = arith.constant dense<0.000000e+00> : vector<64x256xf32>
    %dot_general3A_612 = tpu.matmul %get3A_605, %get3A_610, %dot_general3A_611 {dimension_numbers = #tpu.dot_dimension_numbers<[1], [0], [0], [1], [0, 0, 1, 1], [], []>, transpose_lhs_hint = false} : vector<64x64xf32>, vector<64x256xf32>, vector<64x256xf32> -> vector<64x256xf32>
    %dot_general3A_613 = arith.constant dense<0.000000e+00> : vector<64x256xf32>
    %dot_general3A_614 = tpu.matmul %dot_general3A_612, %get3A_1, %dot_general3A_613 {dimension_numbers = #tpu.dot_dimension_numbers<[1], [0], [0], [1], [0, 0, 1, 1], [], []>, transpose_lhs_hint = false} : vector<64x256xf32>, vector<256x256xf32>, vector<64x256xf32> -> vector<64x256xf32>
    %add3A_615 = arith.addf %dot_general3A_614, %get3A_4 : vector<64x256xf32>
    %max3A_616 = arith.constant 0.000000e+00 : f32
    %max3A_617 = vector.broadcast %max3A_616 : f32 to vector<64x256xf32>
    %max3A_618 = arith.maximumf %add3A_615, %max3A_617 : vector<64x256xf32>
    %swap3A_619 = arith.constant 25 : index
    %swap3A_620 = arith.constant 0 : index
    %swap3A_621 = arith.constant 0 : index
    %swap3A_622 = vector.load %arg5[%swap3A_619, %swap3A_620, %swap3A_621] : memref<32x64x256xf32, #tpu.memory_space<vmem>>, vector<1x64x256xf32>
    %swap3A_623 = vector.shape_cast %swap3A_622 : vector<1x64x256xf32> to vector<64x256xf32>
    %swap3A_624 = vector.shape_cast %max3A_618 : vector<64x256xf32> to vector<1x64x256xf32>
    tpu.vector_store %arg5[%swap3A_619, %swap3A_620, %swap3A_621], %swap3A_624 {strides = array<i32>} : memref<32x64x256xf32, #tpu.memory_space<vmem>>, vector<1x64x256xf32>,
    %get3A_625 = arith.constant 26 : index
    %get3A_626 = arith.constant 0 : index
    %get3A_627 = arith.constant 0 : index
    %get3A_628 = vector.load %arg1[%get3A_625, %get3A_626, %get3A_627] : memref<32x64x64xf32, #tpu.memory_space<vmem>>, vector<1x64x64xf32>
    %get3A_629 = vector.shape_cast %get3A_628 : vector<1x64x64xf32> to vector<64x64xf32>
    %get3A_630 = arith.constant 26 : index
    %get3A_631 = arith.constant 0 : index
    %get3A_632 = arith.constant 0 : index
    %get3A_633 = vector.load %arg2[%get3A_630, %get3A_631, %get3A_632] : memref<32x64x256xf32, #tpu.memory_space<vmem>>, vector<1x64x256xf32>
    %get3A_634 = vector.shape_cast %get3A_633 : vector<1x64x256xf32> to vector<64x256xf32>
    %dot_general3A_635 = arith.constant dense<0.000000e+00> : vector<64x256xf32>
    %dot_general3A_636 = tpu.matmul %get3A_629, %get3A_634, %dot_general3A_635 {dimension_numbers = #tpu.dot_dimension_numbers<[1], [0], [0], [1], [0, 0, 1, 1], [], []>, transpose_lhs_hint = false} : vector<64x64xf32>, vector<64x256xf32>, vector<64x256xf32> -> vector<64x256xf32>
    %dot_general3A_637 = arith.constant dense<0.000000e+00> : vector<64x256xf32>
    %dot_general3A_638 = tpu.matmul %dot_general3A_636, %get3A_1, %dot_general3A_637 {dimension_numbers = #tpu.dot_dimension_numbers<[1], [0], [0], [1], [0, 0, 1, 1], [], []>, transpose_lhs_hint = false} : vector<64x256xf32>, vector<256x256xf32>, vector<64x256xf32> -> vector<64x256xf32>
    %add3A_639 = arith.addf %dot_general3A_638, %get3A_4 : vector<64x256xf32>
    %max3A_640 = arith.constant 0.000000e+00 : f32
    %max3A_641 = vector.broadcast %max3A_640 : f32 to vector<64x256xf32>
    %max3A_642 = arith.maximumf %add3A_639, %max3A_641 : vector<64x256xf32>
    %swap3A_643 = arith.constant 26 : index
    %swap3A_644 = arith.constant 0 : index
    %swap3A_645 = arith.constant 0 : index
    %swap3A_646 = vector.load %arg5[%swap3A_643, %swap3A_644, %swap3A_645] : memref<32x64x256xf32, #tpu.memory_space<vmem>>, vector<1x64x256xf32>
    %swap3A_647 = vector.shape_cast %swap3A_646 : vector<1x64x256xf32> to vector<64x256xf32>
    %swap3A_648 = vector.shape_cast %max3A_642 : vector<64x256xf32> to vector<1x64x256xf32>
    tpu.vector_store %arg5[%swap3A_643, %swap3A_644, %swap3A_645], %swap3A_648 {strides = array<i32>} : memref<32x64x256xf32, #tpu.memory_space<vmem>>, vector<1x64x256xf32>,
    %get3A_649 = arith.constant 27 : index
    %get3A_650 = arith.constant 0 : index
    %get3A_651 = arith.constant 0 : index
    %get3A_652 = vector.load %arg1[%get3A_649, %get3A_650, %get3A_651] : memref<32x64x64xf32, #tpu.memory_space<vmem>>, vector<1x64x64xf32>
    %get3A_653 = vector.shape_cast %get3A_652 : vector<1x64x64xf32> to vector<64x64xf32>
    %get3A_654 = arith.constant 27 : index
    %get3A_655 = arith.constant 0 : index
    %get3A_656 = arith.constant 0 : index
    %get3A_657 = vector.load %arg2[%get3A_654, %get3A_655, %get3A_656] : memref<32x64x256xf32, #tpu.memory_space<vmem>>, vector<1x64x256xf32>
    %get3A_658 = vector.shape_cast %get3A_657 : vector<1x64x256xf32> to vector<64x256xf32>
    %dot_general3A_659 = arith.constant dense<0.000000e+00> : vector<64x256xf32>
    %dot_general3A_660 = tpu.matmul %get3A_653, %get3A_658, %dot_general3A_659 {dimension_numbers = #tpu.dot_dimension_numbers<[1], [0], [0], [1], [0, 0, 1, 1], [], []>, transpose_lhs_hint = false} : vector<64x64xf32>, vector<64x256xf32>, vector<64x256xf32> -> vector<64x256xf32>
    %dot_general3A_661 = arith.constant dense<0.000000e+00> : vector<64x256xf32>
    %dot_general3A_662 = tpu.matmul %dot_general3A_660, %get3A_1, %dot_general3A_661 {dimension_numbers = #tpu.dot_dimension_numbers<[1], [0], [0], [1], [0, 0, 1, 1], [], []>, transpose_lhs_hint = false} : vector<64x256xf32>, vector<256x256xf32>, vector<64x256xf32> -> vector<64x256xf32>
    %add3A_663 = arith.addf %dot_general3A_662, %get3A_4 : vector<64x256xf32>
    %max3A_664 = arith.constant 0.000000e+00 : f32
    %max3A_665 = vector.broadcast %max3A_664 : f32 to vector<64x256xf32>
    %max3A_666 = arith.maximumf %add3A_663, %max3A_665 : vector<64x256xf32>
    %swap3A_667 = arith.constant 27 : index
    %swap3A_668 = arith.constant 0 : index
    %swap3A_669 = arith.constant 0 : index
    %swap3A_670 = vector.load %arg5[%swap3A_667, %swap3A_668, %swap3A_669] : memref<32x64x256xf32, #tpu.memory_space<vmem>>, vector<1x64x256xf32>
    %swap3A_671 = vector.shape_cast %swap3A_670 : vector<1x64x256xf32> to vector<64x256xf32>
    %swap3A_672 = vector.shape_cast %max3A_666 : vector<64x256xf32> to vector<1x64x256xf32>
    tpu.vector_store %arg5[%swap3A_667, %swap3A_668, %swap3A_669], %swap3A_672 {strides = array<i32>} : memref<32x64x256xf32, #tpu.memory_space<vmem>>, vector<1x64x256xf32>,
    %get3A_673 = arith.constant 28 : index
    %get3A_674 = arith.constant 0 : index
    %get3A_675 = arith.constant 0 : index
    %get3A_676 = vector.load %arg1[%get3A_673, %get3A_674, %get3A_675] : memref<32x64x64xf32, #tpu.memory_space<vmem>>, vector<1x64x64xf32>
    %get3A_677 = vector.shape_cast %get3A_676 : vector<1x64x64xf32> to vector<64x64xf32>
    %get3A_678 = arith.constant 28 : index
    %get3A_679 = arith.constant 0 : index
    %get3A_680 = arith.constant 0 : index
    %get3A_681 = vector.load %arg2[%get3A_678, %get3A_679, %get3A_680] : memref<32x64x256xf32, #tpu.memory_space<vmem>>, vector<1x64x256xf32>
    %get3A_682 = vector.shape_cast %get3A_681 : vector<1x64x256xf32> to vector<64x256xf32>
    %dot_general3A_683 = arith.constant dense<0.000000e+00> : vector<64x256xf32>
    %dot_general3A_684 = tpu.matmul %get3A_677, %get3A_682, %dot_general3A_683 {dimension_numbers = #tpu.dot_dimension_numbers<[1], [0], [0], [1], [0, 0, 1, 1], [], []>, transpose_lhs_hint = false} : vector<64x64xf32>, vector<64x256xf32>, vector<64x256xf32> -> vector<64x256xf32>
    %dot_general3A_685 = arith.constant dense<0.000000e+00> : vector<64x256xf32>
    %dot_general3A_686 = tpu.matmul %dot_general3A_684, %get3A_1, %dot_general3A_685 {dimension_numbers = #tpu.dot_dimension_numbers<[1], [0], [0], [1], [0, 0, 1, 1], [], []>, transpose_lhs_hint = false} : vector<64x256xf32>, vector<256x256xf32>, vector<64x256xf32> -> vector<64x256xf32>
    %add3A_687 = arith.addf %dot_general3A_686, %get3A_4 : vector<64x256xf32>
    %max3A_688 = arith.constant 0.000000e+00 : f32
    %max3A_689 = vector.broadcast %max3A_688 : f32 to vector<64x256xf32>
    %max3A_690 = arith.maximumf %add3A_687, %max3A_689 : vector<64x256xf32>
    %swap3A_691 = arith.constant 28 : index
    %swap3A_692 = arith.constant 0 : index
    %swap3A_693 = arith.constant 0 : index
    %swap3A_694 = vector.load %arg5[%swap3A_691, %swap3A_692, %swap3A_693] : memref<32x64x256xf32, #tpu.memory_space<vmem>>, vector<1x64x256xf32>
    %swap3A_695 = vector.shape_cast %swap3A_694 : vector<1x64x256xf32> to vector<64x256xf32>
    %swap3A_696 = vector.shape_cast %max3A_690 : vector<64x256xf32> to vector<1x64x256xf32>
    tpu.vector_store %arg5[%swap3A_691, %swap3A_692, %swap3A_693], %swap3A_696 {strides = array<i32>} : memref<32x64x256xf32, #tpu.memory_space<vmem>>, vector<1x64x256xf32>,
    %get3A_697 = arith.constant 29 : index
    %get3A_698 = arith.constant 0 : index
    %get3A_699 = arith.constant 0 : index
    %get3A_700 = vector.load %arg1[%get3A_697, %get3A_698, %get3A_699] : memref<32x64x64xf32, #tpu.memory_space<vmem>>, vector<1x64x64xf32>
    %get3A_701 = vector.shape_cast %get3A_700 : vector<1x64x64xf32> to vector<64x64xf32>
    %get3A_702 = arith.constant 29 : index
    %get3A_703 = arith.constant 0 : index
    %get3A_704 = arith.constant 0 : index
    %get3A_705 = vector.load %arg2[%get3A_702, %get3A_703, %get3A_704] : memref<32x64x256xf32, #tpu.memory_space<vmem>>, vector<1x64x256xf32>
    %get3A_706 = vector.shape_cast %get3A_705 : vector<1x64x256xf32> to vector<64x256xf32>
    %dot_general3A_707 = arith.constant dense<0.000000e+00> : vector<64x256xf32>
    %dot_general3A_708 = tpu.matmul %get3A_701, %get3A_706, %dot_general3A_707 {dimension_numbers = #tpu.dot_dimension_numbers<[1], [0], [0], [1], [0, 0, 1, 1], [], []>, transpose_lhs_hint = false} : vector<64x64xf32>, vector<64x256xf32>, vector<64x256xf32> -> vector<64x256xf32>
    %dot_general3A_709 = arith.constant dense<0.000000e+00> : vector<64x256xf32>
    %dot_general3A_710 = tpu.matmul %dot_general3A_708, %get3A_1, %dot_general3A_709 {dimension_numbers = #tpu.dot_dimension_numbers<[1], [0], [0], [1], [0, 0, 1, 1], [], []>, transpose_lhs_hint = false} : vector<64x256xf32>, vector<256x256xf32>, vector<64x256xf32> -> vector<64x256xf32>
    %add3A_711 = arith.addf %dot_general3A_710, %get3A_4 : vector<64x256xf32>
    %max3A_712 = arith.constant 0.000000e+00 : f32
    %max3A_713 = vector.broadcast %max3A_712 : f32 to vector<64x256xf32>
    %max3A_714 = arith.maximumf %add3A_711, %max3A_713 : vector<64x256xf32>
    %swap3A_715 = arith.constant 29 : index
    %swap3A_716 = arith.constant 0 : index
    %swap3A_717 = arith.constant 0 : index
    %swap3A_718 = vector.load %arg5[%swap3A_715, %swap3A_716, %swap3A_717] : memref<32x64x256xf32, #tpu.memory_space<vmem>>, vector<1x64x256xf32>
    %swap3A_719 = vector.shape_cast %swap3A_718 : vector<1x64x256xf32> to vector<64x256xf32>
    %swap3A_720 = vector.shape_cast %max3A_714 : vector<64x256xf32> to vector<1x64x256xf32>
    tpu.vector_store %arg5[%swap3A_715, %swap3A_716, %swap3A_717], %swap3A_720 {strides = array<i32>} : memref<32x64x256xf32, #tpu.memory_space<vmem>>, vector<1x64x256xf32>,
    %get3A_721 = arith.constant 30 : index
    %get3A_722 = arith.constant 0 : index
    %get3A_723 = arith.constant 0 : index
    %get3A_724 = vector.load %arg1[%get3A_721, %get3A_722, %get3A_723] : memref<32x64x64xf32, #tpu.memory_space<vmem>>, vector<1x64x64xf32>
    %get3A_725 = vector.shape_cast %get3A_724 : vector<1x64x64xf32> to vector<64x64xf32>
    %get3A_726 = arith.constant 30 : index
    %get3A_727 = arith.constant 0 : index
    %get3A_728 = arith.constant 0 : index
    %get3A_729 = vector.load %arg2[%get3A_726, %get3A_727, %get3A_728] : memref<32x64x256xf32, #tpu.memory_space<vmem>>, vector<1x64x256xf32>
    %get3A_730 = vector.shape_cast %get3A_729 : vector<1x64x256xf32> to vector<64x256xf32>
    %dot_general3A_731 = arith.constant dense<0.000000e+00> : vector<64x256xf32>
    %dot_general3A_732 = tpu.matmul %get3A_725, %get3A_730, %dot_general3A_731 {dimension_numbers = #tpu.dot_dimension_numbers<[1], [0], [0], [1], [0, 0, 1, 1], [], []>, transpose_lhs_hint = false} : vector<64x64xf32>, vector<64x256xf32>, vector<64x256xf32> -> vector<64x256xf32>
    %dot_general3A_733 = arith.constant dense<0.000000e+00> : vector<64x256xf32>
    %dot_general3A_734 = tpu.matmul %dot_general3A_732, %get3A_1, %dot_general3A_733 {dimension_numbers = #tpu.dot_dimension_numbers<[1], [0], [0], [1], [0, 0, 1, 1], [], []>, transpose_lhs_hint = false} : vector<64x256xf32>, vector<256x256xf32>, vector<64x256xf32> -> vector<64x256xf32>
    %add3A_735 = arith.addf %dot_general3A_734, %get3A_4 : vector<64x256xf32>
    %max3A_736 = arith.constant 0.000000e+00 : f32
    %max3A_737 = vector.broadcast %max3A_736 : f32 to vector<64x256xf32>
    %max3A_738 = arith.maximumf %add3A_735, %max3A_737 : vector<64x256xf32>
    %swap3A_739 = arith.constant 30 : index
    %swap3A_740 = arith.constant 0 : index
    %swap3A_741 = arith.constant 0 : index
    %swap3A_742 = vector.load %arg5[%swap3A_739, %swap3A_740, %swap3A_741] : memref<32x64x256xf32, #tpu.memory_space<vmem>>, vector<1x64x256xf32>
    %swap3A_743 = vector.shape_cast %swap3A_742 : vector<1x64x256xf32> to vector<64x256xf32>
    %swap3A_744 = vector.shape_cast %max3A_738 : vector<64x256xf32> to vector<1x64x256xf32>
    tpu.vector_store %arg5[%swap3A_739, %swap3A_740, %swap3A_741], %swap3A_744 {strides = array<i32>} : memref<32x64x256xf32, #tpu.memory_space<vmem>>, vector<1x64x256xf32>,
    %get3A_745 = arith.constant 31 : index
    %get3A_746 = arith.constant 0 : index
    %get3A_747 = arith.constant 0 : index
    %get3A_748 = vector.load %arg1[%get3A_745, %get3A_746, %get3A_747] : memref<32x64x64xf32, #tpu.memory_space<vmem>>, vector<1x64x64xf32>
    %get3A_749 = vector.shape_cast %get3A_748 : vector<1x64x64xf32> to vector<64x64xf32>
    %get3A_750 = arith.constant 31 : index
    %get3A_751 = arith.constant 0 : index
    %get3A_752 = arith.constant 0 : index
    %get3A_753 = vector.load %arg2[%get3A_750, %get3A_751, %get3A_752] : memref<32x64x256xf32, #tpu.memory_space<vmem>>, vector<1x64x256xf32>
    %get3A_754 = vector.shape_cast %get3A_753 : vector<1x64x256xf32> to vector<64x256xf32>
    %dot_general3A_755 = arith.constant dense<0.000000e+00> : vector<64x256xf32>
    %dot_general3A_756 = tpu.matmul %get3A_749, %get3A_754, %dot_general3A_755 {dimension_numbers = #tpu.dot_dimension_numbers<[1], [0], [0], [1], [0, 0, 1, 1], [], []>, transpose_lhs_hint = false} : vector<64x64xf32>, vector<64x256xf32>, vector<64x256xf32> -> vector<64x256xf32>
    %dot_general3A_757 = arith.constant dense<0.000000e+00> : vector<64x256xf32>
    %dot_general3A_758 = tpu.matmul %dot_general3A_756, %get3A_1, %dot_general3A_757 {dimension_numbers = #tpu.dot_dimension_numbers<[1], [0], [0], [1], [0, 0, 1, 1], [], []>, transpose_lhs_hint = false} : vector<64x256xf32>, vector<256x256xf32>, vector<64x256xf32> -> vector<64x256xf32>
    %add3A_759 = arith.addf %dot_general3A_758, %get3A_4 : vector<64x256xf32>
    %max3A_760 = arith.constant 0.000000e+00 : f32
    %max3A_761 = vector.broadcast %max3A_760 : f32 to vector<64x256xf32>
    %max3A_762 = arith.maximumf %add3A_759, %max3A_761 : vector<64x256xf32>
    %swap3A_763 = arith.constant 31 : index
    %swap3A_764 = arith.constant 0 : index
    %swap3A_765 = arith.constant 0 : index
    %swap3A_766 = vector.load %arg5[%swap3A_763, %swap3A_764, %swap3A_765] : memref<32x64x256xf32, #tpu.memory_space<vmem>>, vector<1x64x256xf32>
    %swap3A_767 = vector.shape_cast %swap3A_766 : vector<1x64x256xf32> to vector<64x256xf32>
    %swap3A_768 = vector.shape_cast %max3A_762 : vector<64x256xf32> to vector<1x64x256xf32>
    tpu.vector_store %arg5[%swap3A_763, %swap3A_764, %swap3A_765], %swap3A_768 {strides = array<i32>} : memref<32x64x256xf32, #tpu.memory_space<vmem>>, vector<1x64x256xf32>,
    return
  }
  func.func @transform_0(%arg0: i32) -> (i32, i32, i32) {
    %c0_i32 = arith.constant 0 : i32
    %c0_i32_0 = arith.constant 0 : i32
    %c0_i32_1 = arith.constant 0 : i32
    return %arg0, %c0_i32, %c0_i32_0 : i32, i32, i32
  }
  func.func @transform_1(%arg0: i32) -> (i32, i32, i32) {
    %c0_i32 = arith.constant 0 : i32
    %c0_i32_0 = arith.constant 0 : i32
    %c0_i32_1 = arith.constant 0 : i32
    return %arg0, %c0_i32, %c0_i32_0 : i32, i32, i32
  }
  func.func @transform_2(%arg0: i32) -> (i32, i32) {
    %c0_i32 = arith.constant 0 : i32
    %c0_i32_0 = arith.constant 0 : i32
    %c0_i32_1 = arith.constant 0 : i32
    return %c0_i32, %c0_i32_0 : i32, i32
  }
  func.func @transform_3(%arg0: i32) -> (i32, i32) {
    %c0_i32 = arith.constant 0 : i32
    %c0_i32_0 = arith.constant 0 : i32
    %c0_i32_1 = arith.constant 0 : i32
    return %c0_i32, %c0_i32_0 : i32, i32
  }
  func.func @transform_4(%arg0: i32) -> (i32, i32, i32) {
    %c0_i32 = arith.constant 0 : i32
    %c0_i32_0 = arith.constant 0 : i32
    %c0_i32_1 = arith.constant 0 : i32
    return %arg0, %c0_i32, %c0_i32_0 : i32, i32, i32
  }
}

module attributes {stable_mosaic.version = 14 : i64} {
  func.func @_dist_kernel(%arg0: i32, %arg1: memref<32x64x256xf32, #tpu.memory_space<vmem>>, %arg2: memref<32x64x64xf32, #tpu.memory_space<vmem>>, %arg3: memref<32x64x64xf32, #tpu.memory_space<vmem>>, %arg4: memref<32x64xf32, #tpu.memory_space<vmem>>) attributes {dimension_semantics = [#tpu.dimension_semantics<arbitrary>], iteration_bounds = array<i64: 4>, scalar_prefetch = 0 : i64, scratch_operands = 0 : i64, tpu.core_type = #tpu.core_type<tc>, window_params = [{transform_indices = @transform_0, window_bounds = array<i64: 32, 64, 256>}, {transform_indices = @transform_1, window_bounds = array<i64: 32, 64, 64>}, {transform_indices = @transform_2, window_bounds = array<i64: 32, 64, 64>}, {transform_indices = @transform_3, window_bounds = array<i64: 32, 64>}]} {
    %get3A = arith.constant 0 : index
    %get3A_0 = arith.constant 0 : index
    %get3A_1 = arith.constant 0 : index
    %get3A_2 = vector.load %arg1[%get3A, %get3A_0, %get3A_1] : memref<32x64x256xf32, #tpu.memory_space<vmem>>, vector<32x64x256xf32>
    %mul3A = arith.mulf %get3A_2, %get3A_2 : vector<32x64x256xf32>
    %reduce_sum3A = arith.constant dense<0.000000e+00> : vector<32x64xf32>
    %reduce_sum3A_3 = vector.multi_reduction <add>, %mul3A, %reduce_sum3A [2] : vector<32x64x256xf32> to vector<32x64xf32>
    %slice3A = vector.extract_strided_slice %get3A_2 {offsets = [0, 0, 0], sizes = [1, 64, 256], strides = [1, 1, 1]} : vector<32x64x256xf32> to vector<1x64x256xf32>
    %squeeze3A = vector.shape_cast %slice3A : vector<1x64x256xf32> to vector<64x256xf32>
    %slice3A_4 = vector.extract_strided_slice %get3A_2 {offsets = [0, 0, 0], sizes = [1, 64, 256], strides = [1, 1, 1]} : vector<32x64x256xf32> to vector<1x64x256xf32>
    %squeeze3A_5 = vector.shape_cast %slice3A_4 : vector<1x64x256xf32> to vector<64x256xf32>
    %dot_general3A = arith.constant dense<0.000000e+00> : vector<64x64xf32>
    %dot_general3A_6 = tpu.matmul %squeeze3A, %squeeze3A_5, %dot_general3A {dimension_numbers = #tpu.dot_dimension_numbers<[1], [1], [0], [0], [0, 0, 1, 0], [], []>, transpose_lhs_hint = false} : vector<64x256xf32>, vector<64x256xf32>, vector<64x64xf32> -> vector<64x64xf32>
    %slice3A_7 = vector.extract_strided_slice %get3A_2 {offsets = [1, 0, 0], sizes = [1, 64, 256], strides = [1, 1, 1]} : vector<32x64x256xf32> to vector<1x64x256xf32>
    %squeeze3A_8 = vector.shape_cast %slice3A_7 : vector<1x64x256xf32> to vector<64x256xf32>
    %slice3A_9 = vector.extract_strided_slice %get3A_2 {offsets = [1, 0, 0], sizes = [1, 64, 256], strides = [1, 1, 1]} : vector<32x64x256xf32> to vector<1x64x256xf32>
    %squeeze3A_10 = vector.shape_cast %slice3A_9 : vector<1x64x256xf32> to vector<64x256xf32>
    %dot_general3A_11 = arith.constant dense<0.000000e+00> : vector<64x64xf32>
    %dot_general3A_12 = tpu.matmul %squeeze3A_8, %squeeze3A_10, %dot_general3A_11 {dimension_numbers = #tpu.dot_dimension_numbers<[1], [1], [0], [0], [0, 0, 1, 0], [], []>, transpose_lhs_hint = false} : vector<64x256xf32>, vector<64x256xf32>, vector<64x64xf32> -> vector<64x64xf32>
    %slice3A_13 = vector.extract_strided_slice %get3A_2 {offsets = [2, 0, 0], sizes = [1, 64, 256], strides = [1, 1, 1]} : vector<32x64x256xf32> to vector<1x64x256xf32>
    %squeeze3A_14 = vector.shape_cast %slice3A_13 : vector<1x64x256xf32> to vector<64x256xf32>
    %slice3A_15 = vector.extract_strided_slice %get3A_2 {offsets = [2, 0, 0], sizes = [1, 64, 256], strides = [1, 1, 1]} : vector<32x64x256xf32> to vector<1x64x256xf32>
    %squeeze3A_16 = vector.shape_cast %slice3A_15 : vector<1x64x256xf32> to vector<64x256xf32>
    %dot_general3A_17 = arith.constant dense<0.000000e+00> : vector<64x64xf32>
    %dot_general3A_18 = tpu.matmul %squeeze3A_14, %squeeze3A_16, %dot_general3A_17 {dimension_numbers = #tpu.dot_dimension_numbers<[1], [1], [0], [0], [0, 0, 1, 0], [], []>, transpose_lhs_hint = false} : vector<64x256xf32>, vector<64x256xf32>, vector<64x64xf32> -> vector<64x64xf32>
    %slice3A_19 = vector.extract_strided_slice %get3A_2 {offsets = [3, 0, 0], sizes = [1, 64, 256], strides = [1, 1, 1]} : vector<32x64x256xf32> to vector<1x64x256xf32>
    %squeeze3A_20 = vector.shape_cast %slice3A_19 : vector<1x64x256xf32> to vector<64x256xf32>
    %slice3A_21 = vector.extract_strided_slice %get3A_2 {offsets = [3, 0, 0], sizes = [1, 64, 256], strides = [1, 1, 1]} : vector<32x64x256xf32> to vector<1x64x256xf32>
    %squeeze3A_22 = vector.shape_cast %slice3A_21 : vector<1x64x256xf32> to vector<64x256xf32>
    %dot_general3A_23 = arith.constant dense<0.000000e+00> : vector<64x64xf32>
    %dot_general3A_24 = tpu.matmul %squeeze3A_20, %squeeze3A_22, %dot_general3A_23 {dimension_numbers = #tpu.dot_dimension_numbers<[1], [1], [0], [0], [0, 0, 1, 0], [], []>, transpose_lhs_hint = false} : vector<64x256xf32>, vector<64x256xf32>, vector<64x64xf32> -> vector<64x64xf32>
    %slice3A_25 = vector.extract_strided_slice %get3A_2 {offsets = [4, 0, 0], sizes = [1, 64, 256], strides = [1, 1, 1]} : vector<32x64x256xf32> to vector<1x64x256xf32>
    %squeeze3A_26 = vector.shape_cast %slice3A_25 : vector<1x64x256xf32> to vector<64x256xf32>
    %slice3A_27 = vector.extract_strided_slice %get3A_2 {offsets = [4, 0, 0], sizes = [1, 64, 256], strides = [1, 1, 1]} : vector<32x64x256xf32> to vector<1x64x256xf32>
    %squeeze3A_28 = vector.shape_cast %slice3A_27 : vector<1x64x256xf32> to vector<64x256xf32>
    %dot_general3A_29 = arith.constant dense<0.000000e+00> : vector<64x64xf32>
    %dot_general3A_30 = tpu.matmul %squeeze3A_26, %squeeze3A_28, %dot_general3A_29 {dimension_numbers = #tpu.dot_dimension_numbers<[1], [1], [0], [0], [0, 0, 1, 0], [], []>, transpose_lhs_hint = false} : vector<64x256xf32>, vector<64x256xf32>, vector<64x64xf32> -> vector<64x64xf32>
    %slice3A_31 = vector.extract_strided_slice %get3A_2 {offsets = [5, 0, 0], sizes = [1, 64, 256], strides = [1, 1, 1]} : vector<32x64x256xf32> to vector<1x64x256xf32>
    %squeeze3A_32 = vector.shape_cast %slice3A_31 : vector<1x64x256xf32> to vector<64x256xf32>
    %slice3A_33 = vector.extract_strided_slice %get3A_2 {offsets = [5, 0, 0], sizes = [1, 64, 256], strides = [1, 1, 1]} : vector<32x64x256xf32> to vector<1x64x256xf32>
    %squeeze3A_34 = vector.shape_cast %slice3A_33 : vector<1x64x256xf32> to vector<64x256xf32>
    %dot_general3A_35 = arith.constant dense<0.000000e+00> : vector<64x64xf32>
    %dot_general3A_36 = tpu.matmul %squeeze3A_32, %squeeze3A_34, %dot_general3A_35 {dimension_numbers = #tpu.dot_dimension_numbers<[1], [1], [0], [0], [0, 0, 1, 0], [], []>, transpose_lhs_hint = false} : vector<64x256xf32>, vector<64x256xf32>, vector<64x64xf32> -> vector<64x64xf32>
    %slice3A_37 = vector.extract_strided_slice %get3A_2 {offsets = [6, 0, 0], sizes = [1, 64, 256], strides = [1, 1, 1]} : vector<32x64x256xf32> to vector<1x64x256xf32>
    %squeeze3A_38 = vector.shape_cast %slice3A_37 : vector<1x64x256xf32> to vector<64x256xf32>
    %slice3A_39 = vector.extract_strided_slice %get3A_2 {offsets = [6, 0, 0], sizes = [1, 64, 256], strides = [1, 1, 1]} : vector<32x64x256xf32> to vector<1x64x256xf32>
    %squeeze3A_40 = vector.shape_cast %slice3A_39 : vector<1x64x256xf32> to vector<64x256xf32>
    %dot_general3A_41 = arith.constant dense<0.000000e+00> : vector<64x64xf32>
    %dot_general3A_42 = tpu.matmul %squeeze3A_38, %squeeze3A_40, %dot_general3A_41 {dimension_numbers = #tpu.dot_dimension_numbers<[1], [1], [0], [0], [0, 0, 1, 0], [], []>, transpose_lhs_hint = false} : vector<64x256xf32>, vector<64x256xf32>, vector<64x64xf32> -> vector<64x64xf32>
    %slice3A_43 = vector.extract_strided_slice %get3A_2 {offsets = [7, 0, 0], sizes = [1, 64, 256], strides = [1, 1, 1]} : vector<32x64x256xf32> to vector<1x64x256xf32>
    %squeeze3A_44 = vector.shape_cast %slice3A_43 : vector<1x64x256xf32> to vector<64x256xf32>
    %slice3A_45 = vector.extract_strided_slice %get3A_2 {offsets = [7, 0, 0], sizes = [1, 64, 256], strides = [1, 1, 1]} : vector<32x64x256xf32> to vector<1x64x256xf32>
    %squeeze3A_46 = vector.shape_cast %slice3A_45 : vector<1x64x256xf32> to vector<64x256xf32>
    %dot_general3A_47 = arith.constant dense<0.000000e+00> : vector<64x64xf32>
    %dot_general3A_48 = tpu.matmul %squeeze3A_44, %squeeze3A_46, %dot_general3A_47 {dimension_numbers = #tpu.dot_dimension_numbers<[1], [1], [0], [0], [0, 0, 1, 0], [], []>, transpose_lhs_hint = false} : vector<64x256xf32>, vector<64x256xf32>, vector<64x64xf32> -> vector<64x64xf32>
    %slice3A_49 = vector.extract_strided_slice %get3A_2 {offsets = [8, 0, 0], sizes = [1, 64, 256], strides = [1, 1, 1]} : vector<32x64x256xf32> to vector<1x64x256xf32>
    %squeeze3A_50 = vector.shape_cast %slice3A_49 : vector<1x64x256xf32> to vector<64x256xf32>
    %slice3A_51 = vector.extract_strided_slice %get3A_2 {offsets = [8, 0, 0], sizes = [1, 64, 256], strides = [1, 1, 1]} : vector<32x64x256xf32> to vector<1x64x256xf32>
    %squeeze3A_52 = vector.shape_cast %slice3A_51 : vector<1x64x256xf32> to vector<64x256xf32>
    %dot_general3A_53 = arith.constant dense<0.000000e+00> : vector<64x64xf32>
    %dot_general3A_54 = tpu.matmul %squeeze3A_50, %squeeze3A_52, %dot_general3A_53 {dimension_numbers = #tpu.dot_dimension_numbers<[1], [1], [0], [0], [0, 0, 1, 0], [], []>, transpose_lhs_hint = false} : vector<64x256xf32>, vector<64x256xf32>, vector<64x64xf32> -> vector<64x64xf32>
    %slice3A_55 = vector.extract_strided_slice %get3A_2 {offsets = [9, 0, 0], sizes = [1, 64, 256], strides = [1, 1, 1]} : vector<32x64x256xf32> to vector<1x64x256xf32>
    %squeeze3A_56 = vector.shape_cast %slice3A_55 : vector<1x64x256xf32> to vector<64x256xf32>
    %slice3A_57 = vector.extract_strided_slice %get3A_2 {offsets = [9, 0, 0], sizes = [1, 64, 256], strides = [1, 1, 1]} : vector<32x64x256xf32> to vector<1x64x256xf32>
    %squeeze3A_58 = vector.shape_cast %slice3A_57 : vector<1x64x256xf32> to vector<64x256xf32>
    %dot_general3A_59 = arith.constant dense<0.000000e+00> : vector<64x64xf32>
    %dot_general3A_60 = tpu.matmul %squeeze3A_56, %squeeze3A_58, %dot_general3A_59 {dimension_numbers = #tpu.dot_dimension_numbers<[1], [1], [0], [0], [0, 0, 1, 0], [], []>, transpose_lhs_hint = false} : vector<64x256xf32>, vector<64x256xf32>, vector<64x64xf32> -> vector<64x64xf32>
    %slice3A_61 = vector.extract_strided_slice %get3A_2 {offsets = [10, 0, 0], sizes = [1, 64, 256], strides = [1, 1, 1]} : vector<32x64x256xf32> to vector<1x64x256xf32>
    %squeeze3A_62 = vector.shape_cast %slice3A_61 : vector<1x64x256xf32> to vector<64x256xf32>
    %slice3A_63 = vector.extract_strided_slice %get3A_2 {offsets = [10, 0, 0], sizes = [1, 64, 256], strides = [1, 1, 1]} : vector<32x64x256xf32> to vector<1x64x256xf32>
    %squeeze3A_64 = vector.shape_cast %slice3A_63 : vector<1x64x256xf32> to vector<64x256xf32>
    %dot_general3A_65 = arith.constant dense<0.000000e+00> : vector<64x64xf32>
    %dot_general3A_66 = tpu.matmul %squeeze3A_62, %squeeze3A_64, %dot_general3A_65 {dimension_numbers = #tpu.dot_dimension_numbers<[1], [1], [0], [0], [0, 0, 1, 0], [], []>, transpose_lhs_hint = false} : vector<64x256xf32>, vector<64x256xf32>, vector<64x64xf32> -> vector<64x64xf32>
    %slice3A_67 = vector.extract_strided_slice %get3A_2 {offsets = [11, 0, 0], sizes = [1, 64, 256], strides = [1, 1, 1]} : vector<32x64x256xf32> to vector<1x64x256xf32>
    %squeeze3A_68 = vector.shape_cast %slice3A_67 : vector<1x64x256xf32> to vector<64x256xf32>
    %slice3A_69 = vector.extract_strided_slice %get3A_2 {offsets = [11, 0, 0], sizes = [1, 64, 256], strides = [1, 1, 1]} : vector<32x64x256xf32> to vector<1x64x256xf32>
    %squeeze3A_70 = vector.shape_cast %slice3A_69 : vector<1x64x256xf32> to vector<64x256xf32>
    %dot_general3A_71 = arith.constant dense<0.000000e+00> : vector<64x64xf32>
    %dot_general3A_72 = tpu.matmul %squeeze3A_68, %squeeze3A_70, %dot_general3A_71 {dimension_numbers = #tpu.dot_dimension_numbers<[1], [1], [0], [0], [0, 0, 1, 0], [], []>, transpose_lhs_hint = false} : vector<64x256xf32>, vector<64x256xf32>, vector<64x64xf32> -> vector<64x64xf32>
    %slice3A_73 = vector.extract_strided_slice %get3A_2 {offsets = [12, 0, 0], sizes = [1, 64, 256], strides = [1, 1, 1]} : vector<32x64x256xf32> to vector<1x64x256xf32>
    %squeeze3A_74 = vector.shape_cast %slice3A_73 : vector<1x64x256xf32> to vector<64x256xf32>
    %slice3A_75 = vector.extract_strided_slice %get3A_2 {offsets = [12, 0, 0], sizes = [1, 64, 256], strides = [1, 1, 1]} : vector<32x64x256xf32> to vector<1x64x256xf32>
    %squeeze3A_76 = vector.shape_cast %slice3A_75 : vector<1x64x256xf32> to vector<64x256xf32>
    %dot_general3A_77 = arith.constant dense<0.000000e+00> : vector<64x64xf32>
    %dot_general3A_78 = tpu.matmul %squeeze3A_74, %squeeze3A_76, %dot_general3A_77 {dimension_numbers = #tpu.dot_dimension_numbers<[1], [1], [0], [0], [0, 0, 1, 0], [], []>, transpose_lhs_hint = false} : vector<64x256xf32>, vector<64x256xf32>, vector<64x64xf32> -> vector<64x64xf32>
    %slice3A_79 = vector.extract_strided_slice %get3A_2 {offsets = [13, 0, 0], sizes = [1, 64, 256], strides = [1, 1, 1]} : vector<32x64x256xf32> to vector<1x64x256xf32>
    %squeeze3A_80 = vector.shape_cast %slice3A_79 : vector<1x64x256xf32> to vector<64x256xf32>
    %slice3A_81 = vector.extract_strided_slice %get3A_2 {offsets = [13, 0, 0], sizes = [1, 64, 256], strides = [1, 1, 1]} : vector<32x64x256xf32> to vector<1x64x256xf32>
    %squeeze3A_82 = vector.shape_cast %slice3A_81 : vector<1x64x256xf32> to vector<64x256xf32>
    %dot_general3A_83 = arith.constant dense<0.000000e+00> : vector<64x64xf32>
    %dot_general3A_84 = tpu.matmul %squeeze3A_80, %squeeze3A_82, %dot_general3A_83 {dimension_numbers = #tpu.dot_dimension_numbers<[1], [1], [0], [0], [0, 0, 1, 0], [], []>, transpose_lhs_hint = false} : vector<64x256xf32>, vector<64x256xf32>, vector<64x64xf32> -> vector<64x64xf32>
    %slice3A_85 = vector.extract_strided_slice %get3A_2 {offsets = [14, 0, 0], sizes = [1, 64, 256], strides = [1, 1, 1]} : vector<32x64x256xf32> to vector<1x64x256xf32>
    %squeeze3A_86 = vector.shape_cast %slice3A_85 : vector<1x64x256xf32> to vector<64x256xf32>
    %slice3A_87 = vector.extract_strided_slice %get3A_2 {offsets = [14, 0, 0], sizes = [1, 64, 256], strides = [1, 1, 1]} : vector<32x64x256xf32> to vector<1x64x256xf32>
    %squeeze3A_88 = vector.shape_cast %slice3A_87 : vector<1x64x256xf32> to vector<64x256xf32>
    %dot_general3A_89 = arith.constant dense<0.000000e+00> : vector<64x64xf32>
    %dot_general3A_90 = tpu.matmul %squeeze3A_86, %squeeze3A_88, %dot_general3A_89 {dimension_numbers = #tpu.dot_dimension_numbers<[1], [1], [0], [0], [0, 0, 1, 0], [], []>, transpose_lhs_hint = false} : vector<64x256xf32>, vector<64x256xf32>, vector<64x64xf32> -> vector<64x64xf32>
    %slice3A_91 = vector.extract_strided_slice %get3A_2 {offsets = [15, 0, 0], sizes = [1, 64, 256], strides = [1, 1, 1]} : vector<32x64x256xf32> to vector<1x64x256xf32>
    %squeeze3A_92 = vector.shape_cast %slice3A_91 : vector<1x64x256xf32> to vector<64x256xf32>
    %slice3A_93 = vector.extract_strided_slice %get3A_2 {offsets = [15, 0, 0], sizes = [1, 64, 256], strides = [1, 1, 1]} : vector<32x64x256xf32> to vector<1x64x256xf32>
    %squeeze3A_94 = vector.shape_cast %slice3A_93 : vector<1x64x256xf32> to vector<64x256xf32>
    %dot_general3A_95 = arith.constant dense<0.000000e+00> : vector<64x64xf32>
    %dot_general3A_96 = tpu.matmul %squeeze3A_92, %squeeze3A_94, %dot_general3A_95 {dimension_numbers = #tpu.dot_dimension_numbers<[1], [1], [0], [0], [0, 0, 1, 0], [], []>, transpose_lhs_hint = false} : vector<64x256xf32>, vector<64x256xf32>, vector<64x64xf32> -> vector<64x64xf32>
    %slice3A_97 = vector.extract_strided_slice %get3A_2 {offsets = [16, 0, 0], sizes = [1, 64, 256], strides = [1, 1, 1]} : vector<32x64x256xf32> to vector<1x64x256xf32>
    %squeeze3A_98 = vector.shape_cast %slice3A_97 : vector<1x64x256xf32> to vector<64x256xf32>
    %slice3A_99 = vector.extract_strided_slice %get3A_2 {offsets = [16, 0, 0], sizes = [1, 64, 256], strides = [1, 1, 1]} : vector<32x64x256xf32> to vector<1x64x256xf32>
    %squeeze3A_100 = vector.shape_cast %slice3A_99 : vector<1x64x256xf32> to vector<64x256xf32>
    %dot_general3A_101 = arith.constant dense<0.000000e+00> : vector<64x64xf32>
    %dot_general3A_102 = tpu.matmul %squeeze3A_98, %squeeze3A_100, %dot_general3A_101 {dimension_numbers = #tpu.dot_dimension_numbers<[1], [1], [0], [0], [0, 0, 1, 0], [], []>, transpose_lhs_hint = false} : vector<64x256xf32>, vector<64x256xf32>, vector<64x64xf32> -> vector<64x64xf32>
    %slice3A_103 = vector.extract_strided_slice %get3A_2 {offsets = [17, 0, 0], sizes = [1, 64, 256], strides = [1, 1, 1]} : vector<32x64x256xf32> to vector<1x64x256xf32>
    %squeeze3A_104 = vector.shape_cast %slice3A_103 : vector<1x64x256xf32> to vector<64x256xf32>
    %slice3A_105 = vector.extract_strided_slice %get3A_2 {offsets = [17, 0, 0], sizes = [1, 64, 256], strides = [1, 1, 1]} : vector<32x64x256xf32> to vector<1x64x256xf32>
    %squeeze3A_106 = vector.shape_cast %slice3A_105 : vector<1x64x256xf32> to vector<64x256xf32>
    %dot_general3A_107 = arith.constant dense<0.000000e+00> : vector<64x64xf32>
    %dot_general3A_108 = tpu.matmul %squeeze3A_104, %squeeze3A_106, %dot_general3A_107 {dimension_numbers = #tpu.dot_dimension_numbers<[1], [1], [0], [0], [0, 0, 1, 0], [], []>, transpose_lhs_hint = false} : vector<64x256xf32>, vector<64x256xf32>, vector<64x64xf32> -> vector<64x64xf32>
    %slice3A_109 = vector.extract_strided_slice %get3A_2 {offsets = [18, 0, 0], sizes = [1, 64, 256], strides = [1, 1, 1]} : vector<32x64x256xf32> to vector<1x64x256xf32>
    %squeeze3A_110 = vector.shape_cast %slice3A_109 : vector<1x64x256xf32> to vector<64x256xf32>
    %slice3A_111 = vector.extract_strided_slice %get3A_2 {offsets = [18, 0, 0], sizes = [1, 64, 256], strides = [1, 1, 1]} : vector<32x64x256xf32> to vector<1x64x256xf32>
    %squeeze3A_112 = vector.shape_cast %slice3A_111 : vector<1x64x256xf32> to vector<64x256xf32>
    %dot_general3A_113 = arith.constant dense<0.000000e+00> : vector<64x64xf32>
    %dot_general3A_114 = tpu.matmul %squeeze3A_110, %squeeze3A_112, %dot_general3A_113 {dimension_numbers = #tpu.dot_dimension_numbers<[1], [1], [0], [0], [0, 0, 1, 0], [], []>, transpose_lhs_hint = false} : vector<64x256xf32>, vector<64x256xf32>, vector<64x64xf32> -> vector<64x64xf32>
    %slice3A_115 = vector.extract_strided_slice %get3A_2 {offsets = [19, 0, 0], sizes = [1, 64, 256], strides = [1, 1, 1]} : vector<32x64x256xf32> to vector<1x64x256xf32>
    %squeeze3A_116 = vector.shape_cast %slice3A_115 : vector<1x64x256xf32> to vector<64x256xf32>
    %slice3A_117 = vector.extract_strided_slice %get3A_2 {offsets = [19, 0, 0], sizes = [1, 64, 256], strides = [1, 1, 1]} : vector<32x64x256xf32> to vector<1x64x256xf32>
    %squeeze3A_118 = vector.shape_cast %slice3A_117 : vector<1x64x256xf32> to vector<64x256xf32>
    %dot_general3A_119 = arith.constant dense<0.000000e+00> : vector<64x64xf32>
    %dot_general3A_120 = tpu.matmul %squeeze3A_116, %squeeze3A_118, %dot_general3A_119 {dimension_numbers = #tpu.dot_dimension_numbers<[1], [1], [0], [0], [0, 0, 1, 0], [], []>, transpose_lhs_hint = false} : vector<64x256xf32>, vector<64x256xf32>, vector<64x64xf32> -> vector<64x64xf32>
    %slice3A_121 = vector.extract_strided_slice %get3A_2 {offsets = [20, 0, 0], sizes = [1, 64, 256], strides = [1, 1, 1]} : vector<32x64x256xf32> to vector<1x64x256xf32>
    %squeeze3A_122 = vector.shape_cast %slice3A_121 : vector<1x64x256xf32> to vector<64x256xf32>
    %slice3A_123 = vector.extract_strided_slice %get3A_2 {offsets = [20, 0, 0], sizes = [1, 64, 256], strides = [1, 1, 1]} : vector<32x64x256xf32> to vector<1x64x256xf32>
    %squeeze3A_124 = vector.shape_cast %slice3A_123 : vector<1x64x256xf32> to vector<64x256xf32>
    %dot_general3A_125 = arith.constant dense<0.000000e+00> : vector<64x64xf32>
    %dot_general3A_126 = tpu.matmul %squeeze3A_122, %squeeze3A_124, %dot_general3A_125 {dimension_numbers = #tpu.dot_dimension_numbers<[1], [1], [0], [0], [0, 0, 1, 0], [], []>, transpose_lhs_hint = false} : vector<64x256xf32>, vector<64x256xf32>, vector<64x64xf32> -> vector<64x64xf32>
    %slice3A_127 = vector.extract_strided_slice %get3A_2 {offsets = [21, 0, 0], sizes = [1, 64, 256], strides = [1, 1, 1]} : vector<32x64x256xf32> to vector<1x64x256xf32>
    %squeeze3A_128 = vector.shape_cast %slice3A_127 : vector<1x64x256xf32> to vector<64x256xf32>
    %slice3A_129 = vector.extract_strided_slice %get3A_2 {offsets = [21, 0, 0], sizes = [1, 64, 256], strides = [1, 1, 1]} : vector<32x64x256xf32> to vector<1x64x256xf32>
    %squeeze3A_130 = vector.shape_cast %slice3A_129 : vector<1x64x256xf32> to vector<64x256xf32>
    %dot_general3A_131 = arith.constant dense<0.000000e+00> : vector<64x64xf32>
    %dot_general3A_132 = tpu.matmul %squeeze3A_128, %squeeze3A_130, %dot_general3A_131 {dimension_numbers = #tpu.dot_dimension_numbers<[1], [1], [0], [0], [0, 0, 1, 0], [], []>, transpose_lhs_hint = false} : vector<64x256xf32>, vector<64x256xf32>, vector<64x64xf32> -> vector<64x64xf32>
    %slice3A_133 = vector.extract_strided_slice %get3A_2 {offsets = [22, 0, 0], sizes = [1, 64, 256], strides = [1, 1, 1]} : vector<32x64x256xf32> to vector<1x64x256xf32>
    %squeeze3A_134 = vector.shape_cast %slice3A_133 : vector<1x64x256xf32> to vector<64x256xf32>
    %slice3A_135 = vector.extract_strided_slice %get3A_2 {offsets = [22, 0, 0], sizes = [1, 64, 256], strides = [1, 1, 1]} : vector<32x64x256xf32> to vector<1x64x256xf32>
    %squeeze3A_136 = vector.shape_cast %slice3A_135 : vector<1x64x256xf32> to vector<64x256xf32>
    %dot_general3A_137 = arith.constant dense<0.000000e+00> : vector<64x64xf32>
    %dot_general3A_138 = tpu.matmul %squeeze3A_134, %squeeze3A_136, %dot_general3A_137 {dimension_numbers = #tpu.dot_dimension_numbers<[1], [1], [0], [0], [0, 0, 1, 0], [], []>, transpose_lhs_hint = false} : vector<64x256xf32>, vector<64x256xf32>, vector<64x64xf32> -> vector<64x64xf32>
    %slice3A_139 = vector.extract_strided_slice %get3A_2 {offsets = [23, 0, 0], sizes = [1, 64, 256], strides = [1, 1, 1]} : vector<32x64x256xf32> to vector<1x64x256xf32>
    %squeeze3A_140 = vector.shape_cast %slice3A_139 : vector<1x64x256xf32> to vector<64x256xf32>
    %slice3A_141 = vector.extract_strided_slice %get3A_2 {offsets = [23, 0, 0], sizes = [1, 64, 256], strides = [1, 1, 1]} : vector<32x64x256xf32> to vector<1x64x256xf32>
    %squeeze3A_142 = vector.shape_cast %slice3A_141 : vector<1x64x256xf32> to vector<64x256xf32>
    %dot_general3A_143 = arith.constant dense<0.000000e+00> : vector<64x64xf32>
    %dot_general3A_144 = tpu.matmul %squeeze3A_140, %squeeze3A_142, %dot_general3A_143 {dimension_numbers = #tpu.dot_dimension_numbers<[1], [1], [0], [0], [0, 0, 1, 0], [], []>, transpose_lhs_hint = false} : vector<64x256xf32>, vector<64x256xf32>, vector<64x64xf32> -> vector<64x64xf32>
    %slice3A_145 = vector.extract_strided_slice %get3A_2 {offsets = [24, 0, 0], sizes = [1, 64, 256], strides = [1, 1, 1]} : vector<32x64x256xf32> to vector<1x64x256xf32>
    %squeeze3A_146 = vector.shape_cast %slice3A_145 : vector<1x64x256xf32> to vector<64x256xf32>
    %slice3A_147 = vector.extract_strided_slice %get3A_2 {offsets = [24, 0, 0], sizes = [1, 64, 256], strides = [1, 1, 1]} : vector<32x64x256xf32> to vector<1x64x256xf32>
    %squeeze3A_148 = vector.shape_cast %slice3A_147 : vector<1x64x256xf32> to vector<64x256xf32>
    %dot_general3A_149 = arith.constant dense<0.000000e+00> : vector<64x64xf32>
    %dot_general3A_150 = tpu.matmul %squeeze3A_146, %squeeze3A_148, %dot_general3A_149 {dimension_numbers = #tpu.dot_dimension_numbers<[1], [1], [0], [0], [0, 0, 1, 0], [], []>, transpose_lhs_hint = false} : vector<64x256xf32>, vector<64x256xf32>, vector<64x64xf32> -> vector<64x64xf32>
    %slice3A_151 = vector.extract_strided_slice %get3A_2 {offsets = [25, 0, 0], sizes = [1, 64, 256], strides = [1, 1, 1]} : vector<32x64x256xf32> to vector<1x64x256xf32>
    %squeeze3A_152 = vector.shape_cast %slice3A_151 : vector<1x64x256xf32> to vector<64x256xf32>
    %slice3A_153 = vector.extract_strided_slice %get3A_2 {offsets = [25, 0, 0], sizes = [1, 64, 256], strides = [1, 1, 1]} : vector<32x64x256xf32> to vector<1x64x256xf32>
    %squeeze3A_154 = vector.shape_cast %slice3A_153 : vector<1x64x256xf32> to vector<64x256xf32>
    %dot_general3A_155 = arith.constant dense<0.000000e+00> : vector<64x64xf32>
    %dot_general3A_156 = tpu.matmul %squeeze3A_152, %squeeze3A_154, %dot_general3A_155 {dimension_numbers = #tpu.dot_dimension_numbers<[1], [1], [0], [0], [0, 0, 1, 0], [], []>, transpose_lhs_hint = false} : vector<64x256xf32>, vector<64x256xf32>, vector<64x64xf32> -> vector<64x64xf32>
    %slice3A_157 = vector.extract_strided_slice %get3A_2 {offsets = [26, 0, 0], sizes = [1, 64, 256], strides = [1, 1, 1]} : vector<32x64x256xf32> to vector<1x64x256xf32>
    %squeeze3A_158 = vector.shape_cast %slice3A_157 : vector<1x64x256xf32> to vector<64x256xf32>
    %slice3A_159 = vector.extract_strided_slice %get3A_2 {offsets = [26, 0, 0], sizes = [1, 64, 256], strides = [1, 1, 1]} : vector<32x64x256xf32> to vector<1x64x256xf32>
    %squeeze3A_160 = vector.shape_cast %slice3A_159 : vector<1x64x256xf32> to vector<64x256xf32>
    %dot_general3A_161 = arith.constant dense<0.000000e+00> : vector<64x64xf32>
    %dot_general3A_162 = tpu.matmul %squeeze3A_158, %squeeze3A_160, %dot_general3A_161 {dimension_numbers = #tpu.dot_dimension_numbers<[1], [1], [0], [0], [0, 0, 1, 0], [], []>, transpose_lhs_hint = false} : vector<64x256xf32>, vector<64x256xf32>, vector<64x64xf32> -> vector<64x64xf32>
    %slice3A_163 = vector.extract_strided_slice %get3A_2 {offsets = [27, 0, 0], sizes = [1, 64, 256], strides = [1, 1, 1]} : vector<32x64x256xf32> to vector<1x64x256xf32>
    %squeeze3A_164 = vector.shape_cast %slice3A_163 : vector<1x64x256xf32> to vector<64x256xf32>
    %slice3A_165 = vector.extract_strided_slice %get3A_2 {offsets = [27, 0, 0], sizes = [1, 64, 256], strides = [1, 1, 1]} : vector<32x64x256xf32> to vector<1x64x256xf32>
    %squeeze3A_166 = vector.shape_cast %slice3A_165 : vector<1x64x256xf32> to vector<64x256xf32>
    %dot_general3A_167 = arith.constant dense<0.000000e+00> : vector<64x64xf32>
    %dot_general3A_168 = tpu.matmul %squeeze3A_164, %squeeze3A_166, %dot_general3A_167 {dimension_numbers = #tpu.dot_dimension_numbers<[1], [1], [0], [0], [0, 0, 1, 0], [], []>, transpose_lhs_hint = false} : vector<64x256xf32>, vector<64x256xf32>, vector<64x64xf32> -> vector<64x64xf32>
    %slice3A_169 = vector.extract_strided_slice %get3A_2 {offsets = [28, 0, 0], sizes = [1, 64, 256], strides = [1, 1, 1]} : vector<32x64x256xf32> to vector<1x64x256xf32>
    %squeeze3A_170 = vector.shape_cast %slice3A_169 : vector<1x64x256xf32> to vector<64x256xf32>
    %slice3A_171 = vector.extract_strided_slice %get3A_2 {offsets = [28, 0, 0], sizes = [1, 64, 256], strides = [1, 1, 1]} : vector<32x64x256xf32> to vector<1x64x256xf32>
    %squeeze3A_172 = vector.shape_cast %slice3A_171 : vector<1x64x256xf32> to vector<64x256xf32>
    %dot_general3A_173 = arith.constant dense<0.000000e+00> : vector<64x64xf32>
    %dot_general3A_174 = tpu.matmul %squeeze3A_170, %squeeze3A_172, %dot_general3A_173 {dimension_numbers = #tpu.dot_dimension_numbers<[1], [1], [0], [0], [0, 0, 1, 0], [], []>, transpose_lhs_hint = false} : vector<64x256xf32>, vector<64x256xf32>, vector<64x64xf32> -> vector<64x64xf32>
    %slice3A_175 = vector.extract_strided_slice %get3A_2 {offsets = [29, 0, 0], sizes = [1, 64, 256], strides = [1, 1, 1]} : vector<32x64x256xf32> to vector<1x64x256xf32>
    %squeeze3A_176 = vector.shape_cast %slice3A_175 : vector<1x64x256xf32> to vector<64x256xf32>
    %slice3A_177 = vector.extract_strided_slice %get3A_2 {offsets = [29, 0, 0], sizes = [1, 64, 256], strides = [1, 1, 1]} : vector<32x64x256xf32> to vector<1x64x256xf32>
    %squeeze3A_178 = vector.shape_cast %slice3A_177 : vector<1x64x256xf32> to vector<64x256xf32>
    %dot_general3A_179 = arith.constant dense<0.000000e+00> : vector<64x64xf32>
    %dot_general3A_180 = tpu.matmul %squeeze3A_176, %squeeze3A_178, %dot_general3A_179 {dimension_numbers = #tpu.dot_dimension_numbers<[1], [1], [0], [0], [0, 0, 1, 0], [], []>, transpose_lhs_hint = false} : vector<64x256xf32>, vector<64x256xf32>, vector<64x64xf32> -> vector<64x64xf32>
    %slice3A_181 = vector.extract_strided_slice %get3A_2 {offsets = [30, 0, 0], sizes = [1, 64, 256], strides = [1, 1, 1]} : vector<32x64x256xf32> to vector<1x64x256xf32>
    %squeeze3A_182 = vector.shape_cast %slice3A_181 : vector<1x64x256xf32> to vector<64x256xf32>
    %slice3A_183 = vector.extract_strided_slice %get3A_2 {offsets = [30, 0, 0], sizes = [1, 64, 256], strides = [1, 1, 1]} : vector<32x64x256xf32> to vector<1x64x256xf32>
    %squeeze3A_184 = vector.shape_cast %slice3A_183 : vector<1x64x256xf32> to vector<64x256xf32>
    %dot_general3A_185 = arith.constant dense<0.000000e+00> : vector<64x64xf32>
    %dot_general3A_186 = tpu.matmul %squeeze3A_182, %squeeze3A_184, %dot_general3A_185 {dimension_numbers = #tpu.dot_dimension_numbers<[1], [1], [0], [0], [0, 0, 1, 0], [], []>, transpose_lhs_hint = false} : vector<64x256xf32>, vector<64x256xf32>, vector<64x64xf32> -> vector<64x64xf32>
    %slice3A_187 = vector.extract_strided_slice %get3A_2 {offsets = [31, 0, 0], sizes = [1, 64, 256], strides = [1, 1, 1]} : vector<32x64x256xf32> to vector<1x64x256xf32>
    %squeeze3A_188 = vector.shape_cast %slice3A_187 : vector<1x64x256xf32> to vector<64x256xf32>
    %slice3A_189 = vector.extract_strided_slice %get3A_2 {offsets = [31, 0, 0], sizes = [1, 64, 256], strides = [1, 1, 1]} : vector<32x64x256xf32> to vector<1x64x256xf32>
    %squeeze3A_190 = vector.shape_cast %slice3A_189 : vector<1x64x256xf32> to vector<64x256xf32>
    %dot_general3A_191 = arith.constant dense<0.000000e+00> : vector<64x64xf32>
    %dot_general3A_192 = tpu.matmul %squeeze3A_188, %squeeze3A_190, %dot_general3A_191 {dimension_numbers = #tpu.dot_dimension_numbers<[1], [1], [0], [0], [0, 0, 1, 0], [], []>, transpose_lhs_hint = false} : vector<64x256xf32>, vector<64x256xf32>, vector<64x64xf32> -> vector<64x64xf32>
    %stack3A = vector.shape_cast %dot_general3A_6 : vector<64x64xf32> to vector<1x64x64xf32>
    %stack3A_193 = vector.shape_cast %dot_general3A_12 : vector<64x64xf32> to vector<1x64x64xf32>
    %stack3A_194 = vector.shape_cast %dot_general3A_18 : vector<64x64xf32> to vector<1x64x64xf32>
    %stack3A_195 = vector.shape_cast %dot_general3A_24 : vector<64x64xf32> to vector<1x64x64xf32>
    %stack3A_196 = vector.shape_cast %dot_general3A_30 : vector<64x64xf32> to vector<1x64x64xf32>
    %stack3A_197 = vector.shape_cast %dot_general3A_36 : vector<64x64xf32> to vector<1x64x64xf32>
    %stack3A_198 = vector.shape_cast %dot_general3A_42 : vector<64x64xf32> to vector<1x64x64xf32>
    %stack3A_199 = vector.shape_cast %dot_general3A_48 : vector<64x64xf32> to vector<1x64x64xf32>
    %stack3A_200 = vector.shape_cast %dot_general3A_54 : vector<64x64xf32> to vector<1x64x64xf32>
    %stack3A_201 = vector.shape_cast %dot_general3A_60 : vector<64x64xf32> to vector<1x64x64xf32>
    %stack3A_202 = vector.shape_cast %dot_general3A_66 : vector<64x64xf32> to vector<1x64x64xf32>
    %stack3A_203 = vector.shape_cast %dot_general3A_72 : vector<64x64xf32> to vector<1x64x64xf32>
    %stack3A_204 = vector.shape_cast %dot_general3A_78 : vector<64x64xf32> to vector<1x64x64xf32>
    %stack3A_205 = vector.shape_cast %dot_general3A_84 : vector<64x64xf32> to vector<1x64x64xf32>
    %stack3A_206 = vector.shape_cast %dot_general3A_90 : vector<64x64xf32> to vector<1x64x64xf32>
    %stack3A_207 = vector.shape_cast %dot_general3A_96 : vector<64x64xf32> to vector<1x64x64xf32>
    %stack3A_208 = vector.shape_cast %dot_general3A_102 : vector<64x64xf32> to vector<1x64x64xf32>
    %stack3A_209 = vector.shape_cast %dot_general3A_108 : vector<64x64xf32> to vector<1x64x64xf32>
    %stack3A_210 = vector.shape_cast %dot_general3A_114 : vector<64x64xf32> to vector<1x64x64xf32>
    %stack3A_211 = vector.shape_cast %dot_general3A_120 : vector<64x64xf32> to vector<1x64x64xf32>
    %stack3A_212 = vector.shape_cast %dot_general3A_126 : vector<64x64xf32> to vector<1x64x64xf32>
    %stack3A_213 = vector.shape_cast %dot_general3A_132 : vector<64x64xf32> to vector<1x64x64xf32>
    %stack3A_214 = vector.shape_cast %dot_general3A_138 : vector<64x64xf32> to vector<1x64x64xf32>
    %stack3A_215 = vector.shape_cast %dot_general3A_144 : vector<64x64xf32> to vector<1x64x64xf32>
    %stack3A_216 = vector.shape_cast %dot_general3A_150 : vector<64x64xf32> to vector<1x64x64xf32>
    %stack3A_217 = vector.shape_cast %dot_general3A_156 : vector<64x64xf32> to vector<1x64x64xf32>
    %stack3A_218 = vector.shape_cast %dot_general3A_162 : vector<64x64xf32> to vector<1x64x64xf32>
    %stack3A_219 = vector.shape_cast %dot_general3A_168 : vector<64x64xf32> to vector<1x64x64xf32>
    %stack3A_220 = vector.shape_cast %dot_general3A_174 : vector<64x64xf32> to vector<1x64x64xf32>
    %stack3A_221 = vector.shape_cast %dot_general3A_180 : vector<64x64xf32> to vector<1x64x64xf32>
    %stack3A_222 = vector.shape_cast %dot_general3A_186 : vector<64x64xf32> to vector<1x64x64xf32>
    %stack3A_223 = vector.shape_cast %dot_general3A_192 : vector<64x64xf32> to vector<1x64x64xf32>
    %stack3A_224 = tpu.concatenate %stack3A, %stack3A_193, %stack3A_194, %stack3A_195, %stack3A_196, %stack3A_197, %stack3A_198, %stack3A_199, %stack3A_200, %stack3A_201, %stack3A_202, %stack3A_203, %stack3A_204, %stack3A_205, %stack3A_206, %stack3A_207, %stack3A_208, %stack3A_209, %stack3A_210, %stack3A_211, %stack3A_212, %stack3A_213, %stack3A_214, %stack3A_215, %stack3A_216, %stack3A_217, %stack3A_218, %stack3A_219, %stack3A_220, %stack3A_221, %stack3A_222, %stack3A_223 in 0 : vector<1x64x64xf32>, vector<1x64x64xf32>, vector<1x64x64xf32>, vector<1x64x64xf32>, vector<1x64x64xf32>, vector<1x64x64xf32>, vector<1x64x64xf32>, vector<1x64x64xf32>, vector<1x64x64xf32>, vector<1x64x64xf32>, vector<1x64x64xf32>, vector<1x64x64xf32>, vector<1x64x64xf32>, vector<1x64x64xf32>, vector<1x64x64xf32>, vector<1x64x64xf32>, vector<1x64x64xf32>, vector<1x64x64xf32>, vector<1x64x64xf32>, vector<1x64x64xf32>, vector<1x64x64xf32>, vector<1x64x64xf32>, vector<1x64x64xf32>, vector<1x64x64xf32>, vector<1x64x64xf32>, vector<1x64x64xf32>, vector<1x64x64xf32>, vector<1x64x64xf32>, vector<1x64x64xf32>, vector<1x64x64xf32>, vector<1x64x64xf32>, vector<1x64x64xf32> -> vector<32x64x64xf32>
    %broadcast_in_dim3A = vector.shape_cast %reduce_sum3A_3 : vector<32x64xf32> to vector<32x64x1xf32>
    %broadcast_in_dim3A_225 = vector.shape_cast %reduce_sum3A_3 : vector<32x64xf32> to vector<32x1x64xf32>
    %add3A = vector.broadcast %broadcast_in_dim3A : vector<32x64x1xf32> to vector<32x64x64xf32>
    %add3A_226 = vector.broadcast %broadcast_in_dim3A_225 : vector<32x1x64xf32> to vector<32x64x64xf32>
    %add3A_227 = arith.addf %add3A, %add3A_226 : vector<32x64x64xf32>
    %mul3A_228 = arith.constant 2.000000e+00 : f32
    %mul3A_229 = vector.broadcast %mul3A_228 : f32 to vector<32x64x64xf32>
    %mul3A_230 = arith.mulf %mul3A_229, %stack3A_224 : vector<32x64x64xf32>
    %sub3A = arith.subf %add3A_227, %mul3A_230 : vector<32x64x64xf32>
    %max3A = arith.constant 0.000000e+00 : f32
    %max3A_231 = vector.broadcast %max3A : f32 to vector<32x64x64xf32>
    %max3A_232 = arith.maximumf %sub3A, %max3A_231 : vector<32x64x64xf32>
    %sqrt3A = math.sqrt %max3A_232 : vector<32x64x64xf32>
    %iota3A = tpu.iota {dimensions = array<i32: 1>} : vector<32x64xi32>
    %iota3A_233 = tpu.iota {dimensions = array<i32: 0>} : vector<64x64xi32>
    %iota3A_234 = tpu.iota {dimensions = array<i32: 1>} : vector<64x64xi32>
    %eq3A = arith.cmpi eq, %iota3A_233, %iota3A_234 : vector<64x64xi32>
    %broadcast_in_dim3A_235 = vector.shape_cast %eq3A : vector<64x64xi1> to vector<1x64x64xi1>
    %jit3A = arith.constant 0x7F800000 : f32
    %broadcast_in_dim3A_236 = vector.shape_cast %broadcast_in_dim3A_235 : vector<1x64x64xi1> to vector<1x64x64xi1>
    %broadcast_in_dim3A_237 = vector.broadcast %broadcast_in_dim3A_236 : vector<1x64x64xi1> to vector<32x64x64xi1>
    %broadcast_in_dim3A_238 = vector.broadcast %jit3A : f32 to vector<32x64x64xf32>
    %select_n3A = arith.select %broadcast_in_dim3A_237, %broadcast_in_dim3A_238, %sqrt3A : vector<32x64x64xi1>, vector<32x64x64xf32>
    %reduce_min3A = arith.constant dense<0x7F800000> : vector<32x64xf32>
    %reduce_min3A_239 = vector.multi_reduction <minimumf>, %select_n3A, %reduce_min3A [2] : vector<32x64x64xf32> to vector<32x64xf32>
    %reduce_min3A_240 = arith.constant dense<0x7F800000> : vector<32xf32>
    %reduce_min3A_241 = vector.multi_reduction <minimumf>, %reduce_min3A_239, %reduce_min3A_240 [1] : vector<32x64xf32> to vector<32xf32>
    %broadcast_in_dim3A_242 = vector.shape_cast %reduce_min3A_241 : vector<32xf32> to vector<32x1xf32>
    %eq3A_243 = vector.broadcast %broadcast_in_dim3A_242 : vector<32x1xf32> to vector<32x64xf32>
    %eq3A_244 = arith.cmpf oeq, %reduce_min3A_239, %eq3A_243 : vector<32x64xf32>
    %jit3A_245 = arith.constant 1000000000 : i32
    %broadcast_in_dim3A_246 = vector.broadcast %jit3A_245 : i32 to vector<32x64xi32>
    %select_n3A_247 = arith.select %eq3A_244, %iota3A, %broadcast_in_dim3A_246 : vector<32x64xi1>, vector<32x64xi32>
    %reduce_min3A_248 = arith.constant dense<2147483647> : vector<32xi32>
    %reduce_min3A_249 = vector.multi_reduction <minsi>, %select_n3A_247, %reduce_min3A_248 [1] : vector<32x64xi32> to vector<32xi32>
    %broadcast_in_dim3A_250 = vector.shape_cast %reduce_min3A_249 : vector<32xi32> to vector<32x1xi32>
    %eq3A_251 = vector.broadcast %broadcast_in_dim3A_250 : vector<32x1xi32> to vector<32x64xi32>
    %eq3A_252 = arith.cmpi eq, %iota3A, %eq3A_251 : vector<32x64xi32>
    %jit3A_253 = arith.constant 1.000000e+00 : f32
    %jit3A_254 = arith.constant 0.000000e+00 : f32
    %broadcast_in_dim3A_255 = vector.broadcast %jit3A_253 : f32 to vector<32x64xf32>
    %broadcast_in_dim3A_256 = vector.broadcast %jit3A_254 : f32 to vector<32x64xf32>
    %select_n3A_257 = arith.select %eq3A_252, %broadcast_in_dim3A_255, %broadcast_in_dim3A_256 : vector<32x64xi1>, vector<32x64xf32>
    %broadcast_in_dim3A_258 = vector.shape_cast %select_n3A_257 : vector<32x64xf32> to vector<32x1x64xf32>
    %eq3A_259 = arith.constant 1.000000e+00 : f32
    %eq3A_260 = vector.broadcast %eq3A_259 : f32 to vector<32x1x64xf32>
    %eq3A_261 = arith.cmpf oeq, %broadcast_in_dim3A_258, %eq3A_260 : vector<32x1x64xf32>
    %jit3A_262 = arith.constant 0.000000e+00 : f32
    %broadcast_in_dim3A_263 = vector.shape_cast %eq3A_261 : vector<32x1x64xi1> to vector<32x1x64xi1>
    %broadcast_in_dim3A_264 = vector.broadcast %broadcast_in_dim3A_263 : vector<32x1x64xi1> to vector<32x64x64xi1>
    %broadcast_in_dim3A_265 = vector.broadcast %jit3A_262 : f32 to vector<32x64x64xf32>
    %select_n3A_266 = arith.select %broadcast_in_dim3A_264, %select_n3A, %broadcast_in_dim3A_265 : vector<32x64x64xi1>, vector<32x64x64xf32>
    %reduce_sum3A_267 = arith.constant dense<0.000000e+00> : vector<32x64xf32>
    %reduce_sum3A_268 = vector.multi_reduction <add>, %select_n3A_266, %reduce_sum3A_267 [2] : vector<32x64x64xf32> to vector<32x64xf32>
    %eq3A_269 = vector.broadcast %broadcast_in_dim3A_242 : vector<32x1xf32> to vector<32x64xf32>
    %eq3A_270 = arith.cmpf oeq, %reduce_sum3A_268, %eq3A_269 : vector<32x64xf32>
    %jit3A_271 = arith.constant 1000000000 : i32
    %broadcast_in_dim3A_272 = vector.broadcast %jit3A_271 : i32 to vector<32x64xi32>
    %select_n3A_273 = arith.select %eq3A_270, %iota3A, %broadcast_in_dim3A_272 : vector<32x64xi1>, vector<32x64xi32>
    %reduce_min3A_274 = arith.constant dense<2147483647> : vector<32xi32>
    %reduce_min3A_275 = vector.multi_reduction <minsi>, %select_n3A_273, %reduce_min3A_274 [1] : vector<32x64xi32> to vector<32xi32>
    %broadcast_in_dim3A_276 = vector.shape_cast %reduce_min3A_275 : vector<32xi32> to vector<32x1xi32>
    %eq3A_277 = vector.broadcast %broadcast_in_dim3A_276 : vector<32x1xi32> to vector<32x64xi32>
    %eq3A_278 = arith.cmpi eq, %iota3A, %eq3A_277 : vector<32x64xi32>
    %jit3A_279 = arith.constant 1.000000e+00 : f32
    %jit3A_280 = arith.constant 0.000000e+00 : f32
    %broadcast_in_dim3A_281 = vector.broadcast %jit3A_279 : f32 to vector<32x64xf32>
    %broadcast_in_dim3A_282 = vector.broadcast %jit3A_280 : f32 to vector<32x64xf32>
    %select_n3A_283 = arith.select %eq3A_278, %broadcast_in_dim3A_281, %broadcast_in_dim3A_282 : vector<32x64xi1>, vector<32x64xf32>
    %swap3A = arith.constant 0 : index
    %swap3A_284 = arith.constant 0 : index
    %swap3A_285 = arith.constant 0 : index
    %swap3A_286 = vector.load %arg2[%swap3A, %swap3A_284, %swap3A_285] : memref<32x64x64xf32, #tpu.memory_space<vmem>>, vector<32x64x64xf32>
    tpu.vector_store %arg2[%swap3A, %swap3A_284, %swap3A_285], %sqrt3A {strides = array<i32>} : memref<32x64x64xf32, #tpu.memory_space<vmem>>, vector<32x64x64xf32>,
    %broadcast_in_dim3A_287 = vector.shape_cast %select_n3A_257 : vector<32x64xf32> to vector<32x64x1xf32>
    %broadcast_in_dim3A_288 = vector.shape_cast %select_n3A_283 : vector<32x64xf32> to vector<32x1x64xf32>
    %mul3A_289 = vector.broadcast %broadcast_in_dim3A_287 : vector<32x64x1xf32> to vector<32x64x64xf32>
    %mul3A_290 = vector.broadcast %broadcast_in_dim3A_288 : vector<32x1x64xf32> to vector<32x64x64xf32>
    %mul3A_291 = arith.mulf %mul3A_289, %mul3A_290 : vector<32x64x64xf32>
    %broadcast_in_dim3A_292 = vector.shape_cast %select_n3A_283 : vector<32x64xf32> to vector<32x64x1xf32>
    %broadcast_in_dim3A_293 = vector.shape_cast %select_n3A_257 : vector<32x64xf32> to vector<32x1x64xf32>
    %mul3A_294 = vector.broadcast %broadcast_in_dim3A_292 : vector<32x64x1xf32> to vector<32x64x64xf32>
    %mul3A_295 = vector.broadcast %broadcast_in_dim3A_293 : vector<32x1x64xf32> to vector<32x64x64xf32>
    %mul3A_296 = arith.mulf %mul3A_294, %mul3A_295 : vector<32x64x64xf32>
    %add3A_297 = arith.addf %mul3A_291, %mul3A_296 : vector<32x64x64xf32>
    %swap3A_298 = arith.constant 0 : index
    %swap3A_299 = arith.constant 0 : index
    %swap3A_300 = arith.constant 0 : index
    %swap3A_301 = vector.load %arg3[%swap3A_298, %swap3A_299, %swap3A_300] : memref<32x64x64xf32, #tpu.memory_space<vmem>>, vector<32x64x64xf32>
    tpu.vector_store %arg3[%swap3A_298, %swap3A_299, %swap3A_300], %add3A_297 {strides = array<i32>} : memref<32x64x64xf32, #tpu.memory_space<vmem>>, vector<32x64x64xf32>,
    %max3A_302 = arith.maximumf %select_n3A_257, %select_n3A_283 : vector<32x64xf32>
    %sub3A_303 = arith.constant 1.000000e+00 : f32
    %sub3A_304 = vector.broadcast %sub3A_303 : f32 to vector<32x64xf32>
    %sub3A_305 = arith.subf %sub3A_304, %max3A_302 : vector<32x64xf32>
    %swap3A_306 = arith.constant 0 : index
    %swap3A_307 = arith.constant 0 : index
    %swap3A_308 = vector.load %arg4[%swap3A_306, %swap3A_307] : memref<32x64xf32, #tpu.memory_space<vmem>>, vector<32x64xf32>
    tpu.vector_store %arg4[%swap3A_306, %swap3A_307], %sub3A_305 {strides = array<i32>} : memref<32x64xf32, #tpu.memory_space<vmem>>, vector<32x64xf32>,
    return
  }
  func.func @transform_0(%arg0: i32) -> (i32, i32, i32) {
    %c0_i32 = arith.constant 0 : i32
    %c0_i32_0 = arith.constant 0 : i32
    %c0_i32_1 = arith.constant 0 : i32
    return %arg0, %c0_i32, %c0_i32_0 : i32, i32, i32
  }
  func.func @transform_1(%arg0: i32) -> (i32, i32, i32) {
    %c0_i32 = arith.constant 0 : i32
    %c0_i32_0 = arith.constant 0 : i32
    %c0_i32_1 = arith.constant 0 : i32
    return %arg0, %c0_i32, %c0_i32_0 : i32, i32, i32
  }
  func.func @transform_2(%arg0: i32) -> (i32, i32, i32) {
    %c0_i32 = arith.constant 0 : i32
    %c0_i32_0 = arith.constant 0 : i32
    %c0_i32_1 = arith.constant 0 : i32
    return %arg0, %c0_i32, %c0_i32_0 : i32, i32, i32
  }
  func.func @transform_3(%arg0: i32) -> (i32, i32) {
    %c0_i32 = arith.constant 0 : i32
    %c0_i32_0 = arith.constant 0 : i32
    return %arg0, %c0_i32 : i32, i32
  }
}

</mosaic_0001>

<sc_bundles>
// kernel: kernel.5.cloned.1.call-start
scs
__scs_entry_jumppad:
0x0: {  	(pc) =	sbr.rel $0x88, $3  }
0x1: {  	(tag) =	ssettag $0x0;
	lr =	simm.s32 $0x1  }
0x2: {  	[smem:$0x3F9E] =	sst lr;
	_ =	strace $0xD0000000  }
0x3: {  	_ = 	snop  }
0x4: {  	_ = 	snop  }
0x5: {  	_ = 	snop  }
0x6: {  	_ = 	snop  }
0x7: {  	_ = 	snop  }
__scs_overlays_trampoline_lowered:
0x8: {  	[smem:$0x3FAD] =	sst s0  }
0x9: {  	[smem:$0x3FAE] =	sst s1  }
0xa: {  	[smem:$0x3FAF] =	sst s2  }
0xb: {  	[smem:$0x3FB0] =	sst s3  }
0xc: {  	[smem:$0x3FB1] =	sst s4  }
0xd: {  	[smem:$0x3FB2] =	sst s5  }
0xe: {  	[smem:$0x3FB3] =	sst s6  }
0xf: {  	[smem:$0x3FB4] =	sst s7  }
0x10: {  	[smem:$0x3FB5] =	sst s8  }
0x11: {  	[smem:$0x3FB6] =	sst s9;
	s0 =	simm.s32 @!p0 $0x0  }
0x12: {  	s1 =	sld [smem:$0x3F9C];
	s0 =	simm.s32 @p0 $0x1  }
0x13: {  	[smem:$0x3FB7] =	sst s0;
	s0 =	simm.s32 @!p1 $0x0  }
0x14: {  	s2 =	sld [smem:$0x3F9B];
	s0 =	simm.s32 @p1 $0x1  }
0x15: {  	[smem:$0x3FB8] =	sst s0;
	s0 =	simm.s32 @!p2 $0x0  }
0x16: {  	s3 =	sld [smem:$0x3FDB];
	s0 =	simm.s32 @p2 $0x1  }
0x17: {  	s4 =	simm.s32 $0x1BF5;
	[smem:$0x3FBA] =	sst s0  }
0x18: {  	s0 =	sld [smem:$0x3F9D];
	_ =	swait.ge [sflag:s4], $0x0  }
0x19: {  	s7 =	sld [smem:$0x3F9E]  }
0x1a: {  	s8 =	sadd.s32 $0xFFFFE003, lr  }
0x1b: {  	s9 =	sadd.s32 $0xFFFFFEF7, lr;
	s5 =	simm.s32 $0xFFFFFFFF;
	p2 =	slt.u32 s8, $0xFFFFF086  }
0x1c: {  	p1 =	slt.u32 s9, $0xF7A;
	s5 =	simm.s32 @!p2 $0x0  }
0x1d: {  	s5 =	simm.s32 @p1 $0x1;
	p0 =	seq.s32 s7, s2  }
0x1e: {  	s7 =	smul.u32 @!p0 $0xF7A, s2;
	p2 =	seq.s32 @!p0 s5, $0x0  }
0x1f: {  	s9 =	smul.u32 $0xF7A, s1;
	s8 =	simm.s32 @!p0 $0x1BF5;
	p2 =	por !p2, p0  }
0x20: {  	[sflag:s8] =	ssyncset.s32 @!p0 $0xFFFFF086;
	s6 =	sadd.s32 @!p0 s3, s7;
	s7 =	simm.s32 @!p0 $0x108  }
0x21: {  	s3 =	sadd.s32 s3, s9;
	s6 =	sadd.s32 @!p0 $0x88, s6;
	s7 =	simm.s32 @p2 $0x1082  }
0x22: {  	[simem:s7], [sflag:s8] =	dma.local @!p0 [hbm:s6], $0xF7A  }
0x23: {  	s9 =	sor.u32 $0xD0000000, s2;
	s6 =	simm.s32 $0x108;
	_ =	swait.ge @!p0 [sflag:s8], $0x0  }
0x24: {  	s3 =	sadd.s32 $0x88, s3;
	s6 =	simm.s32 @!p1 $0x1082;
	[sflag:s4] =	ssyncset.s32 $0xFFFFF086  }
0x25: {  	[simem:s6], [sflag:s4] =	dma.local [hbm:s3], $0xF7A  }
0x26: {  	[smem:$0x3F9E] =	sst s1;
	(tag) =	ssettag s2;
	_ =	strace s9  }
0x27: {  	s1 =	sld [smem:$0x3FAE]  }
0x28: {  	s2 =	sld [smem:$0x3FAF]  }
0x29: {  	s4 =	sld [smem:$0x3FB1]  }
0x2a: {  	p0 =	seq.s32 s5, $0x0;
	s5 =	sld [smem:$0x3FB2]  }
0x2b: {  	s6 =	sld [smem:$0x3FB3]  }
0x2c: {  	s7 =	sld [smem:$0x3FB4]  }
0x2d: {  	s3 =	simm.s32 $0x108;
	s8 =	sld [smem:$0x3FB5]  }
0x2e: {  	s3 =	simm.s32 @!p0 $0x1082;
	s9 =	sld [smem:$0x3FB6]  }
0x2f: {  	lr =	sadd.s32 s0, s3;
	s0 =	sld [smem:$0x3FAD]  }
0x30: {  	s3 =	sld [smem:$0x3FB0]  }
0x31: {  	[smem:$0x3FB9] =	sst s10  }
0x32: {  	s10 =	sld [smem:$0x3FB7];
	_ =	sdelay $0x3  }
0x33: {  	p0 =	seq.s32 s10, $0x1;
	s10 =	sld [smem:$0x3FB9];
	_ =	sdelay $0x3  }
0x34: {  	[smem:$0x3FB9] =	sst s10  }
0x35: {  	s10 =	sld [smem:$0x3FB8];
	_ =	sdelay $0x3  }
0x36: {  	p1 =	seq.s32 s10, $0x1;
	s10 =	sld [smem:$0x3FB9];
	_ =	sdelay $0x3  }
0x37: {  	[smem:$0x3FB9] =	sst s10  }
0x38: {  	s10 =	sld [smem:$0x3FBA]  }
0x39: {  	_ = 	snop;
	(pc) =	sbr.ind lr, $3  }
0x3a: {  	_ = 	snop  }
0x3b: {  	_ = 	snop  }
0x3c: {  	p2 =	seq.s32 s10, $0x1;
	s10 =	sld [smem:$0x3FB9]  }
0x3d: {  	_ =	shalt  }
0x3e: {  	_ =	shalt  }
0x3f: {  	_ =	shalt  }
0x40: {  	_ =	shalt  }
0x41: {  	_ =	shalt  }
0x42: {  	_ =	shalt  }
0x43: {  	_ =	shalt  }
0x44: {  	_ =	shalt  }
0x45: {  	_ =	shalt  }
0x46: {  	_ =	shalt  }
0x47: {  	_ =	shalt  }
0x48: {  	_ =	shalt  }
0x49: {  	_ =	shalt  }
0x4a: {  	_ =	shalt  }
0x4b: {  	_ =	shalt  }
0x4c: {  	_ =	shalt  }
0x4d: {  	_ =	shalt  }
0x4e: {  	_ =	shalt  }
0x4f: {  	_ =	shalt  }
0x50: {  	_ =	shalt  }
0x51: {  	_ =	shalt  }
0x52: {  	_ =	shalt  }
0x53: {  	_ =	shalt  }
0x54: {  	_ =	shalt  }
0x55: {  	_ =	shalt  }
0x56: {  	_ =	shalt  }
0x57: {  	_ =	shalt  }
0x58: {  	_ =	shalt  }
0x59: {  	_ =	shalt  }
0x5a: {  	_ =	shalt  }
0x5b: {  	_ =	shalt  }
0x5c: {  	_ =	shalt  }
0x5d: {  	_ =	shalt  }
0x5e: {  	_ =	shalt  }
0x5f: {  	_ =	shalt  }
0x60: {  	_ =	shalt  }
0x61: {  	_ =	shalt  }
0x62: {  	_ =	shalt  }
0x63: {  	_ =	shalt  }
0x64: {  	_ =	shalt  }
0x65: {  	_ =	shalt  }
0x66: {  	_ =	shalt  }
0x67: {  	_ =	shalt  }
0x68: {  	_ =	shalt  }
0x69: {  	_ =	shalt  }
0x6a: {  	_ =	shalt  }
0x6b: {  	_ =	shalt  }
0x6c: {  	_ =	shalt  }
0x6d: {  	_ =	shalt  }
0x6e: {  	_ =	shalt  }
0x6f: {  	_ =	shalt  }
0x70: {  	_ =	shalt  }
0x71: {  	_ =	shalt  }
0x72: {  	_ =	shalt  }
0x73: {  	_ =	shalt  }
0x74: {  	_ =	shalt  }
0x75: {  	_ =	shalt  }
0x76: {  	_ =	shalt  }
0x77: {  	_ =	shalt  }
0x78: {  	_ =	shalt  }
0x79: {  	_ =	shalt  }
0x7a: {  	_ =	shalt  }
0x7b: {  	_ =	shalt  }
0x7c: {  	_ =	shalt  }
0x7d: {  	_ =	shalt  }
0x7e: {  	_ =	shalt  }
0x7f: {  	_ =	shalt  }
0x80: {  	_ =	shalt  }
0x81: {  	_ =	shalt  }
0x82: {  	_ =	shalt  }
0x83: {  	_ =	shalt  }
0x84: {  	_ =	shalt  }
0x85: {  	_ =	shalt  }
0x86: {  	_ =	shalt  }
0x87: {  	_ =	shalt  }
.Lfunc_end0:
.L_simem_size_0:
called_computation_lowered:
.L_overlay_start_0:
0x88: {  	s2 =	sld [smem:$0x3FD9]  }
0x89: {  	s3 =	sld [smem:$0x3FFE];
	_ =	sdelay $0x1  }
0x8a: {  	s1 =	srdreg.scid  }
0x8b: {  	s0 =	sand.u32 $0x1, s1  }
0x8c: {  	s17 =	sshll.u32 s0, $0xA;
	s2 =	sadd.s32 s3, s2  }
0x8d: {  	s2 =	sadd.s32 s2, s17  }
0x8e: {  	[smem:$0x3FC5] =	sst s2  }
0x8f: {  	_ = 	snop  }
0x90: {  	s2 =	sld [smem:$0x3FD0];
	(tm) =	ssettm $0x1  }
0x91: {  	s18 =	sld [smem:$0x3FFB];
	_ =	sdelay $0x3  }
0x92: {  	_ =	strace s18  }
0x93: {  	s3 =	sld [smem:$0x3FFC];
	_ =	sdelay $0x3  }
0x94: {  	_ =	strace s3  }
0x95: {  	s3 =	sld [smem:$0x3FFD];
	_ =	sdelay $0x3  }
0x96: {  	_ =	strace s3  }
0x97: {  	_ =	strace $0x8FFFFFFF  }
0x98: {  	s19 =	sld [smem:$0x3FDB];
	_ =	sdelay $0x1  }
0x99: {  	s4 =	simm.s32 $_scs_section_size  }
0x9a: {  	s5 =	simm.s32 $_size__tile_overlayer_lowered;
	s6 =	simm.s32 $_tile_overlayer_lowered  }
0x9b: {  	s22 =	simm.s32 $0x1BFF;
	s21 =	sshll.u32 s6, $0x1;
	s3 =	sadd.s32 s4, s19  }
0x9c: {  	s7 =	simm.s32 $0x0;
	s20 =	sshll.u32 s5, $0x1;
	s5 =	sadd.s32 s21, s3  }
0x9d: {  	[timem:s7], [sflag:s22] =	dma.local [hbm:s5], s20  }
0x9e: {  	_ =	swait.ge [sflag:s22], s20  }
0x9f: {  	s4 =	ssub.s32 $0x0, s20;
	[sflag:s22] =	ssyncset.done $0x0  }
0xa0: {  	[sflag:s22] =	ssyncadd.s32 s4;
	_ =	sdelay $0x1  }
0xa1: {  	s23 =	simm.s32 $0x1B8B  }
0xa2: {  	_ =	swait.ge [sflag:s23], $0x1  }
0xa3: {  	[sflag:s23] =	ssyncset.done $0x0  }
0xa4: {  	s25 =	simm.s32 $0x1B8E;
	s24 =	sld [smem:$0x3FFE];
	[sflag:s23] =	ssyncadd.s32 $0xFFFFFFFF  }
0xa5: {  	s26 =	simm.s32 $execute0_lowered;
	[smem:$0x3FD2] =	sst s25  }
0xa6: {  	s5 =	sshll.u32 s26, $0x1;
	_ =	strace $0x80000046;
	[dreg:$0x1] =	wrdreg $0xFFFFFFFF  }
0xa7: {  	s28 =	simm.s32 $_size_execute0_lowered;
	s3 =	sadd.s32 s3, s5;
	[dreg:$0x0] =	wrdreg $0x0  }
0xa8: {  	s5 =	sshll.u32 s28, $0x1;
	[dreg:$0x2] =	wrdreg s3  }
0xa9: {  	[dreg:$0x3] =	wrdreg s5  }
0xaa: {  	[dreg:$0x4] =	wrdreg $0xC0  }
0xab: {  	_ =	task [dreg:s7], $0x5FFFF  }
0xac: {  	[dreg:$0x1] =	wrdreg $0xFFFFFFFF  }
0xad: {  	[dreg:$0x0] =	wrdreg $0x60  }
0xae: {  	[dreg:$0x2] =	wrdreg s2  }
0xaf: {  	[dreg:$0x3] =	wrdreg s24  }
0xb0: {  	[dreg:$0x4] =	wrdreg $0x9  }
0xb1: {  	_ =	task.clear_ibuf [dreg:s7], $0x5FFFF;
	_ =	strace $0x90000046  }
0xb2: {  	s29 =	simm.s32 $0x9;
	_ =	strace $0x80000048  }
0xb3: {  	_ =	swait.ge [sflag:s29], $0x1  }
0xb4: {  	[sflag:s29] =	ssyncadd.s32 $0xFFFFFFFF  }
0xb5: {  	_ =	strace $0x90000048  }
0xb6: {  	_ =	sfence  }
0xb7: {  	s30 =	sld [smem:$0x0];
	_ =	sdelay $0x2  }
0xb8: {  	s31 =	sshll.u32 s1, $0xD;
	s1 =	sshrl.u32 s1, $0x2  }
0xb9: {  	s3 =	sand.u32 $0x4000, s31;
	s1 =	sadd.s32 s1, s30  }
0xba: {  	s0 =	sor.u32 s3, s0;
	s1 =	sshll.u32 s1, $0x11  }
0xbb: {  	s0 =	sor.u32 s1, s0  }
0xbc: {  	s0 =	sadd.s32 $0x8F2B, s0  }
0xbd: {  	[sflag:s0] =	ssyncadd.remote.s32 $0x1  }
0xbe: {  	_ =	sfence.sel $0xFFFF  }
0xbf: {  	[dreg:$0x0] =	wrdreg $0xFFFFFFFF;
	(pc) =	sbr.abs _section_cstart, $3  }
0xc0: {  	[dreg:$0x1] =	wrdreg $0xFFFFFFFF  }
0xc1: {  	_ =	task.clear_ibuf [dreg:s7], $0x2FFFF;
	_ =	strace $0x9FFFFFFF  }
0xc2: {  	(tm) =	ssettm $0x7FFFFFFF  }
0xc3: {  	_ =	shalt  }
tec
execute0_lowered:
.L_overlay_start_1:
0x0: {  	(tag) =	ssettag $0x1  }
0x1: {  	v0 =	vimm.f32 $1.000000000e+00  }
0x2: {  	v1 =	vimm.s32 $0x0;
	v2 =	vimm.f32 $0.0e+00;
	v3 =	vimm.s32 $0x1  }
0x3: {  	v4 =	vimm.s32 $0x2;
	v5 =	vimm.s32 $0x3;
	v6 =	vimm.s32 $0x4  }
0x4: {  	v7 =	vimm.s32 $0x5;
	v8 =	vimm.s32 $0x6;
	v9 =	vimm.s32 $0x7  }
0x5: {  	v10 =	vimm.s32 $0x8;
	v11 =	vimm.s32 $0x9;
	v14 =	vimm.s32 $0xFEDCBA98  }
0x6: {  	v12 =	vimm.s32 $0xA;
	v13 =	vimm.s32 $0xB;
	v15 =	vimm.s32 $0xD  }
0x7: {  	v18 =	vimm.s32 $0x76543210;
	v16 =	vimm.s32 $0xE;
	v20 =	vimm.s32 $0x32107654  }
0x8: {  	v21 =	vimm.s32 $0xDCFE98BA;
	v22 =	vimm.s32 $0x54761032;
	v17 =	vunpack.c.l.s4.s8 v14  }
0x9: {  	v23 =	vimm.s32 $0xEFCDAB89;
	v24 =	vimm.s32 $0x67452301;
	v14 =	vimm.s32 $0xC  }
0xa: {  	v18 =	vunpack.c.l.s4.s8 v18;
	v19 =	vunpack.c.0.s8.s32 v17;
	v17 =	vimm.s32 $0xBA98FEDC  }
0xb: {  	s0 =	rddreg [dreg:$0x0];
	v20 =	vunpack.c.l.s4.s8 v20;
	v21 =	vunpack.c.l.s4.s8 v21;
	v17 =	vunpack.c.l.s4.s8 v17  }
0xc: {  	s5 =	rddreg [dreg:$0x1];
	v22 =	vunpack.c.l.s4.s8 v22;
	v23 =	vunpack.c.l.s4.s8 v23;
	v24 =	vunpack.c.l.s4.s8 v24  }
0xd: {  	s1 =	rddreg [dreg:$0x2];
	s2 =	simm.s32 $0x0;
	v20 =	vunpack.c.0.s8.s32 v20;
	v21 =	vunpack.c.0.s8.s32 v21;
	v25 =	vunpack.c.0.s8.s32 v17  }
0xe: {  	s3 =	stileid.u32;
	s4 =	srdreg.scid;
	s11 =	simm.s32 $0x4000;
	v22 =	vunpack.c.0.s8.s32 v22;
	v23 =	vunpack.c.0.s8.s32 v23;
	v24 =	vunpack.c.0.s8.s32 v24  }
0xf: {  	s12 =	simm.s32 $0x0;
	[smem:$0x7FF] =	sst s2;
	s6 =	sshll.u32 s3, $0x7;
	v18 =	vunpack.c.0.s8.s32 v18;
	v19 =	vand.u32 $0xF, v19;
	v20 =	vcombine.low v20, v25  }
0x10: {  	s7 =	sand.u32 $0x1, s4;
	s4 =	sadd.s32 $0x1C00, s5;
	s10 =	sshll.u32 s3, $0x3;
	v21 =	vcombine.low v22, v21;
	v22 =	vcombine.low v24, v23;
	v17 =	vimm.s32 $0xF  }
0x11: {  	_ =	strace $0x80000047;
	s8 =	sadd.s32 s6, s5;
	s31 =	ssub.s32 $0x2, s7;
	v18 =	vcombine.low v19, v18;
	v19 =	vand.u32 $0xF, v20;
	v20 =	vlaneseq.u32  }
0x12: {  	s7 =	sshll.u32 s7, $0x2;
	s5 =	sadd.s32 $0x22400, s5;
	s9 =	sshrl.u32 s31, $0x1;
	v21 =	vand.u32 $0xF, v21;
	v22 =	vand.u32 $0xF, v22;
	v23 =	vmul.u32 $0x80, v20  }
0x13: {  	s6 =	sor.u32 s7, s10;
	s7 =	sadd.s32 $0x21C00, s8;
	s9 =	ssub.s32 s31, s9;
	v24 =	vor.u32 $0x30, v20;
	v25 =	vor.u32 $0x20, v20;
	v26 =	vor.u32 $0x10, v20  }
0x14: {  	s10 =	simm.s32 $0x2000;
	s8 =	smax.u32 s9, $0x1;
	s9 =	simm.s32 $0x1;
	v27 =	vor.u32 $0x800, v23;
	v28 =	vor.u32 $0x1000, v23;
	v29 =	vor.u32 $0x1800, v23  }
.LBB2_1:
0x15: {  	s13 =	simm.s32 $0x0  }
.LBB2_2:
0x16: {  	s16 =	sadd.s32 s6, s13  }
0x17: {  	s14 =	sshll.u32 s16, $0xA  }
0x18: {  	s15 =	simm.s32 $0x0;
	s17 =	sadd.s32 s0, s14  }
0x19: {  	[tilespmem:s15], [sflag:$0x1] =	stream.linear.gather [hbm4b:s17+s15], $0x2000, $0x38;
	[tilespmem:$0x4080] =	vst v63  }
0x1a: {  	_ =	swait.ge [sflag:s9], $0x2000  }
0x1b: {  	[sflag:s9] =	ssyncset.done $0x0  }
0x1c: {  	s31 =	sadd.s32 s4, s14;
	[sflag:s9] =	ssyncadd.s32 $0xFFFFE000  }
0x1d: {  	[tilespmem:s10], [sflag:$0x1] =	stream.linear.gather [hbm4b:s31+s15], $0x2000, $0x38;
	[tilespmem:$0x4080] =	vst v63  }
0x1e: {  	s16 =	sshll.u32 s16, $0x4;
	_ =	swait.ge [sflag:s9], $0x2000  }
0x1f: {  	s16 =	sand.u32 $0x70, s16;
	[sflag:s9] =	ssyncset.done $0x0  }
0x20: {  	s16 =	sadd.s32 s16, s7;
	[sflag:s9] =	ssyncadd.s32 $0xFFFFE000  }
0x21: {  	[tilespmem:s11], [sflag:$0x1] =	stream.linear.gather [hbm4b:s16+s15], $0x80, $0x38;
	[tilespmem:$0x4080] =	vst v63  }
0x22: {  	_ =	swait.ge [sflag:s9], $0x80  }
0x23: {  	[sflag:s9] =	ssyncset.done $0x0  }
0x24: {  	[sflag:s9] =	ssyncadd.s32 $0xFFFFFF80  }
0x25: {  	v30 =	vld [tilespmem:$0x4000]  }
0x26: {  	v31 =	vld [tilespmem:$0x4010]  }
0x27: {  	v32 =	vld [tilespmem:$0x4020]  }
0x28: {  	v33 =	vimm.f32 $2.000000000e+00;
	v34 =	vld [tilespmem:$0x4030]  }
.LBB2_3:
0x29: {  	v35 =	vld [tilespmem:$0x0]  }
0x2a: {  	v36 =	vperm.xlane v30, v1;
	v37 =	vld [tilespmem:$0x10]  }
0x2b: {  	v39 =	vld [tilespmem:$0x20]  }
0x2c: {  	v40 =	vld [tilespmem:$0x30];
	v38 =	vsub.f32 $1.000000000e+00, v36  }
0x2d: {  	v43 =	vld [tilespmem:$0x80];
	v44 =	vperm.xlane v30, v3;
	(erf) = vrcp.f32 v33  }
0x2e: {  	v45 =	vld [tilespmem:$0x90];
	v41 =	vmul.f32 v38, v35;
	v35 =	vmul.f32 v35, v36  }
0x2f: {  	v42 =	vmul.f32 v37, v38;
	v37 =	vmul.f32 v37, v36  }
0x30: {  	v48 =	vld [tilespmem:$0xA0];
	v47 =	vsub.f32 $1.000000000e+00, v44;
	v46 =	vmul.f32 v39, v38;
	v39 =	vmul.f32 v39, v36  }
0x31: {  	v38 =	vmul.f32 v40, v38;
	v36 =	vmul.f32 v40, v36  }
0x32: {  	v49 =	vld [tilespmem:$0xB0];
	vm1 =	vne.f32 v30, $1.000000000e+00;
	v61 =	vmul.f32 v47, v43;
	v43 =	vmul.f32 v43, v44  }
0x33: {  	vm3 =	vne.f32 v31, $1.000000000e+00;
	v50 =	vmul.f32 v45, v47;
	v62 =	vmul.f32 v45, v44  }
0x34: {  	v45 =	vperm.xlane v30, v4;
	v41 =	vadd.f32 $0.0e+00, v41;
	v35 =	vadd.f32 $0.0e+00, v35  }
0x35: {  	v51 =	vld [tilespmem:$0x100];
	v63 =	vmul.f32 v48, v47;
	v42 =	vadd.f32 $0.0e+00, v42;
	v37 =	vadd.f32 $0.0e+00, v37  }
0x36: {  	v52 =	vld [tilespmem:$0x110];
	v53 =	vmul.f32 v48, v44;
	v46 =	vadd.f32 $0.0e+00, v46;
	v39 =	vadd.f32 $0.0e+00, v39  }
0x37: {  	v55 =	vmul.f32 v49, v47;
	v38 =	vadd.f32 $0.0e+00, v38;
	v36 =	vadd.f32 $0.0e+00, v36  }
0x38: {  	v54 =	vld [tilespmem:$0x120];
	v44 =	vmul.f32 v49, v44;
	v48 =	vsub.f32 $1.000000000e+00, v45;
	v40 =	vadd.f32 v61, v41  }
0x39: {  	v56 =	vld [tilespmem:$0x130];
	v49 =	vperm.xlane v30, v6;
	v35 =	vadd.f32 v43, v35;
	v42 =	vadd.f32 v50, v42  }
0x3a: {  	v58 =	vmul.f32 v51, v45;
	v37 =	vadd.f32 v62, v37;
	v43 =	vadd.f32 v63, v46  }
0x3b: {  	v39 =	vadd.f32 v53, v39;
	v57 =	vmul.f32 v48, v51;
	v59 =	vmul.f32 v52, v48  }
0x3c: {  	v38 =	vadd.f32 v55, v38;
	v41 =	vperm.xlane v30, v5;
	v62 =	vmul.f32 v52, v45  }
0x3d: {  	v60 =	vld [tilespmem:$0x180];
	v36 =	vadd.f32 v44, v36;
	v63 =	vmul.f32 v54, v48;
	v50 =	vmul.f32 v54, v45  }
0x3e: {  	v61 =	vld [tilespmem:$0x190];
	v48 =	vmul.f32 v56, v48;
	v40 =	vadd.f32 v57, v40;
	v35 =	vadd.f32 v58, v35  }
0x3f: {  	v53 =	vld [tilespmem:$0x1A0];
	v54 =	vmul.f32 v56, v45;
	v42 =	vadd.f32 v59, v42;
	v52 =	vsub.f32 $1.000000000e+00, v41  }
0x40: {  	v56 =	vld [tilespmem:$0x1B0];
	v45 =	vperm.xlane v30, v7;
	v37 =	vadd.f32 v62, v37;
	v43 =	vadd.f32 v63, v43  }
0x41: {  	v44 =	vperm.xlane v30, v9;
	v39 =	vadd.f32 v50, v39;
	v38 =	vadd.f32 v48, v38  }
0x42: {  	v36 =	vadd.f32 v54, v36;
	v57 =	vmul.f32 v60, v41;
	v59 =	vld [tilespmem:$0x200];
	v55 =	vmul.f32 v52, v60  }
0x43: {  	v50 =	vld [tilespmem:$0x210];
	v63 =	vsub.f32 $1.000000000e+00, v49;
	v58 =	vmul.f32 v61, v52;
	v60 =	vmul.f32 v61, v41  }
0x44: {  	v54 =	vld [tilespmem:$0x220];
	v35 =	vadd.f32 v57, v35;
	v61 =	vmul.f32 v53, v52;
	v62 =	vmul.f32 v53, v41  }
0x45: {  	v40 =	vadd.f32 v55, v40;
	v55 =	vmul.f32 v56, v52;
	v52 =	vsub.f32 $1.000000000e+00, v45  }
0x46: {  	v41 =	vmul.f32 v56, v41;
	v56 =	vld [tilespmem:$0x230];
	v42 =	vadd.f32 v58, v42;
	v37 =	vadd.f32 v60, v37  }
0x47: {  	v43 =	vadd.f32 v61, v43;
	v57 =	vmul.f32 v63, v59;
	v48 =	vmul.f32 v59, v49;
	v59 =	vld [tilespmem:$0x280]  }
0x48: {  	v39 =	vadd.f32 v62, v39;
	v36 =	vadd.f32 v41, v36;
	v58 =	vmul.f32 v50, v63;
	v60 =	vld [tilespmem:$0x290]  }
0x49: {  	v61 =	vmul.f32 v50, v49;
	v62 =	vmul.f32 v54, v63;
	v38 =	vadd.f32 v55, v38  }
0x4a: {  	v51 =	vmul.f32 v54, v49;
	v40 =	vadd.f32 v57, v40;
	v35 =	vadd.f32 v48, v35  }
0x4b: {  	v41 =	vadd.f32 v58, v42;
	v37 =	vadd.f32 v61, v37;
	v46 =	vmul.f32 v56, v63;
	v63 =	vld [tilespmem:$0x2A0]  }
0x4c: {  	v42 =	vadd.f32 v62, v43;
	v54 =	vmul.f32 v56, v49;
	v56 =	vld [tilespmem:$0x2B0];
	v55 =	vmul.f32 v52, v59  }
0x4d: {  	v39 =	vadd.f32 v51, v39;
	v57 =	vmul.f32 v59, v45;
	v58 =	vmul.f32 v60, v52;
	v59 =	vld [tilespmem:$0x300]  }
0x4e: {  	v60 =	vmul.f32 v60, v45;
	v38 =	vadd.f32 v46, v38;
	v36 =	vadd.f32 v54, v36  }
0x4f: {  	v50 =	vld [tilespmem:$0x310];
	v48 =	vperm.xlane v30, v8;
	v40 =	vadd.f32 v55, v40;
	v35 =	vadd.f32 v57, v35  }
0x50: {  	v54 =	vld [tilespmem:$0x320];
	v41 =	vadd.f32 v58, v41;
	v37 =	vadd.f32 v60, v37;
	v61 =	vmul.f32 v63, v52  }
0x51: {  	v60 =	vld [tilespmem:$0x390];
	v62 =	vmul.f32 v63, v45;
	v63 =	vsub.f32 $1.000000000e+00, v48;
	v55 =	vmul.f32 v56, v52  }
0x52: {  	v45 =	vmul.f32 v56, v45;
	v56 =	vld [tilespmem:$0x330];
	v52 =	vsub.f32 $1.000000000e+00, v44;
	v49 =	vmul.f32 v59, v48  }
0x53: {  	v42 =	vadd.f32 v61, v42;
	v39 =	vadd.f32 v62, v39;
	v57 =	vmul.f32 v63, v59  }
0x54: {  	v38 =	vadd.f32 v55, v38;
	v36 =	vadd.f32 v45, v36;
	v58 =	vmul.f32 v50, v63  }
0x55: {  	v59 =	vld [tilespmem:$0x380];
	v61 =	vmul.f32 v50, v48;
	v62 =	vmul.f32 v54, v63;
	v35 =	vadd.f32 v49, v35  }
0x56: {  	v51 =	vmul.f32 v54, v48;
	v40 =	vadd.f32 v57, v40;
	v41 =	vadd.f32 v58, v41  }
0x57: {  	v37 =	vadd.f32 v61, v37;
	v58 =	vmul.f32 v60, v52;
	v46 =	vmul.f32 v56, v63;
	v63 =	vld [tilespmem:$0x3A0]  }
0x58: {  	v42 =	vadd.f32 v62, v42;
	v60 =	vmul.f32 v60, v44;
	v54 =	vmul.f32 v56, v48;
	v56 =	vld [tilespmem:$0x3B0]  }
0x59: {  	v45 =	vperm.xlane v30, v11;
	v39 =	vadd.f32 v51, v39;
	v41 =	vadd.f32 v58, v41  }
0x5a: {  	v37 =	vadd.f32 v60, v37;
	v55 =	vmul.f32 v52, v59;
	v57 =	vmul.f32 v59, v44;
	v59 =	vld [tilespmem:$0x400]  }
0x5b: {  	v50 =	vld [tilespmem:$0x410];
	v49 =	vperm.xlane v30, v10;
	v38 =	vadd.f32 v46, v38;
	v36 =	vadd.f32 v54, v36  }
0x5c: {  	v54 =	vld [tilespmem:$0x420];
	v40 =	vadd.f32 v55, v40;
	v35 =	vadd.f32 v57, v35;
	v61 =	vmul.f32 v63, v52  }
0x5d: {  	v60 =	vld [tilespmem:$0x490];
	v62 =	vmul.f32 v63, v44;
	v63 =	vsub.f32 $1.000000000e+00, v49;
	v55 =	vmul.f32 v56, v52  }
0x5e: {  	v44 =	vmul.f32 v56, v44;
	v56 =	vld [tilespmem:$0x430];
	v52 =	vsub.f32 $1.000000000e+00, v45;
	v42 =	vadd.f32 v61, v42  }
0x5f: {  	v39 =	vadd.f32 v62, v39;
	v57 =	vmul.f32 v63, v59;
	v48 =	vmul.f32 v59, v49  }
0x60: {  	v38 =	vadd.f32 v55, v38;
	v36 =	vadd.f32 v44, v36;
	v58 =	vmul.f32 v50, v63  }
0x61: {  	v59 =	vld [tilespmem:$0x480];
	v61 =	vmul.f32 v50, v49;
	v62 =	vmul.f32 v54, v63;
	v40 =	vadd.f32 v57, v40  }
0x62: {  	v51 =	vmul.f32 v54, v49;
	v35 =	vadd.f32 v48, v35;
	v41 =	vadd.f32 v58, v41  }
0x63: {  	v37 =	vadd.f32 v61, v37;
	v58 =	vmul.f32 v60, v52;
	v46 =	vmul.f32 v56, v63;
	v63 =	vld [tilespmem:$0x4A0]  }
0x64: {  	v42 =	vadd.f32 v62, v42;
	v60 =	vmul.f32 v60, v45;
	v54 =	vmul.f32 v56, v49;
	v56 =	vld [tilespmem:$0x4B0]  }
0x65: {  	v44 =	vperm.xlane v30, v13;
	v39 =	vadd.f32 v51, v39;
	v41 =	vadd.f32 v58, v41  }
0x66: {  	v37 =	vadd.f32 v60, v37;
	v55 =	vmul.f32 v52, v59;
	v57 =	vmul.f32 v59, v45;
	v59 =	vld [tilespmem:$0x500]  }
0x67: {  	v50 =	vld [tilespmem:$0x510];
	v48 =	vperm.xlane v30, v12;
	v38 =	vadd.f32 v46, v38;
	v36 =	vadd.f32 v54, v36  }
0x68: {  	v54 =	vld [tilespmem:$0x520];
	v40 =	vadd.f32 v55, v40;
	v35 =	vadd.f32 v57, v35;
	v61 =	vmul.f32 v63, v52  }
0x69: {  	v60 =	vld [tilespmem:$0x590];
	v62 =	vmul.f32 v63, v45;
	v63 =	vsub.f32 $1.000000000e+00, v48;
	v55 =	vmul.f32 v56, v52  }
0x6a: {  	v45 =	vmul.f32 v56, v45;
	v56 =	vld [tilespmem:$0x530];
	v52 =	vsub.f32 $1.000000000e+00, v44;
	v42 =	vadd.f32 v61, v42  }
0x6b: {  	v39 =	vadd.f32 v62, v39;
	v57 =	vmul.f32 v63, v59;
	v49 =	vmul.f32 v59, v48  }
0x6c: {  	v38 =	vadd.f32 v55, v38;
	v36 =	vadd.f32 v45, v36;
	v58 =	vmul.f32 v50, v63  }
0x6d: {  	v59 =	vld [tilespmem:$0x580];
	v61 =	vmul.f32 v50, v48;
	v62 =	vmul.f32 v54, v63;
	v40 =	vadd.f32 v57, v40  }
0x6e: {  	v51 =	vmul.f32 v54, v48;
	v35 =	vadd.f32 v49, v35;
	v41 =	vadd.f32 v58, v41  }
0x6f: {  	v37 =	vadd.f32 v61, v37;
	v58 =	vmul.f32 v60, v52;
	v46 =	vmul.f32 v56, v63;
	v63 =	vld [tilespmem:$0x5A0]  }
0x70: {  	v42 =	vadd.f32 v62, v42;
	v60 =	vmul.f32 v60, v44;
	v54 =	vmul.f32 v56, v48;
	v56 =	vld [tilespmem:$0x5B0]  }
0x71: {  	v45 =	vperm.xlane v30, v15;
	v39 =	vadd.f32 v51, v39;
	v41 =	vadd.f32 v58, v41  }
0x72: {  	v37 =	vadd.f32 v60, v37;
	v55 =	vmul.f32 v52, v59;
	v57 =	vmul.f32 v59, v44;
	v59 =	vld [tilespmem:$0x600]  }
0x73: {  	v50 =	vld [tilespmem:$0x610];
	v49 =	vperm.xlane v30, v14;
	v38 =	vadd.f32 v46, v38;
	v36 =	vadd.f32 v54, v36  }
0x74: {  	v54 =	vld [tilespmem:$0x620];
	v40 =	vadd.f32 v55, v40;
	v35 =	vadd.f32 v57, v35;
	v61 =	vmul.f32 v63, v52  }
0x75: {  	v60 =	vld [tilespmem:$0x690];
	v62 =	vmul.f32 v63, v44;
	v63 =	vsub.f32 $1.000000000e+00, v49;
	v55 =	vmul.f32 v56, v52  }
0x76: {  	v44 =	vmul.f32 v56, v44;
	v56 =	vld [tilespmem:$0x630];
	v52 =	vsub.f32 $1.000000000e+00, v45;
	v42 =	vadd.f32 v61, v42  }
0x77: {  	v39 =	vadd.f32 v62, v39;
	v57 =	vmul.f32 v63, v59;
	v48 =	vmul.f32 v59, v49  }
0x78: {  	v38 =	vadd.f32 v55, v38;
	v36 =	vadd.f32 v44, v36;
	v58 =	vmul.f32 v50, v63  }
0x79: {  	v59 =	vld [tilespmem:$0x680];
	v61 =	vmul.f32 v50, v49;
	v62 =	vmul.f32 v54, v63;
	v40 =	vadd.f32 v57, v40  }
0x7a: {  	v51 =	vmul.f32 v54, v49;
	v35 =	vadd.f32 v48, v35;
	v41 =	vadd.f32 v58, v41  }
0x7b: {  	v37 =	vadd.f32 v61, v37;
	v58 =	vmul.f32 v60, v52;
	v46 =	vmul.f32 v56, v63;
	v63 =	vld [tilespmem:$0x6A0]  }
0x7c: {  	v42 =	vadd.f32 v62, v42;
	v60 =	vmul.f32 v60, v45;
	v54 =	vmul.f32 v56, v49;
	v56 =	vld [tilespmem:$0x6B0]  }
0x7d: {  	v44 =	vperm.xlane v30, v17;
	v39 =	vadd.f32 v51, v39;
	v41 =	vadd.f32 v58, v41  }
0x7e: {  	v37 =	vadd.f32 v60, v37;
	v55 =	vmul.f32 v52, v59;
	v57 =	vmul.f32 v59, v45;
	v59 =	vld [tilespmem:$0x700]  }
0x7f: {  	v50 =	vld [tilespmem:$0x710];
	v48 =	vperm.xlane v30, v16;
	v38 =	vadd.f32 v46, v38;
	v36 =	vadd.f32 v54, v36  }
0x80: {  	v54 =	vld [tilespmem:$0x720];
	v40 =	vadd.f32 v55, v40;
	v35 =	vadd.f32 v57, v35;
	v61 =	vmul.f32 v63, v52  }
0x81: {  	v60 =	vld [tilespmem:$0x790];
	v62 =	vmul.f32 v63, v45;
	v63 =	vsub.f32 $1.000000000e+00, v48;
	v55 =	vmul.f32 v56, v52  }
0x82: {  	v45 =	vmul.f32 v56, v45;
	v56 =	vld [tilespmem:$0x730];
	v52 =	vsub.f32 $1.000000000e+00, v44;
	v42 =	vadd.f32 v61, v42  }
0x83: {  	v39 =	vadd.f32 v62, v39;
	v57 =	vmul.f32 v63, v59;
	v49 =	vmul.f32 v59, v48  }
0x84: {  	v38 =	vadd.f32 v55, v38;
	v36 =	vadd.f32 v45, v36;
	v58 =	vmul.f32 v50, v63  }
0x85: {  	v59 =	vld [tilespmem:$0x780];
	v61 =	vmul.f32 v50, v48;
	v62 =	vmul.f32 v54, v63;
	v40 =	vadd.f32 v57, v40  }
0x86: {  	v51 =	vmul.f32 v54, v48;
	v35 =	vadd.f32 v49, v35;
	v41 =	vadd.f32 v58, v41  }
0x87: {  	v37 =	vadd.f32 v61, v37;
	v58 =	vmul.f32 v60, v52;
	v46 =	vmul.f32 v56, v63;
	v63 =	vld [tilespmem:$0x7A0]  }
0x88: {  	v42 =	vadd.f32 v62, v42;
	v60 =	vmul.f32 v60, v44;
	v54 =	vmul.f32 v56, v48;
	v56 =	vld [tilespmem:$0x7B0]  }
0x89: {  	v45 =	vperm.xlane v31, v3;
	v39 =	vadd.f32 v51, v39;
	v41 =	vadd.f32 v58, v41  }
0x8a: {  	v37 =	vadd.f32 v60, v37;
	v55 =	vmul.f32 v52, v59;
	v57 =	vmul.f32 v59, v44;
	v59 =	vld [tilespmem:$0x800]  }
0x8b: {  	v50 =	vld [tilespmem:$0x810];
	v49 =	vperm.xlane v31, v1;
	v38 =	vadd.f32 v46, v38;
	v36 =	vadd.f32 v54, v36  }
0x8c: {  	v54 =	vld [tilespmem:$0x820];
	v40 =	vadd.f32 v55, v40;
	v35 =	vadd.f32 v57, v35;
	v61 =	vmul.f32 v63, v52  }
0x8d: {  	v60 =	vld [tilespmem:$0x890];
	v62 =	vmul.f32 v63, v44;
	v63 =	vsub.f32 $1.000000000e+00, v49;
	v55 =	vmul.f32 v56, v52  }
0x8e: {  	v44 =	vmul.f32 v56, v44;
	v56 =	vld [tilespmem:$0x830];
	v52 =	vsub.f32 $1.000000000e+00, v45;
	v42 =	vadd.f32 v61, v42  }
0x8f: {  	v39 =	vadd.f32 v62, v39;
	v57 =	vmul.f32 v63, v59;
	v48 =	vmul.f32 v59, v49  }
0x90: {  	v38 =	vadd.f32 v55, v38;
	v36 =	vadd.f32 v44, v36;
	v58 =	vmul.f32 v50, v63  }
0x91: {  	v59 =	vld [tilespmem:$0x880];
	v61 =	vmul.f32 v50, v49;
	v62 =	vmul.f32 v54, v63;
	v40 =	vadd.f32 v57, v40  }
0x92: {  	v51 =	vmul.f32 v54, v49;
	v35 =	vadd.f32 v48, v35;
	v41 =	vadd.f32 v58, v41  }
0x93: {  	v37 =	vadd.f32 v61, v37;
	v58 =	vmul.f32 v60, v52;
	v46 =	vmul.f32 v56, v63;
	v63 =	vld [tilespmem:$0x8A0]  }
0x94: {  	v42 =	vadd.f32 v62, v42;
	v60 =	vmul.f32 v60, v45;
	v54 =	vmul.f32 v56, v49;
	v56 =	vld [tilespmem:$0x8B0]  }
0x95: {  	v44 =	vperm.xlane v31, v5;
	v39 =	vadd.f32 v51, v39;
	v41 =	vadd.f32 v58, v41  }
0x96: {  	v37 =	vadd.f32 v60, v37;
	v55 =	vmul.f32 v52, v59;
	v57 =	vmul.f32 v59, v45;
	v59 =	vld [tilespmem:$0x900]  }
0x97: {  	v50 =	vld [tilespmem:$0x910];
	v48 =	vperm.xlane v31, v4;
	v38 =	vadd.f32 v46, v38;
	v36 =	vadd.f32 v54, v36  }
0x98: {  	v54 =	vld [tilespmem:$0x920];
	v40 =	vadd.f32 v55, v40;
	v35 =	vadd.f32 v57, v35;
	v61 =	vmul.f32 v63, v52  }
0x99: {  	v60 =	vld [tilespmem:$0x990];
	v62 =	vmul.f32 v63, v45;
	v63 =	vsub.f32 $1.000000000e+00, v48;
	v55 =	vmul.f32 v56, v52  }
0x9a: {  	v45 =	vmul.f32 v56, v45;
	v56 =	vld [tilespmem:$0x930];
	v52 =	vsub.f32 $1.000000000e+00, v44;
	v42 =	vadd.f32 v61, v42  }
0x9b: {  	v39 =	vadd.f32 v62, v39;
	v57 =	vmul.f32 v63, v59;
	v49 =	vmul.f32 v59, v48  }
0x9c: {  	v38 =	vadd.f32 v55, v38;
	v36 =	vadd.f32 v45, v36;
	v58 =	vmul.f32 v50, v63  }
0x9d: {  	v59 =	vld [tilespmem:$0x980];
	v61 =	vmul.f32 v50, v48;
	v62 =	vmul.f32 v54, v63;
	v40 =	vadd.f32 v57, v40  }
0x9e: {  	v51 =	vmul.f32 v54, v48;
	v35 =	vadd.f32 v49, v35;
	v41 =	vadd.f32 v58, v41  }
0x9f: {  	v37 =	vadd.f32 v61, v37;
	v58 =	vmul.f32 v60, v52;
	v46 =	vmul.f32 v56, v63;
	v63 =	vld [tilespmem:$0x9A0]  }
0xa0: {  	v42 =	vadd.f32 v62, v42;
	v60 =	vmul.f32 v60, v44;
	v54 =	vmul.f32 v56, v48;
	v56 =	vld [tilespmem:$0x9B0]  }
0xa1: {  	v45 =	vperm.xlane v31, v7;
	v39 =	vadd.f32 v51, v39;
	v41 =	vadd.f32 v58, v41  }
0xa2: {  	v37 =	vadd.f32 v60, v37;
	v55 =	vmul.f32 v52, v59;
	v57 =	vmul.f32 v59, v44;
	v59 =	vld [tilespmem:$0xA00]  }
0xa3: {  	v50 =	vld [tilespmem:$0xA10];
	v49 =	vperm.xlane v31, v6;
	v38 =	vadd.f32 v46, v38;
	v36 =	vadd.f32 v54, v36  }
0xa4: {  	v54 =	vld [tilespmem:$0xA20];
	v40 =	vadd.f32 v55, v40;
	v35 =	vadd.f32 v57, v35;
	v61 =	vmul.f32 v63, v52  }
0xa5: {  	v60 =	vld [tilespmem:$0xA90];
	v62 =	vmul.f32 v63, v44;
	v63 =	vsub.f32 $1.000000000e+00, v49;
	v55 =	vmul.f32 v56, v52  }
0xa6: {  	v44 =	vmul.f32 v56, v44;
	v56 =	vld [tilespmem:$0xA30];
	v52 =	vsub.f32 $1.000000000e+00, v45;
	v42 =	vadd.f32 v61, v42  }
0xa7: {  	v39 =	vadd.f32 v62, v39;
	v57 =	vmul.f32 v63, v59;
	v48 =	vmul.f32 v59, v49  }
0xa8: {  	v38 =	vadd.f32 v55, v38;
	v36 =	vadd.f32 v44, v36;
	v58 =	vmul.f32 v50, v63  }
0xa9: {  	v59 =	vld [tilespmem:$0xA80];
	v61 =	vmul.f32 v50, v49;
	v62 =	vmul.f32 v54, v63;
	v40 =	vadd.f32 v57, v40  }
0xaa: {  	v51 =	vmul.f32 v54, v49;
	v35 =	vadd.f32 v48, v35;
	v41 =	vadd.f32 v58, v41  }
0xab: {  	v37 =	vadd.f32 v61, v37;
	v58 =	vmul.f32 v60, v52;
	v46 =	vmul.f32 v56, v63;
	v63 =	vld [tilespmem:$0xAA0]  }
0xac: {  	v42 =	vadd.f32 v62, v42;
	v60 =	vmul.f32 v60, v45;
	v54 =	vmul.f32 v56, v49;
	v56 =	vld [tilespmem:$0xAB0]  }
0xad: {  	v44 =	vperm.xlane v31, v9;
	v39 =	vadd.f32 v51, v39;
	v41 =	vadd.f32 v58, v41  }
0xae: {  	v37 =	vadd.f32 v60, v37;
	v55 =	vmul.f32 v52, v59;
	v57 =	vmul.f32 v59, v45;
	v59 =	vld [tilespmem:$0xB00]  }
0xaf: {  	v50 =	vld [tilespmem:$0xB10];
	v48 =	vperm.xlane v31, v8;
	v38 =	vadd.f32 v46, v38;
	v36 =	vadd.f32 v54, v36  }
0xb0: {  	v54 =	vld [tilespmem:$0xB20];
	v40 =	vadd.f32 v55, v40;
	v35 =	vadd.f32 v57, v35;
	v61 =	vmul.f32 v63, v52  }
0xb1: {  	v60 =	vld [tilespmem:$0xB90];
	v62 =	vmul.f32 v63, v45;
	v63 =	vsub.f32 $1.000000000e+00, v48;
	v55 =	vmul.f32 v56, v52  }
0xb2: {  	v45 =	vmul.f32 v56, v45;
	v56 =	vld [tilespmem:$0xB30];
	v52 =	vsub.f32 $1.000000000e+00, v44;
	v42 =	vadd.f32 v61, v42  }
0xb3: {  	v39 =	vadd.f32 v62, v39;
	v57 =	vmul.f32 v63, v59;
	v49 =	vmul.f32 v59, v48  }
0xb4: {  	v38 =	vadd.f32 v55, v38;
	v36 =	vadd.f32 v45, v36;
	v58 =	vmul.f32 v50, v63  }
0xb5: {  	v59 =	vld [tilespmem:$0xB80];
	v61 =	vmul.f32 v50, v48;
	v62 =	vmul.f32 v54, v63;
	v40 =	vadd.f32 v57, v40  }
0xb6: {  	v51 =	vmul.f32 v54, v48;
	v35 =	vadd.f32 v49, v35;
	v41 =	vadd.f32 v58, v41  }
0xb7: {  	v37 =	vadd.f32 v61, v37;
	v58 =	vmul.f32 v60, v52;
	v46 =	vmul.f32 v56, v63;
	v63 =	vld [tilespmem:$0xBA0]  }
0xb8: {  	v42 =	vadd.f32 v62, v42;
	v60 =	vmul.f32 v60, v44;
	v54 =	vmul.f32 v56, v48;
	v56 =	vld [tilespmem:$0xBB0]  }
0xb9: {  	v45 =	vperm.xlane v31, v11;
	v39 =	vadd.f32 v51, v39;
	v41 =	vadd.f32 v58, v41  }
0xba: {  	v37 =	vadd.f32 v60, v37;
	v55 =	vmul.f32 v52, v59;
	v57 =	vmul.f32 v59, v44;
	v59 =	vld [tilespmem:$0xC00]  }
0xbb: {  	v50 =	vld [tilespmem:$0xC10];
	v49 =	vperm.xlane v31, v10;
	v38 =	vadd.f32 v46, v38;
	v36 =	vadd.f32 v54, v36  }
0xbc: {  	v54 =	vld [tilespmem:$0xC20];
	v40 =	vadd.f32 v55, v40;
	v35 =	vadd.f32 v57, v35;
	v61 =	vmul.f32 v63, v52  }
0xbd: {  	v60 =	vld [tilespmem:$0xC90];
	v62 =	vmul.f32 v63, v44;
	v63 =	vsub.f32 $1.000000000e+00, v49;
	v55 =	vmul.f32 v56, v52  }
0xbe: {  	v44 =	vmul.f32 v56, v44;
	v56 =	vld [tilespmem:$0xC30];
	v52 =	vsub.f32 $1.000000000e+00, v45;
	v42 =	vadd.f32 v61, v42  }
0xbf: {  	v39 =	vadd.f32 v62, v39;
	v57 =	vmul.f32 v63, v59;
	v48 =	vmul.f32 v59, v49  }
0xc0: {  	v38 =	vadd.f32 v55, v38;
	v36 =	vadd.f32 v44, v36;
	v58 =	vmul.f32 v50, v63  }
0xc1: {  	v59 =	vld [tilespmem:$0xC80];
	v61 =	vmul.f32 v50, v49;
	v62 =	vmul.f32 v54, v63;
	v40 =	vadd.f32 v57, v40  }
0xc2: {  	v51 =	vmul.f32 v54, v49;
	v35 =	vadd.f32 v48, v35;
	v41 =	vadd.f32 v58, v41  }
0xc3: {  	v37 =	vadd.f32 v61, v37;
	v58 =	vmul.f32 v60, v52;
	v46 =	vmul.f32 v56, v63;
	v63 =	vld [tilespmem:$0xCA0]  }
0xc4: {  	v42 =	vadd.f32 v62, v42;
	v60 =	vmul.f32 v60, v45;
	v54 =	vmul.f32 v56, v49;
	v56 =	vld [tilespmem:$0xCB0]  }
0xc5: {  	v44 =	vperm.xlane v31, v13;
	v39 =	vadd.f32 v51, v39;
	v41 =	vadd.f32 v58, v41  }
0xc6: {  	v37 =	vadd.f32 v60, v37;
	v55 =	vmul.f32 v52, v59;
	v57 =	vmul.f32 v59, v45;
	v59 =	vld [tilespmem:$0xD00]  }
0xc7: {  	v50 =	vld [tilespmem:$0xD10];
	v48 =	vperm.xlane v31, v12;
	v38 =	vadd.f32 v46, v38;
	v36 =	vadd.f32 v54, v36  }
0xc8: {  	v54 =	vld [tilespmem:$0xD20];
	v40 =	vadd.f32 v55, v40;
	v35 =	vadd.f32 v57, v35;
	v61 =	vmul.f32 v63, v52  }
0xc9: {  	v60 =	vld [tilespmem:$0xD90];
	v62 =	vmul.f32 v63, v45;
	v63 =	vsub.f32 $1.000000000e+00, v48;
	v55 =	vmul.f32 v56, v52  }
0xca: {  	v45 =	vmul.f32 v56, v45;
	v56 =	vld [tilespmem:$0xD30];
	v52 =	vsub.f32 $1.000000000e+00, v44;
	v42 =	vadd.f32 v61, v42  }
0xcb: {  	v39 =	vadd.f32 v62, v39;
	v57 =	vmul.f32 v63, v59;
	v49 =	vmul.f32 v59, v48  }
0xcc: {  	v38 =	vadd.f32 v55, v38;
	v36 =	vadd.f32 v45, v36;
	v58 =	vmul.f32 v50, v63  }
0xcd: {  	v59 =	vld [tilespmem:$0xD80];
	v61 =	vmul.f32 v50, v48;
	v62 =	vmul.f32 v54, v63;
	v40 =	vadd.f32 v57, v40  }
0xce: {  	v51 =	vmul.f32 v54, v48;
	v35 =	vadd.f32 v49, v35;
	v41 =	vadd.f32 v58, v41  }
0xcf: {  	v37 =	vadd.f32 v61, v37;
	v58 =	vmul.f32 v60, v52;
	v46 =	vmul.f32 v56, v63;
	v63 =	vld [tilespmem:$0xDA0]  }
0xd0: {  	v42 =	vadd.f32 v62, v42;
	v60 =	vmul.f32 v60, v44;
	v54 =	vmul.f32 v56, v48;
	v56 =	vld [tilespmem:$0xDB0]  }
0xd1: {  	v45 =	vperm.xlane v31, v15;
	v39 =	vadd.f32 v51, v39;
	v41 =	vadd.f32 v58, v41  }
0xd2: {  	v37 =	vadd.f32 v60, v37;
	v55 =	vmul.f32 v52, v59;
	v57 =	vmul.f32 v59, v44;
	v59 =	vld [tilespmem:$0xE00]  }
0xd3: {  	v50 =	vld [tilespmem:$0xE10];
	v49 =	vperm.xlane v31, v14;
	v38 =	vadd.f32 v46, v38;
	v36 =	vadd.f32 v54, v36  }
0xd4: {  	v54 =	vld [tilespmem:$0xE20];
	v40 =	vadd.f32 v55, v40;
	v35 =	vadd.f32 v57, v35;
	v61 =	vmul.f32 v63, v52  }
0xd5: {  	v60 =	vld [tilespmem:$0xE90];
	v62 =	vmul.f32 v63, v44;
	v63 =	vsub.f32 $1.000000000e+00, v49;
	v55 =	vmul.f32 v56, v52  }
0xd6: {  	v44 =	vmul.f32 v56, v44;
	v56 =	vld [tilespmem:$0xE30];
	v52 =	vsub.f32 $1.000000000e+00, v45;
	v42 =	vadd.f32 v61, v42  }
0xd7: {  	v39 =	vadd.f32 v62, v39;
	v57 =	vmul.f32 v63, v59;
	v48 =	vmul.f32 v59, v49  }
0xd8: {  	v38 =	vadd.f32 v55, v38;
	v36 =	vadd.f32 v44, v36;
	v58 =	vmul.f32 v50, v63  }
0xd9: {  	v59 =	vld [tilespmem:$0xE80];
	v61 =	vmul.f32 v50, v49;
	v62 =	vmul.f32 v54, v63;
	v40 =	vadd.f32 v57, v40  }
0xda: {  	v51 =	vmul.f32 v54, v49;
	v35 =	vadd.f32 v48, v35;
	v41 =	vadd.f32 v58, v41  }
0xdb: {  	v37 =	vadd.f32 v61, v37;
	v58 =	vmul.f32 v60, v52;
	v46 =	vmul.f32 v56, v63;
	v63 =	vld [tilespmem:$0xEA0]  }
0xdc: {  	v42 =	vadd.f32 v62, v42;
	v60 =	vmul.f32 v60, v45;
	v54 =	vmul.f32 v56, v49;
	v56 =	vld [tilespmem:$0xEB0]  }
0xdd: {  	v44 =	vperm.xlane v31, v17;
	v39 =	vadd.f32 v51, v39;
	v41 =	vadd.f32 v58, v41  }
0xde: {  	v37 =	vadd.f32 v60, v37;
	v55 =	vmul.f32 v52, v59;
	v57 =	vmul.f32 v59, v45;
	v59 =	vld [tilespmem:$0xF00]  }
0xdf: {  	v50 =	vld [tilespmem:$0xF10];
	v48 =	vperm.xlane v31, v16;
	v38 =	vadd.f32 v46, v38;
	v36 =	vadd.f32 v54, v36  }
0xe0: {  	v54 =	vld [tilespmem:$0xF20];
	v40 =	vadd.f32 v55, v40;
	v35 =	vadd.f32 v57, v35;
	v61 =	vmul.f32 v63, v52  }
0xe1: {  	v60 =	vld [tilespmem:$0xF90];
	v62 =	vmul.f32 v63, v45;
	v63 =	vsub.f32 $1.000000000e+00, v48;
	v55 =	vmul.f32 v56, v52  }
0xe2: {  	v45 =	vmul.f32 v56, v45;
	v56 =	vld [tilespmem:$0xF30];
	v52 =	vsub.f32 $1.000000000e+00, v44;
	v42 =	vadd.f32 v61, v42  }
0xe3: {  	v39 =	vadd.f32 v62, v39;
	v57 =	vmul.f32 v63, v59;
	v49 =	vmul.f32 v59, v48  }
0xe4: {  	v38 =	vadd.f32 v55, v38;
	v36 =	vadd.f32 v45, v36;
	v58 =	vmul.f32 v50, v63  }
0xe5: {  	v59 =	vld [tilespmem:$0xF80];
	v61 =	vmul.f32 v50, v48;
	v62 =	vmul.f32 v54, v63;
	v40 =	vadd.f32 v57, v40  }
0xe6: {  	v51 =	vmul.f32 v54, v48;
	v35 =	vadd.f32 v49, v35;
	v41 =	vadd.f32 v58, v41  }
0xe7: {  	v37 =	vadd.f32 v61, v37;
	v58 =	vmul.f32 v60, v52;
	v46 =	vmul.f32 v56, v63;
	v63 =	vld [tilespmem:$0xFA0]  }
0xe8: {  	v42 =	vadd.f32 v62, v42;
	v60 =	vmul.f32 v60, v44;
	v54 =	vmul.f32 v56, v48;
	v56 =	vld [tilespmem:$0xFB0]  }
0xe9: {  	v45 =	vperm.xlane v32, v3;
	v39 =	vadd.f32 v51, v39;
	v41 =	vadd.f32 v58, v41  }
0xea: {  	v37 =	vadd.f32 v60, v37;
	v55 =	vmul.f32 v52, v59;
	v57 =	vmul.f32 v59, v44;
	v59 =	vld [tilespmem:$0x1000]  }
0xeb: {  	v50 =	vld [tilespmem:$0x1010];
	v49 =	vperm.xlane v32, v1;
	v38 =	vadd.f32 v46, v38;
	v36 =	vadd.f32 v54, v36  }
0xec: {  	v54 =	vld [tilespmem:$0x1020];
	v40 =	vadd.f32 v55, v40;
	v35 =	vadd.f32 v57, v35;
	v61 =	vmul.f32 v63, v52  }
0xed: {  	v60 =	vld [tilespmem:$0x1090];
	v62 =	vmul.f32 v63, v44;
	v63 =	vsub.f32 $1.000000000e+00, v49;
	v55 =	vmul.f32 v56, v52  }
0xee: {  	v44 =	vmul.f32 v56, v44;
	v56 =	vld [tilespmem:$0x1030];
	v52 =	vsub.f32 $1.000000000e+00, v45;
	v42 =	vadd.f32 v61, v42  }
0xef: {  	v39 =	vadd.f32 v62, v39;
	v57 =	vmul.f32 v63, v59;
	v48 =	vmul.f32 v59, v49  }
0xf0: {  	v38 =	vadd.f32 v55, v38;
	v36 =	vadd.f32 v44, v36;
	v58 =	vmul.f32 v50, v63  }
0xf1: {  	v59 =	vld [tilespmem:$0x1080];
	v61 =	vmul.f32 v50, v49;
	v62 =	vmul.f32 v54, v63;
	v40 =	vadd.f32 v57, v40  }
0xf2: {  	v51 =	vmul.f32 v54, v49;
	v35 =	vadd.f32 v48, v35;
	v41 =	vadd.f32 v58, v41  }
0xf3: {  	v37 =	vadd.f32 v61, v37;
	v58 =	vmul.f32 v60, v52;
	v46 =	vmul.f32 v56, v63;
	v63 =	vld [tilespmem:$0x10A0]  }
0xf4: {  	v42 =	vadd.f32 v62, v42;
	v60 =	vmul.f32 v60, v45;
	v54 =	vmul.f32 v56, v49;
	v56 =	vld [tilespmem:$0x10B0]  }
0xf5: {  	v44 =	vperm.xlane v32, v5;
	v39 =	vadd.f32 v51, v39;
	v41 =	vadd.f32 v58, v41  }
0xf6: {  	v37 =	vadd.f32 v60, v37;
	v55 =	vmul.f32 v52, v59;
	v57 =	vmul.f32 v59, v45;
	v59 =	vld [tilespmem:$0x1100]  }
0xf7: {  	v50 =	vld [tilespmem:$0x1110];
	v48 =	vperm.xlane v32, v4;
	v38 =	vadd.f32 v46, v38;
	v36 =	vadd.f32 v54, v36  }
0xf8: {  	v54 =	vld [tilespmem:$0x1120];
	v40 =	vadd.f32 v55, v40;
	v35 =	vadd.f32 v57, v35;
	v61 =	vmul.f32 v63, v52  }
0xf9: {  	v60 =	vld [tilespmem:$0x1190];
	v62 =	vmul.f32 v63, v45;
	v63 =	vsub.f32 $1.000000000e+00, v48;
	v55 =	vmul.f32 v56, v52  }
0xfa: {  	v45 =	vmul.f32 v56, v45;
	v56 =	vld [tilespmem:$0x1130];
	v52 =	vsub.f32 $1.000000000e+00, v44;
	v42 =	vadd.f32 v61, v42  }
0xfb: {  	v39 =	vadd.f32 v62, v39;
	v57 =	vmul.f32 v63, v59;
	v49 =	vmul.f32 v59, v48  }
0xfc: {  	v38 =	vadd.f32 v55, v38;
	v36 =	vadd.f32 v45, v36;
	v58 =	vmul.f32 v50, v63  }
0xfd: {  	v59 =	vld [tilespmem:$0x1180];
	v61 =	vmul.f32 v50, v48;
	v62 =	vmul.f32 v54, v63;
	v40 =	vadd.f32 v57, v40  }
0xfe: {  	v51 =	vmul.f32 v54, v48;
	v35 =	vadd.f32 v49, v35;
	v41 =	vadd.f32 v58, v41  }
0xff: {  	v37 =	vadd.f32 v61, v37;
	v58 =	vmul.f32 v60, v52;
	v46 =	vmul.f32 v56, v63;
	v63 =	vld [tilespmem:$0x11A0]  }
0x100: {  	v42 =	vadd.f32 v62, v42;
	v60 =	vmul.f32 v60, v44;
	v54 =	vmul.f32 v56, v48;
	v56 =	vld [tilespmem:$0x11B0]  }
0x101: {  	v45 =	vperm.xlane v32, v7;
	v39 =	vadd.f32 v51, v39;
	v41 =	vadd.f32 v58, v41  }
0x102: {  	v37 =	vadd.f32 v60, v37;
	v55 =	vmul.f32 v52, v59;
	v57 =	vmul.f32 v59, v44;
	v59 =	vld [tilespmem:$0x1200]  }
0x103: {  	v50 =	vld [tilespmem:$0x1210];
	v49 =	vperm.xlane v32, v6;
	v38 =	vadd.f32 v46, v38;
	v36 =	vadd.f32 v54, v36  }
0x104: {  	v54 =	vld [tilespmem:$0x1220];
	v40 =	vadd.f32 v55, v40;
	v35 =	vadd.f32 v57, v35;
	v61 =	vmul.f32 v63, v52  }
0x105: {  	v60 =	vld [tilespmem:$0x1290];
	v62 =	vmul.f32 v63, v44;
	v63 =	vsub.f32 $1.000000000e+00, v49;
	v55 =	vmul.f32 v56, v52  }
0x106: {  	v44 =	vmul.f32 v56, v44;
	v56 =	vld [tilespmem:$0x1230];
	v52 =	vsub.f32 $1.000000000e+00, v45;
	v42 =	vadd.f32 v61, v42  }
0x107: {  	v39 =	vadd.f32 v62, v39;
	v57 =	vmul.f32 v63, v59;
	v48 =	vmul.f32 v59, v49  }
0x108: {  	v38 =	vadd.f32 v55, v38;
	v36 =	vadd.f32 v44, v36;
	v58 =	vmul.f32 v50, v63  }
0x109: {  	v59 =	vld [tilespmem:$0x1280];
	v61 =	vmul.f32 v50, v49;
	v62 =	vmul.f32 v54, v63;
	v40 =	vadd.f32 v57, v40  }
0x10a: {  	v51 =	vmul.f32 v54, v49;
	v35 =	vadd.f32 v48, v35;
	v41 =	vadd.f32 v58, v41  }
0x10b: {  	v37 =	vadd.f32 v61, v37;
	v58 =	vmul.f32 v60, v52;
	v46 =	vmul.f32 v56, v63;
	v63 =	vld [tilespmem:$0x12A0]  }
0x10c: {  	v42 =	vadd.f32 v62, v42;
	v60 =	vmul.f32 v60, v45;
	v54 =	vmul.f32 v56, v49;
	v56 =	vld [tilespmem:$0x12B0]  }
0x10d: {  	v44 =	vperm.xlane v32, v9;
	v39 =	vadd.f32 v51, v39;
	v41 =	vadd.f32 v58, v41  }
0x10e: {  	v37 =	vadd.f32 v60, v37;
	v55 =	vmul.f32 v52, v59;
	v57 =	vmul.f32 v59, v45;
	v59 =	vld [tilespmem:$0x1300]  }
0x10f: {  	v50 =	vld [tilespmem:$0x1310];
	v48 =	vperm.xlane v32, v8;
	v38 =	vadd.f32 v46, v38;
	v36 =	vadd.f32 v54, v36  }
0x110: {  	v54 =	vld [tilespmem:$0x1320];
	v40 =	vadd.f32 v55, v40;
	v35 =	vadd.f32 v57, v35;
	v61 =	vmul.f32 v63, v52  }
0x111: {  	v60 =	vld [tilespmem:$0x1390];
	v62 =	vmul.f32 v63, v45;
	v63 =	vsub.f32 $1.000000000e+00, v48;
	v55 =	vmul.f32 v56, v52  }
0x112: {  	v45 =	vmul.f32 v56, v45;
	v56 =	vld [tilespmem:$0x1330];
	v52 =	vsub.f32 $1.000000000e+00, v44;
	v42 =	vadd.f32 v61, v42  }
0x113: {  	v39 =	vadd.f32 v62, v39;
	v57 =	vmul.f32 v63, v59;
	v49 =	vmul.f32 v59, v48  }
0x114: {  	v38 =	vadd.f32 v55, v38;
	v36 =	vadd.f32 v45, v36;
	v58 =	vmul.f32 v50, v63  }
0x115: {  	v59 =	vld [tilespmem:$0x1380];
	v61 =	vmul.f32 v50, v48;
	v62 =	vmul.f32 v54, v63;
	v40 =	vadd.f32 v57, v40  }
0x116: {  	v51 =	vmul.f32 v54, v48;
	v35 =	vadd.f32 v49, v35;
	v41 =	vadd.f32 v58, v41  }
0x117: {  	v37 =	vadd.f32 v61, v37;
	v58 =	vmul.f32 v60, v52;
	v46 =	vmul.f32 v56, v63;
	v63 =	vld [tilespmem:$0x13A0]  }
0x118: {  	v42 =	vadd.f32 v62, v42;
	v60 =	vmul.f32 v60, v44;
	v54 =	vmul.f32 v56, v48;
	v56 =	vld [tilespmem:$0x13B0]  }
0x119: {  	v45 =	vperm.xlane v32, v11;
	v39 =	vadd.f32 v51, v39;
	v41 =	vadd.f32 v58, v41  }
0x11a: {  	v37 =	vadd.f32 v60, v37;
	v55 =	vmul.f32 v52, v59;
	v57 =	vmul.f32 v59, v44;
	v59 =	vld [tilespmem:$0x1400]  }
0x11b: {  	v50 =	vld [tilespmem:$0x1410];
	v49 =	vperm.xlane v32, v10;
	v38 =	vadd.f32 v46, v38;
	v36 =	vadd.f32 v54, v36  }
0x11c: {  	v54 =	vld [tilespmem:$0x1420];
	v40 =	vadd.f32 v55, v40;
	v35 =	vadd.f32 v57, v35;
	v61 =	vmul.f32 v63, v52  }
0x11d: {  	v60 =	vld [tilespmem:$0x1490];
	v62 =	vmul.f32 v63, v44;
	v63 =	vsub.f32 $1.000000000e+00, v49;
	v55 =	vmul.f32 v56, v52  }
0x11e: {  	v44 =	vmul.f32 v56, v44;
	v56 =	vld [tilespmem:$0x1430];
	v52 =	vsub.f32 $1.000000000e+00, v45;
	v42 =	vadd.f32 v61, v42  }
0x11f: {  	v39 =	vadd.f32 v62, v39;
	v57 =	vmul.f32 v63, v59;
	v48 =	vmul.f32 v59, v49  }
0x120: {  	v38 =	vadd.f32 v55, v38;
	v36 =	vadd.f32 v44, v36;
	v58 =	vmul.f32 v50, v63  }
0x121: {  	v59 =	vld [tilespmem:$0x1480];
	v61 =	vmul.f32 v50, v49;
	v62 =	vmul.f32 v54, v63;
	v40 =	vadd.f32 v57, v40  }
0x122: {  	v51 =	vmul.f32 v54, v49;
	v35 =	vadd.f32 v48, v35;
	v41 =	vadd.f32 v58, v41  }
0x123: {  	v37 =	vadd.f32 v61, v37;
	v58 =	vmul.f32 v60, v52;
	v46 =	vmul.f32 v56, v63;
	v63 =	vld [tilespmem:$0x14A0]  }
0x124: {  	v42 =	vadd.f32 v62, v42;
	v60 =	vmul.f32 v60, v45;
	v54 =	vmul.f32 v56, v49;
	v56 =	vld [tilespmem:$0x14B0]  }
0x125: {  	v44 =	vperm.xlane v32, v13;
	v39 =	vadd.f32 v51, v39;
	v41 =	vadd.f32 v58, v41  }
0x126: {  	v37 =	vadd.f32 v60, v37;
	v55 =	vmul.f32 v52, v59;
	v57 =	vmul.f32 v59, v45;
	v59 =	vld [tilespmem:$0x1500]  }
0x127: {  	v50 =	vld [tilespmem:$0x1510];
	v48 =	vperm.xlane v32, v12;
	v38 =	vadd.f32 v46, v38;
	v36 =	vadd.f32 v54, v36  }
0x128: {  	v54 =	vld [tilespmem:$0x1520];
	v40 =	vadd.f32 v55, v40;
	v35 =	vadd.f32 v57, v35;
	v61 =	vmul.f32 v63, v52  }
0x129: {  	v60 =	vld [tilespmem:$0x1590];
	v62 =	vmul.f32 v63, v45;
	v63 =	vsub.f32 $1.000000000e+00, v48;
	v55 =	vmul.f32 v56, v52  }
0x12a: {  	v45 =	vmul.f32 v56, v45;
	v56 =	vld [tilespmem:$0x1530];
	v52 =	vsub.f32 $1.000000000e+00, v44;
	v42 =	vadd.f32 v61, v42  }
0x12b: {  	v39 =	vadd.f32 v62, v39;
	v57 =	vmul.f32 v63, v59;
	v49 =	vmul.f32 v59, v48  }
0x12c: {  	v38 =	vadd.f32 v55, v38;
	v36 =	vadd.f32 v45, v36;
	v58 =	vmul.f32 v50, v63  }
0x12d: {  	v59 =	vld [tilespmem:$0x1580];
	v61 =	vmul.f32 v50, v48;
	v62 =	vmul.f32 v54, v63;
	v40 =	vadd.f32 v57, v40  }
0x12e: {  	v51 =	vmul.f32 v54, v48;
	v35 =	vadd.f32 v49, v35;
	v41 =	vadd.f32 v58, v41  }
0x12f: {  	v37 =	vadd.f32 v61, v37;
	v58 =	vmul.f32 v60, v52;
	v46 =	vmul.f32 v56, v63;
	v63 =	vld [tilespmem:$0x15A0]  }
0x130: {  	v42 =	vadd.f32 v62, v42;
	v60 =	vmul.f32 v60, v44;
	v54 =	vmul.f32 v56, v48;
	v56 =	vld [tilespmem:$0x15B0]  }
0x131: {  	v45 =	vperm.xlane v32, v15;
	v39 =	vadd.f32 v51, v39;
	v41 =	vadd.f32 v58, v41  }
0x132: {  	v37 =	vadd.f32 v60, v37;
	v55 =	vmul.f32 v52, v59;
	v57 =	vmul.f32 v59, v44;
	v59 =	vld [tilespmem:$0x1600]  }
0x133: {  	v50 =	vld [tilespmem:$0x1610];
	v49 =	vperm.xlane v32, v14;
	v38 =	vadd.f32 v46, v38;
	v36 =	vadd.f32 v54, v36  }
0x134: {  	v54 =	vld [tilespmem:$0x1620];
	v40 =	vadd.f32 v55, v40;
	v35 =	vadd.f32 v57, v35;
	v61 =	vmul.f32 v63, v52  }
0x135: {  	v60 =	vld [tilespmem:$0x1690];
	v62 =	vmul.f32 v63, v44;
	v63 =	vsub.f32 $1.000000000e+00, v49;
	v55 =	vmul.f32 v56, v52  }
0x136: {  	v44 =	vmul.f32 v56, v44;
	v56 =	vld [tilespmem:$0x1630];
	v52 =	vsub.f32 $1.000000000e+00, v45;
	v42 =	vadd.f32 v61, v42  }
0x137: {  	v39 =	vadd.f32 v62, v39;
	v57 =	vmul.f32 v63, v59;
	v48 =	vmul.f32 v59, v49  }
0x138: {  	v38 =	vadd.f32 v55, v38;
	v36 =	vadd.f32 v44, v36;
	v58 =	vmul.f32 v50, v63  }
0x139: {  	v59 =	vld [tilespmem:$0x1680];
	v61 =	vmul.f32 v50, v49;
	v62 =	vmul.f32 v54, v63;
	v40 =	vadd.f32 v57, v40  }
0x13a: {  	v51 =	vmul.f32 v54, v49;
	v35 =	vadd.f32 v48, v35;
	v41 =	vadd.f32 v58, v41  }
0x13b: {  	v37 =	vadd.f32 v61, v37;
	v58 =	vmul.f32 v60, v52;
	v46 =	vmul.f32 v56, v63;
	v63 =	vld [tilespmem:$0x16A0]  }
0x13c: {  	v42 =	vadd.f32 v62, v42;
	v60 =	vmul.f32 v60, v45;
	v54 =	vmul.f32 v56, v49;
	v56 =	vld [tilespmem:$0x16B0]  }
0x13d: {  	v44 =	vperm.xlane v32, v17;
	v39 =	vadd.f32 v51, v39;
	v41 =	vadd.f32 v58, v41  }
0x13e: {  	v37 =	vadd.f32 v60, v37;
	v55 =	vmul.f32 v52, v59;
	v57 =	vmul.f32 v59, v45;
	v59 =	vld [tilespmem:$0x1700]  }
0x13f: {  	v50 =	vld [tilespmem:$0x1710];
	v48 =	vperm.xlane v32, v16;
	v38 =	vadd.f32 v46, v38;
	v36 =	vadd.f32 v54, v36  }
0x140: {  	v54 =	vld [tilespmem:$0x1720];
	v40 =	vadd.f32 v55, v40;
	v35 =	vadd.f32 v57, v35;
	v61 =	vmul.f32 v63, v52  }
0x141: {  	v60 =	vld [tilespmem:$0x1790];
	v62 =	vmul.f32 v63, v45;
	v63 =	vsub.f32 $1.000000000e+00, v48;
	v55 =	vmul.f32 v56, v52  }
0x142: {  	v45 =	vmul.f32 v56, v45;
	v56 =	vld [tilespmem:$0x1730];
	v52 =	vsub.f32 $1.000000000e+00, v44;
	v42 =	vadd.f32 v61, v42  }
0x143: {  	v39 =	vadd.f32 v62, v39;
	v57 =	vmul.f32 v63, v59;
	v49 =	vmul.f32 v59, v48  }
0x144: {  	v38 =	vadd.f32 v55, v38;
	v36 =	vadd.f32 v45, v36;
	v58 =	vmul.f32 v50, v63  }
0x145: {  	v59 =	vld [tilespmem:$0x1780];
	v61 =	vmul.f32 v50, v48;
	v62 =	vmul.f32 v54, v63;
	v40 =	vadd.f32 v57, v40  }
0x146: {  	v51 =	vmul.f32 v54, v48;
	v35 =	vadd.f32 v49, v35;
	v41 =	vadd.f32 v58, v41  }
0x147: {  	v37 =	vadd.f32 v61, v37;
	v58 =	vmul.f32 v60, v52;
	v46 =	vmul.f32 v56, v63;
	v63 =	vld [tilespmem:$0x17A0]  }
0x148: {  	v42 =	vadd.f32 v62, v42;
	v60 =	vmul.f32 v60, v44;
	v54 =	vmul.f32 v56, v48;
	v56 =	vld [tilespmem:$0x17B0]  }
0x149: {  	v45 =	vperm.xlane v34, v3;
	v39 =	vadd.f32 v51, v39;
	v41 =	vadd.f32 v58, v41  }
0x14a: {  	v37 =	vadd.f32 v60, v37;
	v55 =	vmul.f32 v52, v59;
	v57 =	vmul.f32 v59, v44;
	v59 =	vld [tilespmem:$0x1800]  }
0x14b: {  	v50 =	vld [tilespmem:$0x1810];
	v49 =	vperm.xlane v34, v1;
	v38 =	vadd.f32 v46, v38;
	v36 =	vadd.f32 v54, v36  }
0x14c: {  	v54 =	vld [tilespmem:$0x1820];
	v40 =	vadd.f32 v55, v40;
	v35 =	vadd.f32 v57, v35;
	v61 =	vmul.f32 v63, v52  }
0x14d: {  	v60 =	vld [tilespmem:$0x1890];
	v62 =	vmul.f32 v63, v44;
	v63 =	vsub.f32 $1.000000000e+00, v49;
	v55 =	vmul.f32 v56, v52  }
0x14e: {  	v44 =	vmul.f32 v56, v44;
	v56 =	vld [tilespmem:$0x1830];
	v52 =	vsub.f32 $1.000000000e+00, v45;
	v42 =	vadd.f32 v61, v42  }
0x14f: {  	v39 =	vadd.f32 v62, v39;
	v57 =	vmul.f32 v63, v59;
	v48 =	vmul.f32 v59, v49  }
0x150: {  	v38 =	vadd.f32 v55, v38;
	v36 =	vadd.f32 v44, v36;
	v58 =	vmul.f32 v50, v63  }
0x151: {  	v59 =	vld [tilespmem:$0x1880];
	v61 =	vmul.f32 v50, v49;
	v62 =	vmul.f32 v54, v63;
	v40 =	vadd.f32 v57, v40  }
0x152: {  	v51 =	vmul.f32 v54, v49;
	v35 =	vadd.f32 v48, v35;
	v41 =	vadd.f32 v58, v41  }
0x153: {  	v37 =	vadd.f32 v61, v37;
	v58 =	vmul.f32 v60, v52;
	v46 =	vmul.f32 v56, v63;
	v63 =	vld [tilespmem:$0x18A0]  }
0x154: {  	v42 =	vadd.f32 v62, v42;
	v60 =	vmul.f32 v60, v45;
	v54 =	vmul.f32 v56, v49;
	v56 =	vld [tilespmem:$0x18B0]  }
0x155: {  	v44 =	vperm.xlane v34, v5;
	v39 =	vadd.f32 v51, v39;
	v41 =	vadd.f32 v58, v41  }
0x156: {  	v37 =	vadd.f32 v60, v37;
	v55 =	vmul.f32 v52, v59;
	v57 =	vmul.f32 v59, v45;
	v59 =	vld [tilespmem:$0x1900]  }
0x157: {  	v50 =	vld [tilespmem:$0x1910];
	v48 =	vperm.xlane v34, v4;
	v38 =	vadd.f32 v46, v38;
	v36 =	vadd.f32 v54, v36  }
0x158: {  	v54 =	vld [tilespmem:$0x1920];
	v40 =	vadd.f32 v55, v40;
	v35 =	vadd.f32 v57, v35;
	v61 =	vmul.f32 v63, v52  }
0x159: {  	v60 =	vld [tilespmem:$0x1990];
	v62 =	vmul.f32 v63, v45;
	v63 =	vsub.f32 $1.000000000e+00, v48;
	v55 =	vmul.f32 v56, v52  }
0x15a: {  	v45 =	vmul.f32 v56, v45;
	v56 =	vld [tilespmem:$0x1930];
	v52 =	vsub.f32 $1.000000000e+00, v44;
	v42 =	vadd.f32 v61, v42  }
0x15b: {  	v39 =	vadd.f32 v62, v39;
	v57 =	vmul.f32 v63, v59;
	v49 =	vmul.f32 v59, v48  }
0x15c: {  	v38 =	vadd.f32 v55, v38;
	v36 =	vadd.f32 v45, v36;
	v58 =	vmul.f32 v50, v63  }
0x15d: {  	v59 =	vld [tilespmem:$0x1980];
	v61 =	vmul.f32 v50, v48;
	v62 =	vmul.f32 v54, v63;
	v40 =	vadd.f32 v57, v40  }
0x15e: {  	v51 =	vmul.f32 v54, v48;
	v35 =	vadd.f32 v49, v35;
	v41 =	vadd.f32 v58, v41  }
0x15f: {  	v37 =	vadd.f32 v61, v37;
	v58 =	vmul.f32 v60, v52;
	v46 =	vmul.f32 v56, v63;
	v63 =	vld [tilespmem:$0x19A0]  }
0x160: {  	v42 =	vadd.f32 v62, v42;
	v60 =	vmul.f32 v60, v44;
	v54 =	vmul.f32 v56, v48;
	v56 =	vld [tilespmem:$0x19B0]  }
0x161: {  	v45 =	vperm.xlane v34, v7;
	v39 =	vadd.f32 v51, v39;
	v41 =	vadd.f32 v58, v41  }
0x162: {  	v37 =	vadd.f32 v60, v37;
	v55 =	vmul.f32 v52, v59;
	v57 =	vmul.f32 v59, v44;
	v59 =	vld [tilespmem:$0x1A00]  }
0x163: {  	v50 =	vld [tilespmem:$0x1A10];
	v49 =	vperm.xlane v34, v6;
	v38 =	vadd.f32 v46, v38;
	v36 =	vadd.f32 v54, v36  }
0x164: {  	v54 =	vld [tilespmem:$0x1A20];
	v40 =	vadd.f32 v55, v40;
	v35 =	vadd.f32 v57, v35;
	v61 =	vmul.f32 v63, v52  }
0x165: {  	v60 =	vld [tilespmem:$0x1A90];
	v62 =	vmul.f32 v63, v44;
	v63 =	vsub.f32 $1.000000000e+00, v49;
	v55 =	vmul.f32 v56, v52  }
0x166: {  	v44 =	vmul.f32 v56, v44;
	v56 =	vld [tilespmem:$0x1A30];
	v52 =	vsub.f32 $1.000000000e+00, v45;
	v42 =	vadd.f32 v61, v42  }
0x167: {  	v39 =	vadd.f32 v62, v39;
	v57 =	vmul.f32 v63, v59;
	v48 =	vmul.f32 v59, v49  }
0x168: {  	v38 =	vadd.f32 v55, v38;
	v36 =	vadd.f32 v44, v36;
	v58 =	vmul.f32 v50, v63  }
0x169: {  	v59 =	vld [tilespmem:$0x1A80];
	v61 =	vmul.f32 v50, v49;
	v62 =	vmul.f32 v54, v63;
	v40 =	vadd.f32 v57, v40  }
0x16a: {  	v51 =	vmul.f32 v54, v49;
	v35 =	vadd.f32 v48, v35;
	v41 =	vadd.f32 v58, v41  }
0x16b: {  	v37 =	vadd.f32 v61, v37;
	v58 =	vmul.f32 v60, v52;
	v46 =	vmul.f32 v56, v63;
	v63 =	vld [tilespmem:$0x1AA0]  }
0x16c: {  	v42 =	vadd.f32 v62, v42;
	v60 =	vmul.f32 v60, v45;
	v54 =	vmul.f32 v56, v49;
	v56 =	vld [tilespmem:$0x1AB0]  }
0x16d: {  	v44 =	vperm.xlane v34, v9;
	v39 =	vadd.f32 v51, v39;
	v41 =	vadd.f32 v58, v41  }
0x16e: {  	v37 =	vadd.f32 v60, v37;
	v55 =	vmul.f32 v52, v59;
	v57 =	vmul.f32 v59, v45;
	v59 =	vld [tilespmem:$0x1B00]  }
0x16f: {  	v50 =	vld [tilespmem:$0x1B10];
	v48 =	vperm.xlane v34, v8;
	v38 =	vadd.f32 v46, v38;
	v36 =	vadd.f32 v54, v36  }
0x170: {  	v54 =	vld [tilespmem:$0x1B20];
	v40 =	vadd.f32 v55, v40;
	v35 =	vadd.f32 v57, v35;
	v61 =	vmul.f32 v63, v52  }
0x171: {  	v62 =	vmul.f32 v63, v45;
	v63 =	vsub.f32 $1.000000000e+00, v48;
	v55 =	vmul.f32 v56, v52  }
0x172: {  	v60 =	vld [tilespmem:$0x1B90];
	v45 =	vmul.f32 v56, v45;
	v52 =	vsub.f32 $1.000000000e+00, v44;
	v42 =	vadd.f32 v61, v42  }
0x173: {  	v56 =	vld [tilespmem:$0x1B30];
	v39 =	vadd.f32 v62, v39;
	v57 =	vmul.f32 v63, v59;
	v49 =	vmul.f32 v59, v48  }
0x174: {  	v38 =	vadd.f32 v55, v38;
	v36 =	vadd.f32 v45, v36;
	v58 =	vmul.f32 v50, v63  }
0x175: {  	v59 =	vld [tilespmem:$0x1B80];
	v61 =	vmul.f32 v50, v48;
	v62 =	vmul.f32 v54, v63;
	v40 =	vadd.f32 v57, v40  }
0x176: {  	v51 =	vmul.f32 v54, v48;
	v35 =	vadd.f32 v49, v35;
	v41 =	vadd.f32 v58, v41  }
0x177: {  	v47 =	vld [tilespmem:$0x1BB0];
	v37 =	vadd.f32 v61, v37;
	v42 =	vadd.f32 v62, v42;
	v58 =	vmul.f32 v60, v52  }
0x178: {  	v39 =	vadd.f32 v51, v39;
	v60 =	vmul.f32 v60, v44;
	v46 =	vmul.f32 v56, v63;
	v63 =	vld [tilespmem:$0x1BA0]  }
0x179: {  	v49 =	vperm.xlane v34, v10;
	v55 =	vmul.f32 v56, v48;
	v41 =	vadd.f32 v58, v41  }
0x17a: {  	v37 =	vadd.f32 v60, v37;
	v56 =	vmul.f32 v52, v59;
	v57 =	vmul.f32 v59, v44;
	v59 =	vld [tilespmem:$0x1C00]  }
0x17b: {  	v45 =	vperm.xlane v34, v11;
	v61 =	vld [tilespmem:$0x1C10];
	v54 =	vsub.f32 $1.000000000e+00, v49;
	v38 =	vadd.f32 v46, v38  }
0x17c: {  	v36 =	vadd.f32 v55, v36;
	v55 =	vld [tilespmem:$0x1C20];
	v40 =	vadd.f32 v56, v40;
	v56 =	vmul.f32 v47, v52  }
0x17d: {  	v60 =	vld [tilespmem:$0x1C80];
	v35 =	vadd.f32 v57, v35;
	v62 =	vmul.f32 v63, v52;
	v63 =	vmul.f32 v63, v44  }
0x17e: {  	v57 =	vld [tilespmem:$0x1C30];
	v44 =	vmul.f32 v47, v44;
	v52 =	vsub.f32 $1.000000000e+00, v45;
	v38 =	vadd.f32 v56, v38  }
0x17f: {  	v42 =	vadd.f32 v62, v42;
	v58 =	vmul.f32 v54, v59;
	v48 =	vmul.f32 v59, v49  }
0x180: {  	v39 =	vadd.f32 v63, v39;
	v59 =	vmul.f32 v61, v54;
	v61 =	vmul.f32 v61, v49  }
0x181: {  	v36 =	vadd.f32 v44, v36;
	v62 =	vmul.f32 v55, v54;
	v51 =	vmul.f32 v55, v49;
	v63 =	vld [tilespmem:$0x1CA0]  }
0x182: {  	v56 =	vmul.f32 v52, v60;
	v44 =	vperm.xlane v34, v13;
	v35 =	vadd.f32 v48, v35;
	v48 =	vld [tilespmem:$0x1C90]  }
0x183: {  	v40 =	vadd.f32 v58, v40;
	v41 =	vadd.f32 v59, v41;
	v46 =	vmul.f32 v57, v54  }
0x184: {  	v37 =	vadd.f32 v61, v37;
	v42 =	vadd.f32 v62, v42;
	v55 =	vmul.f32 v57, v49;
	v57 =	vld [tilespmem:$0x1CB0]  }
0x185: {  	v50 =	vld [tilespmem:$0x1D10];
	v39 =	vadd.f32 v51, v39;
	v58 =	vmul.f32 v60, v45;
	v38 =	vadd.f32 v46, v38  }
0x186: {  	v60 =	vld [tilespmem:$0x1D00];
	v36 =	vadd.f32 v55, v36;
	v40 =	vadd.f32 v56, v40;
	v62 =	vmul.f32 v63, v52  }
0x187: {  	v35 =	vadd.f32 v58, v35;
	v55 =	vld [tilespmem:$0x1D20];
	v63 =	vmul.f32 v63, v45;
	v59 =	vmul.f32 v48, v52  }
0x188: {  	v61 =	vmul.f32 v48, v45;
	v48 =	vperm.xlane v34, v12;
	v42 =	vadd.f32 v62, v42  }
0x189: {  	v56 =	vmul.f32 v57, v52;
	v39 =	vadd.f32 v63, v39;
	v52 =	vsub.f32 $1.000000000e+00, v44  }
0x18a: {  	v45 =	vmul.f32 v57, v45;
	v57 =	vld [tilespmem:$0x1D30];
	v41 =	vadd.f32 v59, v41;
	v37 =	vadd.f32 v61, v37  }
0x18b: {  	v53 =	vld [tilespmem:$0x1DA0];
	v54 =	vsub.f32 $1.000000000e+00, v48;
	v49 =	vmul.f32 v60, v48;
	v38 =	vadd.f32 v56, v38  }
0x18c: {  	v36 =	vadd.f32 v45, v36;
	v62 =	vmul.f32 v50, v48;
	v51 =	vmul.f32 v55, v48  }
0x18d: {  	v58 =	vmul.f32 v54, v60;
	v59 =	vmul.f32 v50, v54;
	v60 =	vld [tilespmem:$0x1D80];
	v35 =	vadd.f32 v49, v35  }
0x18e: {  	v61 =	vld [tilespmem:$0x1D90];
	v63 =	vmul.f32 v55, v54;
	v37 =	vadd.f32 v62, v37;
	v49 =	vperm.xlane v34, v14  }
0x18f: {  	v39 =	vadd.f32 v51, v39;
	v46 =	vmul.f32 v57, v54;
	v56 =	vmul.f32 v57, v48  }
0x190: {  	v47 =	vld [tilespmem:$0x1DB0];
	v54 =	vmul.f32 v53, v44;
	v40 =	vadd.f32 v58, v40;
	v41 =	vadd.f32 v59, v41  }
0x191: {  	v42 =	vadd.f32 v63, v42;
	v63 =	vmul.f32 v53, v52;
	v55 =	vsub.f32 $1.000000000e+00, v49  }
0x192: {  	v38 =	vadd.f32 v46, v38;
	v57 =	vmul.f32 v52, v60;
	v58 =	vmul.f32 v60, v44;
	v60 =	vld [tilespmem:$0x1E00]  }
0x193: {  	v36 =	vadd.f32 v56, v36;
	v59 =	vmul.f32 v61, v52;
	v61 =	vmul.f32 v61, v44;
	v56 =	vld [tilespmem:$0x1E20]  }
0x194: {  	v45 =	vperm.xlane v34, v15;
	v39 =	vadd.f32 v54, v39;
	v42 =	vadd.f32 v63, v42  }
0x195: {  	v62 =	vld [tilespmem:$0x1E10];
	v41 =	vadd.f32 v59, v41;
	v37 =	vadd.f32 v61, v37;
	v44 =	vmul.f32 v47, v44  }
0x196: {  	v61 =	vld [tilespmem:$0x1E80];
	v40 =	vadd.f32 v57, v40;
	v35 =	vadd.f32 v58, v35;
	v57 =	vmul.f32 v47, v52  }
0x197: {  	v58 =	vld [tilespmem:$0x1E30];
	v36 =	vadd.f32 v44, v36;
	v52 =	vsub.f32 $1.000000000e+00, v45;
	v48 =	vmul.f32 v60, v49  }
0x198: {  	v47 =	vsub.f32 $6.400000000e+01, v33;
	v63 =	vmul.f32 v56, v55;
	v51 =	vmul.f32 v56, v49;
	v56 =	vld [tilespmem:$0x1EA0]  }
0x199: {  	v38 =	vadd.f32 v57, v38;
	v59 =	vmul.f32 v55, v60;
	v35 =	vadd.f32 v48, v35;
	v48 =	vld [tilespmem:$0x1E90]  }
0x19a: {  	v47 =	vmax.f32 v47, $1.000000000e+00;
	v60 =	vmul.f32 v62, v55;
	v42 =	vadd.f32 v63, v42  }
0x19b: {  	v62 =	vmul.f32 v62, v49;
	v39 =	vadd.f32 v51, v39;
	v40 =	vadd.f32 v59, v40  }
0x19c: {  	v41 =	vadd.f32 v60, v41;
	v46 =	vmul.f32 v58, v55;
	v57 =	vmul.f32 v58, v49;
	v59 =	vld [tilespmem:$0x1EB0]  }
0x19d: {  	v37 =	vadd.f32 v62, v37;
	v58 =	vmul.f32 v52, v61;
	v60 =	vmul.f32 v61, v45;
	v62 =	vld [tilespmem:$0x1F00]  }
0x19e: {  	v55 =	vld [tilespmem:$0x1F10];
	v54 =	vmul.f32 v56, v52;
	v38 =	vadd.f32 v46, v38;
	v61 =	vmul.f32 v48, v52  }
0x19f: {  	v36 =	vadd.f32 v57, v36;
	v57 =	vld [tilespmem:$0x1F20];
	v63 =	vmul.f32 v48, v45;
	v48 =	vperm.xlane v34, v16  }
0x1a0: {  	v56 =	vmul.f32 v56, v45;
	v40 =	vadd.f32 v58, v40;
	v35 =	vadd.f32 v60, v35  }
0x1a1: {  	v42 =	vadd.f32 v54, v42;
	v58 =	vmul.f32 v59, v52;
	v50 =	vsub.f32 $1.000000000e+00, v48  }
0x1a2: {  	v39 =	vadd.f32 v56, v39;
	v45 =	vmul.f32 v59, v45;
	v60 =	vmul.f32 v62, v48  }
0x1a3: {  	v37 =	vadd.f32 v63, v37;
	v63 =	vmul.f32 v55, v48;
	v59 =	vmul.f32 v50, v62;
	v62 =	vld [tilespmem:$0x1F30]  }
0x1a4: {  	v41 =	vadd.f32 v61, v41;
	v56 =	vmul.f32 v57, v48;
	v61 =	vmul.f32 v55, v50;
	v55 =	vld [tilespmem:$0x1F80]  }
0x1a5: {  	v38 =	vadd.f32 v58, v38;
	v58 =	vperm.xlane v34, v17;
	v54 =	vmul.f32 v57, v50;
	v57 =	vld [tilespmem:$0x1F90]  }
0x1a6: {  	vm2 =	vne.f32 v32, $1.000000000e+00;
	(erf) = vrcp.f32 v47;
	v35 =	vadd.f32 v60, v35;
	v60 =	vld [tilespmem:$0x1FB0]  }
0x1a7: {  	vm0 =	vne.f32 v34, $1.000000000e+00;
	v41 =	vadd.f32 v61, v41;
	v61 =	vsub.f32 $1.000000000e+00, v58  }
0x1a8: {  	v36 =	vadd.f32 v45, v36;
	v40 =	vadd.f32 v59, v40;
	v59 =	vld [tilespmem:$0x1FA0];
	v50 =	vmul.f32 v62, v50  }
0x1a9: {  	v37 =	vadd.f32 v63, v37;
	v46 =	vmul.f32 v62, v48;
	v62 =	vmul.f32 v61, v55  }
0x1aa: {  	v39 =	vadd.f32 v56, v39;
	v49 =	vmul.f32 v55, v58;
	v63 =	vmul.f32 v57, v61  }
0x1ab: {  	v42 =	vadd.f32 v54, v42;
	v47 =	vmul.f32 v60, v61;
	v53 =	vmul.f32 v57, v58  }
0x1ac: {  	v43 =	vmul.f32 v60, v58;
	v38 =	vadd.f32 v50, v38;
	v36 =	vadd.f32 v46, v36  }
0x1ad: {  	v52 =	vmul.f32 v59, v61;
	v40 =	vadd.f32 v62, v40;
	v35 =	vadd.f32 v49, v35  }
0x1ae: {  	v54 =	vpop (erf);
	v41 =	vadd.f32 v63, v41;
	v44 =	vmul.f32 v59, v58;
	v37 =	vadd.f32 v53, v37  }
0x1af: {  	v55 =	vpop (erf);
	v42 =	vadd.f32 v52, v42;
	v38 =	vadd.f32 v47, v38;
	v40 =	vmul.f32 v40, v54  }
0x1b0: {  	v41 =	vmul.f32 v41, v54;
	v39 =	vadd.f32 v44, v39;
	v35 =	vmul.f32 v35, v55  }
0x1b1: {  	v36 =	vadd.f32 v43, v36;
	v37 =	vmul.f32 v37, v55;
	v42 =	vmul.f32 v42, v54  }
0x1b2: {  	v38 =	vmul.f32 v38, v54;
	v40 =	vsel vm1, $0x7F800000, v40;
	v41 =	vsel vm3, $0x7F800000, v41  }
0x1b3: {  	v39 =	vmul.f32 v39, v55;
	v36 =	vmul.f32 v36, v55;
	v35 =	vnsel vm1, $0x7F800000, v35  }
0x1b4: {  	v37 =	vnsel vm3, $0x7F800000, v37;
	v44 =	vmin.f32 v40, v41;
	v42 =	vsel vm2, $0x7F800000, v42  }
0x1b5: {  	v38 =	vsel vm0, $0x7F800000, v38;
	v39 =	vnsel vm2, $0x7F800000, v39;
	v36 =	vnsel vm0, $0x7F800000, v36  }
0x1b6: {  	v46 =	vmin.f32 v35, v37;
	v45 =	vmin.f32 v42, v38;
	v47 =	vmin.f32 v39, v36  }
0x1b7: {  	v56 =	vmin.f32 v44, v45;
	v59 =	vmin.f32 v46, v47  }
0x1b8: {  	v57 =	vperm.xlane v56, v18;
	v60 =	vperm.xlane v59, v18;
	_ =	sdelay $0x1  }
0x1b9: {  	v43 =	vmin.f32 v56, v57;
	v49 =	vmin.f32 v59, v60  }
0x1ba: {  	v58 =	vperm.xlane v43, v19;
	v50 =	vperm.xlane v49, v19;
	_ =	sdelay $0x1  }
0x1bb: {  	v43 =	vmin.f32 v43, v58;
	v49 =	vmin.f32 v49, v50  }
0x1bc: {  	v48 =	vperm.xlane v43, v21;
	v50 =	vperm.xlane v49, v21;
	_ =	sdelay $0x1  }
0x1bd: {  	v43 =	vmin.f32 v43, v48;
	v61 =	vmin.f32 v49, v50  }
0x1be: {  	v48 =	vperm.xlane v43, v22;
	v50 =	vperm.xlane v61, v22;
	_ =	sdelay $0x1  }
0x1bf: {  	v43 =	vmin.f32 v43, v48;
	v48 =	vmin.f32 v61, v50  }
0x1c0: {  	vm4 =	veq.f32 v38, v43;
	vm5 =	veq.f32 v42, v43;
	vm11 =	veq.f32 v41, v43  }
0x1c1: {  	vm12 =	veq.f32 v40, v43;
	vm13 =	veq.f32 v36, v48;
	v62 =	vnsel vm4, $0x3B9ACA00, v24  }
0x1c2: {  	vm14 =	veq.f32 v39, v48;
	v54 =	vnsel vm13, $0x3B9ACA00, v24;
	v49 =	vsel vm5, v25, v62  }
0x1c3: {  	vm15 =	veq.f32 v37, v48;
	v51 =	vsel vm14, v25, v54;
	v49 =	vsel vm11, v26, v49  }
0x1c4: {  	vm6 =	veq.f32 v35, v48;
	v55 =	vsel vm15, v26, v51;
	v49 =	vsel vm12, v20, v49  }
0x1c5: {  	v48 =	vsel vm6, v20, v55;
	v63 =	vperm.xlane v49, v18  }
0x1c6: {  	v56 =	vperm.xlane v48, v18  }
0x1c7: {  	vm9 =	vlt.s32 v49, v63  }
0x1c8: {  	vm11 =	vlt.s32 v48, v56;
	v49 =	vsel vm9, v49, v63  }
0x1c9: {  	v48 =	vsel vm11, v48, v56;
	v50 =	vperm.xlane v49, v19  }
0x1ca: {  	v51 =	vperm.xlane v48, v19  }
0x1cb: {  	vm10 =	vlt.s32 v49, v50  }
0x1cc: {  	vm5 =	vlt.s32 v48, v51;
	v49 =	vsel vm10, v49, v50  }
0x1cd: {  	v48 =	vsel vm5, v48, v51;
	v50 =	vperm.xlane v49, v21  }
0x1ce: {  	v51 =	vperm.xlane v48, v21  }
0x1cf: {  	vm4 =	vlt.s32 v49, v50  }
0x1d0: {  	vm5 =	vlt.s32 v48, v51;
	v49 =	vsel vm4, v49, v50  }
0x1d1: {  	v48 =	vsel vm5, v48, v51;
	v50 =	vperm.xlane v49, v22  }
0x1d2: {  	v57 =	vperm.xlane v48, v22  }
0x1d3: {  	vm4 =	vlt.s32 v49, v50  }
0x1d4: {  	vm8 =	vlt.s32 v48, v57;
	v49 =	vsel vm4, v49, v50  }
0x1d5: {  	v58 =	vsel vm8, v48, v57;
	vm5 =	veq.s32 v49, v26;
	vm4 =	veq.s32 v49, v24  }
0x1d6: {  	vm7 =	veq.s32 v49, v20;
	vm6 =	veq.s32 v49, v25;
	vm8 =	veq.s32 v58, v26  }
0x1d7: {  	vm9 =	veq.s32 v58, v24;
	vm12 =	veq.s32 v58, v20;
	vm10 =	veq.s32 v58, v25  }
0x1d8: {  	v40 =	vsel vm5, v40, v44;
	v42 =	vsel vm4, v42, v45;
	v35 =	vsel vm8, v35, v46  }
0x1d9: {  	v39 =	vsel vm9, v39, v47;
	v40 =	vsel vm7, v41, v40;
	v38 =	vsel vm6, v38, v42  }
0x1da: {  	v35 =	vsel vm12, v37, v35;
	v36 =	vsel vm10, v36, v39;
	v38 =	vmin.f32 v40, v38  }
0x1db: {  	v35 =	vmin.f32 v35, v36;
	v40 =	vperm.xlane v38, v18  }
0x1dc: {  	v61 =	vperm.xlane v35, v18  }
0x1dd: {  	v59 =	vmin.f32 v38, v40  }
0x1de: {  	v62 =	vshll.u32 v49, $0x7;
	v35 =	vmin.f32 v35, v61;
	v60 =	vperm.xlane v59, v19  }
0x1df: {  	v63 =	vor.u32 v20, v62;
	v45 =	vperm.xlane v35, v19  }
0x1e0: {  	v36 =	vmin.f32 v59, v60  }
0x1e1: {  	v35 =	vmin.f32 v35, v45;
	v44 =	vperm.xlane v36, v21  }
0x1e2: {  	v40 =	vperm.xlane v35, v21  }
0x1e3: {  	v36 =	vmin.f32 v36, v44  }
0x1e4: {  	v46 =	vld.idx.msk [tilespmem:v63+s2+$0x0], $0xffff;
	v35 =	vmin.f32 v35, v40;
	v38 =	vperm.xlane v36, v22  }
0x1e5: {  	v47 =	vperm.xlane v35, v22  }
0x1e6: {  	p0 =	slt.s32 s15, $0x3D;
	v36 =	vmin.f32 v36, v38  }
0x1e7: {  	v35 =	vmin.f32 v35, v47;
	v36 =	vpsel p0, v36, v43  }
0x1e8: {  	vm15 =	vlt.f32 v35, $+Inf;
	vm13 =	vlt.f32 v36, $+Inf;
	vm14 =	vgt.f32 v36, $+Inf  }
0x1e9: {  	vm12 =	vgt.f32 v35, $+Inf;
	vm11 =	vlt.f32 v46, v36;
	vm8 =	vmor vm14, vm13  }
0x1ea: {  	vm9 =	vmor vm12, vm15;
	vm14 =	vlt.f32 v46, v35;
	vm13 =	vmand vm11, vm8  }
0x1eb: {  	vm11 =	vmand vm14, vm9;
	vm10 =	vmand vm1, vm13  }
0x1ec: {  	vm1 =	vmand vm1, vm11  }
0x1ed: {  	v48 =	vadd.s32 v23, v49  }
0x1ee: {  	v50 =	vor.u32 v26, v62;
	_ =	sdelay $0x2  }
0x1ef: {  	[tilespmem:v63+s10+$0x0] =	vst.idx.msk vm10, v0  }
0x1f0: {  	[tilespmem:v48+s10+$0x0] =	vst.idx.msk vm1, v0  }
0x1f1: {  	v37 =	vld.idx.msk [tilespmem:v50+s2+$0x0], $0xffff;
	_ =	sdelay $0x4  }
0x1f2: {  	vm15 =	vlt.f32 v37, v36  }
0x1f3: {  	vm12 =	vlt.f32 v37, v35;
	vm11 =	vmand vm15, vm8  }
0x1f4: {  	vm12 =	vmand vm12, vm9;
	vm11 =	vmand vm3, vm11  }
0x1f5: {  	vm3 =	vmand vm3, vm12  }
0x1f6: {  	v51 =	vadd.s32 v27, v49  }
0x1f7: {  	v52 =	vor.u32 v25, v62;
	_ =	sdelay $0x2  }
0x1f8: {  	[tilespmem:v50+s10+$0x0] =	vst.idx.msk vm11, v0  }
0x1f9: {  	[tilespmem:v51+s10+$0x0] =	vst.idx.msk vm3, v0  }
0x1fa: {  	v37 =	vld.idx.msk [tilespmem:v52+s2+$0x0], $0xffff;
	_ =	sdelay $0x4  }
0x1fb: {  	vm12 =	vlt.f32 v37, v36  }
0x1fc: {  	vm13 =	vlt.f32 v37, v35;
	vm12 =	vmand vm8, vm12  }
0x1fd: {  	vm13 =	vmand vm13, vm9;
	vm12 =	vmand vm2, vm12  }
0x1fe: {  	vm2 =	vmand vm2, vm13  }
0x1ff: {  	v53 =	vadd.s32 v28, v49  }
0x200: {  	v39 =	vor.u32 v24, v62;
	_ =	sdelay $0x2  }
0x201: {  	[tilespmem:v52+s10+$0x0] =	vst.idx.msk vm12, v0  }
0x202: {  	[tilespmem:v53+s10+$0x0] =	vst.idx.msk vm2, v0  }
0x203: {  	v37 =	vld.idx.msk [tilespmem:v39+s2+$0x0], $0xffff;
	_ =	sdelay $0x2  }
0x204: {  	vm1 =	vmor vm10, vm1;
	vm3 =	vmor vm11, vm3  }
0x205: {  	v54 =	vsel vm1, $0x3F800000, v2;
	v55 =	vsel vm3, $0x3F800000, v2  }
0x206: {  	v38 =	vadd.f32 v55, v54;
	vm11 =	vlt.f32 v37, v36;
	vm13 =	vlt.f32 v37, v35  }
0x207: {  	vm2 =	vmor vm12, vm2;
	vm1 =	vmand vm8, vm11;
	vm3 =	vmand vm13, vm9  }
0x208: {  	v56 =	vsel vm2, $0x3F800000, v2;
	vm1 =	vmand vm0, vm1;
	vm0 =	vmand vm0, vm3  }
0x209: {  	v35 =	vadd.f32 v38, v56;
	vm14 =	vmor vm1, vm0  }
0x20a: {  	v57 =	vsel vm14, $0x3F800000, v2  }
0x20b: {  	v35 =	vadd.f32 v35, v57;
	_ =	sdelay $0x1  }
0x20c: {  	v36 =	vperm.xlane v35, v18;
	_ =	sdelay $0x1  }
0x20d: {  	v35 =	vadd.f32 v35, v36;
	_ =	sdelay $0x1  }
0x20e: {  	v36 =	vperm.xlane v35, v19;
	_ =	sdelay $0x1  }
0x20f: {  	v35 =	vadd.f32 v35, v36;
	_ =	sdelay $0x1  }
0x210: {  	v36 =	vperm.xlane v35, v21;
	_ =	sdelay $0x1  }
0x211: {  	v35 =	vadd.f32 v35, v36;
	_ =	sdelay $0x1  }
0x212: {  	v36 =	vperm.xlane v35, v22;
	_ =	sdelay $0x1  }
0x213: {  	v35 =	vadd.f32 v35, v36;
	_ =	sdelay $0x1  }
0x214: {  	vm15 =	vgt.f32 v35, $0.0e+00  }
0x215: {  	v58 =	vadd.s32 v29, v49;
	v59 =	vsel vm15, $0x3F800000, v2  }
0x216: {  	p0 =	sne.s32 s15, $0x3D;
	v60 =	vsub.f32 $1.000000000e+00, v59  }
.Ltmp0:
0x217: {  	_ = 	snop;
	(pc) =	sbr.rel @p0 .LBB2_3-.Ltmp0, $4  }
0x218: {  	v61 =	vmul.f32 v60, v30;
	v62 =	vmul.f32 v60, v31  }
0x219: {  	[tilespmem:v39+s10+$0x0] =	vst.idx.msk vm1, v0;
	v63 =	vmul.f32 v60, v32;
	v37 =	vmul.f32 v60, v34  }
0x21a: {  	[tilespmem:v58+s10+$0x0] =	vst.idx.msk vm0, v0;
	v33 =	vadd.f32 v59, v33;
	v30 =	vsel vm7, v61, v30  }
0x21b: {  	s15 =	sadd.s32 $0x1, s15;
	v31 =	vsel vm5, v62, v31;
	v32 =	vsel vm6, v63, v32;
	v34 =	vsel vm4, v37, v34  }
0x21c: {  	s13 =	sadd.s32 $0x1, s13  }
0x21d: {  	p0 =	sne.s32 s13, $0x4  }
.Ltmp1:
0x21e: {  	s14 =	sadd.s32 s5, s14;
	(pc) =	sbr.rel @p0 .LBB2_2-.Ltmp1, $4  }
0x21f: {  	[hbm4b:s14+s2] =	stream.linear.scatter [tilespmem:s10], [sflag:$0x1], $0x2000, $0x38;
	[tilespmem:$0x4080] =	vst v63  }
0x220: {  	_ =	swait.ge [sflag:s9], $0x2000  }
0x221: {  	[sflag:s9] =	ssyncset.done $0x0  }
0x222: {  	[sflag:s9] =	ssyncadd.s32 $0xFFFFE000  }
0x223: {  	s12 =	sadd.s32 $0x1, s12  }
0x224: {  	p0 =	sne.s32 s12, s8  }
.Ltmp2:
0x225: {  	_ = 	snop;
	(pc) =	sbr.rel @p0 .LBB2_1-.Ltmp2, $1  }
0x226: {  	_ =	sdelay $0x3  }
0x227: {  	_ =	sfence.sel $0x180000  }
0x228: {  	[bflag:$0x0] =	sbarrier.arrive $0xFFFF  }
0x229: {  	p0 =	sne.s32 s3, $0x0;
	_ =	strace $0x90000047  }
0x22a: {  	s0 =	sadd.s32 @!p0 $0x100000, s1;
	[bflag:$0x2] =	sbarrier.arrive $0xFFFF  }
0x22b: {  	[sflag:s0] =	ssyncadd.tile.s32 @!p0 $0x1;
	_ =	shalt  }
.Lfunc_end2:
_tile_overlayer_lowered:
.L_overlay_start_2:
0x22c: {  	(tag) =	ssettag $0x2  }
0x22d: {  	s0 =	rddreg [dreg:$0x0];
	s2 =	stileid.u32  }
0x22e: {  	s1 =	rddreg [dreg:$0x1];
	p0 =	sne.s32 s2, $0x0  }
0x22f: {  	s3 =	rddreg [dreg:$0x2];
	[bflag:$0x3] =	sbarrier.arrive $0xFFFF;
	s2 =	simm.s32 @!p0 $0x1C01  }
0x230: {  	[timem:s3], [sflag:s2] =	dma.local @!p0 [hbm:s0], s1  }
0x231: {  	s0 =	simm.s32 @!p0 $0x1  }
0x232: {  	_ =	swait.ge @!p0 [sflag:s0], s1  }
0x233: {  	s1 =	ssub.s32 @!p0 $0x0, s1;
	[sflag:s0] =	ssyncset.done @!p0 $0x0  }
0x234: {  	[sflag:s0] =	ssyncadd.s32 @!p0 s1  }
0x235: {  	[bflag:$0x3] =	sbarrier.arrive $0xFFFF  }
0x236: {  	_ =	shalt  }

</sc_bundles>
